<compile_context>
chip_gen: v7x
topology: tpu7x:2x2x1
jax: 0.10.2.dev20260603
libtpu: 0.0.44.dev20260713+nightly
codegen_flags: <defaults>
</compile_context>

<pallas_src>
import functools

import jax
import jax.numpy as jnp
from jax import lax
from jax.experimental import pallas as pl
from jax.experimental.pallas import tpu as pltpu
from jax.experimental.pallas import tpu_sc as plsc

_N = 4
_M = 1024
_D = 64
_L = 16
_B = 1024
_T = _B * _L
_NT = _N * _T
_NM = _N * _M
_DECAY = 0.999
_EPS = 1e-05
_COMMIT = 0.05

_TB = 2048
_NTB = _T // _TB

_NC = 2
_NS = 16
_CH = 128
_ROWS_PER_TILE = _NT // (_NC * _NS)
_NCHUNK = _ROWS_PER_TILE // _CH


def _dist_argmin_body(x_ref, emb_ref, en_ref, io_ref,
                      idx_ref, fidx_ref, loss_ref):
    n = pl.program_id(0)
    t = pl.program_id(1)
    x = x_ref[0]
    e = emb_ref[0]
    scores = lax.dot_general(
        x, e, (((1,), (1,)), ((), ())),
        preferred_element_type=jnp.float32)
    xn = jnp.sum(x * x, axis=1, keepdims=True)
    to_add = en_ref[0] + xn
    dist = to_add - 2.0 * scores
    mn = jnp.min(dist, axis=1, keepdims=True)
    idxf = jnp.min(jnp.where(dist == mn, io_ref[0], float(_M)),
                   axis=1, keepdims=True)
    idx = idxf.astype(jnp.int32)
    idx_ref[...] = idx.reshape(_TB // _L, 1, _L, 1)
    fidx_ref[...] = (idx + n * _M).reshape(1, _TB // _CH, _CH)

    lsum = jnp.sum(mn)

    @pl.when((n == 0) & (t == 0))
    def _():
        loss_ref[...] = jnp.zeros((1, 1), jnp.float32)

    loss_ref[...] = loss_ref[...] + lsum

    @pl.when((n == _N - 1) & (t == _NTB - 1))
    def _():
        loss_ref[...] = loss_ref[...] * (_COMMIT / float(_NT * _D))


def _dist_argmin(x_flat, embedding, e_norm, iota_m):
    out_shapes = [
        jax.ShapeDtypeStruct((_B, _N, _L, 1), jnp.int32),
        jax.ShapeDtypeStruct((_N * _NTB, _TB // _CH, _CH), jnp.int32),
        jax.ShapeDtypeStruct((1, 1), jnp.float32),
    ]
    return pl.pallas_call(
        _dist_argmin_body,
        grid=(_N, _NTB),
        in_specs=[
            pl.BlockSpec((1, _TB, _D), lambda n, t: (n, t, 0)),
            pl.BlockSpec((1, _M, _D), lambda n, t: (n, 0, 0)),
            pl.BlockSpec((1, 1, _M), lambda n, t: (n, 0, 0)),
            pl.BlockSpec((1, 1, _M), lambda n, t: (0, 0, 0)),
        ],
        out_specs=[
            pl.BlockSpec((_TB // _L, 1, _L, 1), lambda n, t: (t, n, 0, 0)),
            pl.BlockSpec((1, _TB // _CH, _CH), lambda n, t: (n * _NTB + t, 0, 0)),
            pl.BlockSpec((1, 1), lambda n, t: (0, 0)),
        ],
        out_shape=out_shapes,
        compiler_params=pltpu.CompilerParams(
            dimension_semantics=("arbitrary", "arbitrary")),
    )(x_flat, embedding, e_norm, iota_m)


def _sc_gather_scatter_body(idx_hbm, x_hbm, emb_hbm, zero_hbm, onesz_hbm,
                            q_out, dw_out, cnt_out,
                            idx_v, qrows, qrows2, xrows, xrows2, ones_v,
                            dwsh, csh, gsem, xsem):
    c = lax.axis_index("c")
    s = lax.axis_index("s")
    gbase = pl.multiple_of(c * (_NM // _NC) + s * (_NM // (_NC * _NS)), 8)
    pltpu.sync_copy(zero_hbm, dwsh.at[pl.ds(gbase, _NM // (_NC * _NS))])
    pltpu.sync_copy(onesz_hbm.at[pl.ds(_CH, _CH)], csh.at[pl.ds(gbase, _NM // (_NC * _NS))])
    pltpu.sync_copy(onesz_hbm.at[pl.ds(0, _CH)], ones_v)
    plsc.subcore_barrier()

    base = c * (_NT // _NC) + s * _ROWS_PER_TILE
    pltpu.sync_copy(idx_hbm.at[pl.ds(pl.multiple_of(base // _CH, 8), _NCHUNK)],
                    idx_v)
    qb = (qrows, qrows2)
    xb = (xrows, xrows2)
    hg = pltpu.async_copy(emb_hbm.at[idx_v.at[0]], qb[0], gsem)
    hx = pltpu.async_copy(x_hbm.at[pl.ds(pl.multiple_of(base, 8), _CH)],
                          xb[0], xsem)
    for j in range(_NCHUNK):
        cur = j % 2
        tok = pl.multiple_of(base + j * _CH, 8)
        if j + 1 < _NCHUNK:
            tok1 = pl.multiple_of(base + (j + 1) * _CH, 8)
            hg_n = pltpu.async_copy(emb_hbm.at[idx_v.at[j + 1]],
                                    qb[1 - cur], gsem)
            hx_n = pltpu.async_copy(x_hbm.at[pl.ds(tok1, _CH)],
                                    xb[1 - cur], xsem)
        hg.wait()
        pltpu.sync_copy(qb[cur], q_out.at[pl.ds(tok, _CH)])
        hx.wait()
        pltpu.sync_copy(xb[cur], dwsh.at[idx_v.at[j]], add=True)
        pltpu.sync_copy(ones_v, csh.at[idx_v.at[j]], add=True)
        if j + 1 < _NCHUNK:
            hg, hx = hg_n, hx_n
    plsc.subcore_barrier()
    pltpu.sync_copy(dwsh.at[pl.ds(gbase, _NM // (_NC * _NS))],
                    dw_out.at[pl.ds(gbase, _NM // (_NC * _NS))])
    pltpu.sync_copy(csh.at[pl.ds(gbase, _NM // (_NC * _NS))],
                    cnt_out.at[pl.ds(gbase, _NM // (_NC * _NS))])


_sc_gather_scatter = functools.partial(
    pl.kernel,
    _sc_gather_scatter_body,
    out_type=[
        jax.ShapeDtypeStruct((_NT, _D), jnp.float32),
        jax.ShapeDtypeStruct((_NM, _D), jnp.float32),
        jax.ShapeDtypeStruct((_NM, 16), jnp.float32),
    ],
    mesh=plsc.VectorSubcoreMesh(core_axis_name="c", subcore_axis_name="s"),
    compiler_params=pltpu.CompilerParams(use_tc_tiling_on_sc=False),
    scratch_types=[
        pltpu.VMEM((_NCHUNK, _CH), jnp.int32),
        pltpu.VMEM((_CH, _D), jnp.float32),
        pltpu.VMEM((_CH, _D), jnp.float32),
        pltpu.VMEM((_CH, _D), jnp.float32),
        pltpu.VMEM((_CH, _D), jnp.float32),
        pltpu.VMEM((_CH, 16), jnp.float32),
        pltpu.VMEM_SHARED((_NM, _D), jnp.float32),
        pltpu.VMEM_SHARED((_NM, 16), jnp.float32),
        pltpu.SemaphoreType.DMA,
        pltpu.SemaphoreType.DMA,
    ],
)()


def _sc_gather2_body(idx_hbm, emb_hbm, q_out, idx_v, qrows, qrows2, sem):
    c = lax.axis_index("c")
    s = lax.axis_index("s")
    base = c * (_NT // _NC) + s * _ROWS_PER_TILE
    pltpu.sync_copy(idx_hbm.at[pl.ds(pl.multiple_of(base // _CH, 8), _NCHUNK)],
                    idx_v)
    qb = (qrows, qrows2)
    hg = pltpu.async_copy(emb_hbm.at[idx_v.at[0]], qb[0], sem)
    for j in range(_NCHUNK):
        cur = j % 2
        tok = pl.multiple_of(base + j * _CH, 8)
        if j + 1 < _NCHUNK:
            hg_n = pltpu.async_copy(emb_hbm.at[idx_v.at[j + 1]],
                                    qb[1 - cur], sem)
        hg.wait()
        pltpu.sync_copy(qb[cur], q_out.at[pl.ds(tok, _CH)])
        if j + 1 < _NCHUNK:
            hg = hg_n


_sc_gather2 = functools.partial(
    pl.kernel,
    _sc_gather2_body,
    out_type=jax.ShapeDtypeStruct((_NT, _D), jnp.float32),
    mesh=plsc.VectorSubcoreMesh(core_axis_name="c", subcore_axis_name="s"),
    compiler_params=pltpu.CompilerParams(use_tc_tiling_on_sc=False),
    scratch_types=[
        pltpu.VMEM((_NCHUNK, _CH), jnp.int32),
        pltpu.VMEM((_CH, _D), jnp.float32),
        pltpu.VMEM((_CH, _D), jnp.float32),
        pltpu.SemaphoreType.DMA,
    ],
)()


def _ema_body(cnt_ref, ec_ref, w_ref, dw_ref, nemb_ref, perp_ref):
    cnt = jnp.sum(cnt_ref[...], axis=2) * (1.0 / 16.0)
    ec = ec_ref[...].astype(jnp.float32)
    dc = _DECAY * ec + (1.0 - _DECAY) * cnt
    nsum = jnp.sum(dc, axis=1, keepdims=True)
    nec = (dc + _EPS) / (nsum + _M * _EPS) * nsum
    new_w = _DECAY * w_ref[...] + (1.0 - _DECAY) * dw_ref[...]
    nemb_ref[...] = new_w / nec[:, :, None]
    p = cnt * (1.0 / _T)
    ent = -jnp.sum(p * jnp.log(p + 1e-10), axis=1, keepdims=True)
    perp_ref[...] = jnp.broadcast_to(jnp.sum(jnp.exp(ent)), (1, 1))


def _ema(counts3, ema_count, ema_weight, dw):
    return pl.pallas_call(
        _ema_body,
        out_shape=[
            jax.ShapeDtypeStruct((_N, _M, _D), jnp.float32),
            jax.ShapeDtypeStruct((1, 1), jnp.float32),
        ],
    )(counts3, ema_count, ema_weight, dw)


def kernel(x, embedding, ema_weight, ema_count):
    bs = x.shape[0]
    xr = x.reshape(bs, _N, _D, _L)
    x_flat = jnp.transpose(xr, (1, 0, 3, 2)).reshape(_N, bs * _L, _D)
    e_norm = jnp.sum(embedding ** 2, axis=2)[:, None, :]

    iota_m = jnp.arange(_M, dtype=jnp.float32)[None, None, :]
    indices_out, fidx3, loss2 = _dist_argmin(x_flat, embedding, e_norm, iota_m)
    idx2d = fidx3.reshape(_NT // _CH, _CH)

    emb_flat = embedding.reshape(_NM, _D)
    x_rows = x_flat.reshape(_NT, _D)
    zeros_tile = jnp.zeros((_NM // (_NC * _NS), _D), jnp.float32)
    onesz = jnp.concatenate([jnp.ones((_CH, 16), jnp.float32),
                             jnp.zeros((_CH, 16), jnp.float32)], axis=0)
    quant, dw, cnt16 = _sc_gather_scatter(idx2d, x_rows, emb_flat, zeros_tile,
                                          onesz)

    new_emb, perp2 = _ema(cnt16.reshape(_N, _M, 16), ema_count, ema_weight,
                          dw.reshape(_N, _M, _D))
    eq_rows = _sc_gather2(idx2d, new_emb.reshape(_NM, _D))

    loss = loss2.reshape(())
    perplexity = perp2.reshape(())
    z_q = jnp.transpose(quant.reshape(_N, bs, _L, _D), (1, 0, 3, 2)).reshape(bs, _N * _D * _L)
    encodings_q = jnp.transpose(eq_rows.reshape(_N, bs, _L, _D), (1, 0, 3, 2)).reshape(bs, _N * _D, _L, 1)
    return (z_q, loss, perplexity, indices_out, encodings_q)

# --- scband reference (transcript-rebuilt; emitter-appended) ---
"""Pipeline reference for scband-vqembedding-ema-82008105549923 (READ-ONLY COPY).

The authoritative reference and input builder live on the scoring server;
editing this copy changes nothing except your own understanding.
"""

import jax, jax.numpy as jnp
import numpy as np

N = 4       # num_codebooks
M = 1024    # num_embs
D = 64      # emb_dim
L = 16      # num_discrete_latents
B = 1024    # batch
DECAY = 0.999
EPS = 1e-05
COMMIT = 0.05


def setup_inputs(seed: int = 0) -> dict:
    key = jax.random.key(seed)
    k1, k2, k3 = jax.random.split(key, 3)
    x = jax.random.normal(k1, (B, N * D * L), dtype=jnp.float32)
    lim = 1.0 / M * 5
    embedding = jax.random.uniform(k2, (N, M, D), minval=-lim, maxval=lim, dtype=jnp.float32)
    ema_weight = jax.random.uniform(k3, (N, M, D), minval=-lim, maxval=lim, dtype=jnp.float32)
    ema_count = jnp.zeros((N, M), dtype=jnp.int32)
    return {"x": x, "embedding": embedding, "ema_weight": ema_weight, "ema_count": ema_count}


def reference(x, embedding, ema_weight, ema_count):
    bs = x.shape[0]
    # b (n d l) -> b n d l -> n b l 1 d  (H=L, W=1)
    xr = x.reshape(bs, N, D, L)
    x5 = jnp.transpose(xr, (1, 0, 3, 2))[:, :, :, None, :]  # (N, B, L, 1, D)
    x_flat = jax.lax.stop_gradient(x5.reshape(N, bs * L, D))  # (N, T, D)
    # squared distances
    to_add = jnp.sum(embedding ** 2, axis=2)[:, None, :] + jnp.sum(x_flat ** 2, axis=2, keepdims=True)
    b1b2 = jnp.einsum('ntd,nmd->ntm', x_flat, embedding)
    distances = to_add - 2.0 * b1b2
    indices = jnp.argmin(distances, axis=-1)  # (N, T)
    encodings = jax.nn.one_hot(indices, M, dtype=jnp.float32)  # (N, T, M)
    idx_exp = jnp.broadcast_to(indices[:, :, None], (N, bs * L, D))
    quantized = jnp.take_along_axis(embedding, idx_exp, axis=1).reshape(x5.shape)
    # EMA state updates (is_training=True)
    new_ema_count = DECAY * ema_count + (1.0 - DECAY) * jnp.sum(encodings, axis=1)
    nsum = jnp.sum(new_ema_count, axis=-1, keepdims=True)
    new_ema_count = (new_ema_count + EPS) / (nsum + M * EPS) * nsum
    dw = jnp.einsum('ntm,ntd->nmd', encodings, x_flat)
    new_ema_weight = DECAY * ema_weight + (1.0 - DECAY) * dw
    new_embeddings = new_ema_weight / new_ema_count[..., None]
    # losses / straight-through
    e_latent_loss = jnp.mean((x5 - jax.lax.stop_gradient(quantized)) ** 2)
    loss = COMMIT * e_latent_loss
    quantized = jax.lax.stop_gradient(quantized) + (x5 - jax.lax.stop_gradient(x5))
    avg_probs = jnp.mean(encodings, axis=1)
    perplexity = jnp.exp(-jnp.sum(avg_probs * jnp.log(avg_probs + 1e-10), axis=-1)).sum()
    # n b h w d -> b (n d) h w, then flatten
    q = jnp.transpose(quantized, (1, 0, 4, 2, 3)).reshape(bs, N * D, L, 1)
    z_q = q.reshape(bs, N * D * L)
    indices_out = jnp.transpose(indices.reshape(N, bs, L, 1), (1, 0, 2, 3))  # (B, N, L, 1)
    # inds_to_z_q: haiku state 'embedding' was updated before this lookup
    inds_flat = jnp.transpose(indices_out, (1, 0, 2, 3)).reshape(N, bs * L)
    inds_exp2 = jnp.broadcast_to(inds_flat[:, :, None], (N, bs * L, D))
    q2 = jnp.take_along_axis(new_embeddings, inds_exp2, axis=1).reshape(N, bs, L, 1, D)
    encodings_q = jnp.transpose(q2, (1, 0, 4, 2, 3)).reshape(bs, N * D, L, 1)
    return (z_q, loss, perplexity, indices_out, encodings_q)

if __name__ == "__main__":
    import jax
    _d = setup_inputs()
    print(jax.jit(kernel)(*tuple(_d.values())))

</pallas_src>

<mosaic_0001>
#map = affine_map<(d0, d1) -> (0, 0)>
module attributes {stable_mosaic.version = 14 : i64} {
  func.func @_sc_gather2_body(%arg0: i32, %arg1: i32, %arg2: memref<512x128xi32, #tpu.memory_space<hbm>>, %arg3: memref<4096x64xf32, #tpu.memory_space<hbm>>, %arg4: memref<65536x64xf32, #tpu.memory_space<hbm>>, %arg5: memref<16x128xi32, #tpu.memory_space<vmem>>, %arg6: memref<128x64xf32, #tpu.memory_space<vmem>>, %arg7: memref<128x64xf32, #tpu.memory_space<vmem>>, %arg8: memref<!tpu.dma_semaphore, #tpu.memory_space<semaphore_mem>>) attributes {dimension_semantics = [#tpu.dimension_semantics<core_parallel>, #tpu.dimension_semantics<subcore_parallel>], iteration_bounds = array<i64: 2, 16>, scalar_prefetch = 0 : i64, scratch_operands = 4 : i64, tpu.core_type = #tpu.core_type<sc_vector_subcore>, window_params = [{transform_indices = #map}, {transform_indices = #map}, {transform_indices = #map}]} {
    %mul3A = arith.constant 32768 : i32
    %mul3A_0 = arith.muli %arg0, %mul3A : i32
    %mul3A_1 = arith.constant 2048 : i32
    %mul3A_2 = arith.muli %arg1, %mul3A_1 : i32
    %add3A = arith.addi %mul3A_0, %mul3A_2 : i32
    %jit3A = arith.constant 128 : i32
    %div3A = arith.divsi %add3A, %jit3A : i32
    %sign3A = arith.constant 0 : i32
    %sign3A_3 = arith.cmpi sgt, %add3A, %sign3A : i32
    %sign3A_4 = arith.extui %sign3A_3 : i1 to i32
    %sign3A_5 = arith.constant 0 : i32
    %sign3A_6 = arith.cmpi slt, %add3A, %sign3A_5 : i32
    %sign3A_7 = arith.extui %sign3A_6 : i1 to i32
    %sign3A_8 = arith.subi %sign3A_4, %sign3A_7 : i32
    %sign3A_9 = arith.constant 0 : i32
    %sign3A_10 = arith.cmpi sgt, %jit3A, %sign3A_9 : i32
    %sign3A_11 = arith.extui %sign3A_10 : i1 to i32
    %sign3A_12 = arith.constant 0 : i32
    %sign3A_13 = arith.cmpi slt, %jit3A, %sign3A_12 : i32
    %sign3A_14 = arith.extui %sign3A_13 : i1 to i32
    %sign3A_15 = arith.subi %sign3A_11, %sign3A_14 : i32
    %ne3A = arith.cmpi ne, %sign3A_8, %sign3A_15 : i32
    %rem3A = arith.remsi %add3A, %jit3A : i32
    %ne3A_16 = arith.constant 0 : i32
    %ne3A_17 = arith.cmpi ne, %rem3A, %ne3A_16 : i32
    %and3A = arith.andi %ne3A, %ne3A_17 : i1
    %sub3A = arith.constant 1 : i32
    %sub3A_18 = arith.subi %div3A, %sub3A : i32
    %select_n3A = arith.select %and3A, %sub3A_18, %div3A : i32
    %multiple_of3A = tpu.assume_multiple %select_n3A, 8 : i32
    "tpu.region"() ({
      %run_scoped3A = tpu.sem_alloc : memref<!tpu.dma_semaphore, #tpu.memory_space<semaphore_mem>>
      %dma_start3A_289 = arith.constant 0 : i32
      %dma_start3A_290 = tpu.memref_slice %arg2[%multiple_of3A, %dma_start3A_289] : memref<512x128xi32, #tpu.memory_space<hbm>> -> memref<16x128xi32, #tpu.memory_space<hbm>>
      %dma_start3A_291 = arith.constant 0 : i32
      %dma_start3A_292 = tpu.memref_slice %arg2[%multiple_of3A, %dma_start3A_291] : memref<512x128xi32, #tpu.memory_space<hbm>> -> memref<16x128xi32, #tpu.memory_space<hbm>>
      tpu.enqueue_dma source(%dma_start3A_292 : memref<16x128xi32, #tpu.memory_space<hbm>>) target(%arg5 : memref<16x128xi32, #tpu.memory_space<vmem>>) target_semaphore(%run_scoped3A : memref<!tpu.dma_semaphore, #tpu.memory_space<semaphore_mem>>)
      %dma_wait3A_293 = arith.constant 0 : i32
      %dma_wait3A_294 = tpu.memref_slice %arg2[%multiple_of3A, %dma_wait3A_293] : memref<512x128xi32, #tpu.memory_space<hbm>> -> memref<16x128xi32, #tpu.memory_space<hbm>>
      %dma_wait3A_295 = arith.constant 0 : i32
      %dma_wait3A_296 = tpu.memref_slice %arg2[%multiple_of3A, %dma_wait3A_295] : memref<512x128xi32, #tpu.memory_space<hbm>> -> memref<16x128xi32, #tpu.memory_space<hbm>>
      tpu.wait_dma2 semaphore(%run_scoped3A : memref<!tpu.dma_semaphore, #tpu.memory_space<semaphore_mem>>) src(%dma_wait3A_296 : memref<16x128xi32, #tpu.memory_space<hbm>>) dst(%arg5 : memref<16x128xi32, #tpu.memory_space<vmem>>)
      tpu.yield
    }) : () -> ()
    %dma_start3A = arith.constant 0 : i32
    %dma_start3A_19 = arith.constant 0 : i32
    %dma_start3A_20 = tpu.memref_slice %arg5[%dma_start3A, %dma_start3A_19] : memref<16x128xi32, #tpu.memory_space<vmem>> -> memref<1x128xi32, #tpu.memory_space<vmem>>
    %dma_start3A_21 = tpu.memref_squeeze %dma_start3A_20 : memref<1x128xi32, #tpu.memory_space<vmem>> -> memref<128xi32, #tpu.memory_space<vmem>>
    %dma_start3A_22 = arith.constant 0 : i32
    %dma_start3A_23 = arith.constant 0 : i32
    %dma_start3A_24 = tpu.memref_slice %arg3[%dma_start3A_22, %dma_start3A_23] : memref<4096x64xf32, #tpu.memory_space<hbm>> -> memref<4096x64xf32, #tpu.memory_space<hbm>>
    tpu.enqueue_indirect_dma source(%dma_start3A_24 : memref<4096x64xf32, #tpu.memory_space<hbm>>) target(%arg6 : memref<128x64xf32, #tpu.memory_space<vmem>>) offsets(%dma_start3A_21 : memref<128xi32, #tpu.memory_space<vmem>>) semaphore(%arg8 : memref<!tpu.dma_semaphore, #tpu.memory_space<semaphore_mem>>)
    %add3A_25 = arith.constant 0 : i32
    %add3A_26 = arith.addi %add3A, %add3A_25 : i32
    %multiple_of3A_27 = tpu.assume_multiple %add3A_26, 8 : i32
    %dma_start3A_28 = arith.constant 1 : i32
    %dma_start3A_29 = arith.constant 0 : i32
    %dma_start3A_30 = tpu.memref_slice %arg5[%dma_start3A_28, %dma_start3A_29] : memref<16x128xi32, #tpu.memory_space<vmem>> -> memref<1x128xi32, #tpu.memory_space<vmem>>
    %dma_start3A_31 = tpu.memref_squeeze %dma_start3A_30 : memref<1x128xi32, #tpu.memory_space<vmem>> -> memref<128xi32, #tpu.memory_space<vmem>>
    %dma_start3A_32 = arith.constant 0 : i32
    %dma_start3A_33 = arith.constant 0 : i32
    %dma_start3A_34 = tpu.memref_slice %arg3[%dma_start3A_32, %dma_start3A_33] : memref<4096x64xf32, #tpu.memory_space<hbm>> -> memref<4096x64xf32, #tpu.memory_space<hbm>>
    tpu.enqueue_indirect_dma source(%dma_start3A_34 : memref<4096x64xf32, #tpu.memory_space<hbm>>) target(%arg7 : memref<128x64xf32, #tpu.memory_space<vmem>>) offsets(%dma_start3A_31 : memref<128xi32, #tpu.memory_space<vmem>>) semaphore(%arg8 : memref<!tpu.dma_semaphore, #tpu.memory_space<semaphore_mem>>)
    %dma_wait3A = arith.constant 0 : i32
    %dma_wait3A_35 = arith.constant 0 : i32
    %dma_wait3A_36 = tpu.memref_slice %arg5[%dma_wait3A, %dma_wait3A_35] : memref<16x128xi32, #tpu.memory_space<vmem>> -> memref<1x128xi32, #tpu.memory_space<vmem>>
    %dma_wait3A_37 = tpu.memref_squeeze %dma_wait3A_36 : memref<1x128xi32, #tpu.memory_space<vmem>> -> memref<128xi32, #tpu.memory_space<vmem>>
    %dma_wait3A_38 = arith.constant 0 : i32
    %dma_wait3A_39 = arith.constant 0 : i32
    %dma_wait3A_40 = tpu.memref_slice %arg3[%dma_wait3A_38, %dma_wait3A_39] : memref<4096x64xf32, #tpu.memory_space<hbm>> -> memref<4096x64xf32, #tpu.memory_space<hbm>>
    tpu.wait_indirect_dma semaphore(%arg8 : memref<!tpu.dma_semaphore, #tpu.memory_space<semaphore_mem>>) src(%dma_wait3A_40 : memref<4096x64xf32, #tpu.memory_space<hbm>>) dst(%arg6 : memref<128x64xf32, #tpu.memory_space<vmem>>)
    "tpu.region"() ({
      %run_scoped3A = tpu.sem_alloc : memref<!tpu.dma_semaphore, #tpu.memory_space<semaphore_mem>>
      %dma_start3A_289 = arith.constant 0 : i32
      %dma_start3A_290 = tpu.memref_slice %arg4[%multiple_of3A_27, %dma_start3A_289] : memref<65536x64xf32, #tpu.memory_space<hbm>> -> memref<128x64xf32, #tpu.memory_space<hbm>>
      %dma_start3A_291 = arith.constant 0 : i32
      %dma_start3A_292 = tpu.memref_slice %arg4[%multiple_of3A_27, %dma_start3A_291] : memref<65536x64xf32, #tpu.memory_space<hbm>> -> memref<128x64xf32, #tpu.memory_space<hbm>>
      tpu.enqueue_dma source(%arg6 : memref<128x64xf32, #tpu.memory_space<vmem>>) target(%dma_start3A_292 : memref<128x64xf32, #tpu.memory_space<hbm>>) target_semaphore(%run_scoped3A : memref<!tpu.dma_semaphore, #tpu.memory_space<semaphore_mem>>)
      %dma_wait3A_293 = arith.constant 0 : i32
      %dma_wait3A_294 = tpu.memref_slice %arg4[%multiple_of3A_27, %dma_wait3A_293] : memref<65536x64xf32, #tpu.memory_space<hbm>> -> memref<128x64xf32, #tpu.memory_space<hbm>>
      %dma_wait3A_295 = arith.constant 0 : i32
      %dma_wait3A_296 = tpu.memref_slice %arg4[%multiple_of3A_27, %dma_wait3A_295] : memref<65536x64xf32, #tpu.memory_space<hbm>> -> memref<128x64xf32, #tpu.memory_space<hbm>>
      tpu.wait_dma2 semaphore(%run_scoped3A : memref<!tpu.dma_semaphore, #tpu.memory_space<semaphore_mem>>) src(%arg6 : memref<128x64xf32, #tpu.memory_space<vmem>>) dst(%dma_wait3A_296 : memref<128x64xf32, #tpu.memory_space<hbm>>)
      tpu.yield
    }) : () -> ()
    %add3A_41 = arith.constant 128 : i32
    %add3A_42 = arith.addi %add3A, %add3A_41 : i32
    %multiple_of3A_43 = tpu.assume_multiple %add3A_42, 8 : i32
    %dma_start3A_44 = arith.constant 2 : i32
    %dma_start3A_45 = arith.constant 0 : i32
    %dma_start3A_46 = tpu.memref_slice %arg5[%dma_start3A_44, %dma_start3A_45] : memref<16x128xi32, #tpu.memory_space<vmem>> -> memref<1x128xi32, #tpu.memory_space<vmem>>
    %dma_start3A_47 = tpu.memref_squeeze %dma_start3A_46 : memref<1x128xi32, #tpu.memory_space<vmem>> -> memref<128xi32, #tpu.memory_space<vmem>>
    %dma_start3A_48 = arith.constant 0 : i32
    %dma_start3A_49 = arith.constant 0 : i32
    %dma_start3A_50 = tpu.memref_slice %arg3[%dma_start3A_48, %dma_start3A_49] : memref<4096x64xf32, #tpu.memory_space<hbm>> -> memref<4096x64xf32, #tpu.memory_space<hbm>>
    tpu.enqueue_indirect_dma source(%dma_start3A_50 : memref<4096x64xf32, #tpu.memory_space<hbm>>) target(%arg6 : memref<128x64xf32, #tpu.memory_space<vmem>>) offsets(%dma_start3A_47 : memref<128xi32, #tpu.memory_space<vmem>>) semaphore(%arg8 : memref<!tpu.dma_semaphore, #tpu.memory_space<semaphore_mem>>)
    %dma_wait3A_51 = arith.constant 1 : i32
    %dma_wait3A_52 = arith.constant 0 : i32
    %dma_wait3A_53 = tpu.memref_slice %arg5[%dma_wait3A_51, %dma_wait3A_52] : memref<16x128xi32, #tpu.memory_space<vmem>> -> memref<1x128xi32, #tpu.memory_space<vmem>>
    %dma_wait3A_54 = tpu.memref_squeeze %dma_wait3A_53 : memref<1x128xi32, #tpu.memory_space<vmem>> -> memref<128xi32, #tpu.memory_space<vmem>>
    %dma_wait3A_55 = arith.constant 0 : i32
    %dma_wait3A_56 = arith.constant 0 : i32
    %dma_wait3A_57 = tpu.memref_slice %arg3[%dma_wait3A_55, %dma_wait3A_56] : memref<4096x64xf32, #tpu.memory_space<hbm>> -> memref<4096x64xf32, #tpu.memory_space<hbm>>
    tpu.wait_indirect_dma semaphore(%arg8 : memref<!tpu.dma_semaphore, #tpu.memory_space<semaphore_mem>>) src(%dma_wait3A_57 : memref<4096x64xf32, #tpu.memory_space<hbm>>) dst(%arg7 : memref<128x64xf32, #tpu.memory_space<vmem>>)
    "tpu.region"() ({
      %run_scoped3A = tpu.sem_alloc : memref<!tpu.dma_semaphore, #tpu.memory_space<semaphore_mem>>
      %dma_start3A_289 = arith.constant 0 : i32
      %dma_start3A_290 = tpu.memref_slice %arg4[%multiple_of3A_43, %dma_start3A_289] : memref<65536x64xf32, #tpu.memory_space<hbm>> -> memref<128x64xf32, #tpu.memory_space<hbm>>
      %dma_start3A_291 = arith.constant 0 : i32
      %dma_start3A_292 = tpu.memref_slice %arg4[%multiple_of3A_43, %dma_start3A_291] : memref<65536x64xf32, #tpu.memory_space<hbm>> -> memref<128x64xf32, #tpu.memory_space<hbm>>
      tpu.enqueue_dma source(%arg7 : memref<128x64xf32, #tpu.memory_space<vmem>>) target(%dma_start3A_292 : memref<128x64xf32, #tpu.memory_space<hbm>>) target_semaphore(%run_scoped3A : memref<!tpu.dma_semaphore, #tpu.memory_space<semaphore_mem>>)
      %dma_wait3A_293 = arith.constant 0 : i32
      %dma_wait3A_294 = tpu.memref_slice %arg4[%multiple_of3A_43, %dma_wait3A_293] : memref<65536x64xf32, #tpu.memory_space<hbm>> -> memref<128x64xf32, #tpu.memory_space<hbm>>
      %dma_wait3A_295 = arith.constant 0 : i32
      %dma_wait3A_296 = tpu.memref_slice %arg4[%multiple_of3A_43, %dma_wait3A_295] : memref<65536x64xf32, #tpu.memory_space<hbm>> -> memref<128x64xf32, #tpu.memory_space<hbm>>
      tpu.wait_dma2 semaphore(%run_scoped3A : memref<!tpu.dma_semaphore, #tpu.memory_space<semaphore_mem>>) src(%arg7 : memref<128x64xf32, #tpu.memory_space<vmem>>) dst(%dma_wait3A_296 : memref<128x64xf32, #tpu.memory_space<hbm>>)
      tpu.yield
    }) : () -> ()
    %add3A_58 = arith.constant 256 : i32
    %add3A_59 = arith.addi %add3A, %add3A_58 : i32
    %multiple_of3A_60 = tpu.assume_multiple %add3A_59, 8 : i32
    %dma_start3A_61 = arith.constant 3 : i32
    %dma_start3A_62 = arith.constant 0 : i32
    %dma_start3A_63 = tpu.memref_slice %arg5[%dma_start3A_61, %dma_start3A_62] : memref<16x128xi32, #tpu.memory_space<vmem>> -> memref<1x128xi32, #tpu.memory_space<vmem>>
    %dma_start3A_64 = tpu.memref_squeeze %dma_start3A_63 : memref<1x128xi32, #tpu.memory_space<vmem>> -> memref<128xi32, #tpu.memory_space<vmem>>
    %dma_start3A_65 = arith.constant 0 : i32
    %dma_start3A_66 = arith.constant 0 : i32
    %dma_start3A_67 = tpu.memref_slice %arg3[%dma_start3A_65, %dma_start3A_66] : memref<4096x64xf32, #tpu.memory_space<hbm>> -> memref<4096x64xf32, #tpu.memory_space<hbm>>
    tpu.enqueue_indirect_dma source(%dma_start3A_67 : memref<4096x64xf32, #tpu.memory_space<hbm>>) target(%arg7 : memref<128x64xf32, #tpu.memory_space<vmem>>) offsets(%dma_start3A_64 : memref<128xi32, #tpu.memory_space<vmem>>) semaphore(%arg8 : memref<!tpu.dma_semaphore, #tpu.memory_space<semaphore_mem>>)
    %dma_wait3A_68 = arith.constant 2 : i32
    %dma_wait3A_69 = arith.constant 0 : i32
    %dma_wait3A_70 = tpu.memref_slice %arg5[%dma_wait3A_68, %dma_wait3A_69] : memref<16x128xi32, #tpu.memory_space<vmem>> -> memref<1x128xi32, #tpu.memory_space<vmem>>
    %dma_wait3A_71 = tpu.memref_squeeze %dma_wait3A_70 : memref<1x128xi32, #tpu.memory_space<vmem>> -> memref<128xi32, #tpu.memory_space<vmem>>
    %dma_wait3A_72 = arith.constant 0 : i32
    %dma_wait3A_73 = arith.constant 0 : i32
    %dma_wait3A_74 = tpu.memref_slice %arg3[%dma_wait3A_72, %dma_wait3A_73] : memref<4096x64xf32, #tpu.memory_space<hbm>> -> memref<4096x64xf32, #tpu.memory_space<hbm>>
    tpu.wait_indirect_dma semaphore(%arg8 : memref<!tpu.dma_semaphore, #tpu.memory_space<semaphore_mem>>) src(%dma_wait3A_74 : memref<4096x64xf32, #tpu.memory_space<hbm>>) dst(%arg6 : memref<128x64xf32, #tpu.memory_space<vmem>>)
    "tpu.region"() ({
      %run_scoped3A = tpu.sem_alloc : memref<!tpu.dma_semaphore, #tpu.memory_space<semaphore_mem>>
      %dma_start3A_289 = arith.constant 0 : i32
      %dma_start3A_290 = tpu.memref_slice %arg4[%multiple_of3A_60, %dma_start3A_289] : memref<65536x64xf32, #tpu.memory_space<hbm>> -> memref<128x64xf32, #tpu.memory_space<hbm>>
      %dma_start3A_291 = arith.constant 0 : i32
      %dma_start3A_292 = tpu.memref_slice %arg4[%multiple_of3A_60, %dma_start3A_291] : memref<65536x64xf32, #tpu.memory_space<hbm>> -> memref<128x64xf32, #tpu.memory_space<hbm>>
      tpu.enqueue_dma source(%arg6 : memref<128x64xf32, #tpu.memory_space<vmem>>) target(%dma_start3A_292 : memref<128x64xf32, #tpu.memory_space<hbm>>) target_semaphore(%run_scoped3A : memref<!tpu.dma_semaphore, #tpu.memory_space<semaphore_mem>>)
      %dma_wait3A_293 = arith.constant 0 : i32
      %dma_wait3A_294 = tpu.memref_slice %arg4[%multiple_of3A_60, %dma_wait3A_293] : memref<65536x64xf32, #tpu.memory_space<hbm>> -> memref<128x64xf32, #tpu.memory_space<hbm>>
      %dma_wait3A_295 = arith.constant 0 : i32
      %dma_wait3A_296 = tpu.memref_slice %arg4[%multiple_of3A_60, %dma_wait3A_295] : memref<65536x64xf32, #tpu.memory_space<hbm>> -> memref<128x64xf32, #tpu.memory_space<hbm>>
      tpu.wait_dma2 semaphore(%run_scoped3A : memref<!tpu.dma_semaphore, #tpu.memory_space<semaphore_mem>>) src(%arg6 : memref<128x64xf32, #tpu.memory_space<vmem>>) dst(%dma_wait3A_296 : memref<128x64xf32, #tpu.memory_space<hbm>>)
      tpu.yield
    }) : () -> ()
    %add3A_75 = arith.constant 384 : i32
    %add3A_76 = arith.addi %add3A, %add3A_75 : i32
    %multiple_of3A_77 = tpu.assume_multiple %add3A_76, 8 : i32
    %dma_start3A_78 = arith.constant 4 : i32
    %dma_start3A_79 = arith.constant 0 : i32
    %dma_start3A_80 = tpu.memref_slice %arg5[%dma_start3A_78, %dma_start3A_79] : memref<16x128xi32, #tpu.memory_space<vmem>> -> memref<1x128xi32, #tpu.memory_space<vmem>>
    %dma_start3A_81 = tpu.memref_squeeze %dma_start3A_80 : memref<1x128xi32, #tpu.memory_space<vmem>> -> memref<128xi32, #tpu.memory_space<vmem>>
    %dma_start3A_82 = arith.constant 0 : i32
    %dma_start3A_83 = arith.constant 0 : i32
    %dma_start3A_84 = tpu.memref_slice %arg3[%dma_start3A_82, %dma_start3A_83] : memref<4096x64xf32, #tpu.memory_space<hbm>> -> memref<4096x64xf32, #tpu.memory_space<hbm>>
    tpu.enqueue_indirect_dma source(%dma_start3A_84 : memref<4096x64xf32, #tpu.memory_space<hbm>>) target(%arg6 : memref<128x64xf32, #tpu.memory_space<vmem>>) offsets(%dma_start3A_81 : memref<128xi32, #tpu.memory_space<vmem>>) semaphore(%arg8 : memref<!tpu.dma_semaphore, #tpu.memory_space<semaphore_mem>>)
    %dma_wait3A_85 = arith.constant 3 : i32
    %dma_wait3A_86 = arith.constant 0 : i32
    %dma_wait3A_87 = tpu.memref_slice %arg5[%dma_wait3A_85, %dma_wait3A_86] : memref<16x128xi32, #tpu.memory_space<vmem>> -> memref<1x128xi32, #tpu.memory_space<vmem>>
    %dma_wait3A_88 = tpu.memref_squeeze %dma_wait3A_87 : memref<1x128xi32, #tpu.memory_space<vmem>> -> memref<128xi32, #tpu.memory_space<vmem>>
    %dma_wait3A_89 = arith.constant 0 : i32
    %dma_wait3A_90 = arith.constant 0 : i32
    %dma_wait3A_91 = tpu.memref_slice %arg3[%dma_wait3A_89, %dma_wait3A_90] : memref<4096x64xf32, #tpu.memory_space<hbm>> -> memref<4096x64xf32, #tpu.memory_space<hbm>>
    tpu.wait_indirect_dma semaphore(%arg8 : memref<!tpu.dma_semaphore, #tpu.memory_space<semaphore_mem>>) src(%dma_wait3A_91 : memref<4096x64xf32, #tpu.memory_space<hbm>>) dst(%arg7 : memref<128x64xf32, #tpu.memory_space<vmem>>)
    "tpu.region"() ({
      %run_scoped3A = tpu.sem_alloc : memref<!tpu.dma_semaphore, #tpu.memory_space<semaphore_mem>>
      %dma_start3A_289 = arith.constant 0 : i32
      %dma_start3A_290 = tpu.memref_slice %arg4[%multiple_of3A_77, %dma_start3A_289] : memref<65536x64xf32, #tpu.memory_space<hbm>> -> memref<128x64xf32, #tpu.memory_space<hbm>>
      %dma_start3A_291 = arith.constant 0 : i32
      %dma_start3A_292 = tpu.memref_slice %arg4[%multiple_of3A_77, %dma_start3A_291] : memref<65536x64xf32, #tpu.memory_space<hbm>> -> memref<128x64xf32, #tpu.memory_space<hbm>>
      tpu.enqueue_dma source(%arg7 : memref<128x64xf32, #tpu.memory_space<vmem>>) target(%dma_start3A_292 : memref<128x64xf32, #tpu.memory_space<hbm>>) target_semaphore(%run_scoped3A : memref<!tpu.dma_semaphore, #tpu.memory_space<semaphore_mem>>)
      %dma_wait3A_293 = arith.constant 0 : i32
      %dma_wait3A_294 = tpu.memref_slice %arg4[%multiple_of3A_77, %dma_wait3A_293] : memref<65536x64xf32, #tpu.memory_space<hbm>> -> memref<128x64xf32, #tpu.memory_space<hbm>>
      %dma_wait3A_295 = arith.constant 0 : i32
      %dma_wait3A_296 = tpu.memref_slice %arg4[%multiple_of3A_77, %dma_wait3A_295] : memref<65536x64xf32, #tpu.memory_space<hbm>> -> memref<128x64xf32, #tpu.memory_space<hbm>>
      tpu.wait_dma2 semaphore(%run_scoped3A : memref<!tpu.dma_semaphore, #tpu.memory_space<semaphore_mem>>) src(%arg7 : memref<128x64xf32, #tpu.memory_space<vmem>>) dst(%dma_wait3A_296 : memref<128x64xf32, #tpu.memory_space<hbm>>)
      tpu.yield
    }) : () -> ()
    %add3A_92 = arith.constant 512 : i32
    %add3A_93 = arith.addi %add3A, %add3A_92 : i32
    %multiple_of3A_94 = tpu.assume_multiple %add3A_93, 8 : i32
    %dma_start3A_95 = arith.constant 5 : i32
    %dma_start3A_96 = arith.constant 0 : i32
    %dma_start3A_97 = tpu.memref_slice %arg5[%dma_start3A_95, %dma_start3A_96] : memref<16x128xi32, #tpu.memory_space<vmem>> -> memref<1x128xi32, #tpu.memory_space<vmem>>
    %dma_start3A_98 = tpu.memref_squeeze %dma_start3A_97 : memref<1x128xi32, #tpu.memory_space<vmem>> -> memref<128xi32, #tpu.memory_space<vmem>>
    %dma_start3A_99 = arith.constant 0 : i32
    %dma_start3A_100 = arith.constant 0 : i32
    %dma_start3A_101 = tpu.memref_slice %arg3[%dma_start3A_99, %dma_start3A_100] : memref<4096x64xf32, #tpu.memory_space<hbm>> -> memref<4096x64xf32, #tpu.memory_space<hbm>>
    tpu.enqueue_indirect_dma source(%dma_start3A_101 : memref<4096x64xf32, #tpu.memory_space<hbm>>) target(%arg7 : memref<128x64xf32, #tpu.memory_space<vmem>>) offsets(%dma_start3A_98 : memref<128xi32, #tpu.memory_space<vmem>>) semaphore(%arg8 : memref<!tpu.dma_semaphore, #tpu.memory_space<semaphore_mem>>)
    %dma_wait3A_102 = arith.constant 4 : i32
    %dma_wait3A_103 = arith.constant 0 : i32
    %dma_wait3A_104 = tpu.memref_slice %arg5[%dma_wait3A_102, %dma_wait3A_103] : memref<16x128xi32, #tpu.memory_space<vmem>> -> memref<1x128xi32, #tpu.memory_space<vmem>>
    %dma_wait3A_105 = tpu.memref_squeeze %dma_wait3A_104 : memref<1x128xi32, #tpu.memory_space<vmem>> -> memref<128xi32, #tpu.memory_space<vmem>>
    %dma_wait3A_106 = arith.constant 0 : i32
    %dma_wait3A_107 = arith.constant 0 : i32
    %dma_wait3A_108 = tpu.memref_slice %arg3[%dma_wait3A_106, %dma_wait3A_107] : memref<4096x64xf32, #tpu.memory_space<hbm>> -> memref<4096x64xf32, #tpu.memory_space<hbm>>
    tpu.wait_indirect_dma semaphore(%arg8 : memref<!tpu.dma_semaphore, #tpu.memory_space<semaphore_mem>>) src(%dma_wait3A_108 : memref<4096x64xf32, #tpu.memory_space<hbm>>) dst(%arg6 : memref<128x64xf32, #tpu.memory_space<vmem>>)
    "tpu.region"() ({
      %run_scoped3A = tpu.sem_alloc : memref<!tpu.dma_semaphore, #tpu.memory_space<semaphore_mem>>
      %dma_start3A_289 = arith.constant 0 : i32
      %dma_start3A_290 = tpu.memref_slice %arg4[%multiple_of3A_94, %dma_start3A_289] : memref<65536x64xf32, #tpu.memory_space<hbm>> -> memref<128x64xf32, #tpu.memory_space<hbm>>
      %dma_start3A_291 = arith.constant 0 : i32
      %dma_start3A_292 = tpu.memref_slice %arg4[%multiple_of3A_94, %dma_start3A_291] : memref<65536x64xf32, #tpu.memory_space<hbm>> -> memref<128x64xf32, #tpu.memory_space<hbm>>
      tpu.enqueue_dma source(%arg6 : memref<128x64xf32, #tpu.memory_space<vmem>>) target(%dma_start3A_292 : memref<128x64xf32, #tpu.memory_space<hbm>>) target_semaphore(%run_scoped3A : memref<!tpu.dma_semaphore, #tpu.memory_space<semaphore_mem>>)
      %dma_wait3A_293 = arith.constant 0 : i32
      %dma_wait3A_294 = tpu.memref_slice %arg4[%multiple_of3A_94, %dma_wait3A_293] : memref<65536x64xf32, #tpu.memory_space<hbm>> -> memref<128x64xf32, #tpu.memory_space<hbm>>
      %dma_wait3A_295 = arith.constant 0 : i32
      %dma_wait3A_296 = tpu.memref_slice %arg4[%multiple_of3A_94, %dma_wait3A_295] : memref<65536x64xf32, #tpu.memory_space<hbm>> -> memref<128x64xf32, #tpu.memory_space<hbm>>
      tpu.wait_dma2 semaphore(%run_scoped3A : memref<!tpu.dma_semaphore, #tpu.memory_space<semaphore_mem>>) src(%arg6 : memref<128x64xf32, #tpu.memory_space<vmem>>) dst(%dma_wait3A_296 : memref<128x64xf32, #tpu.memory_space<hbm>>)
      tpu.yield
    }) : () -> ()
    %add3A_109 = arith.constant 640 : i32
    %add3A_110 = arith.addi %add3A, %add3A_109 : i32
    %multiple_of3A_111 = tpu.assume_multiple %add3A_110, 8 : i32
    %dma_start3A_112 = arith.constant 6 : i32
    %dma_start3A_113 = arith.constant 0 : i32
    %dma_start3A_114 = tpu.memref_slice %arg5[%dma_start3A_112, %dma_start3A_113] : memref<16x128xi32, #tpu.memory_space<vmem>> -> memref<1x128xi32, #tpu.memory_space<vmem>>
    %dma_start3A_115 = tpu.memref_squeeze %dma_start3A_114 : memref<1x128xi32, #tpu.memory_space<vmem>> -> memref<128xi32, #tpu.memory_space<vmem>>
    %dma_start3A_116 = arith.constant 0 : i32
    %dma_start3A_117 = arith.constant 0 : i32
    %dma_start3A_118 = tpu.memref_slice %arg3[%dma_start3A_116, %dma_start3A_117] : memref<4096x64xf32, #tpu.memory_space<hbm>> -> memref<4096x64xf32, #tpu.memory_space<hbm>>
    tpu.enqueue_indirect_dma source(%dma_start3A_118 : memref<4096x64xf32, #tpu.memory_space<hbm>>) target(%arg6 : memref<128x64xf32, #tpu.memory_space<vmem>>) offsets(%dma_start3A_115 : memref<128xi32, #tpu.memory_space<vmem>>) semaphore(%arg8 : memref<!tpu.dma_semaphore, #tpu.memory_space<semaphore_mem>>)
    %dma_wait3A_119 = arith.constant 5 : i32
    %dma_wait3A_120 = arith.constant 0 : i32
    %dma_wait3A_121 = tpu.memref_slice %arg5[%dma_wait3A_119, %dma_wait3A_120] : memref<16x128xi32, #tpu.memory_space<vmem>> -> memref<1x128xi32, #tpu.memory_space<vmem>>
    %dma_wait3A_122 = tpu.memref_squeeze %dma_wait3A_121 : memref<1x128xi32, #tpu.memory_space<vmem>> -> memref<128xi32, #tpu.memory_space<vmem>>
    %dma_wait3A_123 = arith.constant 0 : i32
    %dma_wait3A_124 = arith.constant 0 : i32
    %dma_wait3A_125 = tpu.memref_slice %arg3[%dma_wait3A_123, %dma_wait3A_124] : memref<4096x64xf32, #tpu.memory_space<hbm>> -> memref<4096x64xf32, #tpu.memory_space<hbm>>
    tpu.wait_indirect_dma semaphore(%arg8 : memref<!tpu.dma_semaphore, #tpu.memory_space<semaphore_mem>>) src(%dma_wait3A_125 : memref<4096x64xf32, #tpu.memory_space<hbm>>) dst(%arg7 : memref<128x64xf32, #tpu.memory_space<vmem>>)
    "tpu.region"() ({
      %run_scoped3A = tpu.sem_alloc : memref<!tpu.dma_semaphore, #tpu.memory_space<semaphore_mem>>
      %dma_start3A_289 = arith.constant 0 : i32
      %dma_start3A_290 = tpu.memref_slice %arg4[%multiple_of3A_111, %dma_start3A_289] : memref<65536x64xf32, #tpu.memory_space<hbm>> -> memref<128x64xf32, #tpu.memory_space<hbm>>
      %dma_start3A_291 = arith.constant 0 : i32
      %dma_start3A_292 = tpu.memref_slice %arg4[%multiple_of3A_111, %dma_start3A_291] : memref<65536x64xf32, #tpu.memory_space<hbm>> -> memref<128x64xf32, #tpu.memory_space<hbm>>
      tpu.enqueue_dma source(%arg7 : memref<128x64xf32, #tpu.memory_space<vmem>>) target(%dma_start3A_292 : memref<128x64xf32, #tpu.memory_space<hbm>>) target_semaphore(%run_scoped3A : memref<!tpu.dma_semaphore, #tpu.memory_space<semaphore_mem>>)
      %dma_wait3A_293 = arith.constant 0 : i32
      %dma_wait3A_294 = tpu.memref_slice %arg4[%multiple_of3A_111, %dma_wait3A_293] : memref<65536x64xf32, #tpu.memory_space<hbm>> -> memref<128x64xf32, #tpu.memory_space<hbm>>
      %dma_wait3A_295 = arith.constant 0 : i32
      %dma_wait3A_296 = tpu.memref_slice %arg4[%multiple_of3A_111, %dma_wait3A_295] : memref<65536x64xf32, #tpu.memory_space<hbm>> -> memref<128x64xf32, #tpu.memory_space<hbm>>
      tpu.wait_dma2 semaphore(%run_scoped3A : memref<!tpu.dma_semaphore, #tpu.memory_space<semaphore_mem>>) src(%arg7 : memref<128x64xf32, #tpu.memory_space<vmem>>) dst(%dma_wait3A_296 : memref<128x64xf32, #tpu.memory_space<hbm>>)
      tpu.yield
    }) : () -> ()
    %add3A_126 = arith.constant 768 : i32
    %add3A_127 = arith.addi %add3A, %add3A_126 : i32
    %multiple_of3A_128 = tpu.assume_multiple %add3A_127, 8 : i32
    %dma_start3A_129 = arith.constant 7 : i32
    %dma_start3A_130 = arith.constant 0 : i32
    %dma_start3A_131 = tpu.memref_slice %arg5[%dma_start3A_129, %dma_start3A_130] : memref<16x128xi32, #tpu.memory_space<vmem>> -> memref<1x128xi32, #tpu.memory_space<vmem>>
    %dma_start3A_132 = tpu.memref_squeeze %dma_start3A_131 : memref<1x128xi32, #tpu.memory_space<vmem>> -> memref<128xi32, #tpu.memory_space<vmem>>
    %dma_start3A_133 = arith.constant 0 : i32
    %dma_start3A_134 = arith.constant 0 : i32
    %dma_start3A_135 = tpu.memref_slice %arg3[%dma_start3A_133, %dma_start3A_134] : memref<4096x64xf32, #tpu.memory_space<hbm>> -> memref<4096x64xf32, #tpu.memory_space<hbm>>
    tpu.enqueue_indirect_dma source(%dma_start3A_135 : memref<4096x64xf32, #tpu.memory_space<hbm>>) target(%arg7 : memref<128x64xf32, #tpu.memory_space<vmem>>) offsets(%dma_start3A_132 : memref<128xi32, #tpu.memory_space<vmem>>) semaphore(%arg8 : memref<!tpu.dma_semaphore, #tpu.memory_space<semaphore_mem>>)
    %dma_wait3A_136 = arith.constant 6 : i32
    %dma_wait3A_137 = arith.constant 0 : i32
    %dma_wait3A_138 = tpu.memref_slice %arg5[%dma_wait3A_136, %dma_wait3A_137] : memref<16x128xi32, #tpu.memory_space<vmem>> -> memref<1x128xi32, #tpu.memory_space<vmem>>
    %dma_wait3A_139 = tpu.memref_squeeze %dma_wait3A_138 : memref<1x128xi32, #tpu.memory_space<vmem>> -> memref<128xi32, #tpu.memory_space<vmem>>
    %dma_wait3A_140 = arith.constant 0 : i32
    %dma_wait3A_141 = arith.constant 0 : i32
    %dma_wait3A_142 = tpu.memref_slice %arg3[%dma_wait3A_140, %dma_wait3A_141] : memref<4096x64xf32, #tpu.memory_space<hbm>> -> memref<4096x64xf32, #tpu.memory_space<hbm>>
    tpu.wait_indirect_dma semaphore(%arg8 : memref<!tpu.dma_semaphore, #tpu.memory_space<semaphore_mem>>) src(%dma_wait3A_142 : memref<4096x64xf32, #tpu.memory_space<hbm>>) dst(%arg6 : memref<128x64xf32, #tpu.memory_space<vmem>>)
    "tpu.region"() ({
      %run_scoped3A = tpu.sem_alloc : memref<!tpu.dma_semaphore, #tpu.memory_space<semaphore_mem>>
      %dma_start3A_289 = arith.constant 0 : i32
      %dma_start3A_290 = tpu.memref_slice %arg4[%multiple_of3A_128, %dma_start3A_289] : memref<65536x64xf32, #tpu.memory_space<hbm>> -> memref<128x64xf32, #tpu.memory_space<hbm>>
      %dma_start3A_291 = arith.constant 0 : i32
      %dma_start3A_292 = tpu.memref_slice %arg4[%multiple_of3A_128, %dma_start3A_291] : memref<65536x64xf32, #tpu.memory_space<hbm>> -> memref<128x64xf32, #tpu.memory_space<hbm>>
      tpu.enqueue_dma source(%arg6 : memref<128x64xf32, #tpu.memory_space<vmem>>) target(%dma_start3A_292 : memref<128x64xf32, #tpu.memory_space<hbm>>) target_semaphore(%run_scoped3A : memref<!tpu.dma_semaphore, #tpu.memory_space<semaphore_mem>>)
      %dma_wait3A_293 = arith.constant 0 : i32
      %dma_wait3A_294 = tpu.memref_slice %arg4[%multiple_of3A_128, %dma_wait3A_293] : memref<65536x64xf32, #tpu.memory_space<hbm>> -> memref<128x64xf32, #tpu.memory_space<hbm>>
      %dma_wait3A_295 = arith.constant 0 : i32
      %dma_wait3A_296 = tpu.memref_slice %arg4[%multiple_of3A_128, %dma_wait3A_295] : memref<65536x64xf32, #tpu.memory_space<hbm>> -> memref<128x64xf32, #tpu.memory_space<hbm>>
      tpu.wait_dma2 semaphore(%run_scoped3A : memref<!tpu.dma_semaphore, #tpu.memory_space<semaphore_mem>>) src(%arg6 : memref<128x64xf32, #tpu.memory_space<vmem>>) dst(%dma_wait3A_296 : memref<128x64xf32, #tpu.memory_space<hbm>>)
      tpu.yield
    }) : () -> ()
    %add3A_143 = arith.constant 896 : i32
    %add3A_144 = arith.addi %add3A, %add3A_143 : i32
    %multiple_of3A_145 = tpu.assume_multiple %add3A_144, 8 : i32
    %dma_start3A_146 = arith.constant 8 : i32
    %dma_start3A_147 = arith.constant 0 : i32
    %dma_start3A_148 = tpu.memref_slice %arg5[%dma_start3A_146, %dma_start3A_147] : memref<16x128xi32, #tpu.memory_space<vmem>> -> memref<1x128xi32, #tpu.memory_space<vmem>>
    %dma_start3A_149 = tpu.memref_squeeze %dma_start3A_148 : memref<1x128xi32, #tpu.memory_space<vmem>> -> memref<128xi32, #tpu.memory_space<vmem>>
    %dma_start3A_150 = arith.constant 0 : i32
    %dma_start3A_151 = arith.constant 0 : i32
    %dma_start3A_152 = tpu.memref_slice %arg3[%dma_start3A_150, %dma_start3A_151] : memref<4096x64xf32, #tpu.memory_space<hbm>> -> memref<4096x64xf32, #tpu.memory_space<hbm>>
    tpu.enqueue_indirect_dma source(%dma_start3A_152 : memref<4096x64xf32, #tpu.memory_space<hbm>>) target(%arg6 : memref<128x64xf32, #tpu.memory_space<vmem>>) offsets(%dma_start3A_149 : memref<128xi32, #tpu.memory_space<vmem>>) semaphore(%arg8 : memref<!tpu.dma_semaphore, #tpu.memory_space<semaphore_mem>>)
    %dma_wait3A_153 = arith.constant 7 : i32
    %dma_wait3A_154 = arith.constant 0 : i32
    %dma_wait3A_155 = tpu.memref_slice %arg5[%dma_wait3A_153, %dma_wait3A_154] : memref<16x128xi32, #tpu.memory_space<vmem>> -> memref<1x128xi32, #tpu.memory_space<vmem>>
    %dma_wait3A_156 = tpu.memref_squeeze %dma_wait3A_155 : memref<1x128xi32, #tpu.memory_space<vmem>> -> memref<128xi32, #tpu.memory_space<vmem>>
    %dma_wait3A_157 = arith.constant 0 : i32
    %dma_wait3A_158 = arith.constant 0 : i32
    %dma_wait3A_159 = tpu.memref_slice %arg3[%dma_wait3A_157, %dma_wait3A_158] : memref<4096x64xf32, #tpu.memory_space<hbm>> -> memref<4096x64xf32, #tpu.memory_space<hbm>>
    tpu.wait_indirect_dma semaphore(%arg8 : memref<!tpu.dma_semaphore, #tpu.memory_space<semaphore_mem>>) src(%dma_wait3A_159 : memref<4096x64xf32, #tpu.memory_space<hbm>>) dst(%arg7 : memref<128x64xf32, #tpu.memory_space<vmem>>)
    "tpu.region"() ({
      %run_scoped3A = tpu.sem_alloc : memref<!tpu.dma_semaphore, #tpu.memory_space<semaphore_mem>>
      %dma_start3A_289 = arith.constant 0 : i32
      %dma_start3A_290 = tpu.memref_slice %arg4[%multiple_of3A_145, %dma_start3A_289] : memref<65536x64xf32, #tpu.memory_space<hbm>> -> memref<128x64xf32, #tpu.memory_space<hbm>>
      %dma_start3A_291 = arith.constant 0 : i32
      %dma_start3A_292 = tpu.memref_slice %arg4[%multiple_of3A_145, %dma_start3A_291] : memref<65536x64xf32, #tpu.memory_space<hbm>> -> memref<128x64xf32, #tpu.memory_space<hbm>>
      tpu.enqueue_dma source(%arg7 : memref<128x64xf32, #tpu.memory_space<vmem>>) target(%dma_start3A_292 : memref<128x64xf32, #tpu.memory_space<hbm>>) target_semaphore(%run_scoped3A : memref<!tpu.dma_semaphore, #tpu.memory_space<semaphore_mem>>)
      %dma_wait3A_293 = arith.constant 0 : i32
      %dma_wait3A_294 = tpu.memref_slice %arg4[%multiple_of3A_145, %dma_wait3A_293] : memref<65536x64xf32, #tpu.memory_space<hbm>> -> memref<128x64xf32, #tpu.memory_space<hbm>>
      %dma_wait3A_295 = arith.constant 0 : i32
      %dma_wait3A_296 = tpu.memref_slice %arg4[%multiple_of3A_145, %dma_wait3A_295] : memref<65536x64xf32, #tpu.memory_space<hbm>> -> memref<128x64xf32, #tpu.memory_space<hbm>>
      tpu.wait_dma2 semaphore(%run_scoped3A : memref<!tpu.dma_semaphore, #tpu.memory_space<semaphore_mem>>) src(%arg7 : memref<128x64xf32, #tpu.memory_space<vmem>>) dst(%dma_wait3A_296 : memref<128x64xf32, #tpu.memory_space<hbm>>)
      tpu.yield
    }) : () -> ()
    %add3A_160 = arith.constant 1024 : i32
    %add3A_161 = arith.addi %add3A, %add3A_160 : i32
    %multiple_of3A_162 = tpu.assume_multiple %add3A_161, 8 : i32
    %dma_start3A_163 = arith.constant 9 : i32
    %dma_start3A_164 = arith.constant 0 : i32
    %dma_start3A_165 = tpu.memref_slice %arg5[%dma_start3A_163, %dma_start3A_164] : memref<16x128xi32, #tpu.memory_space<vmem>> -> memref<1x128xi32, #tpu.memory_space<vmem>>
    %dma_start3A_166 = tpu.memref_squeeze %dma_start3A_165 : memref<1x128xi32, #tpu.memory_space<vmem>> -> memref<128xi32, #tpu.memory_space<vmem>>
    %dma_start3A_167 = arith.constant 0 : i32
    %dma_start3A_168 = arith.constant 0 : i32
    %dma_start3A_169 = tpu.memref_slice %arg3[%dma_start3A_167, %dma_start3A_168] : memref<4096x64xf32, #tpu.memory_space<hbm>> -> memref<4096x64xf32, #tpu.memory_space<hbm>>
    tpu.enqueue_indirect_dma source(%dma_start3A_169 : memref<4096x64xf32, #tpu.memory_space<hbm>>) target(%arg7 : memref<128x64xf32, #tpu.memory_space<vmem>>) offsets(%dma_start3A_166 : memref<128xi32, #tpu.memory_space<vmem>>) semaphore(%arg8 : memref<!tpu.dma_semaphore, #tpu.memory_space<semaphore_mem>>)
    %dma_wait3A_170 = arith.constant 8 : i32
    %dma_wait3A_171 = arith.constant 0 : i32
    %dma_wait3A_172 = tpu.memref_slice %arg5[%dma_wait3A_170, %dma_wait3A_171] : memref<16x128xi32, #tpu.memory_space<vmem>> -> memref<1x128xi32, #tpu.memory_space<vmem>>
    %dma_wait3A_173 = tpu.memref_squeeze %dma_wait3A_172 : memref<1x128xi32, #tpu.memory_space<vmem>> -> memref<128xi32, #tpu.memory_space<vmem>>
    %dma_wait3A_174 = arith.constant 0 : i32
    %dma_wait3A_175 = arith.constant 0 : i32
    %dma_wait3A_176 = tpu.memref_slice %arg3[%dma_wait3A_174, %dma_wait3A_175] : memref<4096x64xf32, #tpu.memory_space<hbm>> -> memref<4096x64xf32, #tpu.memory_space<hbm>>
    tpu.wait_indirect_dma semaphore(%arg8 : memref<!tpu.dma_semaphore, #tpu.memory_space<semaphore_mem>>) src(%dma_wait3A_176 : memref<4096x64xf32, #tpu.memory_space<hbm>>) dst(%arg6 : memref<128x64xf32, #tpu.memory_space<vmem>>)
    "tpu.region"() ({
      %run_scoped3A = tpu.sem_alloc : memref<!tpu.dma_semaphore, #tpu.memory_space<semaphore_mem>>
      %dma_start3A_289 = arith.constant 0 : i32
      %dma_start3A_290 = tpu.memref_slice %arg4[%multiple_of3A_162, %dma_start3A_289] : memref<65536x64xf32, #tpu.memory_space<hbm>> -> memref<128x64xf32, #tpu.memory_space<hbm>>
      %dma_start3A_291 = arith.constant 0 : i32
      %dma_start3A_292 = tpu.memref_slice %arg4[%multiple_of3A_162, %dma_start3A_291] : memref<65536x64xf32, #tpu.memory_space<hbm>> -> memref<128x64xf32, #tpu.memory_space<hbm>>
      tpu.enqueue_dma source(%arg6 : memref<128x64xf32, #tpu.memory_space<vmem>>) target(%dma_start3A_292 : memref<128x64xf32, #tpu.memory_space<hbm>>) target_semaphore(%run_scoped3A : memref<!tpu.dma_semaphore, #tpu.memory_space<semaphore_mem>>)
      %dma_wait3A_293 = arith.constant 0 : i32
      %dma_wait3A_294 = tpu.memref_slice %arg4[%multiple_of3A_162, %dma_wait3A_293] : memref<65536x64xf32, #tpu.memory_space<hbm>> -> memref<128x64xf32, #tpu.memory_space<hbm>>
      %dma_wait3A_295 = arith.constant 0 : i32
      %dma_wait3A_296 = tpu.memref_slice %arg4[%multiple_of3A_162, %dma_wait3A_295] : memref<65536x64xf32, #tpu.memory_space<hbm>> -> memref<128x64xf32, #tpu.memory_space<hbm>>
      tpu.wait_dma2 semaphore(%run_scoped3A : memref<!tpu.dma_semaphore, #tpu.memory_space<semaphore_mem>>) src(%arg6 : memref<128x64xf32, #tpu.memory_space<vmem>>) dst(%dma_wait3A_296 : memref<128x64xf32, #tpu.memory_space<hbm>>)
      tpu.yield
    }) : () -> ()
    %add3A_177 = arith.constant 1152 : i32
    %add3A_178 = arith.addi %add3A, %add3A_177 : i32
    %multiple_of3A_179 = tpu.assume_multiple %add3A_178, 8 : i32
    %dma_start3A_180 = arith.constant 10 : i32
    %dma_start3A_181 = arith.constant 0 : i32
    %dma_start3A_182 = tpu.memref_slice %arg5[%dma_start3A_180, %dma_start3A_181] : memref<16x128xi32, #tpu.memory_space<vmem>> -> memref<1x128xi32, #tpu.memory_space<vmem>>
    %dma_start3A_183 = tpu.memref_squeeze %dma_start3A_182 : memref<1x128xi32, #tpu.memory_space<vmem>> -> memref<128xi32, #tpu.memory_space<vmem>>
    %dma_start3A_184 = arith.constant 0 : i32
    %dma_start3A_185 = arith.constant 0 : i32
    %dma_start3A_186 = tpu.memref_slice %arg3[%dma_start3A_184, %dma_start3A_185] : memref<4096x64xf32, #tpu.memory_space<hbm>> -> memref<4096x64xf32, #tpu.memory_space<hbm>>
    tpu.enqueue_indirect_dma source(%dma_start3A_186 : memref<4096x64xf32, #tpu.memory_space<hbm>>) target(%arg6 : memref<128x64xf32, #tpu.memory_space<vmem>>) offsets(%dma_start3A_183 : memref<128xi32, #tpu.memory_space<vmem>>) semaphore(%arg8 : memref<!tpu.dma_semaphore, #tpu.memory_space<semaphore_mem>>)
    %dma_wait3A_187 = arith.constant 9 : i32
    %dma_wait3A_188 = arith.constant 0 : i32
    %dma_wait3A_189 = tpu.memref_slice %arg5[%dma_wait3A_187, %dma_wait3A_188] : memref<16x128xi32, #tpu.memory_space<vmem>> -> memref<1x128xi32, #tpu.memory_space<vmem>>
    %dma_wait3A_190 = tpu.memref_squeeze %dma_wait3A_189 : memref<1x128xi32, #tpu.memory_space<vmem>> -> memref<128xi32, #tpu.memory_space<vmem>>
    %dma_wait3A_191 = arith.constant 0 : i32
    %dma_wait3A_192 = arith.constant 0 : i32
    %dma_wait3A_193 = tpu.memref_slice %arg3[%dma_wait3A_191, %dma_wait3A_192] : memref<4096x64xf32, #tpu.memory_space<hbm>> -> memref<4096x64xf32, #tpu.memory_space<hbm>>
    tpu.wait_indirect_dma semaphore(%arg8 : memref<!tpu.dma_semaphore, #tpu.memory_space<semaphore_mem>>) src(%dma_wait3A_193 : memref<4096x64xf32, #tpu.memory_space<hbm>>) dst(%arg7 : memref<128x64xf32, #tpu.memory_space<vmem>>)
    "tpu.region"() ({
      %run_scoped3A = tpu.sem_alloc : memref<!tpu.dma_semaphore, #tpu.memory_space<semaphore_mem>>
      %dma_start3A_289 = arith.constant 0 : i32
      %dma_start3A_290 = tpu.memref_slice %arg4[%multiple_of3A_179, %dma_start3A_289] : memref<65536x64xf32, #tpu.memory_space<hbm>> -> memref<128x64xf32, #tpu.memory_space<hbm>>
      %dma_start3A_291 = arith.constant 0 : i32
      %dma_start3A_292 = tpu.memref_slice %arg4[%multiple_of3A_179, %dma_start3A_291] : memref<65536x64xf32, #tpu.memory_space<hbm>> -> memref<128x64xf32, #tpu.memory_space<hbm>>
      tpu.enqueue_dma source(%arg7 : memref<128x64xf32, #tpu.memory_space<vmem>>) target(%dma_start3A_292 : memref<128x64xf32, #tpu.memory_space<hbm>>) target_semaphore(%run_scoped3A : memref<!tpu.dma_semaphore, #tpu.memory_space<semaphore_mem>>)
      %dma_wait3A_293 = arith.constant 0 : i32
      %dma_wait3A_294 = tpu.memref_slice %arg4[%multiple_of3A_179, %dma_wait3A_293] : memref<65536x64xf32, #tpu.memory_space<hbm>> -> memref<128x64xf32, #tpu.memory_space<hbm>>
      %dma_wait3A_295 = arith.constant 0 : i32
      %dma_wait3A_296 = tpu.memref_slice %arg4[%multiple_of3A_179, %dma_wait3A_295] : memref<65536x64xf32, #tpu.memory_space<hbm>> -> memref<128x64xf32, #tpu.memory_space<hbm>>
      tpu.wait_dma2 semaphore(%run_scoped3A : memref<!tpu.dma_semaphore, #tpu.memory_space<semaphore_mem>>) src(%arg7 : memref<128x64xf32, #tpu.memory_space<vmem>>) dst(%dma_wait3A_296 : memref<128x64xf32, #tpu.memory_space<hbm>>)
      tpu.yield
    }) : () -> ()
    %add3A_194 = arith.constant 1280 : i32
    %add3A_195 = arith.addi %add3A, %add3A_194 : i32
    %multiple_of3A_196 = tpu.assume_multiple %add3A_195, 8 : i32
    %dma_start3A_197 = arith.constant 11 : i32
    %dma_start3A_198 = arith.constant 0 : i32
    %dma_start3A_199 = tpu.memref_slice %arg5[%dma_start3A_197, %dma_start3A_198] : memref<16x128xi32, #tpu.memory_space<vmem>> -> memref<1x128xi32, #tpu.memory_space<vmem>>
    %dma_start3A_200 = tpu.memref_squeeze %dma_start3A_199 : memref<1x128xi32, #tpu.memory_space<vmem>> -> memref<128xi32, #tpu.memory_space<vmem>>
    %dma_start3A_201 = arith.constant 0 : i32
    %dma_start3A_202 = arith.constant 0 : i32
    %dma_start3A_203 = tpu.memref_slice %arg3[%dma_start3A_201, %dma_start3A_202] : memref<4096x64xf32, #tpu.memory_space<hbm>> -> memref<4096x64xf32, #tpu.memory_space<hbm>>
    tpu.enqueue_indirect_dma source(%dma_start3A_203 : memref<4096x64xf32, #tpu.memory_space<hbm>>) target(%arg7 : memref<128x64xf32, #tpu.memory_space<vmem>>) offsets(%dma_start3A_200 : memref<128xi32, #tpu.memory_space<vmem>>) semaphore(%arg8 : memref<!tpu.dma_semaphore, #tpu.memory_space<semaphore_mem>>)
    %dma_wait3A_204 = arith.constant 10 : i32
    %dma_wait3A_205 = arith.constant 0 : i32
    %dma_wait3A_206 = tpu.memref_slice %arg5[%dma_wait3A_204, %dma_wait3A_205] : memref<16x128xi32, #tpu.memory_space<vmem>> -> memref<1x128xi32, #tpu.memory_space<vmem>>
    %dma_wait3A_207 = tpu.memref_squeeze %dma_wait3A_206 : memref<1x128xi32, #tpu.memory_space<vmem>> -> memref<128xi32, #tpu.memory_space<vmem>>
    %dma_wait3A_208 = arith.constant 0 : i32
    %dma_wait3A_209 = arith.constant 0 : i32
    %dma_wait3A_210 = tpu.memref_slice %arg3[%dma_wait3A_208, %dma_wait3A_209] : memref<4096x64xf32, #tpu.memory_space<hbm>> -> memref<4096x64xf32, #tpu.memory_space<hbm>>
    tpu.wait_indirect_dma semaphore(%arg8 : memref<!tpu.dma_semaphore, #tpu.memory_space<semaphore_mem>>) src(%dma_wait3A_210 : memref<4096x64xf32, #tpu.memory_space<hbm>>) dst(%arg6 : memref<128x64xf32, #tpu.memory_space<vmem>>)
    "tpu.region"() ({
      %run_scoped3A = tpu.sem_alloc : memref<!tpu.dma_semaphore, #tpu.memory_space<semaphore_mem>>
      %dma_start3A_289 = arith.constant 0 : i32
      %dma_start3A_290 = tpu.memref_slice %arg4[%multiple_of3A_196, %dma_start3A_289] : memref<65536x64xf32, #tpu.memory_space<hbm>> -> memref<128x64xf32, #tpu.memory_space<hbm>>
      %dma_start3A_291 = arith.constant 0 : i32
      %dma_start3A_292 = tpu.memref_slice %arg4[%multiple_of3A_196, %dma_start3A_291] : memref<65536x64xf32, #tpu.memory_space<hbm>> -> memref<128x64xf32, #tpu.memory_space<hbm>>
      tpu.enqueue_dma source(%arg6 : memref<128x64xf32, #tpu.memory_space<vmem>>) target(%dma_start3A_292 : memref<128x64xf32, #tpu.memory_space<hbm>>) target_semaphore(%run_scoped3A : memref<!tpu.dma_semaphore, #tpu.memory_space<semaphore_mem>>)
      %dma_wait3A_293 = arith.constant 0 : i32
      %dma_wait3A_294 = tpu.memref_slice %arg4[%multiple_of3A_196, %dma_wait3A_293] : memref<65536x64xf32, #tpu.memory_space<hbm>> -> memref<128x64xf32, #tpu.memory_space<hbm>>
      %dma_wait3A_295 = arith.constant 0 : i32
      %dma_wait3A_296 = tpu.memref_slice %arg4[%multiple_of3A_196, %dma_wait3A_295] : memref<65536x64xf32, #tpu.memory_space<hbm>> -> memref<128x64xf32, #tpu.memory_space<hbm>>
      tpu.wait_dma2 semaphore(%run_scoped3A : memref<!tpu.dma_semaphore, #tpu.memory_space<semaphore_mem>>) src(%arg6 : memref<128x64xf32, #tpu.memory_space<vmem>>) dst(%dma_wait3A_296 : memref<128x64xf32, #tpu.memory_space<hbm>>)
      tpu.yield
    }) : () -> ()
    %add3A_211 = arith.constant 1408 : i32
    %add3A_212 = arith.addi %add3A, %add3A_211 : i32
    %multiple_of3A_213 = tpu.assume_multiple %add3A_212, 8 : i32
    %dma_start3A_214 = arith.constant 12 : i32
    %dma_start3A_215 = arith.constant 0 : i32
    %dma_start3A_216 = tpu.memref_slice %arg5[%dma_start3A_214, %dma_start3A_215] : memref<16x128xi32, #tpu.memory_space<vmem>> -> memref<1x128xi32, #tpu.memory_space<vmem>>
    %dma_start3A_217 = tpu.memref_squeeze %dma_start3A_216 : memref<1x128xi32, #tpu.memory_space<vmem>> -> memref<128xi32, #tpu.memory_space<vmem>>
    %dma_start3A_218 = arith.constant 0 : i32
    %dma_start3A_219 = arith.constant 0 : i32
    %dma_start3A_220 = tpu.memref_slice %arg3[%dma_start3A_218, %dma_start3A_219] : memref<4096x64xf32, #tpu.memory_space<hbm>> -> memref<4096x64xf32, #tpu.memory_space<hbm>>
    tpu.enqueue_indirect_dma source(%dma_start3A_220 : memref<4096x64xf32, #tpu.memory_space<hbm>>) target(%arg6 : memref<128x64xf32, #tpu.memory_space<vmem>>) offsets(%dma_start3A_217 : memref<128xi32, #tpu.memory_space<vmem>>) semaphore(%arg8 : memref<!tpu.dma_semaphore, #tpu.memory_space<semaphore_mem>>)
    %dma_wait3A_221 = arith.constant 11 : i32
    %dma_wait3A_222 = arith.constant 0 : i32
    %dma_wait3A_223 = tpu.memref_slice %arg5[%dma_wait3A_221, %dma_wait3A_222] : memref<16x128xi32, #tpu.memory_space<vmem>> -> memref<1x128xi32, #tpu.memory_space<vmem>>
    %dma_wait3A_224 = tpu.memref_squeeze %dma_wait3A_223 : memref<1x128xi32, #tpu.memory_space<vmem>> -> memref<128xi32, #tpu.memory_space<vmem>>
    %dma_wait3A_225 = arith.constant 0 : i32
    %dma_wait3A_226 = arith.constant 0 : i32
    %dma_wait3A_227 = tpu.memref_slice %arg3[%dma_wait3A_225, %dma_wait3A_226] : memref<4096x64xf32, #tpu.memory_space<hbm>> -> memref<4096x64xf32, #tpu.memory_space<hbm>>
    tpu.wait_indirect_dma semaphore(%arg8 : memref<!tpu.dma_semaphore, #tpu.memory_space<semaphore_mem>>) src(%dma_wait3A_227 : memref<4096x64xf32, #tpu.memory_space<hbm>>) dst(%arg7 : memref<128x64xf32, #tpu.memory_space<vmem>>)
    "tpu.region"() ({
      %run_scoped3A = tpu.sem_alloc : memref<!tpu.dma_semaphore, #tpu.memory_space<semaphore_mem>>
      %dma_start3A_289 = arith.constant 0 : i32
      %dma_start3A_290 = tpu.memref_slice %arg4[%multiple_of3A_213, %dma_start3A_289] : memref<65536x64xf32, #tpu.memory_space<hbm>> -> memref<128x64xf32, #tpu.memory_space<hbm>>
      %dma_start3A_291 = arith.constant 0 : i32
      %dma_start3A_292 = tpu.memref_slice %arg4[%multiple_of3A_213, %dma_start3A_291] : memref<65536x64xf32, #tpu.memory_space<hbm>> -> memref<128x64xf32, #tpu.memory_space<hbm>>
      tpu.enqueue_dma source(%arg7 : memref<128x64xf32, #tpu.memory_space<vmem>>) target(%dma_start3A_292 : memref<128x64xf32, #tpu.memory_space<hbm>>) target_semaphore(%run_scoped3A : memref<!tpu.dma_semaphore, #tpu.memory_space<semaphore_mem>>)
      %dma_wait3A_293 = arith.constant 0 : i32
      %dma_wait3A_294 = tpu.memref_slice %arg4[%multiple_of3A_213, %dma_wait3A_293] : memref<65536x64xf32, #tpu.memory_space<hbm>> -> memref<128x64xf32, #tpu.memory_space<hbm>>
      %dma_wait3A_295 = arith.constant 0 : i32
      %dma_wait3A_296 = tpu.memref_slice %arg4[%multiple_of3A_213, %dma_wait3A_295] : memref<65536x64xf32, #tpu.memory_space<hbm>> -> memref<128x64xf32, #tpu.memory_space<hbm>>
      tpu.wait_dma2 semaphore(%run_scoped3A : memref<!tpu.dma_semaphore, #tpu.memory_space<semaphore_mem>>) src(%arg7 : memref<128x64xf32, #tpu.memory_space<vmem>>) dst(%dma_wait3A_296 : memref<128x64xf32, #tpu.memory_space<hbm>>)
      tpu.yield
    }) : () -> ()
    %add3A_228 = arith.constant 1536 : i32
    %add3A_229 = arith.addi %add3A, %add3A_228 : i32
    %multiple_of3A_230 = tpu.assume_multiple %add3A_229, 8 : i32
    %dma_start3A_231 = arith.constant 13 : i32
    %dma_start3A_232 = arith.constant 0 : i32
    %dma_start3A_233 = tpu.memref_slice %arg5[%dma_start3A_231, %dma_start3A_232] : memref<16x128xi32, #tpu.memory_space<vmem>> -> memref<1x128xi32, #tpu.memory_space<vmem>>
    %dma_start3A_234 = tpu.memref_squeeze %dma_start3A_233 : memref<1x128xi32, #tpu.memory_space<vmem>> -> memref<128xi32, #tpu.memory_space<vmem>>
    %dma_start3A_235 = arith.constant 0 : i32
    %dma_start3A_236 = arith.constant 0 : i32
    %dma_start3A_237 = tpu.memref_slice %arg3[%dma_start3A_235, %dma_start3A_236] : memref<4096x64xf32, #tpu.memory_space<hbm>> -> memref<4096x64xf32, #tpu.memory_space<hbm>>
    tpu.enqueue_indirect_dma source(%dma_start3A_237 : memref<4096x64xf32, #tpu.memory_space<hbm>>) target(%arg7 : memref<128x64xf32, #tpu.memory_space<vmem>>) offsets(%dma_start3A_234 : memref<128xi32, #tpu.memory_space<vmem>>) semaphore(%arg8 : memref<!tpu.dma_semaphore, #tpu.memory_space<semaphore_mem>>)
    %dma_wait3A_238 = arith.constant 12 : i32
    %dma_wait3A_239 = arith.constant 0 : i32
    %dma_wait3A_240 = tpu.memref_slice %arg5[%dma_wait3A_238, %dma_wait3A_239] : memref<16x128xi32, #tpu.memory_space<vmem>> -> memref<1x128xi32, #tpu.memory_space<vmem>>
    %dma_wait3A_241 = tpu.memref_squeeze %dma_wait3A_240 : memref<1x128xi32, #tpu.memory_space<vmem>> -> memref<128xi32, #tpu.memory_space<vmem>>
    %dma_wait3A_242 = arith.constant 0 : i32
    %dma_wait3A_243 = arith.constant 0 : i32
    %dma_wait3A_244 = tpu.memref_slice %arg3[%dma_wait3A_242, %dma_wait3A_243] : memref<4096x64xf32, #tpu.memory_space<hbm>> -> memref<4096x64xf32, #tpu.memory_space<hbm>>
    tpu.wait_indirect_dma semaphore(%arg8 : memref<!tpu.dma_semaphore, #tpu.memory_space<semaphore_mem>>) src(%dma_wait3A_244 : memref<4096x64xf32, #tpu.memory_space<hbm>>) dst(%arg6 : memref<128x64xf32, #tpu.memory_space<vmem>>)
    "tpu.region"() ({
      %run_scoped3A = tpu.sem_alloc : memref<!tpu.dma_semaphore, #tpu.memory_space<semaphore_mem>>
      %dma_start3A_289 = arith.constant 0 : i32
      %dma_start3A_290 = tpu.memref_slice %arg4[%multiple_of3A_230, %dma_start3A_289] : memref<65536x64xf32, #tpu.memory_space<hbm>> -> memref<128x64xf32, #tpu.memory_space<hbm>>
      %dma_start3A_291 = arith.constant 0 : i32
      %dma_start3A_292 = tpu.memref_slice %arg4[%multiple_of3A_230, %dma_start3A_291] : memref<65536x64xf32, #tpu.memory_space<hbm>> -> memref<128x64xf32, #tpu.memory_space<hbm>>
      tpu.enqueue_dma source(%arg6 : memref<128x64xf32, #tpu.memory_space<vmem>>) target(%dma_start3A_292 : memref<128x64xf32, #tpu.memory_space<hbm>>) target_semaphore(%run_scoped3A : memref<!tpu.dma_semaphore, #tpu.memory_space<semaphore_mem>>)
      %dma_wait3A_293 = arith.constant 0 : i32
      %dma_wait3A_294 = tpu.memref_slice %arg4[%multiple_of3A_230, %dma_wait3A_293] : memref<65536x64xf32, #tpu.memory_space<hbm>> -> memref<128x64xf32, #tpu.memory_space<hbm>>
      %dma_wait3A_295 = arith.constant 0 : i32
      %dma_wait3A_296 = tpu.memref_slice %arg4[%multiple_of3A_230, %dma_wait3A_295] : memref<65536x64xf32, #tpu.memory_space<hbm>> -> memref<128x64xf32, #tpu.memory_space<hbm>>
      tpu.wait_dma2 semaphore(%run_scoped3A : memref<!tpu.dma_semaphore, #tpu.memory_space<semaphore_mem>>) src(%arg6 : memref<128x64xf32, #tpu.memory_space<vmem>>) dst(%dma_wait3A_296 : memref<128x64xf32, #tpu.memory_space<hbm>>)
      tpu.yield
    }) : () -> ()
    %add3A_245 = arith.constant 1664 : i32
    %add3A_246 = arith.addi %add3A, %add3A_245 : i32
    %multiple_of3A_247 = tpu.assume_multiple %add3A_246, 8 : i32
    %dma_start3A_248 = arith.constant 14 : i32
    %dma_start3A_249 = arith.constant 0 : i32
    %dma_start3A_250 = tpu.memref_slice %arg5[%dma_start3A_248, %dma_start3A_249] : memref<16x128xi32, #tpu.memory_space<vmem>> -> memref<1x128xi32, #tpu.memory_space<vmem>>
    %dma_start3A_251 = tpu.memref_squeeze %dma_start3A_250 : memref<1x128xi32, #tpu.memory_space<vmem>> -> memref<128xi32, #tpu.memory_space<vmem>>
    %dma_start3A_252 = arith.constant 0 : i32
    %dma_start3A_253 = arith.constant 0 : i32
    %dma_start3A_254 = tpu.memref_slice %arg3[%dma_start3A_252, %dma_start3A_253] : memref<4096x64xf32, #tpu.memory_space<hbm>> -> memref<4096x64xf32, #tpu.memory_space<hbm>>
    tpu.enqueue_indirect_dma source(%dma_start3A_254 : memref<4096x64xf32, #tpu.memory_space<hbm>>) target(%arg6 : memref<128x64xf32, #tpu.memory_space<vmem>>) offsets(%dma_start3A_251 : memref<128xi32, #tpu.memory_space<vmem>>) semaphore(%arg8 : memref<!tpu.dma_semaphore, #tpu.memory_space<semaphore_mem>>)
    %dma_wait3A_255 = arith.constant 13 : i32
    %dma_wait3A_256 = arith.constant 0 : i32
    %dma_wait3A_257 = tpu.memref_slice %arg5[%dma_wait3A_255, %dma_wait3A_256] : memref<16x128xi32, #tpu.memory_space<vmem>> -> memref<1x128xi32, #tpu.memory_space<vmem>>
    %dma_wait3A_258 = tpu.memref_squeeze %dma_wait3A_257 : memref<1x128xi32, #tpu.memory_space<vmem>> -> memref<128xi32, #tpu.memory_space<vmem>>
    %dma_wait3A_259 = arith.constant 0 : i32
    %dma_wait3A_260 = arith.constant 0 : i32
    %dma_wait3A_261 = tpu.memref_slice %arg3[%dma_wait3A_259, %dma_wait3A_260] : memref<4096x64xf32, #tpu.memory_space<hbm>> -> memref<4096x64xf32, #tpu.memory_space<hbm>>
    tpu.wait_indirect_dma semaphore(%arg8 : memref<!tpu.dma_semaphore, #tpu.memory_space<semaphore_mem>>) src(%dma_wait3A_261 : memref<4096x64xf32, #tpu.memory_space<hbm>>) dst(%arg7 : memref<128x64xf32, #tpu.memory_space<vmem>>)
    "tpu.region"() ({
      %run_scoped3A = tpu.sem_alloc : memref<!tpu.dma_semaphore, #tpu.memory_space<semaphore_mem>>
      %dma_start3A_289 = arith.constant 0 : i32
      %dma_start3A_290 = tpu.memref_slice %arg4[%multiple_of3A_247, %dma_start3A_289] : memref<65536x64xf32, #tpu.memory_space<hbm>> -> memref<128x64xf32, #tpu.memory_space<hbm>>
      %dma_start3A_291 = arith.constant 0 : i32
      %dma_start3A_292 = tpu.memref_slice %arg4[%multiple_of3A_247, %dma_start3A_291] : memref<65536x64xf32, #tpu.memory_space<hbm>> -> memref<128x64xf32, #tpu.memory_space<hbm>>
      tpu.enqueue_dma source(%arg7 : memref<128x64xf32, #tpu.memory_space<vmem>>) target(%dma_start3A_292 : memref<128x64xf32, #tpu.memory_space<hbm>>) target_semaphore(%run_scoped3A : memref<!tpu.dma_semaphore, #tpu.memory_space<semaphore_mem>>)
      %dma_wait3A_293 = arith.constant 0 : i32
      %dma_wait3A_294 = tpu.memref_slice %arg4[%multiple_of3A_247, %dma_wait3A_293] : memref<65536x64xf32, #tpu.memory_space<hbm>> -> memref<128x64xf32, #tpu.memory_space<hbm>>
      %dma_wait3A_295 = arith.constant 0 : i32
      %dma_wait3A_296 = tpu.memref_slice %arg4[%multiple_of3A_247, %dma_wait3A_295] : memref<65536x64xf32, #tpu.memory_space<hbm>> -> memref<128x64xf32, #tpu.memory_space<hbm>>
      tpu.wait_dma2 semaphore(%run_scoped3A : memref<!tpu.dma_semaphore, #tpu.memory_space<semaphore_mem>>) src(%arg7 : memref<128x64xf32, #tpu.memory_space<vmem>>) dst(%dma_wait3A_296 : memref<128x64xf32, #tpu.memory_space<hbm>>)
      tpu.yield
    }) : () -> ()
    %add3A_262 = arith.constant 1792 : i32
    %add3A_263 = arith.addi %add3A, %add3A_262 : i32
    %multiple_of3A_264 = tpu.assume_multiple %add3A_263, 8 : i32
    %dma_start3A_265 = arith.constant 15 : i32
    %dma_start3A_266 = arith.constant 0 : i32
    %dma_start3A_267 = tpu.memref_slice %arg5[%dma_start3A_265, %dma_start3A_266] : memref<16x128xi32, #tpu.memory_space<vmem>> -> memref<1x128xi32, #tpu.memory_space<vmem>>
    %dma_start3A_268 = tpu.memref_squeeze %dma_start3A_267 : memref<1x128xi32, #tpu.memory_space<vmem>> -> memref<128xi32, #tpu.memory_space<vmem>>
    %dma_start3A_269 = arith.constant 0 : i32
    %dma_start3A_270 = arith.constant 0 : i32
    %dma_start3A_271 = tpu.memref_slice %arg3[%dma_start3A_269, %dma_start3A_270] : memref<4096x64xf32, #tpu.memory_space<hbm>> -> memref<4096x64xf32, #tpu.memory_space<hbm>>
    tpu.enqueue_indirect_dma source(%dma_start3A_271 : memref<4096x64xf32, #tpu.memory_space<hbm>>) target(%arg7 : memref<128x64xf32, #tpu.memory_space<vmem>>) offsets(%dma_start3A_268 : memref<128xi32, #tpu.memory_space<vmem>>) semaphore(%arg8 : memref<!tpu.dma_semaphore, #tpu.memory_space<semaphore_mem>>)
    %dma_wait3A_272 = arith.constant 14 : i32
    %dma_wait3A_273 = arith.constant 0 : i32
    %dma_wait3A_274 = tpu.memref_slice %arg5[%dma_wait3A_272, %dma_wait3A_273] : memref<16x128xi32, #tpu.memory_space<vmem>> -> memref<1x128xi32, #tpu.memory_space<vmem>>
    %dma_wait3A_275 = tpu.memref_squeeze %dma_wait3A_274 : memref<1x128xi32, #tpu.memory_space<vmem>> -> memref<128xi32, #tpu.memory_space<vmem>>
    %dma_wait3A_276 = arith.constant 0 : i32
    %dma_wait3A_277 = arith.constant 0 : i32
    %dma_wait3A_278 = tpu.memref_slice %arg3[%dma_wait3A_276, %dma_wait3A_277] : memref<4096x64xf32, #tpu.memory_space<hbm>> -> memref<4096x64xf32, #tpu.memory_space<hbm>>
    tpu.wait_indirect_dma semaphore(%arg8 : memref<!tpu.dma_semaphore, #tpu.memory_space<semaphore_mem>>) src(%dma_wait3A_278 : memref<4096x64xf32, #tpu.memory_space<hbm>>) dst(%arg6 : memref<128x64xf32, #tpu.memory_space<vmem>>)
    "tpu.region"() ({
      %run_scoped3A = tpu.sem_alloc : memref<!tpu.dma_semaphore, #tpu.memory_space<semaphore_mem>>
      %dma_start3A_289 = arith.constant 0 : i32
      %dma_start3A_290 = tpu.memref_slice %arg4[%multiple_of3A_264, %dma_start3A_289] : memref<65536x64xf32, #tpu.memory_space<hbm>> -> memref<128x64xf32, #tpu.memory_space<hbm>>
      %dma_start3A_291 = arith.constant 0 : i32
      %dma_start3A_292 = tpu.memref_slice %arg4[%multiple_of3A_264, %dma_start3A_291] : memref<65536x64xf32, #tpu.memory_space<hbm>> -> memref<128x64xf32, #tpu.memory_space<hbm>>
      tpu.enqueue_dma source(%arg6 : memref<128x64xf32, #tpu.memory_space<vmem>>) target(%dma_start3A_292 : memref<128x64xf32, #tpu.memory_space<hbm>>) target_semaphore(%run_scoped3A : memref<!tpu.dma_semaphore, #tpu.memory_space<semaphore_mem>>)
      %dma_wait3A_293 = arith.constant 0 : i32
      %dma_wait3A_294 = tpu.memref_slice %arg4[%multiple_of3A_264, %dma_wait3A_293] : memref<65536x64xf32, #tpu.memory_space<hbm>> -> memref<128x64xf32, #tpu.memory_space<hbm>>
      %dma_wait3A_295 = arith.constant 0 : i32
      %dma_wait3A_296 = tpu.memref_slice %arg4[%multiple_of3A_264, %dma_wait3A_295] : memref<65536x64xf32, #tpu.memory_space<hbm>> -> memref<128x64xf32, #tpu.memory_space<hbm>>
      tpu.wait_dma2 semaphore(%run_scoped3A : memref<!tpu.dma_semaphore, #tpu.memory_space<semaphore_mem>>) src(%arg6 : memref<128x64xf32, #tpu.memory_space<vmem>>) dst(%dma_wait3A_296 : memref<128x64xf32, #tpu.memory_space<hbm>>)
      tpu.yield
    }) : () -> ()
    %add3A_279 = arith.constant 1920 : i32
    %add3A_280 = arith.addi %add3A, %add3A_279 : i32
    %multiple_of3A_281 = tpu.assume_multiple %add3A_280, 8 : i32
    %dma_wait3A_282 = arith.constant 15 : i32
    %dma_wait3A_283 = arith.constant 0 : i32
    %dma_wait3A_284 = tpu.memref_slice %arg5[%dma_wait3A_282, %dma_wait3A_283] : memref<16x128xi32, #tpu.memory_space<vmem>> -> memref<1x128xi32, #tpu.memory_space<vmem>>
    %dma_wait3A_285 = tpu.memref_squeeze %dma_wait3A_284 : memref<1x128xi32, #tpu.memory_space<vmem>> -> memref<128xi32, #tpu.memory_space<vmem>>
    %dma_wait3A_286 = arith.constant 0 : i32
    %dma_wait3A_287 = arith.constant 0 : i32
    %dma_wait3A_288 = tpu.memref_slice %arg3[%dma_wait3A_286, %dma_wait3A_287] : memref<4096x64xf32, #tpu.memory_space<hbm>> -> memref<4096x64xf32, #tpu.memory_space<hbm>>
    tpu.wait_indirect_dma semaphore(%arg8 : memref<!tpu.dma_semaphore, #tpu.memory_space<semaphore_mem>>) src(%dma_wait3A_288 : memref<4096x64xf32, #tpu.memory_space<hbm>>) dst(%arg7 : memref<128x64xf32, #tpu.memory_space<vmem>>)
    "tpu.region"() ({
      %run_scoped3A = tpu.sem_alloc : memref<!tpu.dma_semaphore, #tpu.memory_space<semaphore_mem>>
      %dma_start3A_289 = arith.constant 0 : i32
      %dma_start3A_290 = tpu.memref_slice %arg4[%multiple_of3A_281, %dma_start3A_289] : memref<65536x64xf32, #tpu.memory_space<hbm>> -> memref<128x64xf32, #tpu.memory_space<hbm>>
      %dma_start3A_291 = arith.constant 0 : i32
      %dma_start3A_292 = tpu.memref_slice %arg4[%multiple_of3A_281, %dma_start3A_291] : memref<65536x64xf32, #tpu.memory_space<hbm>> -> memref<128x64xf32, #tpu.memory_space<hbm>>
      tpu.enqueue_dma source(%arg7 : memref<128x64xf32, #tpu.memory_space<vmem>>) target(%dma_start3A_292 : memref<128x64xf32, #tpu.memory_space<hbm>>) target_semaphore(%run_scoped3A : memref<!tpu.dma_semaphore, #tpu.memory_space<semaphore_mem>>)
      %dma_wait3A_293 = arith.constant 0 : i32
      %dma_wait3A_294 = tpu.memref_slice %arg4[%multiple_of3A_281, %dma_wait3A_293] : memref<65536x64xf32, #tpu.memory_space<hbm>> -> memref<128x64xf32, #tpu.memory_space<hbm>>
      %dma_wait3A_295 = arith.constant 0 : i32
      %dma_wait3A_296 = tpu.memref_slice %arg4[%multiple_of3A_281, %dma_wait3A_295] : memref<65536x64xf32, #tpu.memory_space<hbm>> -> memref<128x64xf32, #tpu.memory_space<hbm>>
      tpu.wait_dma2 semaphore(%run_scoped3A : memref<!tpu.dma_semaphore, #tpu.memory_space<semaphore_mem>>) src(%arg7 : memref<128x64xf32, #tpu.memory_space<vmem>>) dst(%dma_wait3A_296 : memref<128x64xf32, #tpu.memory_space<hbm>>)
      tpu.yield
    }) : () -> ()
    return
  }
}

#map = affine_map<(d0, d1) -> (0, 0)>
module attributes {stable_mosaic.version = 14 : i64} {
  func.func @_sc_gather_scatter_body(%arg0: i32, %arg1: i32, %arg2: memref<512x128xi32, #tpu.memory_space<hbm>>, %arg3: memref<65536x64xf32, #tpu.memory_space<hbm>>, %arg4: memref<4096x64xf32, #tpu.memory_space<hbm>>, %arg5: memref<128x64xf32, #tpu.memory_space<hbm>>, %arg6: memref<256x16xf32, #tpu.memory_space<hbm>>, %arg7: memref<65536x64xf32, #tpu.memory_space<hbm>>, %arg8: memref<4096x64xf32, #tpu.memory_space<hbm>>, %arg9: memref<4096x16xf32, #tpu.memory_space<hbm>>, %arg10: memref<16x128xi32, #tpu.memory_space<vmem>>, %arg11: memref<128x64xf32, #tpu.memory_space<vmem>>, %arg12: memref<128x64xf32, #tpu.memory_space<vmem>>, %arg13: memref<128x64xf32, #tpu.memory_space<vmem>>, %arg14: memref<128x64xf32, #tpu.memory_space<vmem>>, %arg15: memref<128x16xf32, #tpu.memory_space<vmem>>, %arg16: memref<4096x64xf32, #tpu.memory_space<vmem_shared>>, %arg17: memref<4096x16xf32, #tpu.memory_space<vmem_shared>>, %arg18: memref<!tpu.dma_semaphore, #tpu.memory_space<semaphore_mem>>, %arg19: memref<!tpu.dma_semaphore, #tpu.memory_space<semaphore_mem>>) attributes {dimension_semantics = [#tpu.dimension_semantics<core_parallel>, #tpu.dimension_semantics<subcore_parallel>], iteration_bounds = array<i64: 2, 16>, scalar_prefetch = 0 : i64, scratch_operands = 10 : i64, tpu.core_type = #tpu.core_type<sc_vector_subcore>, window_params = [{transform_indices = #map}, {transform_indices = #map}, {transform_indices = #map}, {transform_indices = #map}, {transform_indices = #map}, {transform_indices = #map}, {transform_indices = #map}, {transform_indices = #map}]} {
    %mul3A = arith.constant 2048 : i32
    %mul3A_0 = arith.muli %arg0, %mul3A : i32
    %mul3A_1 = arith.constant 128 : i32
    %mul3A_2 = arith.muli %arg1, %mul3A_1 : i32
    %add3A = arith.addi %mul3A_0, %mul3A_2 : i32
    %multiple_of3A = tpu.assume_multiple %add3A, 8 : i32
    "tpu.region"() ({
      %run_scoped3A_501 = tpu.sem_alloc : memref<!tpu.dma_semaphore, #tpu.memory_space<semaphore_mem>>
      %dma_start3A_502 = arith.constant 0 : i32
      %dma_start3A_503 = tpu.memref_slice %arg16[%multiple_of3A, %dma_start3A_502] : memref<4096x64xf32, #tpu.memory_space<vmem_shared>> -> memref<128x64xf32, #tpu.memory_space<vmem_shared>>
      tpu.enqueue_dma source(%arg5 : memref<128x64xf32, #tpu.memory_space<hbm>>) target(%dma_start3A_503 : memref<128x64xf32, #tpu.memory_space<vmem_shared>>) target_semaphore(%run_scoped3A_501 : memref<!tpu.dma_semaphore, #tpu.memory_space<semaphore_mem>>)
      %dma_wait3A_504 = arith.constant 0 : i32
      %dma_wait3A_505 = tpu.memref_slice %arg16[%multiple_of3A, %dma_wait3A_504] : memref<4096x64xf32, #tpu.memory_space<vmem_shared>> -> memref<128x64xf32, #tpu.memory_space<vmem_shared>>
      tpu.wait_dma2 semaphore(%run_scoped3A_501 : memref<!tpu.dma_semaphore, #tpu.memory_space<semaphore_mem>>) src(%arg5 : memref<128x64xf32, #tpu.memory_space<hbm>>) dst(%dma_wait3A_505 : memref<128x64xf32, #tpu.memory_space<vmem_shared>>)
      tpu.yield
    }) : () -> ()
    "tpu.region"() ({
      %run_scoped3A_501 = tpu.sem_alloc : memref<!tpu.dma_semaphore, #tpu.memory_space<semaphore_mem>>
      %dma_start3A_502 = arith.constant 0 : i32
      %dma_start3A_503 = tpu.memref_slice %arg17[%multiple_of3A, %dma_start3A_502] : memref<4096x16xf32, #tpu.memory_space<vmem_shared>> -> memref<128x16xf32, #tpu.memory_space<vmem_shared>>
      %dma_start3A_504 = arith.constant 128 : i32
      %dma_start3A_505 = arith.constant 0 : i32
      %dma_start3A_506 = tpu.memref_slice %arg6[%dma_start3A_504, %dma_start3A_505] : memref<256x16xf32, #tpu.memory_space<hbm>> -> memref<128x16xf32, #tpu.memory_space<hbm>>
      tpu.enqueue_dma source(%dma_start3A_506 : memref<128x16xf32, #tpu.memory_space<hbm>>) target(%dma_start3A_503 : memref<128x16xf32, #tpu.memory_space<vmem_shared>>) target_semaphore(%run_scoped3A_501 : memref<!tpu.dma_semaphore, #tpu.memory_space<semaphore_mem>>)
      %dma_wait3A_507 = arith.constant 0 : i32
      %dma_wait3A_508 = tpu.memref_slice %arg17[%multiple_of3A, %dma_wait3A_507] : memref<4096x16xf32, #tpu.memory_space<vmem_shared>> -> memref<128x16xf32, #tpu.memory_space<vmem_shared>>
      %dma_wait3A_509 = arith.constant 128 : i32
      %dma_wait3A_510 = arith.constant 0 : i32
      %dma_wait3A_511 = tpu.memref_slice %arg6[%dma_wait3A_509, %dma_wait3A_510] : memref<256x16xf32, #tpu.memory_space<hbm>> -> memref<128x16xf32, #tpu.memory_space<hbm>>
      tpu.wait_dma2 semaphore(%run_scoped3A_501 : memref<!tpu.dma_semaphore, #tpu.memory_space<semaphore_mem>>) src(%dma_wait3A_511 : memref<128x16xf32, #tpu.memory_space<hbm>>) dst(%dma_wait3A_508 : memref<128x16xf32, #tpu.memory_space<vmem_shared>>)
      tpu.yield
    }) : () -> ()
    "tpu.region"() ({
      %run_scoped3A_501 = tpu.sem_alloc : memref<!tpu.dma_semaphore, #tpu.memory_space<semaphore_mem>>
      %dma_start3A_502 = arith.constant 0 : i32
      %dma_start3A_503 = arith.constant 0 : i32
      %dma_start3A_504 = tpu.memref_slice %arg6[%dma_start3A_502, %dma_start3A_503] : memref<256x16xf32, #tpu.memory_space<hbm>> -> memref<128x16xf32, #tpu.memory_space<hbm>>
      %dma_start3A_505 = arith.constant 0 : i32
      %dma_start3A_506 = arith.constant 0 : i32
      %dma_start3A_507 = tpu.memref_slice %arg6[%dma_start3A_505, %dma_start3A_506] : memref<256x16xf32, #tpu.memory_space<hbm>> -> memref<128x16xf32, #tpu.memory_space<hbm>>
      tpu.enqueue_dma source(%dma_start3A_507 : memref<128x16xf32, #tpu.memory_space<hbm>>) target(%arg15 : memref<128x16xf32, #tpu.memory_space<vmem>>) target_semaphore(%run_scoped3A_501 : memref<!tpu.dma_semaphore, #tpu.memory_space<semaphore_mem>>)
      %dma_wait3A_508 = arith.constant 0 : i32
      %dma_wait3A_509 = arith.constant 0 : i32
      %dma_wait3A_510 = tpu.memref_slice %arg6[%dma_wait3A_508, %dma_wait3A_509] : memref<256x16xf32, #tpu.memory_space<hbm>> -> memref<128x16xf32, #tpu.memory_space<hbm>>
      %dma_wait3A_511 = arith.constant 0 : i32
      %dma_wait3A_512 = arith.constant 0 : i32
      %dma_wait3A_513 = tpu.memref_slice %arg6[%dma_wait3A_511, %dma_wait3A_512] : memref<256x16xf32, #tpu.memory_space<hbm>> -> memref<128x16xf32, #tpu.memory_space<hbm>>
      tpu.wait_dma2 semaphore(%run_scoped3A_501 : memref<!tpu.dma_semaphore, #tpu.memory_space<semaphore_mem>>) src(%dma_wait3A_513 : memref<128x16xf32, #tpu.memory_space<hbm>>) dst(%arg15 : memref<128x16xf32, #tpu.memory_space<vmem>>)
      tpu.yield
    }) : () -> ()
    %barrier3A = arith.constant 0 : index
    tpu.barrier barrier_id(%barrier3A)
    %mul3A_3 = arith.constant 32768 : i32
    %mul3A_4 = arith.muli %arg0, %mul3A_3 : i32
    %mul3A_5 = arith.constant 2048 : i32
    %mul3A_6 = arith.muli %arg1, %mul3A_5 : i32
    %add3A_7 = arith.addi %mul3A_4, %mul3A_6 : i32
    %jit3A = arith.constant 128 : i32
    %div3A = arith.divsi %add3A_7, %jit3A : i32
    %sign3A = arith.constant 0 : i32
    %sign3A_8 = arith.cmpi sgt, %add3A_7, %sign3A : i32
    %sign3A_9 = arith.extui %sign3A_8 : i1 to i32
    %sign3A_10 = arith.constant 0 : i32
    %sign3A_11 = arith.cmpi slt, %add3A_7, %sign3A_10 : i32
    %sign3A_12 = arith.extui %sign3A_11 : i1 to i32
    %sign3A_13 = arith.subi %sign3A_9, %sign3A_12 : i32
    %sign3A_14 = arith.constant 0 : i32
    %sign3A_15 = arith.cmpi sgt, %jit3A, %sign3A_14 : i32
    %sign3A_16 = arith.extui %sign3A_15 : i1 to i32
    %sign3A_17 = arith.constant 0 : i32
    %sign3A_18 = arith.cmpi slt, %jit3A, %sign3A_17 : i32
    %sign3A_19 = arith.extui %sign3A_18 : i1 to i32
    %sign3A_20 = arith.subi %sign3A_16, %sign3A_19 : i32
    %ne3A = arith.cmpi ne, %sign3A_13, %sign3A_20 : i32
    %rem3A = arith.remsi %add3A_7, %jit3A : i32
    %ne3A_21 = arith.constant 0 : i32
    %ne3A_22 = arith.cmpi ne, %rem3A, %ne3A_21 : i32
    %and3A = arith.andi %ne3A, %ne3A_22 : i1
    %sub3A = arith.constant 1 : i32
    %sub3A_23 = arith.subi %div3A, %sub3A : i32
    %select_n3A = arith.select %and3A, %sub3A_23, %div3A : i32
    %multiple_of3A_24 = tpu.assume_multiple %select_n3A, 8 : i32
    "tpu.region"() ({
      %run_scoped3A_501 = tpu.sem_alloc : memref<!tpu.dma_semaphore, #tpu.memory_space<semaphore_mem>>
      %dma_start3A_502 = arith.constant 0 : i32
      %dma_start3A_503 = tpu.memref_slice %arg2[%multiple_of3A_24, %dma_start3A_502] : memref<512x128xi32, #tpu.memory_space<hbm>> -> memref<16x128xi32, #tpu.memory_space<hbm>>
      %dma_start3A_504 = arith.constant 0 : i32
      %dma_start3A_505 = tpu.memref_slice %arg2[%multiple_of3A_24, %dma_start3A_504] : memref<512x128xi32, #tpu.memory_space<hbm>> -> memref<16x128xi32, #tpu.memory_space<hbm>>
      tpu.enqueue_dma source(%dma_start3A_505 : memref<16x128xi32, #tpu.memory_space<hbm>>) target(%arg10 : memref<16x128xi32, #tpu.memory_space<vmem>>) target_semaphore(%run_scoped3A_501 : memref<!tpu.dma_semaphore, #tpu.memory_space<semaphore_mem>>)
      %dma_wait3A_506 = arith.constant 0 : i32
      %dma_wait3A_507 = tpu.memref_slice %arg2[%multiple_of3A_24, %dma_wait3A_506] : memref<512x128xi32, #tpu.memory_space<hbm>> -> memref<16x128xi32, #tpu.memory_space<hbm>>
      %dma_wait3A_508 = arith.constant 0 : i32
      %dma_wait3A_509 = tpu.memref_slice %arg2[%multiple_of3A_24, %dma_wait3A_508] : memref<512x128xi32, #tpu.memory_space<hbm>> -> memref<16x128xi32, #tpu.memory_space<hbm>>
      tpu.wait_dma2 semaphore(%run_scoped3A_501 : memref<!tpu.dma_semaphore, #tpu.memory_space<semaphore_mem>>) src(%dma_wait3A_509 : memref<16x128xi32, #tpu.memory_space<hbm>>) dst(%arg10 : memref<16x128xi32, #tpu.memory_space<vmem>>)
      tpu.yield
    }) : () -> ()
    %dma_start3A = arith.constant 0 : i32
    %dma_start3A_25 = arith.constant 0 : i32
    %dma_start3A_26 = tpu.memref_slice %arg10[%dma_start3A, %dma_start3A_25] : memref<16x128xi32, #tpu.memory_space<vmem>> -> memref<1x128xi32, #tpu.memory_space<vmem>>
    %dma_start3A_27 = tpu.memref_squeeze %dma_start3A_26 : memref<1x128xi32, #tpu.memory_space<vmem>> -> memref<128xi32, #tpu.memory_space<vmem>>
    %dma_start3A_28 = arith.constant 0 : i32
    %dma_start3A_29 = arith.constant 0 : i32
    %dma_start3A_30 = tpu.memref_slice %arg4[%dma_start3A_28, %dma_start3A_29] : memref<4096x64xf32, #tpu.memory_space<hbm>> -> memref<4096x64xf32, #tpu.memory_space<hbm>>
    tpu.enqueue_indirect_dma source(%dma_start3A_30 : memref<4096x64xf32, #tpu.memory_space<hbm>>) target(%arg11 : memref<128x64xf32, #tpu.memory_space<vmem>>) offsets(%dma_start3A_27 : memref<128xi32, #tpu.memory_space<vmem>>) semaphore(%arg18 : memref<!tpu.dma_semaphore, #tpu.memory_space<semaphore_mem>>)
    %multiple_of3A_31 = tpu.assume_multiple %add3A_7, 8 : i32
    %dma_start3A_32 = arith.constant 0 : i32
    %dma_start3A_33 = tpu.memref_slice %arg3[%multiple_of3A_31, %dma_start3A_32] : memref<65536x64xf32, #tpu.memory_space<hbm>> -> memref<128x64xf32, #tpu.memory_space<hbm>>
    %dma_start3A_34 = arith.constant 0 : i32
    %dma_start3A_35 = tpu.memref_slice %arg3[%multiple_of3A_31, %dma_start3A_34] : memref<65536x64xf32, #tpu.memory_space<hbm>> -> memref<128x64xf32, #tpu.memory_space<hbm>>
    tpu.enqueue_dma source(%dma_start3A_35 : memref<128x64xf32, #tpu.memory_space<hbm>>) target(%arg13 : memref<128x64xf32, #tpu.memory_space<vmem>>) target_semaphore(%arg19 : memref<!tpu.dma_semaphore, #tpu.memory_space<semaphore_mem>>)
    %add3A_36 = arith.constant 0 : i32
    %add3A_37 = arith.addi %add3A_7, %add3A_36 : i32
    %multiple_of3A_38 = tpu.assume_multiple %add3A_37, 8 : i32
    %add3A_39 = arith.constant 128 : i32
    %add3A_40 = arith.addi %add3A_7, %add3A_39 : i32
    %multiple_of3A_41 = tpu.assume_multiple %add3A_40, 8 : i32
    %dma_start3A_42 = arith.constant 1 : i32
    %dma_start3A_43 = arith.constant 0 : i32
    %dma_start3A_44 = tpu.memref_slice %arg10[%dma_start3A_42, %dma_start3A_43] : memref<16x128xi32, #tpu.memory_space<vmem>> -> memref<1x128xi32, #tpu.memory_space<vmem>>
    %dma_start3A_45 = tpu.memref_squeeze %dma_start3A_44 : memref<1x128xi32, #tpu.memory_space<vmem>> -> memref<128xi32, #tpu.memory_space<vmem>>
    %dma_start3A_46 = arith.constant 0 : i32
    %dma_start3A_47 = arith.constant 0 : i32
    %dma_start3A_48 = tpu.memref_slice %arg4[%dma_start3A_46, %dma_start3A_47] : memref<4096x64xf32, #tpu.memory_space<hbm>> -> memref<4096x64xf32, #tpu.memory_space<hbm>>
    tpu.enqueue_indirect_dma source(%dma_start3A_48 : memref<4096x64xf32, #tpu.memory_space<hbm>>) target(%arg12 : memref<128x64xf32, #tpu.memory_space<vmem>>) offsets(%dma_start3A_45 : memref<128xi32, #tpu.memory_space<vmem>>) semaphore(%arg18 : memref<!tpu.dma_semaphore, #tpu.memory_space<semaphore_mem>>)
    %dma_start3A_49 = arith.constant 0 : i32
    %dma_start3A_50 = tpu.memref_slice %arg3[%multiple_of3A_41, %dma_start3A_49] : memref<65536x64xf32, #tpu.memory_space<hbm>> -> memref<128x64xf32, #tpu.memory_space<hbm>>
    %dma_start3A_51 = arith.constant 0 : i32
    %dma_start3A_52 = tpu.memref_slice %arg3[%multiple_of3A_41, %dma_start3A_51] : memref<65536x64xf32, #tpu.memory_space<hbm>> -> memref<128x64xf32, #tpu.memory_space<hbm>>
    tpu.enqueue_dma source(%dma_start3A_52 : memref<128x64xf32, #tpu.memory_space<hbm>>) target(%arg14 : memref<128x64xf32, #tpu.memory_space<vmem>>) target_semaphore(%arg19 : memref<!tpu.dma_semaphore, #tpu.memory_space<semaphore_mem>>)
    %dma_wait3A = arith.constant 0 : i32
    %dma_wait3A_53 = arith.constant 0 : i32
    %dma_wait3A_54 = tpu.memref_slice %arg10[%dma_wait3A, %dma_wait3A_53] : memref<16x128xi32, #tpu.memory_space<vmem>> -> memref<1x128xi32, #tpu.memory_space<vmem>>
    %dma_wait3A_55 = tpu.memref_squeeze %dma_wait3A_54 : memref<1x128xi32, #tpu.memory_space<vmem>> -> memref<128xi32, #tpu.memory_space<vmem>>
    %dma_wait3A_56 = arith.constant 0 : i32
    %dma_wait3A_57 = arith.constant 0 : i32
    %dma_wait3A_58 = tpu.memref_slice %arg4[%dma_wait3A_56, %dma_wait3A_57] : memref<4096x64xf32, #tpu.memory_space<hbm>> -> memref<4096x64xf32, #tpu.memory_space<hbm>>
    tpu.wait_indirect_dma semaphore(%arg18 : memref<!tpu.dma_semaphore, #tpu.memory_space<semaphore_mem>>) src(%dma_wait3A_58 : memref<4096x64xf32, #tpu.memory_space<hbm>>) dst(%arg11 : memref<128x64xf32, #tpu.memory_space<vmem>>)
    "tpu.region"() ({
      %run_scoped3A_501 = tpu.sem_alloc : memref<!tpu.dma_semaphore, #tpu.memory_space<semaphore_mem>>
      %dma_start3A_502 = arith.constant 0 : i32
      %dma_start3A_503 = tpu.memref_slice %arg7[%multiple_of3A_38, %dma_start3A_502] : memref<65536x64xf32, #tpu.memory_space<hbm>> -> memref<128x64xf32, #tpu.memory_space<hbm>>
      %dma_start3A_504 = arith.constant 0 : i32
      %dma_start3A_505 = tpu.memref_slice %arg7[%multiple_of3A_38, %dma_start3A_504] : memref<65536x64xf32, #tpu.memory_space<hbm>> -> memref<128x64xf32, #tpu.memory_space<hbm>>
      tpu.enqueue_dma source(%arg11 : memref<128x64xf32, #tpu.memory_space<vmem>>) target(%dma_start3A_505 : memref<128x64xf32, #tpu.memory_space<hbm>>) target_semaphore(%run_scoped3A_501 : memref<!tpu.dma_semaphore, #tpu.memory_space<semaphore_mem>>)
      %dma_wait3A_506 = arith.constant 0 : i32
      %dma_wait3A_507 = tpu.memref_slice %arg7[%multiple_of3A_38, %dma_wait3A_506] : memref<65536x64xf32, #tpu.memory_space<hbm>> -> memref<128x64xf32, #tpu.memory_space<hbm>>
      %dma_wait3A_508 = arith.constant 0 : i32
      %dma_wait3A_509 = tpu.memref_slice %arg7[%multiple_of3A_38, %dma_wait3A_508] : memref<65536x64xf32, #tpu.memory_space<hbm>> -> memref<128x64xf32, #tpu.memory_space<hbm>>
      tpu.wait_dma2 semaphore(%run_scoped3A_501 : memref<!tpu.dma_semaphore, #tpu.memory_space<semaphore_mem>>) src(%arg11 : memref<128x64xf32, #tpu.memory_space<vmem>>) dst(%dma_wait3A_509 : memref<128x64xf32, #tpu.memory_space<hbm>>)
      tpu.yield
    }) : () -> ()
    %dma_wait3A_59 = arith.constant 0 : i32
    %dma_wait3A_60 = tpu.memref_slice %arg3[%multiple_of3A_31, %dma_wait3A_59] : memref<65536x64xf32, #tpu.memory_space<hbm>> -> memref<128x64xf32, #tpu.memory_space<hbm>>
    %dma_wait3A_61 = arith.constant 0 : i32
    %dma_wait3A_62 = tpu.memref_slice %arg3[%multiple_of3A_31, %dma_wait3A_61] : memref<65536x64xf32, #tpu.memory_space<hbm>> -> memref<128x64xf32, #tpu.memory_space<hbm>>
    tpu.wait_dma2 semaphore(%arg19 : memref<!tpu.dma_semaphore, #tpu.memory_space<semaphore_mem>>) src(%dma_wait3A_62 : memref<128x64xf32, #tpu.memory_space<hbm>>) dst(%arg13 : memref<128x64xf32, #tpu.memory_space<vmem>>)
    %run_scoped3A = arith.constant 0 : i32
    "tpu.region"() ({
      %run_scoped3A_501 = tpu.sem_alloc : memref<!tpu.dma_semaphore, #tpu.memory_space<semaphore_mem>>
      %dma_start3A_502 = arith.constant 0 : i32
      %dma_start3A_503 = tpu.memref_slice %arg10[%run_scoped3A, %dma_start3A_502] : memref<16x128xi32, #tpu.memory_space<vmem>> -> memref<1x128xi32, #tpu.memory_space<vmem>>
      %dma_start3A_504 = tpu.memref_squeeze %dma_start3A_503 : memref<1x128xi32, #tpu.memory_space<vmem>> -> memref<128xi32, #tpu.memory_space<vmem>>
      %dma_start3A_505 = arith.constant 0 : i32
      %dma_start3A_506 = arith.constant 0 : i32
      %dma_start3A_507 = tpu.memref_slice %arg16[%dma_start3A_505, %dma_start3A_506] : memref<4096x64xf32, #tpu.memory_space<vmem_shared>> -> memref<4096x64xf32, #tpu.memory_space<vmem_shared>>
      tpu.enqueue_indirect_dma source(%arg13 : memref<128x64xf32, #tpu.memory_space<vmem>>) target(%dma_start3A_507 : memref<4096x64xf32, #tpu.memory_space<vmem_shared>>) offsets(%dma_start3A_504 : memref<128xi32, #tpu.memory_space<vmem>>) semaphore(%run_scoped3A_501 : memref<!tpu.dma_semaphore, #tpu.memory_space<semaphore_mem>>) {add = true}
      %dma_wait3A_508 = arith.constant 0 : i32
      %dma_wait3A_509 = tpu.memref_slice %arg10[%run_scoped3A, %dma_wait3A_508] : memref<16x128xi32, #tpu.memory_space<vmem>> -> memref<1x128xi32, #tpu.memory_space<vmem>>
      %dma_wait3A_510 = tpu.memref_squeeze %dma_wait3A_509 : memref<1x128xi32, #tpu.memory_space<vmem>> -> memref<128xi32, #tpu.memory_space<vmem>>
      %dma_wait3A_511 = arith.constant 0 : i32
      %dma_wait3A_512 = arith.constant 0 : i32
      %dma_wait3A_513 = tpu.memref_slice %arg16[%dma_wait3A_511, %dma_wait3A_512] : memref<4096x64xf32, #tpu.memory_space<vmem_shared>> -> memref<4096x64xf32, #tpu.memory_space<vmem_shared>>
      tpu.wait_indirect_dma semaphore(%run_scoped3A_501 : memref<!tpu.dma_semaphore, #tpu.memory_space<semaphore_mem>>) src(%arg13 : memref<128x64xf32, #tpu.memory_space<vmem>>) dst(%dma_wait3A_513 : memref<4096x64xf32, #tpu.memory_space<vmem_shared>>)
      tpu.yield
    }) : () -> ()
    %run_scoped3A_63 = arith.constant 0 : i32
    "tpu.region"() ({
      %run_scoped3A_501 = tpu.sem_alloc : memref<!tpu.dma_semaphore, #tpu.memory_space<semaphore_mem>>
      %dma_start3A_502 = arith.constant 0 : i32
      %dma_start3A_503 = tpu.memref_slice %arg10[%run_scoped3A_63, %dma_start3A_502] : memref<16x128xi32, #tpu.memory_space<vmem>> -> memref<1x128xi32, #tpu.memory_space<vmem>>
      %dma_start3A_504 = tpu.memref_squeeze %dma_start3A_503 : memref<1x128xi32, #tpu.memory_space<vmem>> -> memref<128xi32, #tpu.memory_space<vmem>>
      %dma_start3A_505 = arith.constant 0 : i32
      %dma_start3A_506 = arith.constant 0 : i32
      %dma_start3A_507 = tpu.memref_slice %arg17[%dma_start3A_505, %dma_start3A_506] : memref<4096x16xf32, #tpu.memory_space<vmem_shared>> -> memref<4096x16xf32, #tpu.memory_space<vmem_shared>>
      tpu.enqueue_indirect_dma source(%arg15 : memref<128x16xf32, #tpu.memory_space<vmem>>) target(%dma_start3A_507 : memref<4096x16xf32, #tpu.memory_space<vmem_shared>>) offsets(%dma_start3A_504 : memref<128xi32, #tpu.memory_space<vmem>>) semaphore(%run_scoped3A_501 : memref<!tpu.dma_semaphore, #tpu.memory_space<semaphore_mem>>) {add = true}
      %dma_wait3A_508 = arith.constant 0 : i32
      %dma_wait3A_509 = tpu.memref_slice %arg10[%run_scoped3A_63, %dma_wait3A_508] : memref<16x128xi32, #tpu.memory_space<vmem>> -> memref<1x128xi32, #tpu.memory_space<vmem>>
      %dma_wait3A_510 = tpu.memref_squeeze %dma_wait3A_509 : memref<1x128xi32, #tpu.memory_space<vmem>> -> memref<128xi32, #tpu.memory_space<vmem>>
      %dma_wait3A_511 = arith.constant 0 : i32
      %dma_wait3A_512 = arith.constant 0 : i32
      %dma_wait3A_513 = tpu.memref_slice %arg17[%dma_wait3A_511, %dma_wait3A_512] : memref<4096x16xf32, #tpu.memory_space<vmem_shared>> -> memref<4096x16xf32, #tpu.memory_space<vmem_shared>>
      tpu.wait_indirect_dma semaphore(%run_scoped3A_501 : memref<!tpu.dma_semaphore, #tpu.memory_space<semaphore_mem>>) src(%arg15 : memref<128x16xf32, #tpu.memory_space<vmem>>) dst(%dma_wait3A_513 : memref<4096x16xf32, #tpu.memory_space<vmem_shared>>)
      tpu.yield
    }) : () -> ()
    %add3A_64 = arith.constant 128 : i32
    %add3A_65 = arith.addi %add3A_7, %add3A_64 : i32
    %multiple_of3A_66 = tpu.assume_multiple %add3A_65, 8 : i32
    %add3A_67 = arith.constant 256 : i32
    %add3A_68 = arith.addi %add3A_7, %add3A_67 : i32
    %multiple_of3A_69 = tpu.assume_multiple %add3A_68, 8 : i32
    %dma_start3A_70 = arith.constant 2 : i32
    %dma_start3A_71 = arith.constant 0 : i32
    %dma_start3A_72 = tpu.memref_slice %arg10[%dma_start3A_70, %dma_start3A_71] : memref<16x128xi32, #tpu.memory_space<vmem>> -> memref<1x128xi32, #tpu.memory_space<vmem>>
    %dma_start3A_73 = tpu.memref_squeeze %dma_start3A_72 : memref<1x128xi32, #tpu.memory_space<vmem>> -> memref<128xi32, #tpu.memory_space<vmem>>
    %dma_start3A_74 = arith.constant 0 : i32
    %dma_start3A_75 = arith.constant 0 : i32
    %dma_start3A_76 = tpu.memref_slice %arg4[%dma_start3A_74, %dma_start3A_75] : memref<4096x64xf32, #tpu.memory_space<hbm>> -> memref<4096x64xf32, #tpu.memory_space<hbm>>
    tpu.enqueue_indirect_dma source(%dma_start3A_76 : memref<4096x64xf32, #tpu.memory_space<hbm>>) target(%arg11 : memref<128x64xf32, #tpu.memory_space<vmem>>) offsets(%dma_start3A_73 : memref<128xi32, #tpu.memory_space<vmem>>) semaphore(%arg18 : memref<!tpu.dma_semaphore, #tpu.memory_space<semaphore_mem>>)
    %dma_start3A_77 = arith.constant 0 : i32
    %dma_start3A_78 = tpu.memref_slice %arg3[%multiple_of3A_69, %dma_start3A_77] : memref<65536x64xf32, #tpu.memory_space<hbm>> -> memref<128x64xf32, #tpu.memory_space<hbm>>
    %dma_start3A_79 = arith.constant 0 : i32
    %dma_start3A_80 = tpu.memref_slice %arg3[%multiple_of3A_69, %dma_start3A_79] : memref<65536x64xf32, #tpu.memory_space<hbm>> -> memref<128x64xf32, #tpu.memory_space<hbm>>
    tpu.enqueue_dma source(%dma_start3A_80 : memref<128x64xf32, #tpu.memory_space<hbm>>) target(%arg13 : memref<128x64xf32, #tpu.memory_space<vmem>>) target_semaphore(%arg19 : memref<!tpu.dma_semaphore, #tpu.memory_space<semaphore_mem>>)
    %dma_wait3A_81 = arith.constant 1 : i32
    %dma_wait3A_82 = arith.constant 0 : i32
    %dma_wait3A_83 = tpu.memref_slice %arg10[%dma_wait3A_81, %dma_wait3A_82] : memref<16x128xi32, #tpu.memory_space<vmem>> -> memref<1x128xi32, #tpu.memory_space<vmem>>
    %dma_wait3A_84 = tpu.memref_squeeze %dma_wait3A_83 : memref<1x128xi32, #tpu.memory_space<vmem>> -> memref<128xi32, #tpu.memory_space<vmem>>
    %dma_wait3A_85 = arith.constant 0 : i32
    %dma_wait3A_86 = arith.constant 0 : i32
    %dma_wait3A_87 = tpu.memref_slice %arg4[%dma_wait3A_85, %dma_wait3A_86] : memref<4096x64xf32, #tpu.memory_space<hbm>> -> memref<4096x64xf32, #tpu.memory_space<hbm>>
    tpu.wait_indirect_dma semaphore(%arg18 : memref<!tpu.dma_semaphore, #tpu.memory_space<semaphore_mem>>) src(%dma_wait3A_87 : memref<4096x64xf32, #tpu.memory_space<hbm>>) dst(%arg12 : memref<128x64xf32, #tpu.memory_space<vmem>>)
    "tpu.region"() ({
      %run_scoped3A_501 = tpu.sem_alloc : memref<!tpu.dma_semaphore, #tpu.memory_space<semaphore_mem>>
      %dma_start3A_502 = arith.constant 0 : i32
      %dma_start3A_503 = tpu.memref_slice %arg7[%multiple_of3A_66, %dma_start3A_502] : memref<65536x64xf32, #tpu.memory_space<hbm>> -> memref<128x64xf32, #tpu.memory_space<hbm>>
      %dma_start3A_504 = arith.constant 0 : i32
      %dma_start3A_505 = tpu.memref_slice %arg7[%multiple_of3A_66, %dma_start3A_504] : memref<65536x64xf32, #tpu.memory_space<hbm>> -> memref<128x64xf32, #tpu.memory_space<hbm>>
      tpu.enqueue_dma source(%arg12 : memref<128x64xf32, #tpu.memory_space<vmem>>) target(%dma_start3A_505 : memref<128x64xf32, #tpu.memory_space<hbm>>) target_semaphore(%run_scoped3A_501 : memref<!tpu.dma_semaphore, #tpu.memory_space<semaphore_mem>>)
      %dma_wait3A_506 = arith.constant 0 : i32
      %dma_wait3A_507 = tpu.memref_slice %arg7[%multiple_of3A_66, %dma_wait3A_506] : memref<65536x64xf32, #tpu.memory_space<hbm>> -> memref<128x64xf32, #tpu.memory_space<hbm>>
      %dma_wait3A_508 = arith.constant 0 : i32
      %dma_wait3A_509 = tpu.memref_slice %arg7[%multiple_of3A_66, %dma_wait3A_508] : memref<65536x64xf32, #tpu.memory_space<hbm>> -> memref<128x64xf32, #tpu.memory_space<hbm>>
      tpu.wait_dma2 semaphore(%run_scoped3A_501 : memref<!tpu.dma_semaphore, #tpu.memory_space<semaphore_mem>>) src(%arg12 : memref<128x64xf32, #tpu.memory_space<vmem>>) dst(%dma_wait3A_509 : memref<128x64xf32, #tpu.memory_space<hbm>>)
      tpu.yield
    }) : () -> ()
    %dma_wait3A_88 = arith.constant 0 : i32
    %dma_wait3A_89 = tpu.memref_slice %arg3[%multiple_of3A_41, %dma_wait3A_88] : memref<65536x64xf32, #tpu.memory_space<hbm>> -> memref<128x64xf32, #tpu.memory_space<hbm>>
    %dma_wait3A_90 = arith.constant 0 : i32
    %dma_wait3A_91 = tpu.memref_slice %arg3[%multiple_of3A_41, %dma_wait3A_90] : memref<65536x64xf32, #tpu.memory_space<hbm>> -> memref<128x64xf32, #tpu.memory_space<hbm>>
    tpu.wait_dma2 semaphore(%arg19 : memref<!tpu.dma_semaphore, #tpu.memory_space<semaphore_mem>>) src(%dma_wait3A_91 : memref<128x64xf32, #tpu.memory_space<hbm>>) dst(%arg14 : memref<128x64xf32, #tpu.memory_space<vmem>>)
    %run_scoped3A_92 = arith.constant 1 : i32
    "tpu.region"() ({
      %run_scoped3A_501 = tpu.sem_alloc : memref<!tpu.dma_semaphore, #tpu.memory_space<semaphore_mem>>
      %dma_start3A_502 = arith.constant 0 : i32
      %dma_start3A_503 = tpu.memref_slice %arg10[%run_scoped3A_92, %dma_start3A_502] : memref<16x128xi32, #tpu.memory_space<vmem>> -> memref<1x128xi32, #tpu.memory_space<vmem>>
      %dma_start3A_504 = tpu.memref_squeeze %dma_start3A_503 : memref<1x128xi32, #tpu.memory_space<vmem>> -> memref<128xi32, #tpu.memory_space<vmem>>
      %dma_start3A_505 = arith.constant 0 : i32
      %dma_start3A_506 = arith.constant 0 : i32
      %dma_start3A_507 = tpu.memref_slice %arg16[%dma_start3A_505, %dma_start3A_506] : memref<4096x64xf32, #tpu.memory_space<vmem_shared>> -> memref<4096x64xf32, #tpu.memory_space<vmem_shared>>
      tpu.enqueue_indirect_dma source(%arg14 : memref<128x64xf32, #tpu.memory_space<vmem>>) target(%dma_start3A_507 : memref<4096x64xf32, #tpu.memory_space<vmem_shared>>) offsets(%dma_start3A_504 : memref<128xi32, #tpu.memory_space<vmem>>) semaphore(%run_scoped3A_501 : memref<!tpu.dma_semaphore, #tpu.memory_space<semaphore_mem>>) {add = true}
      %dma_wait3A_508 = arith.constant 0 : i32
      %dma_wait3A_509 = tpu.memref_slice %arg10[%run_scoped3A_92, %dma_wait3A_508] : memref<16x128xi32, #tpu.memory_space<vmem>> -> memref<1x128xi32, #tpu.memory_space<vmem>>
      %dma_wait3A_510 = tpu.memref_squeeze %dma_wait3A_509 : memref<1x128xi32, #tpu.memory_space<vmem>> -> memref<128xi32, #tpu.memory_space<vmem>>
      %dma_wait3A_511 = arith.constant 0 : i32
      %dma_wait3A_512 = arith.constant 0 : i32
      %dma_wait3A_513 = tpu.memref_slice %arg16[%dma_wait3A_511, %dma_wait3A_512] : memref<4096x64xf32, #tpu.memory_space<vmem_shared>> -> memref<4096x64xf32, #tpu.memory_space<vmem_shared>>
      tpu.wait_indirect_dma semaphore(%run_scoped3A_501 : memref<!tpu.dma_semaphore, #tpu.memory_space<semaphore_mem>>) src(%arg14 : memref<128x64xf32, #tpu.memory_space<vmem>>) dst(%dma_wait3A_513 : memref<4096x64xf32, #tpu.memory_space<vmem_shared>>)
      tpu.yield
    }) : () -> ()
    %run_scoped3A_93 = arith.constant 1 : i32
    "tpu.region"() ({
      %run_scoped3A_501 = tpu.sem_alloc : memref<!tpu.dma_semaphore, #tpu.memory_space<semaphore_mem>>
      %dma_start3A_502 = arith.constant 0 : i32
      %dma_start3A_503 = tpu.memref_slice %arg10[%run_scoped3A_93, %dma_start3A_502] : memref<16x128xi32, #tpu.memory_space<vmem>> -> memref<1x128xi32, #tpu.memory_space<vmem>>
      %dma_start3A_504 = tpu.memref_squeeze %dma_start3A_503 : memref<1x128xi32, #tpu.memory_space<vmem>> -> memref<128xi32, #tpu.memory_space<vmem>>
      %dma_start3A_505 = arith.constant 0 : i32
      %dma_start3A_506 = arith.constant 0 : i32
      %dma_start3A_507 = tpu.memref_slice %arg17[%dma_start3A_505, %dma_start3A_506] : memref<4096x16xf32, #tpu.memory_space<vmem_shared>> -> memref<4096x16xf32, #tpu.memory_space<vmem_shared>>
      tpu.enqueue_indirect_dma source(%arg15 : memref<128x16xf32, #tpu.memory_space<vmem>>) target(%dma_start3A_507 : memref<4096x16xf32, #tpu.memory_space<vmem_shared>>) offsets(%dma_start3A_504 : memref<128xi32, #tpu.memory_space<vmem>>) semaphore(%run_scoped3A_501 : memref<!tpu.dma_semaphore, #tpu.memory_space<semaphore_mem>>) {add = true}
      %dma_wait3A_508 = arith.constant 0 : i32
      %dma_wait3A_509 = tpu.memref_slice %arg10[%run_scoped3A_93, %dma_wait3A_508] : memref<16x128xi32, #tpu.memory_space<vmem>> -> memref<1x128xi32, #tpu.memory_space<vmem>>
      %dma_wait3A_510 = tpu.memref_squeeze %dma_wait3A_509 : memref<1x128xi32, #tpu.memory_space<vmem>> -> memref<128xi32, #tpu.memory_space<vmem>>
      %dma_wait3A_511 = arith.constant 0 : i32
      %dma_wait3A_512 = arith.constant 0 : i32
      %dma_wait3A_513 = tpu.memref_slice %arg17[%dma_wait3A_511, %dma_wait3A_512] : memref<4096x16xf32, #tpu.memory_space<vmem_shared>> -> memref<4096x16xf32, #tpu.memory_space<vmem_shared>>
      tpu.wait_indirect_dma semaphore(%run_scoped3A_501 : memref<!tpu.dma_semaphore, #tpu.memory_space<semaphore_mem>>) src(%arg15 : memref<128x16xf32, #tpu.memory_space<vmem>>) dst(%dma_wait3A_513 : memref<4096x16xf32, #tpu.memory_space<vmem_shared>>)
      tpu.yield
    }) : () -> ()
    %add3A_94 = arith.constant 256 : i32
    %add3A_95 = arith.addi %add3A_7, %add3A_94 : i32
    %multiple_of3A_96 = tpu.assume_multiple %add3A_95, 8 : i32
    %add3A_97 = arith.constant 384 : i32
    %add3A_98 = arith.addi %add3A_7, %add3A_97 : i32
    %multiple_of3A_99 = tpu.assume_multiple %add3A_98, 8 : i32
    %dma_start3A_100 = arith.constant 3 : i32
    %dma_start3A_101 = arith.constant 0 : i32
    %dma_start3A_102 = tpu.memref_slice %arg10[%dma_start3A_100, %dma_start3A_101] : memref<16x128xi32, #tpu.memory_space<vmem>> -> memref<1x128xi32, #tpu.memory_space<vmem>>
    %dma_start3A_103 = tpu.memref_squeeze %dma_start3A_102 : memref<1x128xi32, #tpu.memory_space<vmem>> -> memref<128xi32, #tpu.memory_space<vmem>>
    %dma_start3A_104 = arith.constant 0 : i32
    %dma_start3A_105 = arith.constant 0 : i32
    %dma_start3A_106 = tpu.memref_slice %arg4[%dma_start3A_104, %dma_start3A_105] : memref<4096x64xf32, #tpu.memory_space<hbm>> -> memref<4096x64xf32, #tpu.memory_space<hbm>>
    tpu.enqueue_indirect_dma source(%dma_start3A_106 : memref<4096x64xf32, #tpu.memory_space<hbm>>) target(%arg12 : memref<128x64xf32, #tpu.memory_space<vmem>>) offsets(%dma_start3A_103 : memref<128xi32, #tpu.memory_space<vmem>>) semaphore(%arg18 : memref<!tpu.dma_semaphore, #tpu.memory_space<semaphore_mem>>)
    %dma_start3A_107 = arith.constant 0 : i32
    %dma_start3A_108 = tpu.memref_slice %arg3[%multiple_of3A_99, %dma_start3A_107] : memref<65536x64xf32, #tpu.memory_space<hbm>> -> memref<128x64xf32, #tpu.memory_space<hbm>>
    %dma_start3A_109 = arith.constant 0 : i32
    %dma_start3A_110 = tpu.memref_slice %arg3[%multiple_of3A_99, %dma_start3A_109] : memref<65536x64xf32, #tpu.memory_space<hbm>> -> memref<128x64xf32, #tpu.memory_space<hbm>>
    tpu.enqueue_dma source(%dma_start3A_110 : memref<128x64xf32, #tpu.memory_space<hbm>>) target(%arg14 : memref<128x64xf32, #tpu.memory_space<vmem>>) target_semaphore(%arg19 : memref<!tpu.dma_semaphore, #tpu.memory_space<semaphore_mem>>)
    %dma_wait3A_111 = arith.constant 2 : i32
    %dma_wait3A_112 = arith.constant 0 : i32
    %dma_wait3A_113 = tpu.memref_slice %arg10[%dma_wait3A_111, %dma_wait3A_112] : memref<16x128xi32, #tpu.memory_space<vmem>> -> memref<1x128xi32, #tpu.memory_space<vmem>>
    %dma_wait3A_114 = tpu.memref_squeeze %dma_wait3A_113 : memref<1x128xi32, #tpu.memory_space<vmem>> -> memref<128xi32, #tpu.memory_space<vmem>>
    %dma_wait3A_115 = arith.constant 0 : i32
    %dma_wait3A_116 = arith.constant 0 : i32
    %dma_wait3A_117 = tpu.memref_slice %arg4[%dma_wait3A_115, %dma_wait3A_116] : memref<4096x64xf32, #tpu.memory_space<hbm>> -> memref<4096x64xf32, #tpu.memory_space<hbm>>
    tpu.wait_indirect_dma semaphore(%arg18 : memref<!tpu.dma_semaphore, #tpu.memory_space<semaphore_mem>>) src(%dma_wait3A_117 : memref<4096x64xf32, #tpu.memory_space<hbm>>) dst(%arg11 : memref<128x64xf32, #tpu.memory_space<vmem>>)
    "tpu.region"() ({
      %run_scoped3A_501 = tpu.sem_alloc : memref<!tpu.dma_semaphore, #tpu.memory_space<semaphore_mem>>
      %dma_start3A_502 = arith.constant 0 : i32
      %dma_start3A_503 = tpu.memref_slice %arg7[%multiple_of3A_96, %dma_start3A_502] : memref<65536x64xf32, #tpu.memory_space<hbm>> -> memref<128x64xf32, #tpu.memory_space<hbm>>
      %dma_start3A_504 = arith.constant 0 : i32
      %dma_start3A_505 = tpu.memref_slice %arg7[%multiple_of3A_96, %dma_start3A_504] : memref<65536x64xf32, #tpu.memory_space<hbm>> -> memref<128x64xf32, #tpu.memory_space<hbm>>
      tpu.enqueue_dma source(%arg11 : memref<128x64xf32, #tpu.memory_space<vmem>>) target(%dma_start3A_505 : memref<128x64xf32, #tpu.memory_space<hbm>>) target_semaphore(%run_scoped3A_501 : memref<!tpu.dma_semaphore, #tpu.memory_space<semaphore_mem>>)
      %dma_wait3A_506 = arith.constant 0 : i32
      %dma_wait3A_507 = tpu.memref_slice %arg7[%multiple_of3A_96, %dma_wait3A_506] : memref<65536x64xf32, #tpu.memory_space<hbm>> -> memref<128x64xf32, #tpu.memory_space<hbm>>
      %dma_wait3A_508 = arith.constant 0 : i32
      %dma_wait3A_509 = tpu.memref_slice %arg7[%multiple_of3A_96, %dma_wait3A_508] : memref<65536x64xf32, #tpu.memory_space<hbm>> -> memref<128x64xf32, #tpu.memory_space<hbm>>
      tpu.wait_dma2 semaphore(%run_scoped3A_501 : memref<!tpu.dma_semaphore, #tpu.memory_space<semaphore_mem>>) src(%arg11 : memref<128x64xf32, #tpu.memory_space<vmem>>) dst(%dma_wait3A_509 : memref<128x64xf32, #tpu.memory_space<hbm>>)
      tpu.yield
    }) : () -> ()
    %dma_wait3A_118 = arith.constant 0 : i32
    %dma_wait3A_119 = tpu.memref_slice %arg3[%multiple_of3A_69, %dma_wait3A_118] : memref<65536x64xf32, #tpu.memory_space<hbm>> -> memref<128x64xf32, #tpu.memory_space<hbm>>
    %dma_wait3A_120 = arith.constant 0 : i32
    %dma_wait3A_121 = tpu.memref_slice %arg3[%multiple_of3A_69, %dma_wait3A_120] : memref<65536x64xf32, #tpu.memory_space<hbm>> -> memref<128x64xf32, #tpu.memory_space<hbm>>
    tpu.wait_dma2 semaphore(%arg19 : memref<!tpu.dma_semaphore, #tpu.memory_space<semaphore_mem>>) src(%dma_wait3A_121 : memref<128x64xf32, #tpu.memory_space<hbm>>) dst(%arg13 : memref<128x64xf32, #tpu.memory_space<vmem>>)
    %run_scoped3A_122 = arith.constant 2 : i32
    "tpu.region"() ({
      %run_scoped3A_501 = tpu.sem_alloc : memref<!tpu.dma_semaphore, #tpu.memory_space<semaphore_mem>>
      %dma_start3A_502 = arith.constant 0 : i32
      %dma_start3A_503 = tpu.memref_slice %arg10[%run_scoped3A_122, %dma_start3A_502] : memref<16x128xi32, #tpu.memory_space<vmem>> -> memref<1x128xi32, #tpu.memory_space<vmem>>
      %dma_start3A_504 = tpu.memref_squeeze %dma_start3A_503 : memref<1x128xi32, #tpu.memory_space<vmem>> -> memref<128xi32, #tpu.memory_space<vmem>>
      %dma_start3A_505 = arith.constant 0 : i32
      %dma_start3A_506 = arith.constant 0 : i32
      %dma_start3A_507 = tpu.memref_slice %arg16[%dma_start3A_505, %dma_start3A_506] : memref<4096x64xf32, #tpu.memory_space<vmem_shared>> -> memref<4096x64xf32, #tpu.memory_space<vmem_shared>>
      tpu.enqueue_indirect_dma source(%arg13 : memref<128x64xf32, #tpu.memory_space<vmem>>) target(%dma_start3A_507 : memref<4096x64xf32, #tpu.memory_space<vmem_shared>>) offsets(%dma_start3A_504 : memref<128xi32, #tpu.memory_space<vmem>>) semaphore(%run_scoped3A_501 : memref<!tpu.dma_semaphore, #tpu.memory_space<semaphore_mem>>) {add = true}
      %dma_wait3A_508 = arith.constant 0 : i32
      %dma_wait3A_509 = tpu.memref_slice %arg10[%run_scoped3A_122, %dma_wait3A_508] : memref<16x128xi32, #tpu.memory_space<vmem>> -> memref<1x128xi32, #tpu.memory_space<vmem>>
      %dma_wait3A_510 = tpu.memref_squeeze %dma_wait3A_509 : memref<1x128xi32, #tpu.memory_space<vmem>> -> memref<128xi32, #tpu.memory_space<vmem>>
      %dma_wait3A_511 = arith.constant 0 : i32
      %dma_wait3A_512 = arith.constant 0 : i32
      %dma_wait3A_513 = tpu.memref_slice %arg16[%dma_wait3A_511, %dma_wait3A_512] : memref<4096x64xf32, #tpu.memory_space<vmem_shared>> -> memref<4096x64xf32, #tpu.memory_space<vmem_shared>>
      tpu.wait_indirect_dma semaphore(%run_scoped3A_501 : memref<!tpu.dma_semaphore, #tpu.memory_space<semaphore_mem>>) src(%arg13 : memref<128x64xf32, #tpu.memory_space<vmem>>) dst(%dma_wait3A_513 : memref<4096x64xf32, #tpu.memory_space<vmem_shared>>)
      tpu.yield
    }) : () -> ()
    %run_scoped3A_123 = arith.constant 2 : i32
    "tpu.region"() ({
      %run_scoped3A_501 = tpu.sem_alloc : memref<!tpu.dma_semaphore, #tpu.memory_space<semaphore_mem>>
      %dma_start3A_502 = arith.constant 0 : i32
      %dma_start3A_503 = tpu.memref_slice %arg10[%run_scoped3A_123, %dma_start3A_502] : memref<16x128xi32, #tpu.memory_space<vmem>> -> memref<1x128xi32, #tpu.memory_space<vmem>>
      %dma_start3A_504 = tpu.memref_squeeze %dma_start3A_503 : memref<1x128xi32, #tpu.memory_space<vmem>> -> memref<128xi32, #tpu.memory_space<vmem>>
      %dma_start3A_505 = arith.constant 0 : i32
      %dma_start3A_506 = arith.constant 0 : i32
      %dma_start3A_507 = tpu.memref_slice %arg17[%dma_start3A_505, %dma_start3A_506] : memref<4096x16xf32, #tpu.memory_space<vmem_shared>> -> memref<4096x16xf32, #tpu.memory_space<vmem_shared>>
      tpu.enqueue_indirect_dma source(%arg15 : memref<128x16xf32, #tpu.memory_space<vmem>>) target(%dma_start3A_507 : memref<4096x16xf32, #tpu.memory_space<vmem_shared>>) offsets(%dma_start3A_504 : memref<128xi32, #tpu.memory_space<vmem>>) semaphore(%run_scoped3A_501 : memref<!tpu.dma_semaphore, #tpu.memory_space<semaphore_mem>>) {add = true}
      %dma_wait3A_508 = arith.constant 0 : i32
      %dma_wait3A_509 = tpu.memref_slice %arg10[%run_scoped3A_123, %dma_wait3A_508] : memref<16x128xi32, #tpu.memory_space<vmem>> -> memref<1x128xi32, #tpu.memory_space<vmem>>
      %dma_wait3A_510 = tpu.memref_squeeze %dma_wait3A_509 : memref<1x128xi32, #tpu.memory_space<vmem>> -> memref<128xi32, #tpu.memory_space<vmem>>
      %dma_wait3A_511 = arith.constant 0 : i32
      %dma_wait3A_512 = arith.constant 0 : i32
      %dma_wait3A_513 = tpu.memref_slice %arg17[%dma_wait3A_511, %dma_wait3A_512] : memref<4096x16xf32, #tpu.memory_space<vmem_shared>> -> memref<4096x16xf32, #tpu.memory_space<vmem_shared>>
      tpu.wait_indirect_dma semaphore(%run_scoped3A_501 : memref<!tpu.dma_semaphore, #tpu.memory_space<semaphore_mem>>) src(%arg15 : memref<128x16xf32, #tpu.memory_space<vmem>>) dst(%dma_wait3A_513 : memref<4096x16xf32, #tpu.memory_space<vmem_shared>>)
      tpu.yield
    }) : () -> ()
    %add3A_124 = arith.constant 384 : i32
    %add3A_125 = arith.addi %add3A_7, %add3A_124 : i32
    %multiple_of3A_126 = tpu.assume_multiple %add3A_125, 8 : i32
    %add3A_127 = arith.constant 512 : i32
    %add3A_128 = arith.addi %add3A_7, %add3A_127 : i32
    %multiple_of3A_129 = tpu.assume_multiple %add3A_128, 8 : i32
    %dma_start3A_130 = arith.constant 4 : i32
    %dma_start3A_131 = arith.constant 0 : i32
    %dma_start3A_132 = tpu.memref_slice %arg10[%dma_start3A_130, %dma_start3A_131] : memref<16x128xi32, #tpu.memory_space<vmem>> -> memref<1x128xi32, #tpu.memory_space<vmem>>
    %dma_start3A_133 = tpu.memref_squeeze %dma_start3A_132 : memref<1x128xi32, #tpu.memory_space<vmem>> -> memref<128xi32, #tpu.memory_space<vmem>>
    %dma_start3A_134 = arith.constant 0 : i32
    %dma_start3A_135 = arith.constant 0 : i32
    %dma_start3A_136 = tpu.memref_slice %arg4[%dma_start3A_134, %dma_start3A_135] : memref<4096x64xf32, #tpu.memory_space<hbm>> -> memref<4096x64xf32, #tpu.memory_space<hbm>>
    tpu.enqueue_indirect_dma source(%dma_start3A_136 : memref<4096x64xf32, #tpu.memory_space<hbm>>) target(%arg11 : memref<128x64xf32, #tpu.memory_space<vmem>>) offsets(%dma_start3A_133 : memref<128xi32, #tpu.memory_space<vmem>>) semaphore(%arg18 : memref<!tpu.dma_semaphore, #tpu.memory_space<semaphore_mem>>)
    %dma_start3A_137 = arith.constant 0 : i32
    %dma_start3A_138 = tpu.memref_slice %arg3[%multiple_of3A_129, %dma_start3A_137] : memref<65536x64xf32, #tpu.memory_space<hbm>> -> memref<128x64xf32, #tpu.memory_space<hbm>>
    %dma_start3A_139 = arith.constant 0 : i32
    %dma_start3A_140 = tpu.memref_slice %arg3[%multiple_of3A_129, %dma_start3A_139] : memref<65536x64xf32, #tpu.memory_space<hbm>> -> memref<128x64xf32, #tpu.memory_space<hbm>>
    tpu.enqueue_dma source(%dma_start3A_140 : memref<128x64xf32, #tpu.memory_space<hbm>>) target(%arg13 : memref<128x64xf32, #tpu.memory_space<vmem>>) target_semaphore(%arg19 : memref<!tpu.dma_semaphore, #tpu.memory_space<semaphore_mem>>)
    %dma_wait3A_141 = arith.constant 3 : i32
    %dma_wait3A_142 = arith.constant 0 : i32
    %dma_wait3A_143 = tpu.memref_slice %arg10[%dma_wait3A_141, %dma_wait3A_142] : memref<16x128xi32, #tpu.memory_space<vmem>> -> memref<1x128xi32, #tpu.memory_space<vmem>>
    %dma_wait3A_144 = tpu.memref_squeeze %dma_wait3A_143 : memref<1x128xi32, #tpu.memory_space<vmem>> -> memref<128xi32, #tpu.memory_space<vmem>>
    %dma_wait3A_145 = arith.constant 0 : i32
    %dma_wait3A_146 = arith.constant 0 : i32
    %dma_wait3A_147 = tpu.memref_slice %arg4[%dma_wait3A_145, %dma_wait3A_146] : memref<4096x64xf32, #tpu.memory_space<hbm>> -> memref<4096x64xf32, #tpu.memory_space<hbm>>
    tpu.wait_indirect_dma semaphore(%arg18 : memref<!tpu.dma_semaphore, #tpu.memory_space<semaphore_mem>>) src(%dma_wait3A_147 : memref<4096x64xf32, #tpu.memory_space<hbm>>) dst(%arg12 : memref<128x64xf32, #tpu.memory_space<vmem>>)
    "tpu.region"() ({
      %run_scoped3A_501 = tpu.sem_alloc : memref<!tpu.dma_semaphore, #tpu.memory_space<semaphore_mem>>
      %dma_start3A_502 = arith.constant 0 : i32
      %dma_start3A_503 = tpu.memref_slice %arg7[%multiple_of3A_126, %dma_start3A_502] : memref<65536x64xf32, #tpu.memory_space<hbm>> -> memref<128x64xf32, #tpu.memory_space<hbm>>
      %dma_start3A_504 = arith.constant 0 : i32
      %dma_start3A_505 = tpu.memref_slice %arg7[%multiple_of3A_126, %dma_start3A_504] : memref<65536x64xf32, #tpu.memory_space<hbm>> -> memref<128x64xf32, #tpu.memory_space<hbm>>
      tpu.enqueue_dma source(%arg12 : memref<128x64xf32, #tpu.memory_space<vmem>>) target(%dma_start3A_505 : memref<128x64xf32, #tpu.memory_space<hbm>>) target_semaphore(%run_scoped3A_501 : memref<!tpu.dma_semaphore, #tpu.memory_space<semaphore_mem>>)
      %dma_wait3A_506 = arith.constant 0 : i32
      %dma_wait3A_507 = tpu.memref_slice %arg7[%multiple_of3A_126, %dma_wait3A_506] : memref<65536x64xf32, #tpu.memory_space<hbm>> -> memref<128x64xf32, #tpu.memory_space<hbm>>
      %dma_wait3A_508 = arith.constant 0 : i32
      %dma_wait3A_509 = tpu.memref_slice %arg7[%multiple_of3A_126, %dma_wait3A_508] : memref<65536x64xf32, #tpu.memory_space<hbm>> -> memref<128x64xf32, #tpu.memory_space<hbm>>
      tpu.wait_dma2 semaphore(%run_scoped3A_501 : memref<!tpu.dma_semaphore, #tpu.memory_space<semaphore_mem>>) src(%arg12 : memref<128x64xf32, #tpu.memory_space<vmem>>) dst(%dma_wait3A_509 : memref<128x64xf32, #tpu.memory_space<hbm>>)
      tpu.yield
    }) : () -> ()
    %dma_wait3A_148 = arith.constant 0 : i32
    %dma_wait3A_149 = tpu.memref_slice %arg3[%multiple_of3A_99, %dma_wait3A_148] : memref<65536x64xf32, #tpu.memory_space<hbm>> -> memref<128x64xf32, #tpu.memory_space<hbm>>
    %dma_wait3A_150 = arith.constant 0 : i32
    %dma_wait3A_151 = tpu.memref_slice %arg3[%multiple_of3A_99, %dma_wait3A_150] : memref<65536x64xf32, #tpu.memory_space<hbm>> -> memref<128x64xf32, #tpu.memory_space<hbm>>
    tpu.wait_dma2 semaphore(%arg19 : memref<!tpu.dma_semaphore, #tpu.memory_space<semaphore_mem>>) src(%dma_wait3A_151 : memref<128x64xf32, #tpu.memory_space<hbm>>) dst(%arg14 : memref<128x64xf32, #tpu.memory_space<vmem>>)
    %run_scoped3A_152 = arith.constant 3 : i32
    "tpu.region"() ({
      %run_scoped3A_501 = tpu.sem_alloc : memref<!tpu.dma_semaphore, #tpu.memory_space<semaphore_mem>>
      %dma_start3A_502 = arith.constant 0 : i32
      %dma_start3A_503 = tpu.memref_slice %arg10[%run_scoped3A_152, %dma_start3A_502] : memref<16x128xi32, #tpu.memory_space<vmem>> -> memref<1x128xi32, #tpu.memory_space<vmem>>
      %dma_start3A_504 = tpu.memref_squeeze %dma_start3A_503 : memref<1x128xi32, #tpu.memory_space<vmem>> -> memref<128xi32, #tpu.memory_space<vmem>>
      %dma_start3A_505 = arith.constant 0 : i32
      %dma_start3A_506 = arith.constant 0 : i32
      %dma_start3A_507 = tpu.memref_slice %arg16[%dma_start3A_505, %dma_start3A_506] : memref<4096x64xf32, #tpu.memory_space<vmem_shared>> -> memref<4096x64xf32, #tpu.memory_space<vmem_shared>>
      tpu.enqueue_indirect_dma source(%arg14 : memref<128x64xf32, #tpu.memory_space<vmem>>) target(%dma_start3A_507 : memref<4096x64xf32, #tpu.memory_space<vmem_shared>>) offsets(%dma_start3A_504 : memref<128xi32, #tpu.memory_space<vmem>>) semaphore(%run_scoped3A_501 : memref<!tpu.dma_semaphore, #tpu.memory_space<semaphore_mem>>) {add = true}
      %dma_wait3A_508 = arith.constant 0 : i32
      %dma_wait3A_509 = tpu.memref_slice %arg10[%run_scoped3A_152, %dma_wait3A_508] : memref<16x128xi32, #tpu.memory_space<vmem>> -> memref<1x128xi32, #tpu.memory_space<vmem>>
      %dma_wait3A_510 = tpu.memref_squeeze %dma_wait3A_509 : memref<1x128xi32, #tpu.memory_space<vmem>> -> memref<128xi32, #tpu.memory_space<vmem>>
      %dma_wait3A_511 = arith.constant 0 : i32
      %dma_wait3A_512 = arith.constant 0 : i32
      %dma_wait3A_513 = tpu.memref_slice %arg16[%dma_wait3A_511, %dma_wait3A_512] : memref<4096x64xf32, #tpu.memory_space<vmem_shared>> -> memref<4096x64xf32, #tpu.memory_space<vmem_shared>>
      tpu.wait_indirect_dma semaphore(%run_scoped3A_501 : memref<!tpu.dma_semaphore, #tpu.memory_space<semaphore_mem>>) src(%arg14 : memref<128x64xf32, #tpu.memory_space<vmem>>) dst(%dma_wait3A_513 : memref<4096x64xf32, #tpu.memory_space<vmem_shared>>)
      tpu.yield
    }) : () -> ()
    %run_scoped3A_153 = arith.constant 3 : i32
    "tpu.region"() ({
      %run_scoped3A_501 = tpu.sem_alloc : memref<!tpu.dma_semaphore, #tpu.memory_space<semaphore_mem>>
      %dma_start3A_502 = arith.constant 0 : i32
      %dma_start3A_503 = tpu.memref_slice %arg10[%run_scoped3A_153, %dma_start3A_502] : memref<16x128xi32, #tpu.memory_space<vmem>> -> memref<1x128xi32, #tpu.memory_space<vmem>>
      %dma_start3A_504 = tpu.memref_squeeze %dma_start3A_503 : memref<1x128xi32, #tpu.memory_space<vmem>> -> memref<128xi32, #tpu.memory_space<vmem>>
      %dma_start3A_505 = arith.constant 0 : i32
      %dma_start3A_506 = arith.constant 0 : i32
      %dma_start3A_507 = tpu.memref_slice %arg17[%dma_start3A_505, %dma_start3A_506] : memref<4096x16xf32, #tpu.memory_space<vmem_shared>> -> memref<4096x16xf32, #tpu.memory_space<vmem_shared>>
      tpu.enqueue_indirect_dma source(%arg15 : memref<128x16xf32, #tpu.memory_space<vmem>>) target(%dma_start3A_507 : memref<4096x16xf32, #tpu.memory_space<vmem_shared>>) offsets(%dma_start3A_504 : memref<128xi32, #tpu.memory_space<vmem>>) semaphore(%run_scoped3A_501 : memref<!tpu.dma_semaphore, #tpu.memory_space<semaphore_mem>>) {add = true}
      %dma_wait3A_508 = arith.constant 0 : i32
      %dma_wait3A_509 = tpu.memref_slice %arg10[%run_scoped3A_153, %dma_wait3A_508] : memref<16x128xi32, #tpu.memory_space<vmem>> -> memref<1x128xi32, #tpu.memory_space<vmem>>
      %dma_wait3A_510 = tpu.memref_squeeze %dma_wait3A_509 : memref<1x128xi32, #tpu.memory_space<vmem>> -> memref<128xi32, #tpu.memory_space<vmem>>
      %dma_wait3A_511 = arith.constant 0 : i32
      %dma_wait3A_512 = arith.constant 0 : i32
      %dma_wait3A_513 = tpu.memref_slice %arg17[%dma_wait3A_511, %dma_wait3A_512] : memref<4096x16xf32, #tpu.memory_space<vmem_shared>> -> memref<4096x16xf32, #tpu.memory_space<vmem_shared>>
      tpu.wait_indirect_dma semaphore(%run_scoped3A_501 : memref<!tpu.dma_semaphore, #tpu.memory_space<semaphore_mem>>) src(%arg15 : memref<128x16xf32, #tpu.memory_space<vmem>>) dst(%dma_wait3A_513 : memref<4096x16xf32, #tpu.memory_space<vmem_shared>>)
      tpu.yield
    }) : () -> ()
    %add3A_154 = arith.constant 512 : i32
    %add3A_155 = arith.addi %add3A_7, %add3A_154 : i32
    %multiple_of3A_156 = tpu.assume_multiple %add3A_155, 8 : i32
    %add3A_157 = arith.constant 640 : i32
    %add3A_158 = arith.addi %add3A_7, %add3A_157 : i32
    %multiple_of3A_159 = tpu.assume_multiple %add3A_158, 8 : i32
    %dma_start3A_160 = arith.constant 5 : i32
    %dma_start3A_161 = arith.constant 0 : i32
    %dma_start3A_162 = tpu.memref_slice %arg10[%dma_start3A_160, %dma_start3A_161] : memref<16x128xi32, #tpu.memory_space<vmem>> -> memref<1x128xi32, #tpu.memory_space<vmem>>
    %dma_start3A_163 = tpu.memref_squeeze %dma_start3A_162 : memref<1x128xi32, #tpu.memory_space<vmem>> -> memref<128xi32, #tpu.memory_space<vmem>>
    %dma_start3A_164 = arith.constant 0 : i32
    %dma_start3A_165 = arith.constant 0 : i32
    %dma_start3A_166 = tpu.memref_slice %arg4[%dma_start3A_164, %dma_start3A_165] : memref<4096x64xf32, #tpu.memory_space<hbm>> -> memref<4096x64xf32, #tpu.memory_space<hbm>>
    tpu.enqueue_indirect_dma source(%dma_start3A_166 : memref<4096x64xf32, #tpu.memory_space<hbm>>) target(%arg12 : memref<128x64xf32, #tpu.memory_space<vmem>>) offsets(%dma_start3A_163 : memref<128xi32, #tpu.memory_space<vmem>>) semaphore(%arg18 : memref<!tpu.dma_semaphore, #tpu.memory_space<semaphore_mem>>)
    %dma_start3A_167 = arith.constant 0 : i32
    %dma_start3A_168 = tpu.memref_slice %arg3[%multiple_of3A_159, %dma_start3A_167] : memref<65536x64xf32, #tpu.memory_space<hbm>> -> memref<128x64xf32, #tpu.memory_space<hbm>>
    %dma_start3A_169 = arith.constant 0 : i32
    %dma_start3A_170 = tpu.memref_slice %arg3[%multiple_of3A_159, %dma_start3A_169] : memref<65536x64xf32, #tpu.memory_space<hbm>> -> memref<128x64xf32, #tpu.memory_space<hbm>>
    tpu.enqueue_dma source(%dma_start3A_170 : memref<128x64xf32, #tpu.memory_space<hbm>>) target(%arg14 : memref<128x64xf32, #tpu.memory_space<vmem>>) target_semaphore(%arg19 : memref<!tpu.dma_semaphore, #tpu.memory_space<semaphore_mem>>)
    %dma_wait3A_171 = arith.constant 4 : i32
    %dma_wait3A_172 = arith.constant 0 : i32
    %dma_wait3A_173 = tpu.memref_slice %arg10[%dma_wait3A_171, %dma_wait3A_172] : memref<16x128xi32, #tpu.memory_space<vmem>> -> memref<1x128xi32, #tpu.memory_space<vmem>>
    %dma_wait3A_174 = tpu.memref_squeeze %dma_wait3A_173 : memref<1x128xi32, #tpu.memory_space<vmem>> -> memref<128xi32, #tpu.memory_space<vmem>>
    %dma_wait3A_175 = arith.constant 0 : i32
    %dma_wait3A_176 = arith.constant 0 : i32
    %dma_wait3A_177 = tpu.memref_slice %arg4[%dma_wait3A_175, %dma_wait3A_176] : memref<4096x64xf32, #tpu.memory_space<hbm>> -> memref<4096x64xf32, #tpu.memory_space<hbm>>
    tpu.wait_indirect_dma semaphore(%arg18 : memref<!tpu.dma_semaphore, #tpu.memory_space<semaphore_mem>>) src(%dma_wait3A_177 : memref<4096x64xf32, #tpu.memory_space<hbm>>) dst(%arg11 : memref<128x64xf32, #tpu.memory_space<vmem>>)
    "tpu.region"() ({
      %run_scoped3A_501 = tpu.sem_alloc : memref<!tpu.dma_semaphore, #tpu.memory_space<semaphore_mem>>
      %dma_start3A_502 = arith.constant 0 : i32
      %dma_start3A_503 = tpu.memref_slice %arg7[%multiple_of3A_156, %dma_start3A_502] : memref<65536x64xf32, #tpu.memory_space<hbm>> -> memref<128x64xf32, #tpu.memory_space<hbm>>
      %dma_start3A_504 = arith.constant 0 : i32
      %dma_start3A_505 = tpu.memref_slice %arg7[%multiple_of3A_156, %dma_start3A_504] : memref<65536x64xf32, #tpu.memory_space<hbm>> -> memref<128x64xf32, #tpu.memory_space<hbm>>
      tpu.enqueue_dma source(%arg11 : memref<128x64xf32, #tpu.memory_space<vmem>>) target(%dma_start3A_505 : memref<128x64xf32, #tpu.memory_space<hbm>>) target_semaphore(%run_scoped3A_501 : memref<!tpu.dma_semaphore, #tpu.memory_space<semaphore_mem>>)
      %dma_wait3A_506 = arith.constant 0 : i32
      %dma_wait3A_507 = tpu.memref_slice %arg7[%multiple_of3A_156, %dma_wait3A_506] : memref<65536x64xf32, #tpu.memory_space<hbm>> -> memref<128x64xf32, #tpu.memory_space<hbm>>
      %dma_wait3A_508 = arith.constant 0 : i32
      %dma_wait3A_509 = tpu.memref_slice %arg7[%multiple_of3A_156, %dma_wait3A_508] : memref<65536x64xf32, #tpu.memory_space<hbm>> -> memref<128x64xf32, #tpu.memory_space<hbm>>
      tpu.wait_dma2 semaphore(%run_scoped3A_501 : memref<!tpu.dma_semaphore, #tpu.memory_space<semaphore_mem>>) src(%arg11 : memref<128x64xf32, #tpu.memory_space<vmem>>) dst(%dma_wait3A_509 : memref<128x64xf32, #tpu.memory_space<hbm>>)
      tpu.yield
    }) : () -> ()
    %dma_wait3A_178 = arith.constant 0 : i32
    %dma_wait3A_179 = tpu.memref_slice %arg3[%multiple_of3A_129, %dma_wait3A_178] : memref<65536x64xf32, #tpu.memory_space<hbm>> -> memref<128x64xf32, #tpu.memory_space<hbm>>
    %dma_wait3A_180 = arith.constant 0 : i32
    %dma_wait3A_181 = tpu.memref_slice %arg3[%multiple_of3A_129, %dma_wait3A_180] : memref<65536x64xf32, #tpu.memory_space<hbm>> -> memref<128x64xf32, #tpu.memory_space<hbm>>
    tpu.wait_dma2 semaphore(%arg19 : memref<!tpu.dma_semaphore, #tpu.memory_space<semaphore_mem>>) src(%dma_wait3A_181 : memref<128x64xf32, #tpu.memory_space<hbm>>) dst(%arg13 : memref<128x64xf32, #tpu.memory_space<vmem>>)
    %run_scoped3A_182 = arith.constant 4 : i32
    "tpu.region"() ({
      %run_scoped3A_501 = tpu.sem_alloc : memref<!tpu.dma_semaphore, #tpu.memory_space<semaphore_mem>>
      %dma_start3A_502 = arith.constant 0 : i32
      %dma_start3A_503 = tpu.memref_slice %arg10[%run_scoped3A_182, %dma_start3A_502] : memref<16x128xi32, #tpu.memory_space<vmem>> -> memref<1x128xi32, #tpu.memory_space<vmem>>
      %dma_start3A_504 = tpu.memref_squeeze %dma_start3A_503 : memref<1x128xi32, #tpu.memory_space<vmem>> -> memref<128xi32, #tpu.memory_space<vmem>>
      %dma_start3A_505 = arith.constant 0 : i32
      %dma_start3A_506 = arith.constant 0 : i32
      %dma_start3A_507 = tpu.memref_slice %arg16[%dma_start3A_505, %dma_start3A_506] : memref<4096x64xf32, #tpu.memory_space<vmem_shared>> -> memref<4096x64xf32, #tpu.memory_space<vmem_shared>>
      tpu.enqueue_indirect_dma source(%arg13 : memref<128x64xf32, #tpu.memory_space<vmem>>) target(%dma_start3A_507 : memref<4096x64xf32, #tpu.memory_space<vmem_shared>>) offsets(%dma_start3A_504 : memref<128xi32, #tpu.memory_space<vmem>>) semaphore(%run_scoped3A_501 : memref<!tpu.dma_semaphore, #tpu.memory_space<semaphore_mem>>) {add = true}
      %dma_wait3A_508 = arith.constant 0 : i32
      %dma_wait3A_509 = tpu.memref_slice %arg10[%run_scoped3A_182, %dma_wait3A_508] : memref<16x128xi32, #tpu.memory_space<vmem>> -> memref<1x128xi32, #tpu.memory_space<vmem>>
      %dma_wait3A_510 = tpu.memref_squeeze %dma_wait3A_509 : memref<1x128xi32, #tpu.memory_space<vmem>> -> memref<128xi32, #tpu.memory_space<vmem>>
      %dma_wait3A_511 = arith.constant 0 : i32
      %dma_wait3A_512 = arith.constant 0 : i32
      %dma_wait3A_513 = tpu.memref_slice %arg16[%dma_wait3A_511, %dma_wait3A_512] : memref<4096x64xf32, #tpu.memory_space<vmem_shared>> -> memref<4096x64xf32, #tpu.memory_space<vmem_shared>>
      tpu.wait_indirect_dma semaphore(%run_scoped3A_501 : memref<!tpu.dma_semaphore, #tpu.memory_space<semaphore_mem>>) src(%arg13 : memref<128x64xf32, #tpu.memory_space<vmem>>) dst(%dma_wait3A_513 : memref<4096x64xf32, #tpu.memory_space<vmem_shared>>)
      tpu.yield
    }) : () -> ()
    %run_scoped3A_183 = arith.constant 4 : i32
    "tpu.region"() ({
      %run_scoped3A_501 = tpu.sem_alloc : memref<!tpu.dma_semaphore, #tpu.memory_space<semaphore_mem>>
      %dma_start3A_502 = arith.constant 0 : i32
      %dma_start3A_503 = tpu.memref_slice %arg10[%run_scoped3A_183, %dma_start3A_502] : memref<16x128xi32, #tpu.memory_space<vmem>> -> memref<1x128xi32, #tpu.memory_space<vmem>>
      %dma_start3A_504 = tpu.memref_squeeze %dma_start3A_503 : memref<1x128xi32, #tpu.memory_space<vmem>> -> memref<128xi32, #tpu.memory_space<vmem>>
      %dma_start3A_505 = arith.constant 0 : i32
      %dma_start3A_506 = arith.constant 0 : i32
      %dma_start3A_507 = tpu.memref_slice %arg17[%dma_start3A_505, %dma_start3A_506] : memref<4096x16xf32, #tpu.memory_space<vmem_shared>> -> memref<4096x16xf32, #tpu.memory_space<vmem_shared>>
      tpu.enqueue_indirect_dma source(%arg15 : memref<128x16xf32, #tpu.memory_space<vmem>>) target(%dma_start3A_507 : memref<4096x16xf32, #tpu.memory_space<vmem_shared>>) offsets(%dma_start3A_504 : memref<128xi32, #tpu.memory_space<vmem>>) semaphore(%run_scoped3A_501 : memref<!tpu.dma_semaphore, #tpu.memory_space<semaphore_mem>>) {add = true}
      %dma_wait3A_508 = arith.constant 0 : i32
      %dma_wait3A_509 = tpu.memref_slice %arg10[%run_scoped3A_183, %dma_wait3A_508] : memref<16x128xi32, #tpu.memory_space<vmem>> -> memref<1x128xi32, #tpu.memory_space<vmem>>
      %dma_wait3A_510 = tpu.memref_squeeze %dma_wait3A_509 : memref<1x128xi32, #tpu.memory_space<vmem>> -> memref<128xi32, #tpu.memory_space<vmem>>
      %dma_wait3A_511 = arith.constant 0 : i32
      %dma_wait3A_512 = arith.constant 0 : i32
      %dma_wait3A_513 = tpu.memref_slice %arg17[%dma_wait3A_511, %dma_wait3A_512] : memref<4096x16xf32, #tpu.memory_space<vmem_shared>> -> memref<4096x16xf32, #tpu.memory_space<vmem_shared>>
      tpu.wait_indirect_dma semaphore(%run_scoped3A_501 : memref<!tpu.dma_semaphore, #tpu.memory_space<semaphore_mem>>) src(%arg15 : memref<128x16xf32, #tpu.memory_space<vmem>>) dst(%dma_wait3A_513 : memref<4096x16xf32, #tpu.memory_space<vmem_shared>>)
      tpu.yield
    }) : () -> ()
    %add3A_184 = arith.constant 640 : i32
    %add3A_185 = arith.addi %add3A_7, %add3A_184 : i32
    %multiple_of3A_186 = tpu.assume_multiple %add3A_185, 8 : i32
    %add3A_187 = arith.constant 768 : i32
    %add3A_188 = arith.addi %add3A_7, %add3A_187 : i32
    %multiple_of3A_189 = tpu.assume_multiple %add3A_188, 8 : i32
    %dma_start3A_190 = arith.constant 6 : i32
    %dma_start3A_191 = arith.constant 0 : i32
    %dma_start3A_192 = tpu.memref_slice %arg10[%dma_start3A_190, %dma_start3A_191] : memref<16x128xi32, #tpu.memory_space<vmem>> -> memref<1x128xi32, #tpu.memory_space<vmem>>
    %dma_start3A_193 = tpu.memref_squeeze %dma_start3A_192 : memref<1x128xi32, #tpu.memory_space<vmem>> -> memref<128xi32, #tpu.memory_space<vmem>>
    %dma_start3A_194 = arith.constant 0 : i32
    %dma_start3A_195 = arith.constant 0 : i32
    %dma_start3A_196 = tpu.memref_slice %arg4[%dma_start3A_194, %dma_start3A_195] : memref<4096x64xf32, #tpu.memory_space<hbm>> -> memref<4096x64xf32, #tpu.memory_space<hbm>>
    tpu.enqueue_indirect_dma source(%dma_start3A_196 : memref<4096x64xf32, #tpu.memory_space<hbm>>) target(%arg11 : memref<128x64xf32, #tpu.memory_space<vmem>>) offsets(%dma_start3A_193 : memref<128xi32, #tpu.memory_space<vmem>>) semaphore(%arg18 : memref<!tpu.dma_semaphore, #tpu.memory_space<semaphore_mem>>)
    %dma_start3A_197 = arith.constant 0 : i32
    %dma_start3A_198 = tpu.memref_slice %arg3[%multiple_of3A_189, %dma_start3A_197] : memref<65536x64xf32, #tpu.memory_space<hbm>> -> memref<128x64xf32, #tpu.memory_space<hbm>>
    %dma_start3A_199 = arith.constant 0 : i32
    %dma_start3A_200 = tpu.memref_slice %arg3[%multiple_of3A_189, %dma_start3A_199] : memref<65536x64xf32, #tpu.memory_space<hbm>> -> memref<128x64xf32, #tpu.memory_space<hbm>>
    tpu.enqueue_dma source(%dma_start3A_200 : memref<128x64xf32, #tpu.memory_space<hbm>>) target(%arg13 : memref<128x64xf32, #tpu.memory_space<vmem>>) target_semaphore(%arg19 : memref<!tpu.dma_semaphore, #tpu.memory_space<semaphore_mem>>)
    %dma_wait3A_201 = arith.constant 5 : i32
    %dma_wait3A_202 = arith.constant 0 : i32
    %dma_wait3A_203 = tpu.memref_slice %arg10[%dma_wait3A_201, %dma_wait3A_202] : memref<16x128xi32, #tpu.memory_space<vmem>> -> memref<1x128xi32, #tpu.memory_space<vmem>>
    %dma_wait3A_204 = tpu.memref_squeeze %dma_wait3A_203 : memref<1x128xi32, #tpu.memory_space<vmem>> -> memref<128xi32, #tpu.memory_space<vmem>>
    %dma_wait3A_205 = arith.constant 0 : i32
    %dma_wait3A_206 = arith.constant 0 : i32
    %dma_wait3A_207 = tpu.memref_slice %arg4[%dma_wait3A_205, %dma_wait3A_206] : memref<4096x64xf32, #tpu.memory_space<hbm>> -> memref<4096x64xf32, #tpu.memory_space<hbm>>
    tpu.wait_indirect_dma semaphore(%arg18 : memref<!tpu.dma_semaphore, #tpu.memory_space<semaphore_mem>>) src(%dma_wait3A_207 : memref<4096x64xf32, #tpu.memory_space<hbm>>) dst(%arg12 : memref<128x64xf32, #tpu.memory_space<vmem>>)
    "tpu.region"() ({
      %run_scoped3A_501 = tpu.sem_alloc : memref<!tpu.dma_semaphore, #tpu.memory_space<semaphore_mem>>
      %dma_start3A_502 = arith.constant 0 : i32
      %dma_start3A_503 = tpu.memref_slice %arg7[%multiple_of3A_186, %dma_start3A_502] : memref<65536x64xf32, #tpu.memory_space<hbm>> -> memref<128x64xf32, #tpu.memory_space<hbm>>
      %dma_start3A_504 = arith.constant 0 : i32
      %dma_start3A_505 = tpu.memref_slice %arg7[%multiple_of3A_186, %dma_start3A_504] : memref<65536x64xf32, #tpu.memory_space<hbm>> -> memref<128x64xf32, #tpu.memory_space<hbm>>
      tpu.enqueue_dma source(%arg12 : memref<128x64xf32, #tpu.memory_space<vmem>>) target(%dma_start3A_505 : memref<128x64xf32, #tpu.memory_space<hbm>>) target_semaphore(%run_scoped3A_501 : memref<!tpu.dma_semaphore, #tpu.memory_space<semaphore_mem>>)
      %dma_wait3A_506 = arith.constant 0 : i32
      %dma_wait3A_507 = tpu.memref_slice %arg7[%multiple_of3A_186, %dma_wait3A_506] : memref<65536x64xf32, #tpu.memory_space<hbm>> -> memref<128x64xf32, #tpu.memory_space<hbm>>
      %dma_wait3A_508 = arith.constant 0 : i32
      %dma_wait3A_509 = tpu.memref_slice %arg7[%multiple_of3A_186, %dma_wait3A_508] : memref<65536x64xf32, #tpu.memory_space<hbm>> -> memref<128x64xf32, #tpu.memory_space<hbm>>
      tpu.wait_dma2 semaphore(%run_scoped3A_501 : memref<!tpu.dma_semaphore, #tpu.memory_space<semaphore_mem>>) src(%arg12 : memref<128x64xf32, #tpu.memory_space<vmem>>) dst(%dma_wait3A_509 : memref<128x64xf32, #tpu.memory_space<hbm>>)
      tpu.yield
    }) : () -> ()
    %dma_wait3A_208 = arith.constant 0 : i32
    %dma_wait3A_209 = tpu.memref_slice %arg3[%multiple_of3A_159, %dma_wait3A_208] : memref<65536x64xf32, #tpu.memory_space<hbm>> -> memref<128x64xf32, #tpu.memory_space<hbm>>
    %dma_wait3A_210 = arith.constant 0 : i32
    %dma_wait3A_211 = tpu.memref_slice %arg3[%multiple_of3A_159, %dma_wait3A_210] : memref<65536x64xf32, #tpu.memory_space<hbm>> -> memref<128x64xf32, #tpu.memory_space<hbm>>
    tpu.wait_dma2 semaphore(%arg19 : memref<!tpu.dma_semaphore, #tpu.memory_space<semaphore_mem>>) src(%dma_wait3A_211 : memref<128x64xf32, #tpu.memory_space<hbm>>) dst(%arg14 : memref<128x64xf32, #tpu.memory_space<vmem>>)
    %run_scoped3A_212 = arith.constant 5 : i32
    "tpu.region"() ({
      %run_scoped3A_501 = tpu.sem_alloc : memref<!tpu.dma_semaphore, #tpu.memory_space<semaphore_mem>>
      %dma_start3A_502 = arith.constant 0 : i32
      %dma_start3A_503 = tpu.memref_slice %arg10[%run_scoped3A_212, %dma_start3A_502] : memref<16x128xi32, #tpu.memory_space<vmem>> -> memref<1x128xi32, #tpu.memory_space<vmem>>
      %dma_start3A_504 = tpu.memref_squeeze %dma_start3A_503 : memref<1x128xi32, #tpu.memory_space<vmem>> -> memref<128xi32, #tpu.memory_space<vmem>>
      %dma_start3A_505 = arith.constant 0 : i32
      %dma_start3A_506 = arith.constant 0 : i32
      %dma_start3A_507 = tpu.memref_slice %arg16[%dma_start3A_505, %dma_start3A_506] : memref<4096x64xf32, #tpu.memory_space<vmem_shared>> -> memref<4096x64xf32, #tpu.memory_space<vmem_shared>>
      tpu.enqueue_indirect_dma source(%arg14 : memref<128x64xf32, #tpu.memory_space<vmem>>) target(%dma_start3A_507 : memref<4096x64xf32, #tpu.memory_space<vmem_shared>>) offsets(%dma_start3A_504 : memref<128xi32, #tpu.memory_space<vmem>>) semaphore(%run_scoped3A_501 : memref<!tpu.dma_semaphore, #tpu.memory_space<semaphore_mem>>) {add = true}
      %dma_wait3A_508 = arith.constant 0 : i32
      %dma_wait3A_509 = tpu.memref_slice %arg10[%run_scoped3A_212, %dma_wait3A_508] : memref<16x128xi32, #tpu.memory_space<vmem>> -> memref<1x128xi32, #tpu.memory_space<vmem>>
      %dma_wait3A_510 = tpu.memref_squeeze %dma_wait3A_509 : memref<1x128xi32, #tpu.memory_space<vmem>> -> memref<128xi32, #tpu.memory_space<vmem>>
      %dma_wait3A_511 = arith.constant 0 : i32
      %dma_wait3A_512 = arith.constant 0 : i32
      %dma_wait3A_513 = tpu.memref_slice %arg16[%dma_wait3A_511, %dma_wait3A_512] : memref<4096x64xf32, #tpu.memory_space<vmem_shared>> -> memref<4096x64xf32, #tpu.memory_space<vmem_shared>>
      tpu.wait_indirect_dma semaphore(%run_scoped3A_501 : memref<!tpu.dma_semaphore, #tpu.memory_space<semaphore_mem>>) src(%arg14 : memref<128x64xf32, #tpu.memory_space<vmem>>) dst(%dma_wait3A_513 : memref<4096x64xf32, #tpu.memory_space<vmem_shared>>)
      tpu.yield
    }) : () -> ()
    %run_scoped3A_213 = arith.constant 5 : i32
    "tpu.region"() ({
      %run_scoped3A_501 = tpu.sem_alloc : memref<!tpu.dma_semaphore, #tpu.memory_space<semaphore_mem>>
      %dma_start3A_502 = arith.constant 0 : i32
      %dma_start3A_503 = tpu.memref_slice %arg10[%run_scoped3A_213, %dma_start3A_502] : memref<16x128xi32, #tpu.memory_space<vmem>> -> memref<1x128xi32, #tpu.memory_space<vmem>>
      %dma_start3A_504 = tpu.memref_squeeze %dma_start3A_503 : memref<1x128xi32, #tpu.memory_space<vmem>> -> memref<128xi32, #tpu.memory_space<vmem>>
      %dma_start3A_505 = arith.constant 0 : i32
      %dma_start3A_506 = arith.constant 0 : i32
      %dma_start3A_507 = tpu.memref_slice %arg17[%dma_start3A_505, %dma_start3A_506] : memref<4096x16xf32, #tpu.memory_space<vmem_shared>> -> memref<4096x16xf32, #tpu.memory_space<vmem_shared>>
      tpu.enqueue_indirect_dma source(%arg15 : memref<128x16xf32, #tpu.memory_space<vmem>>) target(%dma_start3A_507 : memref<4096x16xf32, #tpu.memory_space<vmem_shared>>) offsets(%dma_start3A_504 : memref<128xi32, #tpu.memory_space<vmem>>) semaphore(%run_scoped3A_501 : memref<!tpu.dma_semaphore, #tpu.memory_space<semaphore_mem>>) {add = true}
      %dma_wait3A_508 = arith.constant 0 : i32
      %dma_wait3A_509 = tpu.memref_slice %arg10[%run_scoped3A_213, %dma_wait3A_508] : memref<16x128xi32, #tpu.memory_space<vmem>> -> memref<1x128xi32, #tpu.memory_space<vmem>>
      %dma_wait3A_510 = tpu.memref_squeeze %dma_wait3A_509 : memref<1x128xi32, #tpu.memory_space<vmem>> -> memref<128xi32, #tpu.memory_space<vmem>>
      %dma_wait3A_511 = arith.constant 0 : i32
      %dma_wait3A_512 = arith.constant 0 : i32
      %dma_wait3A_513 = tpu.memref_slice %arg17[%dma_wait3A_511, %dma_wait3A_512] : memref<4096x16xf32, #tpu.memory_space<vmem_shared>> -> memref<4096x16xf32, #tpu.memory_space<vmem_shared>>
      tpu.wait_indirect_dma semaphore(%run_scoped3A_501 : memref<!tpu.dma_semaphore, #tpu.memory_space<semaphore_mem>>) src(%arg15 : memref<128x16xf32, #tpu.memory_space<vmem>>) dst(%dma_wait3A_513 : memref<4096x16xf32, #tpu.memory_space<vmem_shared>>)
      tpu.yield
    }) : () -> ()
    %add3A_214 = arith.constant 768 : i32
    %add3A_215 = arith.addi %add3A_7, %add3A_214 : i32
    %multiple_of3A_216 = tpu.assume_multiple %add3A_215, 8 : i32
    %add3A_217 = arith.constant 896 : i32
    %add3A_218 = arith.addi %add3A_7, %add3A_217 : i32
    %multiple_of3A_219 = tpu.assume_multiple %add3A_218, 8 : i32
    %dma_start3A_220 = arith.constant 7 : i32
    %dma_start3A_221 = arith.constant 0 : i32
    %dma_start3A_222 = tpu.memref_slice %arg10[%dma_start3A_220, %dma_start3A_221] : memref<16x128xi32, #tpu.memory_space<vmem>> -> memref<1x128xi32, #tpu.memory_space<vmem>>
    %dma_start3A_223 = tpu.memref_squeeze %dma_start3A_222 : memref<1x128xi32, #tpu.memory_space<vmem>> -> memref<128xi32, #tpu.memory_space<vmem>>
    %dma_start3A_224 = arith.constant 0 : i32
    %dma_start3A_225 = arith.constant 0 : i32
    %dma_start3A_226 = tpu.memref_slice %arg4[%dma_start3A_224, %dma_start3A_225] : memref<4096x64xf32, #tpu.memory_space<hbm>> -> memref<4096x64xf32, #tpu.memory_space<hbm>>
    tpu.enqueue_indirect_dma source(%dma_start3A_226 : memref<4096x64xf32, #tpu.memory_space<hbm>>) target(%arg12 : memref<128x64xf32, #tpu.memory_space<vmem>>) offsets(%dma_start3A_223 : memref<128xi32, #tpu.memory_space<vmem>>) semaphore(%arg18 : memref<!tpu.dma_semaphore, #tpu.memory_space<semaphore_mem>>)
    %dma_start3A_227 = arith.constant 0 : i32
    %dma_start3A_228 = tpu.memref_slice %arg3[%multiple_of3A_219, %dma_start3A_227] : memref<65536x64xf32, #tpu.memory_space<hbm>> -> memref<128x64xf32, #tpu.memory_space<hbm>>
    %dma_start3A_229 = arith.constant 0 : i32
    %dma_start3A_230 = tpu.memref_slice %arg3[%multiple_of3A_219, %dma_start3A_229] : memref<65536x64xf32, #tpu.memory_space<hbm>> -> memref<128x64xf32, #tpu.memory_space<hbm>>
    tpu.enqueue_dma source(%dma_start3A_230 : memref<128x64xf32, #tpu.memory_space<hbm>>) target(%arg14 : memref<128x64xf32, #tpu.memory_space<vmem>>) target_semaphore(%arg19 : memref<!tpu.dma_semaphore, #tpu.memory_space<semaphore_mem>>)
    %dma_wait3A_231 = arith.constant 6 : i32
    %dma_wait3A_232 = arith.constant 0 : i32
    %dma_wait3A_233 = tpu.memref_slice %arg10[%dma_wait3A_231, %dma_wait3A_232] : memref<16x128xi32, #tpu.memory_space<vmem>> -> memref<1x128xi32, #tpu.memory_space<vmem>>
    %dma_wait3A_234 = tpu.memref_squeeze %dma_wait3A_233 : memref<1x128xi32, #tpu.memory_space<vmem>> -> memref<128xi32, #tpu.memory_space<vmem>>
    %dma_wait3A_235 = arith.constant 0 : i32
    %dma_wait3A_236 = arith.constant 0 : i32
    %dma_wait3A_237 = tpu.memref_slice %arg4[%dma_wait3A_235, %dma_wait3A_236] : memref<4096x64xf32, #tpu.memory_space<hbm>> -> memref<4096x64xf32, #tpu.memory_space<hbm>>
    tpu.wait_indirect_dma semaphore(%arg18 : memref<!tpu.dma_semaphore, #tpu.memory_space<semaphore_mem>>) src(%dma_wait3A_237 : memref<4096x64xf32, #tpu.memory_space<hbm>>) dst(%arg11 : memref<128x64xf32, #tpu.memory_space<vmem>>)
    "tpu.region"() ({
      %run_scoped3A_501 = tpu.sem_alloc : memref<!tpu.dma_semaphore, #tpu.memory_space<semaphore_mem>>
      %dma_start3A_502 = arith.constant 0 : i32
      %dma_start3A_503 = tpu.memref_slice %arg7[%multiple_of3A_216, %dma_start3A_502] : memref<65536x64xf32, #tpu.memory_space<hbm>> -> memref<128x64xf32, #tpu.memory_space<hbm>>
      %dma_start3A_504 = arith.constant 0 : i32
      %dma_start3A_505 = tpu.memref_slice %arg7[%multiple_of3A_216, %dma_start3A_504] : memref<65536x64xf32, #tpu.memory_space<hbm>> -> memref<128x64xf32, #tpu.memory_space<hbm>>
      tpu.enqueue_dma source(%arg11 : memref<128x64xf32, #tpu.memory_space<vmem>>) target(%dma_start3A_505 : memref<128x64xf32, #tpu.memory_space<hbm>>) target_semaphore(%run_scoped3A_501 : memref<!tpu.dma_semaphore, #tpu.memory_space<semaphore_mem>>)
      %dma_wait3A_506 = arith.constant 0 : i32
      %dma_wait3A_507 = tpu.memref_slice %arg7[%multiple_of3A_216, %dma_wait3A_506] : memref<65536x64xf32, #tpu.memory_space<hbm>> -> memref<128x64xf32, #tpu.memory_space<hbm>>
      %dma_wait3A_508 = arith.constant 0 : i32
      %dma_wait3A_509 = tpu.memref_slice %arg7[%multiple_of3A_216, %dma_wait3A_508] : memref<65536x64xf32, #tpu.memory_space<hbm>> -> memref<128x64xf32, #tpu.memory_space<hbm>>
      tpu.wait_dma2 semaphore(%run_scoped3A_501 : memref<!tpu.dma_semaphore, #tpu.memory_space<semaphore_mem>>) src(%arg11 : memref<128x64xf32, #tpu.memory_space<vmem>>) dst(%dma_wait3A_509 : memref<128x64xf32, #tpu.memory_space<hbm>>)
      tpu.yield
    }) : () -> ()
    %dma_wait3A_238 = arith.constant 0 : i32
    %dma_wait3A_239 = tpu.memref_slice %arg3[%multiple_of3A_189, %dma_wait3A_238] : memref<65536x64xf32, #tpu.memory_space<hbm>> -> memref<128x64xf32, #tpu.memory_space<hbm>>
    %dma_wait3A_240 = arith.constant 0 : i32
    %dma_wait3A_241 = tpu.memref_slice %arg3[%multiple_of3A_189, %dma_wait3A_240] : memref<65536x64xf32, #tpu.memory_space<hbm>> -> memref<128x64xf32, #tpu.memory_space<hbm>>
    tpu.wait_dma2 semaphore(%arg19 : memref<!tpu.dma_semaphore, #tpu.memory_space<semaphore_mem>>) src(%dma_wait3A_241 : memref<128x64xf32, #tpu.memory_space<hbm>>) dst(%arg13 : memref<128x64xf32, #tpu.memory_space<vmem>>)
    %run_scoped3A_242 = arith.constant 6 : i32
    "tpu.region"() ({
      %run_scoped3A_501 = tpu.sem_alloc : memref<!tpu.dma_semaphore, #tpu.memory_space<semaphore_mem>>
      %dma_start3A_502 = arith.constant 0 : i32
      %dma_start3A_503 = tpu.memref_slice %arg10[%run_scoped3A_242, %dma_start3A_502] : memref<16x128xi32, #tpu.memory_space<vmem>> -> memref<1x128xi32, #tpu.memory_space<vmem>>
      %dma_start3A_504 = tpu.memref_squeeze %dma_start3A_503 : memref<1x128xi32, #tpu.memory_space<vmem>> -> memref<128xi32, #tpu.memory_space<vmem>>
      %dma_start3A_505 = arith.constant 0 : i32
      %dma_start3A_506 = arith.constant 0 : i32
      %dma_start3A_507 = tpu.memref_slice %arg16[%dma_start3A_505, %dma_start3A_506] : memref<4096x64xf32, #tpu.memory_space<vmem_shared>> -> memref<4096x64xf32, #tpu.memory_space<vmem_shared>>
      tpu.enqueue_indirect_dma source(%arg13 : memref<128x64xf32, #tpu.memory_space<vmem>>) target(%dma_start3A_507 : memref<4096x64xf32, #tpu.memory_space<vmem_shared>>) offsets(%dma_start3A_504 : memref<128xi32, #tpu.memory_space<vmem>>) semaphore(%run_scoped3A_501 : memref<!tpu.dma_semaphore, #tpu.memory_space<semaphore_mem>>) {add = true}
      %dma_wait3A_508 = arith.constant 0 : i32
      %dma_wait3A_509 = tpu.memref_slice %arg10[%run_scoped3A_242, %dma_wait3A_508] : memref<16x128xi32, #tpu.memory_space<vmem>> -> memref<1x128xi32, #tpu.memory_space<vmem>>
      %dma_wait3A_510 = tpu.memref_squeeze %dma_wait3A_509 : memref<1x128xi32, #tpu.memory_space<vmem>> -> memref<128xi32, #tpu.memory_space<vmem>>
      %dma_wait3A_511 = arith.constant 0 : i32
      %dma_wait3A_512 = arith.constant 0 : i32
      %dma_wait3A_513 = tpu.memref_slice %arg16[%dma_wait3A_511, %dma_wait3A_512] : memref<4096x64xf32, #tpu.memory_space<vmem_shared>> -> memref<4096x64xf32, #tpu.memory_space<vmem_shared>>
      tpu.wait_indirect_dma semaphore(%run_scoped3A_501 : memref<!tpu.dma_semaphore, #tpu.memory_space<semaphore_mem>>) src(%arg13 : memref<128x64xf32, #tpu.memory_space<vmem>>) dst(%dma_wait3A_513 : memref<4096x64xf32, #tpu.memory_space<vmem_shared>>)
      tpu.yield
    }) : () -> ()
    %run_scoped3A_243 = arith.constant 6 : i32
    "tpu.region"() ({
      %run_scoped3A_501 = tpu.sem_alloc : memref<!tpu.dma_semaphore, #tpu.memory_space<semaphore_mem>>
      %dma_start3A_502 = arith.constant 0 : i32
      %dma_start3A_503 = tpu.memref_slice %arg10[%run_scoped3A_243, %dma_start3A_502] : memref<16x128xi32, #tpu.memory_space<vmem>> -> memref<1x128xi32, #tpu.memory_space<vmem>>
      %dma_start3A_504 = tpu.memref_squeeze %dma_start3A_503 : memref<1x128xi32, #tpu.memory_space<vmem>> -> memref<128xi32, #tpu.memory_space<vmem>>
      %dma_start3A_505 = arith.constant 0 : i32
      %dma_start3A_506 = arith.constant 0 : i32
      %dma_start3A_507 = tpu.memref_slice %arg17[%dma_start3A_505, %dma_start3A_506] : memref<4096x16xf32, #tpu.memory_space<vmem_shared>> -> memref<4096x16xf32, #tpu.memory_space<vmem_shared>>
      tpu.enqueue_indirect_dma source(%arg15 : memref<128x16xf32, #tpu.memory_space<vmem>>) target(%dma_start3A_507 : memref<4096x16xf32, #tpu.memory_space<vmem_shared>>) offsets(%dma_start3A_504 : memref<128xi32, #tpu.memory_space<vmem>>) semaphore(%run_scoped3A_501 : memref<!tpu.dma_semaphore, #tpu.memory_space<semaphore_mem>>) {add = true}
      %dma_wait3A_508 = arith.constant 0 : i32
      %dma_wait3A_509 = tpu.memref_slice %arg10[%run_scoped3A_243, %dma_wait3A_508] : memref<16x128xi32, #tpu.memory_space<vmem>> -> memref<1x128xi32, #tpu.memory_space<vmem>>
      %dma_wait3A_510 = tpu.memref_squeeze %dma_wait3A_509 : memref<1x128xi32, #tpu.memory_space<vmem>> -> memref<128xi32, #tpu.memory_space<vmem>>
      %dma_wait3A_511 = arith.constant 0 : i32
      %dma_wait3A_512 = arith.constant 0 : i32
      %dma_wait3A_513 = tpu.memref_slice %arg17[%dma_wait3A_511, %dma_wait3A_512] : memref<4096x16xf32, #tpu.memory_space<vmem_shared>> -> memref<4096x16xf32, #tpu.memory_space<vmem_shared>>
      tpu.wait_indirect_dma semaphore(%run_scoped3A_501 : memref<!tpu.dma_semaphore, #tpu.memory_space<semaphore_mem>>) src(%arg15 : memref<128x16xf32, #tpu.memory_space<vmem>>) dst(%dma_wait3A_513 : memref<4096x16xf32, #tpu.memory_space<vmem_shared>>)
      tpu.yield
    }) : () -> ()
    %add3A_244 = arith.constant 896 : i32
    %add3A_245 = arith.addi %add3A_7, %add3A_244 : i32
    %multiple_of3A_246 = tpu.assume_multiple %add3A_245, 8 : i32
    %add3A_247 = arith.constant 1024 : i32
    %add3A_248 = arith.addi %add3A_7, %add3A_247 : i32
    %multiple_of3A_249 = tpu.assume_multiple %add3A_248, 8 : i32
    %dma_start3A_250 = arith.constant 8 : i32
    %dma_start3A_251 = arith.constant 0 : i32
    %dma_start3A_252 = tpu.memref_slice %arg10[%dma_start3A_250, %dma_start3A_251] : memref<16x128xi32, #tpu.memory_space<vmem>> -> memref<1x128xi32, #tpu.memory_space<vmem>>
    %dma_start3A_253 = tpu.memref_squeeze %dma_start3A_252 : memref<1x128xi32, #tpu.memory_space<vmem>> -> memref<128xi32, #tpu.memory_space<vmem>>
    %dma_start3A_254 = arith.constant 0 : i32
    %dma_start3A_255 = arith.constant 0 : i32
    %dma_start3A_256 = tpu.memref_slice %arg4[%dma_start3A_254, %dma_start3A_255] : memref<4096x64xf32, #tpu.memory_space<hbm>> -> memref<4096x64xf32, #tpu.memory_space<hbm>>
    tpu.enqueue_indirect_dma source(%dma_start3A_256 : memref<4096x64xf32, #tpu.memory_space<hbm>>) target(%arg11 : memref<128x64xf32, #tpu.memory_space<vmem>>) offsets(%dma_start3A_253 : memref<128xi32, #tpu.memory_space<vmem>>) semaphore(%arg18 : memref<!tpu.dma_semaphore, #tpu.memory_space<semaphore_mem>>)
    %dma_start3A_257 = arith.constant 0 : i32
    %dma_start3A_258 = tpu.memref_slice %arg3[%multiple_of3A_249, %dma_start3A_257] : memref<65536x64xf32, #tpu.memory_space<hbm>> -> memref<128x64xf32, #tpu.memory_space<hbm>>
    %dma_start3A_259 = arith.constant 0 : i32
    %dma_start3A_260 = tpu.memref_slice %arg3[%multiple_of3A_249, %dma_start3A_259] : memref<65536x64xf32, #tpu.memory_space<hbm>> -> memref<128x64xf32, #tpu.memory_space<hbm>>
    tpu.enqueue_dma source(%dma_start3A_260 : memref<128x64xf32, #tpu.memory_space<hbm>>) target(%arg13 : memref<128x64xf32, #tpu.memory_space<vmem>>) target_semaphore(%arg19 : memref<!tpu.dma_semaphore, #tpu.memory_space<semaphore_mem>>)
    %dma_wait3A_261 = arith.constant 7 : i32
    %dma_wait3A_262 = arith.constant 0 : i32
    %dma_wait3A_263 = tpu.memref_slice %arg10[%dma_wait3A_261, %dma_wait3A_262] : memref<16x128xi32, #tpu.memory_space<vmem>> -> memref<1x128xi32, #tpu.memory_space<vmem>>
    %dma_wait3A_264 = tpu.memref_squeeze %dma_wait3A_263 : memref<1x128xi32, #tpu.memory_space<vmem>> -> memref<128xi32, #tpu.memory_space<vmem>>
    %dma_wait3A_265 = arith.constant 0 : i32
    %dma_wait3A_266 = arith.constant 0 : i32
    %dma_wait3A_267 = tpu.memref_slice %arg4[%dma_wait3A_265, %dma_wait3A_266] : memref<4096x64xf32, #tpu.memory_space<hbm>> -> memref<4096x64xf32, #tpu.memory_space<hbm>>
    tpu.wait_indirect_dma semaphore(%arg18 : memref<!tpu.dma_semaphore, #tpu.memory_space<semaphore_mem>>) src(%dma_wait3A_267 : memref<4096x64xf32, #tpu.memory_space<hbm>>) dst(%arg12 : memref<128x64xf32, #tpu.memory_space<vmem>>)
    "tpu.region"() ({
      %run_scoped3A_501 = tpu.sem_alloc : memref<!tpu.dma_semaphore, #tpu.memory_space<semaphore_mem>>
      %dma_start3A_502 = arith.constant 0 : i32
      %dma_start3A_503 = tpu.memref_slice %arg7[%multiple_of3A_246, %dma_start3A_502] : memref<65536x64xf32, #tpu.memory_space<hbm>> -> memref<128x64xf32, #tpu.memory_space<hbm>>
      %dma_start3A_504 = arith.constant 0 : i32
      %dma_start3A_505 = tpu.memref_slice %arg7[%multiple_of3A_246, %dma_start3A_504] : memref<65536x64xf32, #tpu.memory_space<hbm>> -> memref<128x64xf32, #tpu.memory_space<hbm>>
      tpu.enqueue_dma source(%arg12 : memref<128x64xf32, #tpu.memory_space<vmem>>) target(%dma_start3A_505 : memref<128x64xf32, #tpu.memory_space<hbm>>) target_semaphore(%run_scoped3A_501 : memref<!tpu.dma_semaphore, #tpu.memory_space<semaphore_mem>>)
      %dma_wait3A_506 = arith.constant 0 : i32
      %dma_wait3A_507 = tpu.memref_slice %arg7[%multiple_of3A_246, %dma_wait3A_506] : memref<65536x64xf32, #tpu.memory_space<hbm>> -> memref<128x64xf32, #tpu.memory_space<hbm>>
      %dma_wait3A_508 = arith.constant 0 : i32
      %dma_wait3A_509 = tpu.memref_slice %arg7[%multiple_of3A_246, %dma_wait3A_508] : memref<65536x64xf32, #tpu.memory_space<hbm>> -> memref<128x64xf32, #tpu.memory_space<hbm>>
      tpu.wait_dma2 semaphore(%run_scoped3A_501 : memref<!tpu.dma_semaphore, #tpu.memory_space<semaphore_mem>>) src(%arg12 : memref<128x64xf32, #tpu.memory_space<vmem>>) dst(%dma_wait3A_509 : memref<128x64xf32, #tpu.memory_space<hbm>>)
      tpu.yield
    }) : () -> ()
    %dma_wait3A_268 = arith.constant 0 : i32
    %dma_wait3A_269 = tpu.memref_slice %arg3[%multiple_of3A_219, %dma_wait3A_268] : memref<65536x64xf32, #tpu.memory_space<hbm>> -> memref<128x64xf32, #tpu.memory_space<hbm>>
    %dma_wait3A_270 = arith.constant 0 : i32
    %dma_wait3A_271 = tpu.memref_slice %arg3[%multiple_of3A_219, %dma_wait3A_270] : memref<65536x64xf32, #tpu.memory_space<hbm>> -> memref<128x64xf32, #tpu.memory_space<hbm>>
    tpu.wait_dma2 semaphore(%arg19 : memref<!tpu.dma_semaphore, #tpu.memory_space<semaphore_mem>>) src(%dma_wait3A_271 : memref<128x64xf32, #tpu.memory_space<hbm>>) dst(%arg14 : memref<128x64xf32, #tpu.memory_space<vmem>>)
    %run_scoped3A_272 = arith.constant 7 : i32
    "tpu.region"() ({
      %run_scoped3A_501 = tpu.sem_alloc : memref<!tpu.dma_semaphore, #tpu.memory_space<semaphore_mem>>
      %dma_start3A_502 = arith.constant 0 : i32
      %dma_start3A_503 = tpu.memref_slice %arg10[%run_scoped3A_272, %dma_start3A_502] : memref<16x128xi32, #tpu.memory_space<vmem>> -> memref<1x128xi32, #tpu.memory_space<vmem>>
      %dma_start3A_504 = tpu.memref_squeeze %dma_start3A_503 : memref<1x128xi32, #tpu.memory_space<vmem>> -> memref<128xi32, #tpu.memory_space<vmem>>
      %dma_start3A_505 = arith.constant 0 : i32
      %dma_start3A_506 = arith.constant 0 : i32
      %dma_start3A_507 = tpu.memref_slice %arg16[%dma_start3A_505, %dma_start3A_506] : memref<4096x64xf32, #tpu.memory_space<vmem_shared>> -> memref<4096x64xf32, #tpu.memory_space<vmem_shared>>
      tpu.enqueue_indirect_dma source(%arg14 : memref<128x64xf32, #tpu.memory_space<vmem>>) target(%dma_start3A_507 : memref<4096x64xf32, #tpu.memory_space<vmem_shared>>) offsets(%dma_start3A_504 : memref<128xi32, #tpu.memory_space<vmem>>) semaphore(%run_scoped3A_501 : memref<!tpu.dma_semaphore, #tpu.memory_space<semaphore_mem>>) {add = true}
      %dma_wait3A_508 = arith.constant 0 : i32
      %dma_wait3A_509 = tpu.memref_slice %arg10[%run_scoped3A_272, %dma_wait3A_508] : memref<16x128xi32, #tpu.memory_space<vmem>> -> memref<1x128xi32, #tpu.memory_space<vmem>>
      %dma_wait3A_510 = tpu.memref_squeeze %dma_wait3A_509 : memref<1x128xi32, #tpu.memory_space<vmem>> -> memref<128xi32, #tpu.memory_space<vmem>>
      %dma_wait3A_511 = arith.constant 0 : i32
      %dma_wait3A_512 = arith.constant 0 : i32
      %dma_wait3A_513 = tpu.memref_slice %arg16[%dma_wait3A_511, %dma_wait3A_512] : memref<4096x64xf32, #tpu.memory_space<vmem_shared>> -> memref<4096x64xf32, #tpu.memory_space<vmem_shared>>
      tpu.wait_indirect_dma semaphore(%run_scoped3A_501 : memref<!tpu.dma_semaphore, #tpu.memory_space<semaphore_mem>>) src(%arg14 : memref<128x64xf32, #tpu.memory_space<vmem>>) dst(%dma_wait3A_513 : memref<4096x64xf32, #tpu.memory_space<vmem_shared>>)
      tpu.yield
    }) : () -> ()
    %run_scoped3A_273 = arith.constant 7 : i32
    "tpu.region"() ({
      %run_scoped3A_501 = tpu.sem_alloc : memref<!tpu.dma_semaphore, #tpu.memory_space<semaphore_mem>>
      %dma_start3A_502 = arith.constant 0 : i32
      %dma_start3A_503 = tpu.memref_slice %arg10[%run_scoped3A_273, %dma_start3A_502] : memref<16x128xi32, #tpu.memory_space<vmem>> -> memref<1x128xi32, #tpu.memory_space<vmem>>
      %dma_start3A_504 = tpu.memref_squeeze %dma_start3A_503 : memref<1x128xi32, #tpu.memory_space<vmem>> -> memref<128xi32, #tpu.memory_space<vmem>>
      %dma_start3A_505 = arith.constant 0 : i32
      %dma_start3A_506 = arith.constant 0 : i32
      %dma_start3A_507 = tpu.memref_slice %arg17[%dma_start3A_505, %dma_start3A_506] : memref<4096x16xf32, #tpu.memory_space<vmem_shared>> -> memref<4096x16xf32, #tpu.memory_space<vmem_shared>>
      tpu.enqueue_indirect_dma source(%arg15 : memref<128x16xf32, #tpu.memory_space<vmem>>) target(%dma_start3A_507 : memref<4096x16xf32, #tpu.memory_space<vmem_shared>>) offsets(%dma_start3A_504 : memref<128xi32, #tpu.memory_space<vmem>>) semaphore(%run_scoped3A_501 : memref<!tpu.dma_semaphore, #tpu.memory_space<semaphore_mem>>) {add = true}
      %dma_wait3A_508 = arith.constant 0 : i32
      %dma_wait3A_509 = tpu.memref_slice %arg10[%run_scoped3A_273, %dma_wait3A_508] : memref<16x128xi32, #tpu.memory_space<vmem>> -> memref<1x128xi32, #tpu.memory_space<vmem>>
      %dma_wait3A_510 = tpu.memref_squeeze %dma_wait3A_509 : memref<1x128xi32, #tpu.memory_space<vmem>> -> memref<128xi32, #tpu.memory_space<vmem>>
      %dma_wait3A_511 = arith.constant 0 : i32
      %dma_wait3A_512 = arith.constant 0 : i32
      %dma_wait3A_513 = tpu.memref_slice %arg17[%dma_wait3A_511, %dma_wait3A_512] : memref<4096x16xf32, #tpu.memory_space<vmem_shared>> -> memref<4096x16xf32, #tpu.memory_space<vmem_shared>>
      tpu.wait_indirect_dma semaphore(%run_scoped3A_501 : memref<!tpu.dma_semaphore, #tpu.memory_space<semaphore_mem>>) src(%arg15 : memref<128x16xf32, #tpu.memory_space<vmem>>) dst(%dma_wait3A_513 : memref<4096x16xf32, #tpu.memory_space<vmem_shared>>)
      tpu.yield
    }) : () -> ()
    %add3A_274 = arith.constant 1024 : i32
    %add3A_275 = arith.addi %add3A_7, %add3A_274 : i32
    %multiple_of3A_276 = tpu.assume_multiple %add3A_275, 8 : i32
    %add3A_277 = arith.constant 1152 : i32
    %add3A_278 = arith.addi %add3A_7, %add3A_277 : i32
    %multiple_of3A_279 = tpu.assume_multiple %add3A_278, 8 : i32
    %dma_start3A_280 = arith.constant 9 : i32
    %dma_start3A_281 = arith.constant 0 : i32
    %dma_start3A_282 = tpu.memref_slice %arg10[%dma_start3A_280, %dma_start3A_281] : memref<16x128xi32, #tpu.memory_space<vmem>> -> memref<1x128xi32, #tpu.memory_space<vmem>>
    %dma_start3A_283 = tpu.memref_squeeze %dma_start3A_282 : memref<1x128xi32, #tpu.memory_space<vmem>> -> memref<128xi32, #tpu.memory_space<vmem>>
    %dma_start3A_284 = arith.constant 0 : i32
    %dma_start3A_285 = arith.constant 0 : i32
    %dma_start3A_286 = tpu.memref_slice %arg4[%dma_start3A_284, %dma_start3A_285] : memref<4096x64xf32, #tpu.memory_space<hbm>> -> memref<4096x64xf32, #tpu.memory_space<hbm>>
    tpu.enqueue_indirect_dma source(%dma_start3A_286 : memref<4096x64xf32, #tpu.memory_space<hbm>>) target(%arg12 : memref<128x64xf32, #tpu.memory_space<vmem>>) offsets(%dma_start3A_283 : memref<128xi32, #tpu.memory_space<vmem>>) semaphore(%arg18 : memref<!tpu.dma_semaphore, #tpu.memory_space<semaphore_mem>>)
    %dma_start3A_287 = arith.constant 0 : i32
    %dma_start3A_288 = tpu.memref_slice %arg3[%multiple_of3A_279, %dma_start3A_287] : memref<65536x64xf32, #tpu.memory_space<hbm>> -> memref<128x64xf32, #tpu.memory_space<hbm>>
    %dma_start3A_289 = arith.constant 0 : i32
    %dma_start3A_290 = tpu.memref_slice %arg3[%multiple_of3A_279, %dma_start3A_289] : memref<65536x64xf32, #tpu.memory_space<hbm>> -> memref<128x64xf32, #tpu.memory_space<hbm>>
    tpu.enqueue_dma source(%dma_start3A_290 : memref<128x64xf32, #tpu.memory_space<hbm>>) target(%arg14 : memref<128x64xf32, #tpu.memory_space<vmem>>) target_semaphore(%arg19 : memref<!tpu.dma_semaphore, #tpu.memory_space<semaphore_mem>>)
    %dma_wait3A_291 = arith.constant 8 : i32
    %dma_wait3A_292 = arith.constant 0 : i32
    %dma_wait3A_293 = tpu.memref_slice %arg10[%dma_wait3A_291, %dma_wait3A_292] : memref<16x128xi32, #tpu.memory_space<vmem>> -> memref<1x128xi32, #tpu.memory_space<vmem>>
    %dma_wait3A_294 = tpu.memref_squeeze %dma_wait3A_293 : memref<1x128xi32, #tpu.memory_space<vmem>> -> memref<128xi32, #tpu.memory_space<vmem>>
    %dma_wait3A_295 = arith.constant 0 : i32
    %dma_wait3A_296 = arith.constant 0 : i32
    %dma_wait3A_297 = tpu.memref_slice %arg4[%dma_wait3A_295, %dma_wait3A_296] : memref<4096x64xf32, #tpu.memory_space<hbm>> -> memref<4096x64xf32, #tpu.memory_space<hbm>>
    tpu.wait_indirect_dma semaphore(%arg18 : memref<!tpu.dma_semaphore, #tpu.memory_space<semaphore_mem>>) src(%dma_wait3A_297 : memref<4096x64xf32, #tpu.memory_space<hbm>>) dst(%arg11 : memref<128x64xf32, #tpu.memory_space<vmem>>)
    "tpu.region"() ({
      %run_scoped3A_501 = tpu.sem_alloc : memref<!tpu.dma_semaphore, #tpu.memory_space<semaphore_mem>>
      %dma_start3A_502 = arith.constant 0 : i32
      %dma_start3A_503 = tpu.memref_slice %arg7[%multiple_of3A_276, %dma_start3A_502] : memref<65536x64xf32, #tpu.memory_space<hbm>> -> memref<128x64xf32, #tpu.memory_space<hbm>>
      %dma_start3A_504 = arith.constant 0 : i32
      %dma_start3A_505 = tpu.memref_slice %arg7[%multiple_of3A_276, %dma_start3A_504] : memref<65536x64xf32, #tpu.memory_space<hbm>> -> memref<128x64xf32, #tpu.memory_space<hbm>>
      tpu.enqueue_dma source(%arg11 : memref<128x64xf32, #tpu.memory_space<vmem>>) target(%dma_start3A_505 : memref<128x64xf32, #tpu.memory_space<hbm>>) target_semaphore(%run_scoped3A_501 : memref<!tpu.dma_semaphore, #tpu.memory_space<semaphore_mem>>)
      %dma_wait3A_506 = arith.constant 0 : i32
      %dma_wait3A_507 = tpu.memref_slice %arg7[%multiple_of3A_276, %dma_wait3A_506] : memref<65536x64xf32, #tpu.memory_space<hbm>> -> memref<128x64xf32, #tpu.memory_space<hbm>>
      %dma_wait3A_508 = arith.constant 0 : i32
      %dma_wait3A_509 = tpu.memref_slice %arg7[%multiple_of3A_276, %dma_wait3A_508] : memref<65536x64xf32, #tpu.memory_space<hbm>> -> memref<128x64xf32, #tpu.memory_space<hbm>>
      tpu.wait_dma2 semaphore(%run_scoped3A_501 : memref<!tpu.dma_semaphore, #tpu.memory_space<semaphore_mem>>) src(%arg11 : memref<128x64xf32, #tpu.memory_space<vmem>>) dst(%dma_wait3A_509 : memref<128x64xf32, #tpu.memory_space<hbm>>)
      tpu.yield
    }) : () -> ()
    %dma_wait3A_298 = arith.constant 0 : i32
    %dma_wait3A_299 = tpu.memref_slice %arg3[%multiple_of3A_249, %dma_wait3A_298] : memref<65536x64xf32, #tpu.memory_space<hbm>> -> memref<128x64xf32, #tpu.memory_space<hbm>>
    %dma_wait3A_300 = arith.constant 0 : i32
    %dma_wait3A_301 = tpu.memref_slice %arg3[%multiple_of3A_249, %dma_wait3A_300] : memref<65536x64xf32, #tpu.memory_space<hbm>> -> memref<128x64xf32, #tpu.memory_space<hbm>>
    tpu.wait_dma2 semaphore(%arg19 : memref<!tpu.dma_semaphore, #tpu.memory_space<semaphore_mem>>) src(%dma_wait3A_301 : memref<128x64xf32, #tpu.memory_space<hbm>>) dst(%arg13 : memref<128x64xf32, #tpu.memory_space<vmem>>)
    %run_scoped3A_302 = arith.constant 8 : i32
    "tpu.region"() ({
      %run_scoped3A_501 = tpu.sem_alloc : memref<!tpu.dma_semaphore, #tpu.memory_space<semaphore_mem>>
      %dma_start3A_502 = arith.constant 0 : i32
      %dma_start3A_503 = tpu.memref_slice %arg10[%run_scoped3A_302, %dma_start3A_502] : memref<16x128xi32, #tpu.memory_space<vmem>> -> memref<1x128xi32, #tpu.memory_space<vmem>>
      %dma_start3A_504 = tpu.memref_squeeze %dma_start3A_503 : memref<1x128xi32, #tpu.memory_space<vmem>> -> memref<128xi32, #tpu.memory_space<vmem>>
      %dma_start3A_505 = arith.constant 0 : i32
      %dma_start3A_506 = arith.constant 0 : i32
      %dma_start3A_507 = tpu.memref_slice %arg16[%dma_start3A_505, %dma_start3A_506] : memref<4096x64xf32, #tpu.memory_space<vmem_shared>> -> memref<4096x64xf32, #tpu.memory_space<vmem_shared>>
      tpu.enqueue_indirect_dma source(%arg13 : memref<128x64xf32, #tpu.memory_space<vmem>>) target(%dma_start3A_507 : memref<4096x64xf32, #tpu.memory_space<vmem_shared>>) offsets(%dma_start3A_504 : memref<128xi32, #tpu.memory_space<vmem>>) semaphore(%run_scoped3A_501 : memref<!tpu.dma_semaphore, #tpu.memory_space<semaphore_mem>>) {add = true}
      %dma_wait3A_508 = arith.constant 0 : i32
      %dma_wait3A_509 = tpu.memref_slice %arg10[%run_scoped3A_302, %dma_wait3A_508] : memref<16x128xi32, #tpu.memory_space<vmem>> -> memref<1x128xi32, #tpu.memory_space<vmem>>
      %dma_wait3A_510 = tpu.memref_squeeze %dma_wait3A_509 : memref<1x128xi32, #tpu.memory_space<vmem>> -> memref<128xi32, #tpu.memory_space<vmem>>
      %dma_wait3A_511 = arith.constant 0 : i32
      %dma_wait3A_512 = arith.constant 0 : i32
      %dma_wait3A_513 = tpu.memref_slice %arg16[%dma_wait3A_511, %dma_wait3A_512] : memref<4096x64xf32, #tpu.memory_space<vmem_shared>> -> memref<4096x64xf32, #tpu.memory_space<vmem_shared>>
      tpu.wait_indirect_dma semaphore(%run_scoped3A_501 : memref<!tpu.dma_semaphore, #tpu.memory_space<semaphore_mem>>) src(%arg13 : memref<128x64xf32, #tpu.memory_space<vmem>>) dst(%dma_wait3A_513 : memref<4096x64xf32, #tpu.memory_space<vmem_shared>>)
      tpu.yield
    }) : () -> ()
    %run_scoped3A_303 = arith.constant 8 : i32
    "tpu.region"() ({
      %run_scoped3A_501 = tpu.sem_alloc : memref<!tpu.dma_semaphore, #tpu.memory_space<semaphore_mem>>
      %dma_start3A_502 = arith.constant 0 : i32
      %dma_start3A_503 = tpu.memref_slice %arg10[%run_scoped3A_303, %dma_start3A_502] : memref<16x128xi32, #tpu.memory_space<vmem>> -> memref<1x128xi32, #tpu.memory_space<vmem>>
      %dma_start3A_504 = tpu.memref_squeeze %dma_start3A_503 : memref<1x128xi32, #tpu.memory_space<vmem>> -> memref<128xi32, #tpu.memory_space<vmem>>
      %dma_start3A_505 = arith.constant 0 : i32
      %dma_start3A_506 = arith.constant 0 : i32
      %dma_start3A_507 = tpu.memref_slice %arg17[%dma_start3A_505, %dma_start3A_506] : memref<4096x16xf32, #tpu.memory_space<vmem_shared>> -> memref<4096x16xf32, #tpu.memory_space<vmem_shared>>
      tpu.enqueue_indirect_dma source(%arg15 : memref<128x16xf32, #tpu.memory_space<vmem>>) target(%dma_start3A_507 : memref<4096x16xf32, #tpu.memory_space<vmem_shared>>) offsets(%dma_start3A_504 : memref<128xi32, #tpu.memory_space<vmem>>) semaphore(%run_scoped3A_501 : memref<!tpu.dma_semaphore, #tpu.memory_space<semaphore_mem>>) {add = true}
      %dma_wait3A_508 = arith.constant 0 : i32
      %dma_wait3A_509 = tpu.memref_slice %arg10[%run_scoped3A_303, %dma_wait3A_508] : memref<16x128xi32, #tpu.memory_space<vmem>> -> memref<1x128xi32, #tpu.memory_space<vmem>>
      %dma_wait3A_510 = tpu.memref_squeeze %dma_wait3A_509 : memref<1x128xi32, #tpu.memory_space<vmem>> -> memref<128xi32, #tpu.memory_space<vmem>>
      %dma_wait3A_511 = arith.constant 0 : i32
      %dma_wait3A_512 = arith.constant 0 : i32
      %dma_wait3A_513 = tpu.memref_slice %arg17[%dma_wait3A_511, %dma_wait3A_512] : memref<4096x16xf32, #tpu.memory_space<vmem_shared>> -> memref<4096x16xf32, #tpu.memory_space<vmem_shared>>
      tpu.wait_indirect_dma semaphore(%run_scoped3A_501 : memref<!tpu.dma_semaphore, #tpu.memory_space<semaphore_mem>>) src(%arg15 : memref<128x16xf32, #tpu.memory_space<vmem>>) dst(%dma_wait3A_513 : memref<4096x16xf32, #tpu.memory_space<vmem_shared>>)
      tpu.yield
    }) : () -> ()
    %add3A_304 = arith.constant 1152 : i32
    %add3A_305 = arith.addi %add3A_7, %add3A_304 : i32
    %multiple_of3A_306 = tpu.assume_multiple %add3A_305, 8 : i32
    %add3A_307 = arith.constant 1280 : i32
    %add3A_308 = arith.addi %add3A_7, %add3A_307 : i32
    %multiple_of3A_309 = tpu.assume_multiple %add3A_308, 8 : i32
    %dma_start3A_310 = arith.constant 10 : i32
    %dma_start3A_311 = arith.constant 0 : i32
    %dma_start3A_312 = tpu.memref_slice %arg10[%dma_start3A_310, %dma_start3A_311] : memref<16x128xi32, #tpu.memory_space<vmem>> -> memref<1x128xi32, #tpu.memory_space<vmem>>
    %dma_start3A_313 = tpu.memref_squeeze %dma_start3A_312 : memref<1x128xi32, #tpu.memory_space<vmem>> -> memref<128xi32, #tpu.memory_space<vmem>>
    %dma_start3A_314 = arith.constant 0 : i32
    %dma_start3A_315 = arith.constant 0 : i32
    %dma_start3A_316 = tpu.memref_slice %arg4[%dma_start3A_314, %dma_start3A_315] : memref<4096x64xf32, #tpu.memory_space<hbm>> -> memref<4096x64xf32, #tpu.memory_space<hbm>>
    tpu.enqueue_indirect_dma source(%dma_start3A_316 : memref<4096x64xf32, #tpu.memory_space<hbm>>) target(%arg11 : memref<128x64xf32, #tpu.memory_space<vmem>>) offsets(%dma_start3A_313 : memref<128xi32, #tpu.memory_space<vmem>>) semaphore(%arg18 : memref<!tpu.dma_semaphore, #tpu.memory_space<semaphore_mem>>)
    %dma_start3A_317 = arith.constant 0 : i32
    %dma_start3A_318 = tpu.memref_slice %arg3[%multiple_of3A_309, %dma_start3A_317] : memref<65536x64xf32, #tpu.memory_space<hbm>> -> memref<128x64xf32, #tpu.memory_space<hbm>>
    %dma_start3A_319 = arith.constant 0 : i32
    %dma_start3A_320 = tpu.memref_slice %arg3[%multiple_of3A_309, %dma_start3A_319] : memref<65536x64xf32, #tpu.memory_space<hbm>> -> memref<128x64xf32, #tpu.memory_space<hbm>>
    tpu.enqueue_dma source(%dma_start3A_320 : memref<128x64xf32, #tpu.memory_space<hbm>>) target(%arg13 : memref<128x64xf32, #tpu.memory_space<vmem>>) target_semaphore(%arg19 : memref<!tpu.dma_semaphore, #tpu.memory_space<semaphore_mem>>)
    %dma_wait3A_321 = arith.constant 9 : i32
    %dma_wait3A_322 = arith.constant 0 : i32
    %dma_wait3A_323 = tpu.memref_slice %arg10[%dma_wait3A_321, %dma_wait3A_322] : memref<16x128xi32, #tpu.memory_space<vmem>> -> memref<1x128xi32, #tpu.memory_space<vmem>>
    %dma_wait3A_324 = tpu.memref_squeeze %dma_wait3A_323 : memref<1x128xi32, #tpu.memory_space<vmem>> -> memref<128xi32, #tpu.memory_space<vmem>>
    %dma_wait3A_325 = arith.constant 0 : i32
    %dma_wait3A_326 = arith.constant 0 : i32
    %dma_wait3A_327 = tpu.memref_slice %arg4[%dma_wait3A_325, %dma_wait3A_326] : memref<4096x64xf32, #tpu.memory_space<hbm>> -> memref<4096x64xf32, #tpu.memory_space<hbm>>
    tpu.wait_indirect_dma semaphore(%arg18 : memref<!tpu.dma_semaphore, #tpu.memory_space<semaphore_mem>>) src(%dma_wait3A_327 : memref<4096x64xf32, #tpu.memory_space<hbm>>) dst(%arg12 : memref<128x64xf32, #tpu.memory_space<vmem>>)
    "tpu.region"() ({
      %run_scoped3A_501 = tpu.sem_alloc : memref<!tpu.dma_semaphore, #tpu.memory_space<semaphore_mem>>
      %dma_start3A_502 = arith.constant 0 : i32
      %dma_start3A_503 = tpu.memref_slice %arg7[%multiple_of3A_306, %dma_start3A_502] : memref<65536x64xf32, #tpu.memory_space<hbm>> -> memref<128x64xf32, #tpu.memory_space<hbm>>
      %dma_start3A_504 = arith.constant 0 : i32
      %dma_start3A_505 = tpu.memref_slice %arg7[%multiple_of3A_306, %dma_start3A_504] : memref<65536x64xf32, #tpu.memory_space<hbm>> -> memref<128x64xf32, #tpu.memory_space<hbm>>
      tpu.enqueue_dma source(%arg12 : memref<128x64xf32, #tpu.memory_space<vmem>>) target(%dma_start3A_505 : memref<128x64xf32, #tpu.memory_space<hbm>>) target_semaphore(%run_scoped3A_501 : memref<!tpu.dma_semaphore, #tpu.memory_space<semaphore_mem>>)
      %dma_wait3A_506 = arith.constant 0 : i32
      %dma_wait3A_507 = tpu.memref_slice %arg7[%multiple_of3A_306, %dma_wait3A_506] : memref<65536x64xf32, #tpu.memory_space<hbm>> -> memref<128x64xf32, #tpu.memory_space<hbm>>
      %dma_wait3A_508 = arith.constant 0 : i32
      %dma_wait3A_509 = tpu.memref_slice %arg7[%multiple_of3A_306, %dma_wait3A_508] : memref<65536x64xf32, #tpu.memory_space<hbm>> -> memref<128x64xf32, #tpu.memory_space<hbm>>
      tpu.wait_dma2 semaphore(%run_scoped3A_501 : memref<!tpu.dma_semaphore, #tpu.memory_space<semaphore_mem>>) src(%arg12 : memref<128x64xf32, #tpu.memory_space<vmem>>) dst(%dma_wait3A_509 : memref<128x64xf32, #tpu.memory_space<hbm>>)
      tpu.yield
    }) : () -> ()
    %dma_wait3A_328 = arith.constant 0 : i32
    %dma_wait3A_329 = tpu.memref_slice %arg3[%multiple_of3A_279, %dma_wait3A_328] : memref<65536x64xf32, #tpu.memory_space<hbm>> -> memref<128x64xf32, #tpu.memory_space<hbm>>
    %dma_wait3A_330 = arith.constant 0 : i32
    %dma_wait3A_331 = tpu.memref_slice %arg3[%multiple_of3A_279, %dma_wait3A_330] : memref<65536x64xf32, #tpu.memory_space<hbm>> -> memref<128x64xf32, #tpu.memory_space<hbm>>
    tpu.wait_dma2 semaphore(%arg19 : memref<!tpu.dma_semaphore, #tpu.memory_space<semaphore_mem>>) src(%dma_wait3A_331 : memref<128x64xf32, #tpu.memory_space<hbm>>) dst(%arg14 : memref<128x64xf32, #tpu.memory_space<vmem>>)
    %run_scoped3A_332 = arith.constant 9 : i32
    "tpu.region"() ({
      %run_scoped3A_501 = tpu.sem_alloc : memref<!tpu.dma_semaphore, #tpu.memory_space<semaphore_mem>>
      %dma_start3A_502 = arith.constant 0 : i32
      %dma_start3A_503 = tpu.memref_slice %arg10[%run_scoped3A_332, %dma_start3A_502] : memref<16x128xi32, #tpu.memory_space<vmem>> -> memref<1x128xi32, #tpu.memory_space<vmem>>
      %dma_start3A_504 = tpu.memref_squeeze %dma_start3A_503 : memref<1x128xi32, #tpu.memory_space<vmem>> -> memref<128xi32, #tpu.memory_space<vmem>>
      %dma_start3A_505 = arith.constant 0 : i32
      %dma_start3A_506 = arith.constant 0 : i32
      %dma_start3A_507 = tpu.memref_slice %arg16[%dma_start3A_505, %dma_start3A_506] : memref<4096x64xf32, #tpu.memory_space<vmem_shared>> -> memref<4096x64xf32, #tpu.memory_space<vmem_shared>>
      tpu.enqueue_indirect_dma source(%arg14 : memref<128x64xf32, #tpu.memory_space<vmem>>) target(%dma_start3A_507 : memref<4096x64xf32, #tpu.memory_space<vmem_shared>>) offsets(%dma_start3A_504 : memref<128xi32, #tpu.memory_space<vmem>>) semaphore(%run_scoped3A_501 : memref<!tpu.dma_semaphore, #tpu.memory_space<semaphore_mem>>) {add = true}
      %dma_wait3A_508 = arith.constant 0 : i32
      %dma_wait3A_509 = tpu.memref_slice %arg10[%run_scoped3A_332, %dma_wait3A_508] : memref<16x128xi32, #tpu.memory_space<vmem>> -> memref<1x128xi32, #tpu.memory_space<vmem>>
      %dma_wait3A_510 = tpu.memref_squeeze %dma_wait3A_509 : memref<1x128xi32, #tpu.memory_space<vmem>> -> memref<128xi32, #tpu.memory_space<vmem>>
      %dma_wait3A_511 = arith.constant 0 : i32
      %dma_wait3A_512 = arith.constant 0 : i32
      %dma_wait3A_513 = tpu.memref_slice %arg16[%dma_wait3A_511, %dma_wait3A_512] : memref<4096x64xf32, #tpu.memory_space<vmem_shared>> -> memref<4096x64xf32, #tpu.memory_space<vmem_shared>>
      tpu.wait_indirect_dma semaphore(%run_scoped3A_501 : memref<!tpu.dma_semaphore, #tpu.memory_space<semaphore_mem>>) src(%arg14 : memref<128x64xf32, #tpu.memory_space<vmem>>) dst(%dma_wait3A_513 : memref<4096x64xf32, #tpu.memory_space<vmem_shared>>)
      tpu.yield
    }) : () -> ()
    %run_scoped3A_333 = arith.constant 9 : i32
    "tpu.region"() ({
      %run_scoped3A_501 = tpu.sem_alloc : memref<!tpu.dma_semaphore, #tpu.memory_space<semaphore_mem>>
      %dma_start3A_502 = arith.constant 0 : i32
      %dma_start3A_503 = tpu.memref_slice %arg10[%run_scoped3A_333, %dma_start3A_502] : memref<16x128xi32, #tpu.memory_space<vmem>> -> memref<1x128xi32, #tpu.memory_space<vmem>>
      %dma_start3A_504 = tpu.memref_squeeze %dma_start3A_503 : memref<1x128xi32, #tpu.memory_space<vmem>> -> memref<128xi32, #tpu.memory_space<vmem>>
      %dma_start3A_505 = arith.constant 0 : i32
      %dma_start3A_506 = arith.constant 0 : i32
      %dma_start3A_507 = tpu.memref_slice %arg17[%dma_start3A_505, %dma_start3A_506] : memref<4096x16xf32, #tpu.memory_space<vmem_shared>> -> memref<4096x16xf32, #tpu.memory_space<vmem_shared>>
      tpu.enqueue_indirect_dma source(%arg15 : memref<128x16xf32, #tpu.memory_space<vmem>>) target(%dma_start3A_507 : memref<4096x16xf32, #tpu.memory_space<vmem_shared>>) offsets(%dma_start3A_504 : memref<128xi32, #tpu.memory_space<vmem>>) semaphore(%run_scoped3A_501 : memref<!tpu.dma_semaphore, #tpu.memory_space<semaphore_mem>>) {add = true}
      %dma_wait3A_508 = arith.constant 0 : i32
      %dma_wait3A_509 = tpu.memref_slice %arg10[%run_scoped3A_333, %dma_wait3A_508] : memref<16x128xi32, #tpu.memory_space<vmem>> -> memref<1x128xi32, #tpu.memory_space<vmem>>
      %dma_wait3A_510 = tpu.memref_squeeze %dma_wait3A_509 : memref<1x128xi32, #tpu.memory_space<vmem>> -> memref<128xi32, #tpu.memory_space<vmem>>
      %dma_wait3A_511 = arith.constant 0 : i32
      %dma_wait3A_512 = arith.constant 0 : i32
      %dma_wait3A_513 = tpu.memref_slice %arg17[%dma_wait3A_511, %dma_wait3A_512] : memref<4096x16xf32, #tpu.memory_space<vmem_shared>> -> memref<4096x16xf32, #tpu.memory_space<vmem_shared>>
      tpu.wait_indirect_dma semaphore(%run_scoped3A_501 : memref<!tpu.dma_semaphore, #tpu.memory_space<semaphore_mem>>) src(%arg15 : memref<128x16xf32, #tpu.memory_space<vmem>>) dst(%dma_wait3A_513 : memref<4096x16xf32, #tpu.memory_space<vmem_shared>>)
      tpu.yield
    }) : () -> ()
    %add3A_334 = arith.constant 1280 : i32
    %add3A_335 = arith.addi %add3A_7, %add3A_334 : i32
    %multiple_of3A_336 = tpu.assume_multiple %add3A_335, 8 : i32
    %add3A_337 = arith.constant 1408 : i32
    %add3A_338 = arith.addi %add3A_7, %add3A_337 : i32
    %multiple_of3A_339 = tpu.assume_multiple %add3A_338, 8 : i32
    %dma_start3A_340 = arith.constant 11 : i32
    %dma_start3A_341 = arith.constant 0 : i32
    %dma_start3A_342 = tpu.memref_slice %arg10[%dma_start3A_340, %dma_start3A_341] : memref<16x128xi32, #tpu.memory_space<vmem>> -> memref<1x128xi32, #tpu.memory_space<vmem>>
    %dma_start3A_343 = tpu.memref_squeeze %dma_start3A_342 : memref<1x128xi32, #tpu.memory_space<vmem>> -> memref<128xi32, #tpu.memory_space<vmem>>
    %dma_start3A_344 = arith.constant 0 : i32
    %dma_start3A_345 = arith.constant 0 : i32
    %dma_start3A_346 = tpu.memref_slice %arg4[%dma_start3A_344, %dma_start3A_345] : memref<4096x64xf32, #tpu.memory_space<hbm>> -> memref<4096x64xf32, #tpu.memory_space<hbm>>
    tpu.enqueue_indirect_dma source(%dma_start3A_346 : memref<4096x64xf32, #tpu.memory_space<hbm>>) target(%arg12 : memref<128x64xf32, #tpu.memory_space<vmem>>) offsets(%dma_start3A_343 : memref<128xi32, #tpu.memory_space<vmem>>) semaphore(%arg18 : memref<!tpu.dma_semaphore, #tpu.memory_space<semaphore_mem>>)
    %dma_start3A_347 = arith.constant 0 : i32
    %dma_start3A_348 = tpu.memref_slice %arg3[%multiple_of3A_339, %dma_start3A_347] : memref<65536x64xf32, #tpu.memory_space<hbm>> -> memref<128x64xf32, #tpu.memory_space<hbm>>
    %dma_start3A_349 = arith.constant 0 : i32
    %dma_start3A_350 = tpu.memref_slice %arg3[%multiple_of3A_339, %dma_start3A_349] : memref<65536x64xf32, #tpu.memory_space<hbm>> -> memref<128x64xf32, #tpu.memory_space<hbm>>
    tpu.enqueue_dma source(%dma_start3A_350 : memref<128x64xf32, #tpu.memory_space<hbm>>) target(%arg14 : memref<128x64xf32, #tpu.memory_space<vmem>>) target_semaphore(%arg19 : memref<!tpu.dma_semaphore, #tpu.memory_space<semaphore_mem>>)
    %dma_wait3A_351 = arith.constant 10 : i32
    %dma_wait3A_352 = arith.constant 0 : i32
    %dma_wait3A_353 = tpu.memref_slice %arg10[%dma_wait3A_351, %dma_wait3A_352] : memref<16x128xi32, #tpu.memory_space<vmem>> -> memref<1x128xi32, #tpu.memory_space<vmem>>
    %dma_wait3A_354 = tpu.memref_squeeze %dma_wait3A_353 : memref<1x128xi32, #tpu.memory_space<vmem>> -> memref<128xi32, #tpu.memory_space<vmem>>
    %dma_wait3A_355 = arith.constant 0 : i32
    %dma_wait3A_356 = arith.constant 0 : i32
    %dma_wait3A_357 = tpu.memref_slice %arg4[%dma_wait3A_355, %dma_wait3A_356] : memref<4096x64xf32, #tpu.memory_space<hbm>> -> memref<4096x64xf32, #tpu.memory_space<hbm>>
    tpu.wait_indirect_dma semaphore(%arg18 : memref<!tpu.dma_semaphore, #tpu.memory_space<semaphore_mem>>) src(%dma_wait3A_357 : memref<4096x64xf32, #tpu.memory_space<hbm>>) dst(%arg11 : memref<128x64xf32, #tpu.memory_space<vmem>>)
    "tpu.region"() ({
      %run_scoped3A_501 = tpu.sem_alloc : memref<!tpu.dma_semaphore, #tpu.memory_space<semaphore_mem>>
      %dma_start3A_502 = arith.constant 0 : i32
      %dma_start3A_503 = tpu.memref_slice %arg7[%multiple_of3A_336, %dma_start3A_502] : memref<65536x64xf32, #tpu.memory_space<hbm>> -> memref<128x64xf32, #tpu.memory_space<hbm>>
      %dma_start3A_504 = arith.constant 0 : i32
      %dma_start3A_505 = tpu.memref_slice %arg7[%multiple_of3A_336, %dma_start3A_504] : memref<65536x64xf32, #tpu.memory_space<hbm>> -> memref<128x64xf32, #tpu.memory_space<hbm>>
      tpu.enqueue_dma source(%arg11 : memref<128x64xf32, #tpu.memory_space<vmem>>) target(%dma_start3A_505 : memref<128x64xf32, #tpu.memory_space<hbm>>) target_semaphore(%run_scoped3A_501 : memref<!tpu.dma_semaphore, #tpu.memory_space<semaphore_mem>>)
      %dma_wait3A_506 = arith.constant 0 : i32
      %dma_wait3A_507 = tpu.memref_slice %arg7[%multiple_of3A_336, %dma_wait3A_506] : memref<65536x64xf32, #tpu.memory_space<hbm>> -> memref<128x64xf32, #tpu.memory_space<hbm>>
      %dma_wait3A_508 = arith.constant 0 : i32
      %dma_wait3A_509 = tpu.memref_slice %arg7[%multiple_of3A_336, %dma_wait3A_508] : memref<65536x64xf32, #tpu.memory_space<hbm>> -> memref<128x64xf32, #tpu.memory_space<hbm>>
      tpu.wait_dma2 semaphore(%run_scoped3A_501 : memref<!tpu.dma_semaphore, #tpu.memory_space<semaphore_mem>>) src(%arg11 : memref<128x64xf32, #tpu.memory_space<vmem>>) dst(%dma_wait3A_509 : memref<128x64xf32, #tpu.memory_space<hbm>>)
      tpu.yield
    }) : () -> ()
    %dma_wait3A_358 = arith.constant 0 : i32
    %dma_wait3A_359 = tpu.memref_slice %arg3[%multiple_of3A_309, %dma_wait3A_358] : memref<65536x64xf32, #tpu.memory_space<hbm>> -> memref<128x64xf32, #tpu.memory_space<hbm>>
    %dma_wait3A_360 = arith.constant 0 : i32
    %dma_wait3A_361 = tpu.memref_slice %arg3[%multiple_of3A_309, %dma_wait3A_360] : memref<65536x64xf32, #tpu.memory_space<hbm>> -> memref<128x64xf32, #tpu.memory_space<hbm>>
    tpu.wait_dma2 semaphore(%arg19 : memref<!tpu.dma_semaphore, #tpu.memory_space<semaphore_mem>>) src(%dma_wait3A_361 : memref<128x64xf32, #tpu.memory_space<hbm>>) dst(%arg13 : memref<128x64xf32, #tpu.memory_space<vmem>>)
    %run_scoped3A_362 = arith.constant 10 : i32
    "tpu.region"() ({
      %run_scoped3A_501 = tpu.sem_alloc : memref<!tpu.dma_semaphore, #tpu.memory_space<semaphore_mem>>
      %dma_start3A_502 = arith.constant 0 : i32
      %dma_start3A_503 = tpu.memref_slice %arg10[%run_scoped3A_362, %dma_start3A_502] : memref<16x128xi32, #tpu.memory_space<vmem>> -> memref<1x128xi32, #tpu.memory_space<vmem>>
      %dma_start3A_504 = tpu.memref_squeeze %dma_start3A_503 : memref<1x128xi32, #tpu.memory_space<vmem>> -> memref<128xi32, #tpu.memory_space<vmem>>
      %dma_start3A_505 = arith.constant 0 : i32
      %dma_start3A_506 = arith.constant 0 : i32
      %dma_start3A_507 = tpu.memref_slice %arg16[%dma_start3A_505, %dma_start3A_506] : memref<4096x64xf32, #tpu.memory_space<vmem_shared>> -> memref<4096x64xf32, #tpu.memory_space<vmem_shared>>
      tpu.enqueue_indirect_dma source(%arg13 : memref<128x64xf32, #tpu.memory_space<vmem>>) target(%dma_start3A_507 : memref<4096x64xf32, #tpu.memory_space<vmem_shared>>) offsets(%dma_start3A_504 : memref<128xi32, #tpu.memory_space<vmem>>) semaphore(%run_scoped3A_501 : memref<!tpu.dma_semaphore, #tpu.memory_space<semaphore_mem>>) {add = true}
      %dma_wait3A_508 = arith.constant 0 : i32
      %dma_wait3A_509 = tpu.memref_slice %arg10[%run_scoped3A_362, %dma_wait3A_508] : memref<16x128xi32, #tpu.memory_space<vmem>> -> memref<1x128xi32, #tpu.memory_space<vmem>>
      %dma_wait3A_510 = tpu.memref_squeeze %dma_wait3A_509 : memref<1x128xi32, #tpu.memory_space<vmem>> -> memref<128xi32, #tpu.memory_space<vmem>>
      %dma_wait3A_511 = arith.constant 0 : i32
      %dma_wait3A_512 = arith.constant 0 : i32
      %dma_wait3A_513 = tpu.memref_slice %arg16[%dma_wait3A_511, %dma_wait3A_512] : memref<4096x64xf32, #tpu.memory_space<vmem_shared>> -> memref<4096x64xf32, #tpu.memory_space<vmem_shared>>
      tpu.wait_indirect_dma semaphore(%run_scoped3A_501 : memref<!tpu.dma_semaphore, #tpu.memory_space<semaphore_mem>>) src(%arg13 : memref<128x64xf32, #tpu.memory_space<vmem>>) dst(%dma_wait3A_513 : memref<4096x64xf32, #tpu.memory_space<vmem_shared>>)
      tpu.yield
    }) : () -> ()
    %run_scoped3A_363 = arith.constant 10 : i32
    "tpu.region"() ({
      %run_scoped3A_501 = tpu.sem_alloc : memref<!tpu.dma_semaphore, #tpu.memory_space<semaphore_mem>>
      %dma_start3A_502 = arith.constant 0 : i32
      %dma_start3A_503 = tpu.memref_slice %arg10[%run_scoped3A_363, %dma_start3A_502] : memref<16x128xi32, #tpu.memory_space<vmem>> -> memref<1x128xi32, #tpu.memory_space<vmem>>
      %dma_start3A_504 = tpu.memref_squeeze %dma_start3A_503 : memref<1x128xi32, #tpu.memory_space<vmem>> -> memref<128xi32, #tpu.memory_space<vmem>>
      %dma_start3A_505 = arith.constant 0 : i32
      %dma_start3A_506 = arith.constant 0 : i32
      %dma_start3A_507 = tpu.memref_slice %arg17[%dma_start3A_505, %dma_start3A_506] : memref<4096x16xf32, #tpu.memory_space<vmem_shared>> -> memref<4096x16xf32, #tpu.memory_space<vmem_shared>>
      tpu.enqueue_indirect_dma source(%arg15 : memref<128x16xf32, #tpu.memory_space<vmem>>) target(%dma_start3A_507 : memref<4096x16xf32, #tpu.memory_space<vmem_shared>>) offsets(%dma_start3A_504 : memref<128xi32, #tpu.memory_space<vmem>>) semaphore(%run_scoped3A_501 : memref<!tpu.dma_semaphore, #tpu.memory_space<semaphore_mem>>) {add = true}
      %dma_wait3A_508 = arith.constant 0 : i32
      %dma_wait3A_509 = tpu.memref_slice %arg10[%run_scoped3A_363, %dma_wait3A_508] : memref<16x128xi32, #tpu.memory_space<vmem>> -> memref<1x128xi32, #tpu.memory_space<vmem>>
      %dma_wait3A_510 = tpu.memref_squeeze %dma_wait3A_509 : memref<1x128xi32, #tpu.memory_space<vmem>> -> memref<128xi32, #tpu.memory_space<vmem>>
      %dma_wait3A_511 = arith.constant 0 : i32
      %dma_wait3A_512 = arith.constant 0 : i32
      %dma_wait3A_513 = tpu.memref_slice %arg17[%dma_wait3A_511, %dma_wait3A_512] : memref<4096x16xf32, #tpu.memory_space<vmem_shared>> -> memref<4096x16xf32, #tpu.memory_space<vmem_shared>>
      tpu.wait_indirect_dma semaphore(%run_scoped3A_501 : memref<!tpu.dma_semaphore, #tpu.memory_space<semaphore_mem>>) src(%arg15 : memref<128x16xf32, #tpu.memory_space<vmem>>) dst(%dma_wait3A_513 : memref<4096x16xf32, #tpu.memory_space<vmem_shared>>)
      tpu.yield
    }) : () -> ()
    %add3A_364 = arith.constant 1408 : i32
    %add3A_365 = arith.addi %add3A_7, %add3A_364 : i32
    %multiple_of3A_366 = tpu.assume_multiple %add3A_365, 8 : i32
    %add3A_367 = arith.constant 1536 : i32
    %add3A_368 = arith.addi %add3A_7, %add3A_367 : i32
    %multiple_of3A_369 = tpu.assume_multiple %add3A_368, 8 : i32
    %dma_start3A_370 = arith.constant 12 : i32
    %dma_start3A_371 = arith.constant 0 : i32
    %dma_start3A_372 = tpu.memref_slice %arg10[%dma_start3A_370, %dma_start3A_371] : memref<16x128xi32, #tpu.memory_space<vmem>> -> memref<1x128xi32, #tpu.memory_space<vmem>>
    %dma_start3A_373 = tpu.memref_squeeze %dma_start3A_372 : memref<1x128xi32, #tpu.memory_space<vmem>> -> memref<128xi32, #tpu.memory_space<vmem>>
    %dma_start3A_374 = arith.constant 0 : i32
    %dma_start3A_375 = arith.constant 0 : i32
    %dma_start3A_376 = tpu.memref_slice %arg4[%dma_start3A_374, %dma_start3A_375] : memref<4096x64xf32, #tpu.memory_space<hbm>> -> memref<4096x64xf32, #tpu.memory_space<hbm>>
    tpu.enqueue_indirect_dma source(%dma_start3A_376 : memref<4096x64xf32, #tpu.memory_space<hbm>>) target(%arg11 : memref<128x64xf32, #tpu.memory_space<vmem>>) offsets(%dma_start3A_373 : memref<128xi32, #tpu.memory_space<vmem>>) semaphore(%arg18 : memref<!tpu.dma_semaphore, #tpu.memory_space<semaphore_mem>>)
    %dma_start3A_377 = arith.constant 0 : i32
    %dma_start3A_378 = tpu.memref_slice %arg3[%multiple_of3A_369, %dma_start3A_377] : memref<65536x64xf32, #tpu.memory_space<hbm>> -> memref<128x64xf32, #tpu.memory_space<hbm>>
    %dma_start3A_379 = arith.constant 0 : i32
    %dma_start3A_380 = tpu.memref_slice %arg3[%multiple_of3A_369, %dma_start3A_379] : memref<65536x64xf32, #tpu.memory_space<hbm>> -> memref<128x64xf32, #tpu.memory_space<hbm>>
    tpu.enqueue_dma source(%dma_start3A_380 : memref<128x64xf32, #tpu.memory_space<hbm>>) target(%arg13 : memref<128x64xf32, #tpu.memory_space<vmem>>) target_semaphore(%arg19 : memref<!tpu.dma_semaphore, #tpu.memory_space<semaphore_mem>>)
    %dma_wait3A_381 = arith.constant 11 : i32
    %dma_wait3A_382 = arith.constant 0 : i32
    %dma_wait3A_383 = tpu.memref_slice %arg10[%dma_wait3A_381, %dma_wait3A_382] : memref<16x128xi32, #tpu.memory_space<vmem>> -> memref<1x128xi32, #tpu.memory_space<vmem>>
    %dma_wait3A_384 = tpu.memref_squeeze %dma_wait3A_383 : memref<1x128xi32, #tpu.memory_space<vmem>> -> memref<128xi32, #tpu.memory_space<vmem>>
    %dma_wait3A_385 = arith.constant 0 : i32
    %dma_wait3A_386 = arith.constant 0 : i32
    %dma_wait3A_387 = tpu.memref_slice %arg4[%dma_wait3A_385, %dma_wait3A_386] : memref<4096x64xf32, #tpu.memory_space<hbm>> -> memref<4096x64xf32, #tpu.memory_space<hbm>>
    tpu.wait_indirect_dma semaphore(%arg18 : memref<!tpu.dma_semaphore, #tpu.memory_space<semaphore_mem>>) src(%dma_wait3A_387 : memref<4096x64xf32, #tpu.memory_space<hbm>>) dst(%arg12 : memref<128x64xf32, #tpu.memory_space<vmem>>)
    "tpu.region"() ({
      %run_scoped3A_501 = tpu.sem_alloc : memref<!tpu.dma_semaphore, #tpu.memory_space<semaphore_mem>>
      %dma_start3A_502 = arith.constant 0 : i32
      %dma_start3A_503 = tpu.memref_slice %arg7[%multiple_of3A_366, %dma_start3A_502] : memref<65536x64xf32, #tpu.memory_space<hbm>> -> memref<128x64xf32, #tpu.memory_space<hbm>>
      %dma_start3A_504 = arith.constant 0 : i32
      %dma_start3A_505 = tpu.memref_slice %arg7[%multiple_of3A_366, %dma_start3A_504] : memref<65536x64xf32, #tpu.memory_space<hbm>> -> memref<128x64xf32, #tpu.memory_space<hbm>>
      tpu.enqueue_dma source(%arg12 : memref<128x64xf32, #tpu.memory_space<vmem>>) target(%dma_start3A_505 : memref<128x64xf32, #tpu.memory_space<hbm>>) target_semaphore(%run_scoped3A_501 : memref<!tpu.dma_semaphore, #tpu.memory_space<semaphore_mem>>)
      %dma_wait3A_506 = arith.constant 0 : i32
      %dma_wait3A_507 = tpu.memref_slice %arg7[%multiple_of3A_366, %dma_wait3A_506] : memref<65536x64xf32, #tpu.memory_space<hbm>> -> memref<128x64xf32, #tpu.memory_space<hbm>>
      %dma_wait3A_508 = arith.constant 0 : i32
      %dma_wait3A_509 = tpu.memref_slice %arg7[%multiple_of3A_366, %dma_wait3A_508] : memref<65536x64xf32, #tpu.memory_space<hbm>> -> memref<128x64xf32, #tpu.memory_space<hbm>>
      tpu.wait_dma2 semaphore(%run_scoped3A_501 : memref<!tpu.dma_semaphore, #tpu.memory_space<semaphore_mem>>) src(%arg12 : memref<128x64xf32, #tpu.memory_space<vmem>>) dst(%dma_wait3A_509 : memref<128x64xf32, #tpu.memory_space<hbm>>)
      tpu.yield
    }) : () -> ()
    %dma_wait3A_388 = arith.constant 0 : i32
    %dma_wait3A_389 = tpu.memref_slice %arg3[%multiple_of3A_339, %dma_wait3A_388] : memref<65536x64xf32, #tpu.memory_space<hbm>> -> memref<128x64xf32, #tpu.memory_space<hbm>>
    %dma_wait3A_390 = arith.constant 0 : i32
    %dma_wait3A_391 = tpu.memref_slice %arg3[%multiple_of3A_339, %dma_wait3A_390] : memref<65536x64xf32, #tpu.memory_space<hbm>> -> memref<128x64xf32, #tpu.memory_space<hbm>>
    tpu.wait_dma2 semaphore(%arg19 : memref<!tpu.dma_semaphore, #tpu.memory_space<semaphore_mem>>) src(%dma_wait3A_391 : memref<128x64xf32, #tpu.memory_space<hbm>>) dst(%arg14 : memref<128x64xf32, #tpu.memory_space<vmem>>)
    %run_scoped3A_392 = arith.constant 11 : i32
    "tpu.region"() ({
      %run_scoped3A_501 = tpu.sem_alloc : memref<!tpu.dma_semaphore, #tpu.memory_space<semaphore_mem>>
      %dma_start3A_502 = arith.constant 0 : i32
      %dma_start3A_503 = tpu.memref_slice %arg10[%run_scoped3A_392, %dma_start3A_502] : memref<16x128xi32, #tpu.memory_space<vmem>> -> memref<1x128xi32, #tpu.memory_space<vmem>>
      %dma_start3A_504 = tpu.memref_squeeze %dma_start3A_503 : memref<1x128xi32, #tpu.memory_space<vmem>> -> memref<128xi32, #tpu.memory_space<vmem>>
      %dma_start3A_505 = arith.constant 0 : i32
      %dma_start3A_506 = arith.constant 0 : i32
      %dma_start3A_507 = tpu.memref_slice %arg16[%dma_start3A_505, %dma_start3A_506] : memref<4096x64xf32, #tpu.memory_space<vmem_shared>> -> memref<4096x64xf32, #tpu.memory_space<vmem_shared>>
      tpu.enqueue_indirect_dma source(%arg14 : memref<128x64xf32, #tpu.memory_space<vmem>>) target(%dma_start3A_507 : memref<4096x64xf32, #tpu.memory_space<vmem_shared>>) offsets(%dma_start3A_504 : memref<128xi32, #tpu.memory_space<vmem>>) semaphore(%run_scoped3A_501 : memref<!tpu.dma_semaphore, #tpu.memory_space<semaphore_mem>>) {add = true}
      %dma_wait3A_508 = arith.constant 0 : i32
      %dma_wait3A_509 = tpu.memref_slice %arg10[%run_scoped3A_392, %dma_wait3A_508] : memref<16x128xi32, #tpu.memory_space<vmem>> -> memref<1x128xi32, #tpu.memory_space<vmem>>
      %dma_wait3A_510 = tpu.memref_squeeze %dma_wait3A_509 : memref<1x128xi32, #tpu.memory_space<vmem>> -> memref<128xi32, #tpu.memory_space<vmem>>
      %dma_wait3A_511 = arith.constant 0 : i32
      %dma_wait3A_512 = arith.constant 0 : i32
      %dma_wait3A_513 = tpu.memref_slice %arg16[%dma_wait3A_511, %dma_wait3A_512] : memref<4096x64xf32, #tpu.memory_space<vmem_shared>> -> memref<4096x64xf32, #tpu.memory_space<vmem_shared>>
      tpu.wait_indirect_dma semaphore(%run_scoped3A_501 : memref<!tpu.dma_semaphore, #tpu.memory_space<semaphore_mem>>) src(%arg14 : memref<128x64xf32, #tpu.memory_space<vmem>>) dst(%dma_wait3A_513 : memref<4096x64xf32, #tpu.memory_space<vmem_shared>>)
      tpu.yield
    }) : () -> ()
    %run_scoped3A_393 = arith.constant 11 : i32
    "tpu.region"() ({
      %run_scoped3A_501 = tpu.sem_alloc : memref<!tpu.dma_semaphore, #tpu.memory_space<semaphore_mem>>
      %dma_start3A_502 = arith.constant 0 : i32
      %dma_start3A_503 = tpu.memref_slice %arg10[%run_scoped3A_393, %dma_start3A_502] : memref<16x128xi32, #tpu.memory_space<vmem>> -> memref<1x128xi32, #tpu.memory_space<vmem>>
      %dma_start3A_504 = tpu.memref_squeeze %dma_start3A_503 : memref<1x128xi32, #tpu.memory_space<vmem>> -> memref<128xi32, #tpu.memory_space<vmem>>
      %dma_start3A_505 = arith.constant 0 : i32
      %dma_start3A_506 = arith.constant 0 : i32
      %dma_start3A_507 = tpu.memref_slice %arg17[%dma_start3A_505, %dma_start3A_506] : memref<4096x16xf32, #tpu.memory_space<vmem_shared>> -> memref<4096x16xf32, #tpu.memory_space<vmem_shared>>
      tpu.enqueue_indirect_dma source(%arg15 : memref<128x16xf32, #tpu.memory_space<vmem>>) target(%dma_start3A_507 : memref<4096x16xf32, #tpu.memory_space<vmem_shared>>) offsets(%dma_start3A_504 : memref<128xi32, #tpu.memory_space<vmem>>) semaphore(%run_scoped3A_501 : memref<!tpu.dma_semaphore, #tpu.memory_space<semaphore_mem>>) {add = true}
      %dma_wait3A_508 = arith.constant 0 : i32
      %dma_wait3A_509 = tpu.memref_slice %arg10[%run_scoped3A_393, %dma_wait3A_508] : memref<16x128xi32, #tpu.memory_space<vmem>> -> memref<1x128xi32, #tpu.memory_space<vmem>>
      %dma_wait3A_510 = tpu.memref_squeeze %dma_wait3A_509 : memref<1x128xi32, #tpu.memory_space<vmem>> -> memref<128xi32, #tpu.memory_space<vmem>>
      %dma_wait3A_511 = arith.constant 0 : i32
      %dma_wait3A_512 = arith.constant 0 : i32
      %dma_wait3A_513 = tpu.memref_slice %arg17[%dma_wait3A_511, %dma_wait3A_512] : memref<4096x16xf32, #tpu.memory_space<vmem_shared>> -> memref<4096x16xf32, #tpu.memory_space<vmem_shared>>
      tpu.wait_indirect_dma semaphore(%run_scoped3A_501 : memref<!tpu.dma_semaphore, #tpu.memory_space<semaphore_mem>>) src(%arg15 : memref<128x16xf32, #tpu.memory_space<vmem>>) dst(%dma_wait3A_513 : memref<4096x16xf32, #tpu.memory_space<vmem_shared>>)
      tpu.yield
    }) : () -> ()
    %add3A_394 = arith.constant 1536 : i32
    %add3A_395 = arith.addi %add3A_7, %add3A_394 : i32
    %multiple_of3A_396 = tpu.assume_multiple %add3A_395, 8 : i32
    %add3A_397 = arith.constant 1664 : i32
    %add3A_398 = arith.addi %add3A_7, %add3A_397 : i32
    %multiple_of3A_399 = tpu.assume_multiple %add3A_398, 8 : i32
    %dma_start3A_400 = arith.constant 13 : i32
    %dma_start3A_401 = arith.constant 0 : i32
    %dma_start3A_402 = tpu.memref_slice %arg10[%dma_start3A_400, %dma_start3A_401] : memref<16x128xi32, #tpu.memory_space<vmem>> -> memref<1x128xi32, #tpu.memory_space<vmem>>
    %dma_start3A_403 = tpu.memref_squeeze %dma_start3A_402 : memref<1x128xi32, #tpu.memory_space<vmem>> -> memref<128xi32, #tpu.memory_space<vmem>>
    %dma_start3A_404 = arith.constant 0 : i32
    %dma_start3A_405 = arith.constant 0 : i32
    %dma_start3A_406 = tpu.memref_slice %arg4[%dma_start3A_404, %dma_start3A_405] : memref<4096x64xf32, #tpu.memory_space<hbm>> -> memref<4096x64xf32, #tpu.memory_space<hbm>>
    tpu.enqueue_indirect_dma source(%dma_start3A_406 : memref<4096x64xf32, #tpu.memory_space<hbm>>) target(%arg12 : memref<128x64xf32, #tpu.memory_space<vmem>>) offsets(%dma_start3A_403 : memref<128xi32, #tpu.memory_space<vmem>>) semaphore(%arg18 : memref<!tpu.dma_semaphore, #tpu.memory_space<semaphore_mem>>)
    %dma_start3A_407 = arith.constant 0 : i32
    %dma_start3A_408 = tpu.memref_slice %arg3[%multiple_of3A_399, %dma_start3A_407] : memref<65536x64xf32, #tpu.memory_space<hbm>> -> memref<128x64xf32, #tpu.memory_space<hbm>>
    %dma_start3A_409 = arith.constant 0 : i32
    %dma_start3A_410 = tpu.memref_slice %arg3[%multiple_of3A_399, %dma_start3A_409] : memref<65536x64xf32, #tpu.memory_space<hbm>> -> memref<128x64xf32, #tpu.memory_space<hbm>>
    tpu.enqueue_dma source(%dma_start3A_410 : memref<128x64xf32, #tpu.memory_space<hbm>>) target(%arg14 : memref<128x64xf32, #tpu.memory_space<vmem>>) target_semaphore(%arg19 : memref<!tpu.dma_semaphore, #tpu.memory_space<semaphore_mem>>)
    %dma_wait3A_411 = arith.constant 12 : i32
    %dma_wait3A_412 = arith.constant 0 : i32
    %dma_wait3A_413 = tpu.memref_slice %arg10[%dma_wait3A_411, %dma_wait3A_412] : memref<16x128xi32, #tpu.memory_space<vmem>> -> memref<1x128xi32, #tpu.memory_space<vmem>>
    %dma_wait3A_414 = tpu.memref_squeeze %dma_wait3A_413 : memref<1x128xi32, #tpu.memory_space<vmem>> -> memref<128xi32, #tpu.memory_space<vmem>>
    %dma_wait3A_415 = arith.constant 0 : i32
    %dma_wait3A_416 = arith.constant 0 : i32
    %dma_wait3A_417 = tpu.memref_slice %arg4[%dma_wait3A_415, %dma_wait3A_416] : memref<4096x64xf32, #tpu.memory_space<hbm>> -> memref<4096x64xf32, #tpu.memory_space<hbm>>
    tpu.wait_indirect_dma semaphore(%arg18 : memref<!tpu.dma_semaphore, #tpu.memory_space<semaphore_mem>>) src(%dma_wait3A_417 : memref<4096x64xf32, #tpu.memory_space<hbm>>) dst(%arg11 : memref<128x64xf32, #tpu.memory_space<vmem>>)
    "tpu.region"() ({
      %run_scoped3A_501 = tpu.sem_alloc : memref<!tpu.dma_semaphore, #tpu.memory_space<semaphore_mem>>
      %dma_start3A_502 = arith.constant 0 : i32
      %dma_start3A_503 = tpu.memref_slice %arg7[%multiple_of3A_396, %dma_start3A_502] : memref<65536x64xf32, #tpu.memory_space<hbm>> -> memref<128x64xf32, #tpu.memory_space<hbm>>
      %dma_start3A_504 = arith.constant 0 : i32
      %dma_start3A_505 = tpu.memref_slice %arg7[%multiple_of3A_396, %dma_start3A_504] : memref<65536x64xf32, #tpu.memory_space<hbm>> -> memref<128x64xf32, #tpu.memory_space<hbm>>
      tpu.enqueue_dma source(%arg11 : memref<128x64xf32, #tpu.memory_space<vmem>>) target(%dma_start3A_505 : memref<128x64xf32, #tpu.memory_space<hbm>>) target_semaphore(%run_scoped3A_501 : memref<!tpu.dma_semaphore, #tpu.memory_space<semaphore_mem>>)
      %dma_wait3A_506 = arith.constant 0 : i32
      %dma_wait3A_507 = tpu.memref_slice %arg7[%multiple_of3A_396, %dma_wait3A_506] : memref<65536x64xf32, #tpu.memory_space<hbm>> -> memref<128x64xf32, #tpu.memory_space<hbm>>
      %dma_wait3A_508 = arith.constant 0 : i32
      %dma_wait3A_509 = tpu.memref_slice %arg7[%multiple_of3A_396, %dma_wait3A_508] : memref<65536x64xf32, #tpu.memory_space<hbm>> -> memref<128x64xf32, #tpu.memory_space<hbm>>
      tpu.wait_dma2 semaphore(%run_scoped3A_501 : memref<!tpu.dma_semaphore, #tpu.memory_space<semaphore_mem>>) src(%arg11 : memref<128x64xf32, #tpu.memory_space<vmem>>) dst(%dma_wait3A_509 : memref<128x64xf32, #tpu.memory_space<hbm>>)
      tpu.yield
    }) : () -> ()
    %dma_wait3A_418 = arith.constant 0 : i32
    %dma_wait3A_419 = tpu.memref_slice %arg3[%multiple_of3A_369, %dma_wait3A_418] : memref<65536x64xf32, #tpu.memory_space<hbm>> -> memref<128x64xf32, #tpu.memory_space<hbm>>
    %dma_wait3A_420 = arith.constant 0 : i32
    %dma_wait3A_421 = tpu.memref_slice %arg3[%multiple_of3A_369, %dma_wait3A_420] : memref<65536x64xf32, #tpu.memory_space<hbm>> -> memref<128x64xf32, #tpu.memory_space<hbm>>
    tpu.wait_dma2 semaphore(%arg19 : memref<!tpu.dma_semaphore, #tpu.memory_space<semaphore_mem>>) src(%dma_wait3A_421 : memref<128x64xf32, #tpu.memory_space<hbm>>) dst(%arg13 : memref<128x64xf32, #tpu.memory_space<vmem>>)
    %run_scoped3A_422 = arith.constant 12 : i32
    "tpu.region"() ({
      %run_scoped3A_501 = tpu.sem_alloc : memref<!tpu.dma_semaphore, #tpu.memory_space<semaphore_mem>>
      %dma_start3A_502 = arith.constant 0 : i32
      %dma_start3A_503 = tpu.memref_slice %arg10[%run_scoped3A_422, %dma_start3A_502] : memref<16x128xi32, #tpu.memory_space<vmem>> -> memref<1x128xi32, #tpu.memory_space<vmem>>
      %dma_start3A_504 = tpu.memref_squeeze %dma_start3A_503 : memref<1x128xi32, #tpu.memory_space<vmem>> -> memref<128xi32, #tpu.memory_space<vmem>>
      %dma_start3A_505 = arith.constant 0 : i32
      %dma_start3A_506 = arith.constant 0 : i32
      %dma_start3A_507 = tpu.memref_slice %arg16[%dma_start3A_505, %dma_start3A_506] : memref<4096x64xf32, #tpu.memory_space<vmem_shared>> -> memref<4096x64xf32, #tpu.memory_space<vmem_shared>>
      tpu.enqueue_indirect_dma source(%arg13 : memref<128x64xf32, #tpu.memory_space<vmem>>) target(%dma_start3A_507 : memref<4096x64xf32, #tpu.memory_space<vmem_shared>>) offsets(%dma_start3A_504 : memref<128xi32, #tpu.memory_space<vmem>>) semaphore(%run_scoped3A_501 : memref<!tpu.dma_semaphore, #tpu.memory_space<semaphore_mem>>) {add = true}
      %dma_wait3A_508 = arith.constant 0 : i32
      %dma_wait3A_509 = tpu.memref_slice %arg10[%run_scoped3A_422, %dma_wait3A_508] : memref<16x128xi32, #tpu.memory_space<vmem>> -> memref<1x128xi32, #tpu.memory_space<vmem>>
      %dma_wait3A_510 = tpu.memref_squeeze %dma_wait3A_509 : memref<1x128xi32, #tpu.memory_space<vmem>> -> memref<128xi32, #tpu.memory_space<vmem>>
      %dma_wait3A_511 = arith.constant 0 : i32
      %dma_wait3A_512 = arith.constant 0 : i32
      %dma_wait3A_513 = tpu.memref_slice %arg16[%dma_wait3A_511, %dma_wait3A_512] : memref<4096x64xf32, #tpu.memory_space<vmem_shared>> -> memref<4096x64xf32, #tpu.memory_space<vmem_shared>>
      tpu.wait_indirect_dma semaphore(%run_scoped3A_501 : memref<!tpu.dma_semaphore, #tpu.memory_space<semaphore_mem>>) src(%arg13 : memref<128x64xf32, #tpu.memory_space<vmem>>) dst(%dma_wait3A_513 : memref<4096x64xf32, #tpu.memory_space<vmem_shared>>)
      tpu.yield
    }) : () -> ()
    %run_scoped3A_423 = arith.constant 12 : i32
    "tpu.region"() ({
      %run_scoped3A_501 = tpu.sem_alloc : memref<!tpu.dma_semaphore, #tpu.memory_space<semaphore_mem>>
      %dma_start3A_502 = arith.constant 0 : i32
      %dma_start3A_503 = tpu.memref_slice %arg10[%run_scoped3A_423, %dma_start3A_502] : memref<16x128xi32, #tpu.memory_space<vmem>> -> memref<1x128xi32, #tpu.memory_space<vmem>>
      %dma_start3A_504 = tpu.memref_squeeze %dma_start3A_503 : memref<1x128xi32, #tpu.memory_space<vmem>> -> memref<128xi32, #tpu.memory_space<vmem>>
      %dma_start3A_505 = arith.constant 0 : i32
      %dma_start3A_506 = arith.constant 0 : i32
      %dma_start3A_507 = tpu.memref_slice %arg17[%dma_start3A_505, %dma_start3A_506] : memref<4096x16xf32, #tpu.memory_space<vmem_shared>> -> memref<4096x16xf32, #tpu.memory_space<vmem_shared>>
      tpu.enqueue_indirect_dma source(%arg15 : memref<128x16xf32, #tpu.memory_space<vmem>>) target(%dma_start3A_507 : memref<4096x16xf32, #tpu.memory_space<vmem_shared>>) offsets(%dma_start3A_504 : memref<128xi32, #tpu.memory_space<vmem>>) semaphore(%run_scoped3A_501 : memref<!tpu.dma_semaphore, #tpu.memory_space<semaphore_mem>>) {add = true}
      %dma_wait3A_508 = arith.constant 0 : i32
      %dma_wait3A_509 = tpu.memref_slice %arg10[%run_scoped3A_423, %dma_wait3A_508] : memref<16x128xi32, #tpu.memory_space<vmem>> -> memref<1x128xi32, #tpu.memory_space<vmem>>
      %dma_wait3A_510 = tpu.memref_squeeze %dma_wait3A_509 : memref<1x128xi32, #tpu.memory_space<vmem>> -> memref<128xi32, #tpu.memory_space<vmem>>
      %dma_wait3A_511 = arith.constant 0 : i32
      %dma_wait3A_512 = arith.constant 0 : i32
      %dma_wait3A_513 = tpu.memref_slice %arg17[%dma_wait3A_511, %dma_wait3A_512] : memref<4096x16xf32, #tpu.memory_space<vmem_shared>> -> memref<4096x16xf32, #tpu.memory_space<vmem_shared>>
      tpu.wait_indirect_dma semaphore(%run_scoped3A_501 : memref<!tpu.dma_semaphore, #tpu.memory_space<semaphore_mem>>) src(%arg15 : memref<128x16xf32, #tpu.memory_space<vmem>>) dst(%dma_wait3A_513 : memref<4096x16xf32, #tpu.memory_space<vmem_shared>>)
      tpu.yield
    }) : () -> ()
    %add3A_424 = arith.constant 1664 : i32
    %add3A_425 = arith.addi %add3A_7, %add3A_424 : i32
    %multiple_of3A_426 = tpu.assume_multiple %add3A_425, 8 : i32
    %add3A_427 = arith.constant 1792 : i32
    %add3A_428 = arith.addi %add3A_7, %add3A_427 : i32
    %multiple_of3A_429 = tpu.assume_multiple %add3A_428, 8 : i32
    %dma_start3A_430 = arith.constant 14 : i32
    %dma_start3A_431 = arith.constant 0 : i32
    %dma_start3A_432 = tpu.memref_slice %arg10[%dma_start3A_430, %dma_start3A_431] : memref<16x128xi32, #tpu.memory_space<vmem>> -> memref<1x128xi32, #tpu.memory_space<vmem>>
    %dma_start3A_433 = tpu.memref_squeeze %dma_start3A_432 : memref<1x128xi32, #tpu.memory_space<vmem>> -> memref<128xi32, #tpu.memory_space<vmem>>
    %dma_start3A_434 = arith.constant 0 : i32
    %dma_start3A_435 = arith.constant 0 : i32
    %dma_start3A_436 = tpu.memref_slice %arg4[%dma_start3A_434, %dma_start3A_435] : memref<4096x64xf32, #tpu.memory_space<hbm>> -> memref<4096x64xf32, #tpu.memory_space<hbm>>
    tpu.enqueue_indirect_dma source(%dma_start3A_436 : memref<4096x64xf32, #tpu.memory_space<hbm>>) target(%arg11 : memref<128x64xf32, #tpu.memory_space<vmem>>) offsets(%dma_start3A_433 : memref<128xi32, #tpu.memory_space<vmem>>) semaphore(%arg18 : memref<!tpu.dma_semaphore, #tpu.memory_space<semaphore_mem>>)
    %dma_start3A_437 = arith.constant 0 : i32
    %dma_start3A_438 = tpu.memref_slice %arg3[%multiple_of3A_429, %dma_start3A_437] : memref<65536x64xf32, #tpu.memory_space<hbm>> -> memref<128x64xf32, #tpu.memory_space<hbm>>
    %dma_start3A_439 = arith.constant 0 : i32
    %dma_start3A_440 = tpu.memref_slice %arg3[%multiple_of3A_429, %dma_start3A_439] : memref<65536x64xf32, #tpu.memory_space<hbm>> -> memref<128x64xf32, #tpu.memory_space<hbm>>
    tpu.enqueue_dma source(%dma_start3A_440 : memref<128x64xf32, #tpu.memory_space<hbm>>) target(%arg13 : memref<128x64xf32, #tpu.memory_space<vmem>>) target_semaphore(%arg19 : memref<!tpu.dma_semaphore, #tpu.memory_space<semaphore_mem>>)
    %dma_wait3A_441 = arith.constant 13 : i32
    %dma_wait3A_442 = arith.constant 0 : i32
    %dma_wait3A_443 = tpu.memref_slice %arg10[%dma_wait3A_441, %dma_wait3A_442] : memref<16x128xi32, #tpu.memory_space<vmem>> -> memref<1x128xi32, #tpu.memory_space<vmem>>
    %dma_wait3A_444 = tpu.memref_squeeze %dma_wait3A_443 : memref<1x128xi32, #tpu.memory_space<vmem>> -> memref<128xi32, #tpu.memory_space<vmem>>
    %dma_wait3A_445 = arith.constant 0 : i32
    %dma_wait3A_446 = arith.constant 0 : i32
    %dma_wait3A_447 = tpu.memref_slice %arg4[%dma_wait3A_445, %dma_wait3A_446] : memref<4096x64xf32, #tpu.memory_space<hbm>> -> memref<4096x64xf32, #tpu.memory_space<hbm>>
    tpu.wait_indirect_dma semaphore(%arg18 : memref<!tpu.dma_semaphore, #tpu.memory_space<semaphore_mem>>) src(%dma_wait3A_447 : memref<4096x64xf32, #tpu.memory_space<hbm>>) dst(%arg12 : memref<128x64xf32, #tpu.memory_space<vmem>>)
    "tpu.region"() ({
      %run_scoped3A_501 = tpu.sem_alloc : memref<!tpu.dma_semaphore, #tpu.memory_space<semaphore_mem>>
      %dma_start3A_502 = arith.constant 0 : i32
      %dma_start3A_503 = tpu.memref_slice %arg7[%multiple_of3A_426, %dma_start3A_502] : memref<65536x64xf32, #tpu.memory_space<hbm>> -> memref<128x64xf32, #tpu.memory_space<hbm>>
      %dma_start3A_504 = arith.constant 0 : i32
      %dma_start3A_505 = tpu.memref_slice %arg7[%multiple_of3A_426, %dma_start3A_504] : memref<65536x64xf32, #tpu.memory_space<hbm>> -> memref<128x64xf32, #tpu.memory_space<hbm>>
      tpu.enqueue_dma source(%arg12 : memref<128x64xf32, #tpu.memory_space<vmem>>) target(%dma_start3A_505 : memref<128x64xf32, #tpu.memory_space<hbm>>) target_semaphore(%run_scoped3A_501 : memref<!tpu.dma_semaphore, #tpu.memory_space<semaphore_mem>>)
      %dma_wait3A_506 = arith.constant 0 : i32
      %dma_wait3A_507 = tpu.memref_slice %arg7[%multiple_of3A_426, %dma_wait3A_506] : memref<65536x64xf32, #tpu.memory_space<hbm>> -> memref<128x64xf32, #tpu.memory_space<hbm>>
      %dma_wait3A_508 = arith.constant 0 : i32
      %dma_wait3A_509 = tpu.memref_slice %arg7[%multiple_of3A_426, %dma_wait3A_508] : memref<65536x64xf32, #tpu.memory_space<hbm>> -> memref<128x64xf32, #tpu.memory_space<hbm>>
      tpu.wait_dma2 semaphore(%run_scoped3A_501 : memref<!tpu.dma_semaphore, #tpu.memory_space<semaphore_mem>>) src(%arg12 : memref<128x64xf32, #tpu.memory_space<vmem>>) dst(%dma_wait3A_509 : memref<128x64xf32, #tpu.memory_space<hbm>>)
      tpu.yield
    }) : () -> ()
    %dma_wait3A_448 = arith.constant 0 : i32
    %dma_wait3A_449 = tpu.memref_slice %arg3[%multiple_of3A_399, %dma_wait3A_448] : memref<65536x64xf32, #tpu.memory_space<hbm>> -> memref<128x64xf32, #tpu.memory_space<hbm>>
    %dma_wait3A_450 = arith.constant 0 : i32
    %dma_wait3A_451 = tpu.memref_slice %arg3[%multiple_of3A_399, %dma_wait3A_450] : memref<65536x64xf32, #tpu.memory_space<hbm>> -> memref<128x64xf32, #tpu.memory_space<hbm>>
    tpu.wait_dma2 semaphore(%arg19 : memref<!tpu.dma_semaphore, #tpu.memory_space<semaphore_mem>>) src(%dma_wait3A_451 : memref<128x64xf32, #tpu.memory_space<hbm>>) dst(%arg14 : memref<128x64xf32, #tpu.memory_space<vmem>>)
    %run_scoped3A_452 = arith.constant 13 : i32
    "tpu.region"() ({
      %run_scoped3A_501 = tpu.sem_alloc : memref<!tpu.dma_semaphore, #tpu.memory_space<semaphore_mem>>
      %dma_start3A_502 = arith.constant 0 : i32
      %dma_start3A_503 = tpu.memref_slice %arg10[%run_scoped3A_452, %dma_start3A_502] : memref<16x128xi32, #tpu.memory_space<vmem>> -> memref<1x128xi32, #tpu.memory_space<vmem>>
      %dma_start3A_504 = tpu.memref_squeeze %dma_start3A_503 : memref<1x128xi32, #tpu.memory_space<vmem>> -> memref<128xi32, #tpu.memory_space<vmem>>
      %dma_start3A_505 = arith.constant 0 : i32
      %dma_start3A_506 = arith.constant 0 : i32
      %dma_start3A_507 = tpu.memref_slice %arg16[%dma_start3A_505, %dma_start3A_506] : memref<4096x64xf32, #tpu.memory_space<vmem_shared>> -> memref<4096x64xf32, #tpu.memory_space<vmem_shared>>
      tpu.enqueue_indirect_dma source(%arg14 : memref<128x64xf32, #tpu.memory_space<vmem>>) target(%dma_start3A_507 : memref<4096x64xf32, #tpu.memory_space<vmem_shared>>) offsets(%dma_start3A_504 : memref<128xi32, #tpu.memory_space<vmem>>) semaphore(%run_scoped3A_501 : memref<!tpu.dma_semaphore, #tpu.memory_space<semaphore_mem>>) {add = true}
      %dma_wait3A_508 = arith.constant 0 : i32
      %dma_wait3A_509 = tpu.memref_slice %arg10[%run_scoped3A_452, %dma_wait3A_508] : memref<16x128xi32, #tpu.memory_space<vmem>> -> memref<1x128xi32, #tpu.memory_space<vmem>>
      %dma_wait3A_510 = tpu.memref_squeeze %dma_wait3A_509 : memref<1x128xi32, #tpu.memory_space<vmem>> -> memref<128xi32, #tpu.memory_space<vmem>>
      %dma_wait3A_511 = arith.constant 0 : i32
      %dma_wait3A_512 = arith.constant 0 : i32
      %dma_wait3A_513 = tpu.memref_slice %arg16[%dma_wait3A_511, %dma_wait3A_512] : memref<4096x64xf32, #tpu.memory_space<vmem_shared>> -> memref<4096x64xf32, #tpu.memory_space<vmem_shared>>
      tpu.wait_indirect_dma semaphore(%run_scoped3A_501 : memref<!tpu.dma_semaphore, #tpu.memory_space<semaphore_mem>>) src(%arg14 : memref<128x64xf32, #tpu.memory_space<vmem>>) dst(%dma_wait3A_513 : memref<4096x64xf32, #tpu.memory_space<vmem_shared>>)
      tpu.yield
    }) : () -> ()
    %run_scoped3A_453 = arith.constant 13 : i32
    "tpu.region"() ({
      %run_scoped3A_501 = tpu.sem_alloc : memref<!tpu.dma_semaphore, #tpu.memory_space<semaphore_mem>>
      %dma_start3A_502 = arith.constant 0 : i32
      %dma_start3A_503 = tpu.memref_slice %arg10[%run_scoped3A_453, %dma_start3A_502] : memref<16x128xi32, #tpu.memory_space<vmem>> -> memref<1x128xi32, #tpu.memory_space<vmem>>
      %dma_start3A_504 = tpu.memref_squeeze %dma_start3A_503 : memref<1x128xi32, #tpu.memory_space<vmem>> -> memref<128xi32, #tpu.memory_space<vmem>>
      %dma_start3A_505 = arith.constant 0 : i32
      %dma_start3A_506 = arith.constant 0 : i32
      %dma_start3A_507 = tpu.memref_slice %arg17[%dma_start3A_505, %dma_start3A_506] : memref<4096x16xf32, #tpu.memory_space<vmem_shared>> -> memref<4096x16xf32, #tpu.memory_space<vmem_shared>>
      tpu.enqueue_indirect_dma source(%arg15 : memref<128x16xf32, #tpu.memory_space<vmem>>) target(%dma_start3A_507 : memref<4096x16xf32, #tpu.memory_space<vmem_shared>>) offsets(%dma_start3A_504 : memref<128xi32, #tpu.memory_space<vmem>>) semaphore(%run_scoped3A_501 : memref<!tpu.dma_semaphore, #tpu.memory_space<semaphore_mem>>) {add = true}
      %dma_wait3A_508 = arith.constant 0 : i32
      %dma_wait3A_509 = tpu.memref_slice %arg10[%run_scoped3A_453, %dma_wait3A_508] : memref<16x128xi32, #tpu.memory_space<vmem>> -> memref<1x128xi32, #tpu.memory_space<vmem>>
      %dma_wait3A_510 = tpu.memref_squeeze %dma_wait3A_509 : memref<1x128xi32, #tpu.memory_space<vmem>> -> memref<128xi32, #tpu.memory_space<vmem>>
      %dma_wait3A_511 = arith.constant 0 : i32
      %dma_wait3A_512 = arith.constant 0 : i32
      %dma_wait3A_513 = tpu.memref_slice %arg17[%dma_wait3A_511, %dma_wait3A_512] : memref<4096x16xf32, #tpu.memory_space<vmem_shared>> -> memref<4096x16xf32, #tpu.memory_space<vmem_shared>>
      tpu.wait_indirect_dma semaphore(%run_scoped3A_501 : memref<!tpu.dma_semaphore, #tpu.memory_space<semaphore_mem>>) src(%arg15 : memref<128x16xf32, #tpu.memory_space<vmem>>) dst(%dma_wait3A_513 : memref<4096x16xf32, #tpu.memory_space<vmem_shared>>)
      tpu.yield
    }) : () -> ()
    %add3A_454 = arith.constant 1792 : i32
    %add3A_455 = arith.addi %add3A_7, %add3A_454 : i32
    %multiple_of3A_456 = tpu.assume_multiple %add3A_455, 8 : i32
    %add3A_457 = arith.constant 1920 : i32
    %add3A_458 = arith.addi %add3A_7, %add3A_457 : i32
    %multiple_of3A_459 = tpu.assume_multiple %add3A_458, 8 : i32
    %dma_start3A_460 = arith.constant 15 : i32
    %dma_start3A_461 = arith.constant 0 : i32
    %dma_start3A_462 = tpu.memref_slice %arg10[%dma_start3A_460, %dma_start3A_461] : memref<16x128xi32, #tpu.memory_space<vmem>> -> memref<1x128xi32, #tpu.memory_space<vmem>>
    %dma_start3A_463 = tpu.memref_squeeze %dma_start3A_462 : memref<1x128xi32, #tpu.memory_space<vmem>> -> memref<128xi32, #tpu.memory_space<vmem>>
    %dma_start3A_464 = arith.constant 0 : i32
    %dma_start3A_465 = arith.constant 0 : i32
    %dma_start3A_466 = tpu.memref_slice %arg4[%dma_start3A_464, %dma_start3A_465] : memref<4096x64xf32, #tpu.memory_space<hbm>> -> memref<4096x64xf32, #tpu.memory_space<hbm>>
    tpu.enqueue_indirect_dma source(%dma_start3A_466 : memref<4096x64xf32, #tpu.memory_space<hbm>>) target(%arg12 : memref<128x64xf32, #tpu.memory_space<vmem>>) offsets(%dma_start3A_463 : memref<128xi32, #tpu.memory_space<vmem>>) semaphore(%arg18 : memref<!tpu.dma_semaphore, #tpu.memory_space<semaphore_mem>>)
    %dma_start3A_467 = arith.constant 0 : i32
    %dma_start3A_468 = tpu.memref_slice %arg3[%multiple_of3A_459, %dma_start3A_467] : memref<65536x64xf32, #tpu.memory_space<hbm>> -> memref<128x64xf32, #tpu.memory_space<hbm>>
    %dma_start3A_469 = arith.constant 0 : i32
    %dma_start3A_470 = tpu.memref_slice %arg3[%multiple_of3A_459, %dma_start3A_469] : memref<65536x64xf32, #tpu.memory_space<hbm>> -> memref<128x64xf32, #tpu.memory_space<hbm>>
    tpu.enqueue_dma source(%dma_start3A_470 : memref<128x64xf32, #tpu.memory_space<hbm>>) target(%arg14 : memref<128x64xf32, #tpu.memory_space<vmem>>) target_semaphore(%arg19 : memref<!tpu.dma_semaphore, #tpu.memory_space<semaphore_mem>>)
    %dma_wait3A_471 = arith.constant 14 : i32
    %dma_wait3A_472 = arith.constant 0 : i32
    %dma_wait3A_473 = tpu.memref_slice %arg10[%dma_wait3A_471, %dma_wait3A_472] : memref<16x128xi32, #tpu.memory_space<vmem>> -> memref<1x128xi32, #tpu.memory_space<vmem>>
    %dma_wait3A_474 = tpu.memref_squeeze %dma_wait3A_473 : memref<1x128xi32, #tpu.memory_space<vmem>> -> memref<128xi32, #tpu.memory_space<vmem>>
    %dma_wait3A_475 = arith.constant 0 : i32
    %dma_wait3A_476 = arith.constant 0 : i32
    %dma_wait3A_477 = tpu.memref_slice %arg4[%dma_wait3A_475, %dma_wait3A_476] : memref<4096x64xf32, #tpu.memory_space<hbm>> -> memref<4096x64xf32, #tpu.memory_space<hbm>>
    tpu.wait_indirect_dma semaphore(%arg18 : memref<!tpu.dma_semaphore, #tpu.memory_space<semaphore_mem>>) src(%dma_wait3A_477 : memref<4096x64xf32, #tpu.memory_space<hbm>>) dst(%arg11 : memref<128x64xf32, #tpu.memory_space<vmem>>)
    "tpu.region"() ({
      %run_scoped3A_501 = tpu.sem_alloc : memref<!tpu.dma_semaphore, #tpu.memory_space<semaphore_mem>>
      %dma_start3A_502 = arith.constant 0 : i32
      %dma_start3A_503 = tpu.memref_slice %arg7[%multiple_of3A_456, %dma_start3A_502] : memref<65536x64xf32, #tpu.memory_space<hbm>> -> memref<128x64xf32, #tpu.memory_space<hbm>>
      %dma_start3A_504 = arith.constant 0 : i32
      %dma_start3A_505 = tpu.memref_slice %arg7[%multiple_of3A_456, %dma_start3A_504] : memref<65536x64xf32, #tpu.memory_space<hbm>> -> memref<128x64xf32, #tpu.memory_space<hbm>>
      tpu.enqueue_dma source(%arg11 : memref<128x64xf32, #tpu.memory_space<vmem>>) target(%dma_start3A_505 : memref<128x64xf32, #tpu.memory_space<hbm>>) target_semaphore(%run_scoped3A_501 : memref<!tpu.dma_semaphore, #tpu.memory_space<semaphore_mem>>)
      %dma_wait3A_506 = arith.constant 0 : i32
      %dma_wait3A_507 = tpu.memref_slice %arg7[%multiple_of3A_456, %dma_wait3A_506] : memref<65536x64xf32, #tpu.memory_space<hbm>> -> memref<128x64xf32, #tpu.memory_space<hbm>>
      %dma_wait3A_508 = arith.constant 0 : i32
      %dma_wait3A_509 = tpu.memref_slice %arg7[%multiple_of3A_456, %dma_wait3A_508] : memref<65536x64xf32, #tpu.memory_space<hbm>> -> memref<128x64xf32, #tpu.memory_space<hbm>>
      tpu.wait_dma2 semaphore(%run_scoped3A_501 : memref<!tpu.dma_semaphore, #tpu.memory_space<semaphore_mem>>) src(%arg11 : memref<128x64xf32, #tpu.memory_space<vmem>>) dst(%dma_wait3A_509 : memref<128x64xf32, #tpu.memory_space<hbm>>)
      tpu.yield
    }) : () -> ()
    %dma_wait3A_478 = arith.constant 0 : i32
    %dma_wait3A_479 = tpu.memref_slice %arg3[%multiple_of3A_429, %dma_wait3A_478] : memref<65536x64xf32, #tpu.memory_space<hbm>> -> memref<128x64xf32, #tpu.memory_space<hbm>>
    %dma_wait3A_480 = arith.constant 0 : i32
    %dma_wait3A_481 = tpu.memref_slice %arg3[%multiple_of3A_429, %dma_wait3A_480] : memref<65536x64xf32, #tpu.memory_space<hbm>> -> memref<128x64xf32, #tpu.memory_space<hbm>>
    tpu.wait_dma2 semaphore(%arg19 : memref<!tpu.dma_semaphore, #tpu.memory_space<semaphore_mem>>) src(%dma_wait3A_481 : memref<128x64xf32, #tpu.memory_space<hbm>>) dst(%arg13 : memref<128x64xf32, #tpu.memory_space<vmem>>)
    %run_scoped3A_482 = arith.constant 14 : i32
    "tpu.region"() ({
      %run_scoped3A_501 = tpu.sem_alloc : memref<!tpu.dma_semaphore, #tpu.memory_space<semaphore_mem>>
      %dma_start3A_502 = arith.constant 0 : i32
      %dma_start3A_503 = tpu.memref_slice %arg10[%run_scoped3A_482, %dma_start3A_502] : memref<16x128xi32, #tpu.memory_space<vmem>> -> memref<1x128xi32, #tpu.memory_space<vmem>>
      %dma_start3A_504 = tpu.memref_squeeze %dma_start3A_503 : memref<1x128xi32, #tpu.memory_space<vmem>> -> memref<128xi32, #tpu.memory_space<vmem>>
      %dma_start3A_505 = arith.constant 0 : i32
      %dma_start3A_506 = arith.constant 0 : i32
      %dma_start3A_507 = tpu.memref_slice %arg16[%dma_start3A_505, %dma_start3A_506] : memref<4096x64xf32, #tpu.memory_space<vmem_shared>> -> memref<4096x64xf32, #tpu.memory_space<vmem_shared>>
      tpu.enqueue_indirect_dma source(%arg13 : memref<128x64xf32, #tpu.memory_space<vmem>>) target(%dma_start3A_507 : memref<4096x64xf32, #tpu.memory_space<vmem_shared>>) offsets(%dma_start3A_504 : memref<128xi32, #tpu.memory_space<vmem>>) semaphore(%run_scoped3A_501 : memref<!tpu.dma_semaphore, #tpu.memory_space<semaphore_mem>>) {add = true}
      %dma_wait3A_508 = arith.constant 0 : i32
      %dma_wait3A_509 = tpu.memref_slice %arg10[%run_scoped3A_482, %dma_wait3A_508] : memref<16x128xi32, #tpu.memory_space<vmem>> -> memref<1x128xi32, #tpu.memory_space<vmem>>
      %dma_wait3A_510 = tpu.memref_squeeze %dma_wait3A_509 : memref<1x128xi32, #tpu.memory_space<vmem>> -> memref<128xi32, #tpu.memory_space<vmem>>
      %dma_wait3A_511 = arith.constant 0 : i32
      %dma_wait3A_512 = arith.constant 0 : i32
      %dma_wait3A_513 = tpu.memref_slice %arg16[%dma_wait3A_511, %dma_wait3A_512] : memref<4096x64xf32, #tpu.memory_space<vmem_shared>> -> memref<4096x64xf32, #tpu.memory_space<vmem_shared>>
      tpu.wait_indirect_dma semaphore(%run_scoped3A_501 : memref<!tpu.dma_semaphore, #tpu.memory_space<semaphore_mem>>) src(%arg13 : memref<128x64xf32, #tpu.memory_space<vmem>>) dst(%dma_wait3A_513 : memref<4096x64xf32, #tpu.memory_space<vmem_shared>>)
      tpu.yield
    }) : () -> ()
    %run_scoped3A_483 = arith.constant 14 : i32
    "tpu.region"() ({
      %run_scoped3A_501 = tpu.sem_alloc : memref<!tpu.dma_semaphore, #tpu.memory_space<semaphore_mem>>
      %dma_start3A_502 = arith.constant 0 : i32
      %dma_start3A_503 = tpu.memref_slice %arg10[%run_scoped3A_483, %dma_start3A_502] : memref<16x128xi32, #tpu.memory_space<vmem>> -> memref<1x128xi32, #tpu.memory_space<vmem>>
      %dma_start3A_504 = tpu.memref_squeeze %dma_start3A_503 : memref<1x128xi32, #tpu.memory_space<vmem>> -> memref<128xi32, #tpu.memory_space<vmem>>
      %dma_start3A_505 = arith.constant 0 : i32
      %dma_start3A_506 = arith.constant 0 : i32
      %dma_start3A_507 = tpu.memref_slice %arg17[%dma_start3A_505, %dma_start3A_506] : memref<4096x16xf32, #tpu.memory_space<vmem_shared>> -> memref<4096x16xf32, #tpu.memory_space<vmem_shared>>
      tpu.enqueue_indirect_dma source(%arg15 : memref<128x16xf32, #tpu.memory_space<vmem>>) target(%dma_start3A_507 : memref<4096x16xf32, #tpu.memory_space<vmem_shared>>) offsets(%dma_start3A_504 : memref<128xi32, #tpu.memory_space<vmem>>) semaphore(%run_scoped3A_501 : memref<!tpu.dma_semaphore, #tpu.memory_space<semaphore_mem>>) {add = true}
      %dma_wait3A_508 = arith.constant 0 : i32
      %dma_wait3A_509 = tpu.memref_slice %arg10[%run_scoped3A_483, %dma_wait3A_508] : memref<16x128xi32, #tpu.memory_space<vmem>> -> memref<1x128xi32, #tpu.memory_space<vmem>>
      %dma_wait3A_510 = tpu.memref_squeeze %dma_wait3A_509 : memref<1x128xi32, #tpu.memory_space<vmem>> -> memref<128xi32, #tpu.memory_space<vmem>>
      %dma_wait3A_511 = arith.constant 0 : i32
      %dma_wait3A_512 = arith.constant 0 : i32
      %dma_wait3A_513 = tpu.memref_slice %arg17[%dma_wait3A_511, %dma_wait3A_512] : memref<4096x16xf32, #tpu.memory_space<vmem_shared>> -> memref<4096x16xf32, #tpu.memory_space<vmem_shared>>
      tpu.wait_indirect_dma semaphore(%run_scoped3A_501 : memref<!tpu.dma_semaphore, #tpu.memory_space<semaphore_mem>>) src(%arg15 : memref<128x16xf32, #tpu.memory_space<vmem>>) dst(%dma_wait3A_513 : memref<4096x16xf32, #tpu.memory_space<vmem_shared>>)
      tpu.yield
    }) : () -> ()
    %add3A_484 = arith.constant 1920 : i32
    %add3A_485 = arith.addi %add3A_7, %add3A_484 : i32
    %multiple_of3A_486 = tpu.assume_multiple %add3A_485, 8 : i32
    %dma_wait3A_487 = arith.constant 15 : i32
    %dma_wait3A_488 = arith.constant 0 : i32
    %dma_wait3A_489 = tpu.memref_slice %arg10[%dma_wait3A_487, %dma_wait3A_488] : memref<16x128xi32, #tpu.memory_space<vmem>> -> memref<1x128xi32, #tpu.memory_space<vmem>>
    %dma_wait3A_490 = tpu.memref_squeeze %dma_wait3A_489 : memref<1x128xi32, #tpu.memory_space<vmem>> -> memref<128xi32, #tpu.memory_space<vmem>>
    %dma_wait3A_491 = arith.constant 0 : i32
    %dma_wait3A_492 = arith.constant 0 : i32
    %dma_wait3A_493 = tpu.memref_slice %arg4[%dma_wait3A_491, %dma_wait3A_492] : memref<4096x64xf32, #tpu.memory_space<hbm>> -> memref<4096x64xf32, #tpu.memory_space<hbm>>
    tpu.wait_indirect_dma semaphore(%arg18 : memref<!tpu.dma_semaphore, #tpu.memory_space<semaphore_mem>>) src(%dma_wait3A_493 : memref<4096x64xf32, #tpu.memory_space<hbm>>) dst(%arg12 : memref<128x64xf32, #tpu.memory_space<vmem>>)
    "tpu.region"() ({
      %run_scoped3A_501 = tpu.sem_alloc : memref<!tpu.dma_semaphore, #tpu.memory_space<semaphore_mem>>
      %dma_start3A_502 = arith.constant 0 : i32
      %dma_start3A_503 = tpu.memref_slice %arg7[%multiple_of3A_486, %dma_start3A_502] : memref<65536x64xf32, #tpu.memory_space<hbm>> -> memref<128x64xf32, #tpu.memory_space<hbm>>
      %dma_start3A_504 = arith.constant 0 : i32
      %dma_start3A_505 = tpu.memref_slice %arg7[%multiple_of3A_486, %dma_start3A_504] : memref<65536x64xf32, #tpu.memory_space<hbm>> -> memref<128x64xf32, #tpu.memory_space<hbm>>
      tpu.enqueue_dma source(%arg12 : memref<128x64xf32, #tpu.memory_space<vmem>>) target(%dma_start3A_505 : memref<128x64xf32, #tpu.memory_space<hbm>>) target_semaphore(%run_scoped3A_501 : memref<!tpu.dma_semaphore, #tpu.memory_space<semaphore_mem>>)
      %dma_wait3A_506 = arith.constant 0 : i32
      %dma_wait3A_507 = tpu.memref_slice %arg7[%multiple_of3A_486, %dma_wait3A_506] : memref<65536x64xf32, #tpu.memory_space<hbm>> -> memref<128x64xf32, #tpu.memory_space<hbm>>
      %dma_wait3A_508 = arith.constant 0 : i32
      %dma_wait3A_509 = tpu.memref_slice %arg7[%multiple_of3A_486, %dma_wait3A_508] : memref<65536x64xf32, #tpu.memory_space<hbm>> -> memref<128x64xf32, #tpu.memory_space<hbm>>
      tpu.wait_dma2 semaphore(%run_scoped3A_501 : memref<!tpu.dma_semaphore, #tpu.memory_space<semaphore_mem>>) src(%arg12 : memref<128x64xf32, #tpu.memory_space<vmem>>) dst(%dma_wait3A_509 : memref<128x64xf32, #tpu.memory_space<hbm>>)
      tpu.yield
    }) : () -> ()
    %dma_wait3A_494 = arith.constant 0 : i32
    %dma_wait3A_495 = tpu.memref_slice %arg3[%multiple_of3A_459, %dma_wait3A_494] : memref<65536x64xf32, #tpu.memory_space<hbm>> -> memref<128x64xf32, #tpu.memory_space<hbm>>
    %dma_wait3A_496 = arith.constant 0 : i32
    %dma_wait3A_497 = tpu.memref_slice %arg3[%multiple_of3A_459, %dma_wait3A_496] : memref<65536x64xf32, #tpu.memory_space<hbm>> -> memref<128x64xf32, #tpu.memory_space<hbm>>
    tpu.wait_dma2 semaphore(%arg19 : memref<!tpu.dma_semaphore, #tpu.memory_space<semaphore_mem>>) src(%dma_wait3A_497 : memref<128x64xf32, #tpu.memory_space<hbm>>) dst(%arg14 : memref<128x64xf32, #tpu.memory_space<vmem>>)
    %run_scoped3A_498 = arith.constant 15 : i32
    "tpu.region"() ({
      %run_scoped3A_501 = tpu.sem_alloc : memref<!tpu.dma_semaphore, #tpu.memory_space<semaphore_mem>>
      %dma_start3A_502 = arith.constant 0 : i32
      %dma_start3A_503 = tpu.memref_slice %arg10[%run_scoped3A_498, %dma_start3A_502] : memref<16x128xi32, #tpu.memory_space<vmem>> -> memref<1x128xi32, #tpu.memory_space<vmem>>
      %dma_start3A_504 = tpu.memref_squeeze %dma_start3A_503 : memref<1x128xi32, #tpu.memory_space<vmem>> -> memref<128xi32, #tpu.memory_space<vmem>>
      %dma_start3A_505 = arith.constant 0 : i32
      %dma_start3A_506 = arith.constant 0 : i32
      %dma_start3A_507 = tpu.memref_slice %arg16[%dma_start3A_505, %dma_start3A_506] : memref<4096x64xf32, #tpu.memory_space<vmem_shared>> -> memref<4096x64xf32, #tpu.memory_space<vmem_shared>>
      tpu.enqueue_indirect_dma source(%arg14 : memref<128x64xf32, #tpu.memory_space<vmem>>) target(%dma_start3A_507 : memref<4096x64xf32, #tpu.memory_space<vmem_shared>>) offsets(%dma_start3A_504 : memref<128xi32, #tpu.memory_space<vmem>>) semaphore(%run_scoped3A_501 : memref<!tpu.dma_semaphore, #tpu.memory_space<semaphore_mem>>) {add = true}
      %dma_wait3A_508 = arith.constant 0 : i32
      %dma_wait3A_509 = tpu.memref_slice %arg10[%run_scoped3A_498, %dma_wait3A_508] : memref<16x128xi32, #tpu.memory_space<vmem>> -> memref<1x128xi32, #tpu.memory_space<vmem>>
      %dma_wait3A_510 = tpu.memref_squeeze %dma_wait3A_509 : memref<1x128xi32, #tpu.memory_space<vmem>> -> memref<128xi32, #tpu.memory_space<vmem>>
      %dma_wait3A_511 = arith.constant 0 : i32
      %dma_wait3A_512 = arith.constant 0 : i32
      %dma_wait3A_513 = tpu.memref_slice %arg16[%dma_wait3A_511, %dma_wait3A_512] : memref<4096x64xf32, #tpu.memory_space<vmem_shared>> -> memref<4096x64xf32, #tpu.memory_space<vmem_shared>>
      tpu.wait_indirect_dma semaphore(%run_scoped3A_501 : memref<!tpu.dma_semaphore, #tpu.memory_space<semaphore_mem>>) src(%arg14 : memref<128x64xf32, #tpu.memory_space<vmem>>) dst(%dma_wait3A_513 : memref<4096x64xf32, #tpu.memory_space<vmem_shared>>)
      tpu.yield
    }) : () -> ()
    %run_scoped3A_499 = arith.constant 15 : i32
    "tpu.region"() ({
      %run_scoped3A_501 = tpu.sem_alloc : memref<!tpu.dma_semaphore, #tpu.memory_space<semaphore_mem>>
      %dma_start3A_502 = arith.constant 0 : i32
      %dma_start3A_503 = tpu.memref_slice %arg10[%run_scoped3A_499, %dma_start3A_502] : memref<16x128xi32, #tpu.memory_space<vmem>> -> memref<1x128xi32, #tpu.memory_space<vmem>>
      %dma_start3A_504 = tpu.memref_squeeze %dma_start3A_503 : memref<1x128xi32, #tpu.memory_space<vmem>> -> memref<128xi32, #tpu.memory_space<vmem>>
      %dma_start3A_505 = arith.constant 0 : i32
      %dma_start3A_506 = arith.constant 0 : i32
      %dma_start3A_507 = tpu.memref_slice %arg17[%dma_start3A_505, %dma_start3A_506] : memref<4096x16xf32, #tpu.memory_space<vmem_shared>> -> memref<4096x16xf32, #tpu.memory_space<vmem_shared>>
      tpu.enqueue_indirect_dma source(%arg15 : memref<128x16xf32, #tpu.memory_space<vmem>>) target(%dma_start3A_507 : memref<4096x16xf32, #tpu.memory_space<vmem_shared>>) offsets(%dma_start3A_504 : memref<128xi32, #tpu.memory_space<vmem>>) semaphore(%run_scoped3A_501 : memref<!tpu.dma_semaphore, #tpu.memory_space<semaphore_mem>>) {add = true}
      %dma_wait3A_508 = arith.constant 0 : i32
      %dma_wait3A_509 = tpu.memref_slice %arg10[%run_scoped3A_499, %dma_wait3A_508] : memref<16x128xi32, #tpu.memory_space<vmem>> -> memref<1x128xi32, #tpu.memory_space<vmem>>
      %dma_wait3A_510 = tpu.memref_squeeze %dma_wait3A_509 : memref<1x128xi32, #tpu.memory_space<vmem>> -> memref<128xi32, #tpu.memory_space<vmem>>
      %dma_wait3A_511 = arith.constant 0 : i32
      %dma_wait3A_512 = arith.constant 0 : i32
      %dma_wait3A_513 = tpu.memref_slice %arg17[%dma_wait3A_511, %dma_wait3A_512] : memref<4096x16xf32, #tpu.memory_space<vmem_shared>> -> memref<4096x16xf32, #tpu.memory_space<vmem_shared>>
      tpu.wait_indirect_dma semaphore(%run_scoped3A_501 : memref<!tpu.dma_semaphore, #tpu.memory_space<semaphore_mem>>) src(%arg15 : memref<128x16xf32, #tpu.memory_space<vmem>>) dst(%dma_wait3A_513 : memref<4096x16xf32, #tpu.memory_space<vmem_shared>>)
      tpu.yield
    }) : () -> ()
    %barrier3A_500 = arith.constant 0 : index
    tpu.barrier barrier_id(%barrier3A_500)
    "tpu.region"() ({
      %run_scoped3A_501 = tpu.sem_alloc : memref<!tpu.dma_semaphore, #tpu.memory_space<semaphore_mem>>
      %dma_start3A_502 = arith.constant 0 : i32
      %dma_start3A_503 = tpu.memref_slice %arg8[%multiple_of3A, %dma_start3A_502] : memref<4096x64xf32, #tpu.memory_space<hbm>> -> memref<128x64xf32, #tpu.memory_space<hbm>>
      %dma_start3A_504 = arith.constant 0 : i32
      %dma_start3A_505 = tpu.memref_slice %arg16[%multiple_of3A, %dma_start3A_504] : memref<4096x64xf32, #tpu.memory_space<vmem_shared>> -> memref<128x64xf32, #tpu.memory_space<vmem_shared>>
      tpu.enqueue_dma source(%dma_start3A_505 : memref<128x64xf32, #tpu.memory_space<vmem_shared>>) target(%dma_start3A_503 : memref<128x64xf32, #tpu.memory_space<hbm>>) target_semaphore(%run_scoped3A_501 : memref<!tpu.dma_semaphore, #tpu.memory_space<semaphore_mem>>)
      %dma_wait3A_506 = arith.constant 0 : i32
      %dma_wait3A_507 = tpu.memref_slice %arg8[%multiple_of3A, %dma_wait3A_506] : memref<4096x64xf32, #tpu.memory_space<hbm>> -> memref<128x64xf32, #tpu.memory_space<hbm>>
      %dma_wait3A_508 = arith.constant 0 : i32
      %dma_wait3A_509 = tpu.memref_slice %arg16[%multiple_of3A, %dma_wait3A_508] : memref<4096x64xf32, #tpu.memory_space<vmem_shared>> -> memref<128x64xf32, #tpu.memory_space<vmem_shared>>
      tpu.wait_dma2 semaphore(%run_scoped3A_501 : memref<!tpu.dma_semaphore, #tpu.memory_space<semaphore_mem>>) src(%dma_wait3A_509 : memref<128x64xf32, #tpu.memory_space<vmem_shared>>) dst(%dma_wait3A_507 : memref<128x64xf32, #tpu.memory_space<hbm>>)
      tpu.yield
    }) : () -> ()
    "tpu.region"() ({
      %run_scoped3A_501 = tpu.sem_alloc : memref<!tpu.dma_semaphore, #tpu.memory_space<semaphore_mem>>
      %dma_start3A_502 = arith.constant 0 : i32
      %dma_start3A_503 = tpu.memref_slice %arg9[%multiple_of3A, %dma_start3A_502] : memref<4096x16xf32, #tpu.memory_space<hbm>> -> memref<128x16xf32, #tpu.memory_space<hbm>>
      %dma_start3A_504 = arith.constant 0 : i32
      %dma_start3A_505 = tpu.memref_slice %arg17[%multiple_of3A, %dma_start3A_504] : memref<4096x16xf32, #tpu.memory_space<vmem_shared>> -> memref<128x16xf32, #tpu.memory_space<vmem_shared>>
      tpu.enqueue_dma source(%dma_start3A_505 : memref<128x16xf32, #tpu.memory_space<vmem_shared>>) target(%dma_start3A_503 : memref<128x16xf32, #tpu.memory_space<hbm>>) target_semaphore(%run_scoped3A_501 : memref<!tpu.dma_semaphore, #tpu.memory_space<semaphore_mem>>)
      %dma_wait3A_506 = arith.constant 0 : i32
      %dma_wait3A_507 = tpu.memref_slice %arg9[%multiple_of3A, %dma_wait3A_506] : memref<4096x16xf32, #tpu.memory_space<hbm>> -> memref<128x16xf32, #tpu.memory_space<hbm>>
      %dma_wait3A_508 = arith.constant 0 : i32
      %dma_wait3A_509 = tpu.memref_slice %arg17[%multiple_of3A, %dma_wait3A_508] : memref<4096x16xf32, #tpu.memory_space<vmem_shared>> -> memref<128x16xf32, #tpu.memory_space<vmem_shared>>
      tpu.wait_dma2 semaphore(%run_scoped3A_501 : memref<!tpu.dma_semaphore, #tpu.memory_space<semaphore_mem>>) src(%dma_wait3A_509 : memref<128x16xf32, #tpu.memory_space<vmem_shared>>) dst(%dma_wait3A_507 : memref<128x16xf32, #tpu.memory_space<hbm>>)
      tpu.yield
    }) : () -> ()
    return
  }
}

module attributes {stable_mosaic.version = 14 : i64} {
  func.func @_dist_argmin_body(%arg0: i32, %arg1: i32, %arg2: memref<1x2048x64xf32, #tpu.memory_space<vmem>>, %arg3: memref<1x1024x64xf32, #tpu.memory_space<vmem>>, %arg4: memref<1x1x1024xf32, #tpu.memory_space<vmem>>, %arg5: memref<1x1x1024xf32, #tpu.memory_space<vmem>>, %arg6: memref<128x1x16x1xi32, #tpu.memory_space<vmem>>, %arg7: memref<1x16x128xi32, #tpu.memory_space<vmem>>, %arg8: memref<1x1xf32, #tpu.memory_space<vmem>>) attributes {dimension_semantics = [#tpu.dimension_semantics<arbitrary>, #tpu.dimension_semantics<arbitrary>], iteration_bounds = array<i64: 4, 8>, scalar_prefetch = 0 : i64, scratch_operands = 0 : i64, tpu.core_type = #tpu.core_type<tc>, window_params = [{transform_indices = @transform_0, window_bounds = array<i64: 1, 2048, 64>}, {transform_indices = @transform_1, window_bounds = array<i64: 1, 1024, 64>}, {transform_indices = @transform_2, window_bounds = array<i64: 1, 1, 1024>}, {pipeline_mode = #tpu.pipeline_mode<synchronous>, transform_indices = @transform_3, window_bounds = array<i64: 1, 1, 1024>}, {transform_indices = @transform_4, window_bounds = array<i64: 128, 1, 16, 1>}, {transform_indices = @transform_5, window_bounds = array<i64: 1, 16, 128>}, {pipeline_mode = #tpu.pipeline_mode<synchronous>, transform_indices = @transform_6, window_bounds = array<i64: 1, 1>}]} {
    %get3A = arith.constant 0 : index
    %get3A_0 = arith.constant 0 : index
    %get3A_1 = arith.constant 0 : index
    %get3A_2 = vector.load %arg2[%get3A, %get3A_0, %get3A_1] : memref<1x2048x64xf32, #tpu.memory_space<vmem>>, vector<1x2048x64xf32>
    %get3A_3 = vector.shape_cast %get3A_2 : vector<1x2048x64xf32> to vector<2048x64xf32>
    %get3A_4 = arith.constant 0 : index
    %get3A_5 = arith.constant 0 : index
    %get3A_6 = arith.constant 0 : index
    %get3A_7 = vector.load %arg3[%get3A_4, %get3A_5, %get3A_6] : memref<1x1024x64xf32, #tpu.memory_space<vmem>>, vector<1x1024x64xf32>
    %get3A_8 = vector.shape_cast %get3A_7 : vector<1x1024x64xf32> to vector<1024x64xf32>
    %dot_general3A = arith.constant dense<0.000000e+00> : vector<2048x1024xf32>
    %dot_general3A_9 = tpu.matmul %get3A_3, %get3A_8, %dot_general3A {dimension_numbers = #tpu.dot_dimension_numbers<[1], [1], [0], [0], [0, 0, 1, 0], [], []>, transpose_lhs_hint = false} : vector<2048x64xf32>, vector<1024x64xf32>, vector<2048x1024xf32> -> vector<2048x1024xf32>
    %mul3A = arith.mulf %get3A_3, %get3A_3 : vector<2048x64xf32>
    %reduce_sum3A = arith.constant dense<0.000000e+00> : vector<2048xf32>
    %reduce_sum3A_10 = vector.multi_reduction <add>, %mul3A, %reduce_sum3A [1] : vector<2048x64xf32> to vector<2048xf32>
    %broadcast_in_dim3A = vector.shape_cast %reduce_sum3A_10 : vector<2048xf32> to vector<2048x1xf32>
    %get3A_11 = arith.constant 0 : index
    %get3A_12 = arith.constant 0 : index
    %get3A_13 = arith.constant 0 : index
    %get3A_14 = vector.load %arg4[%get3A_11, %get3A_12, %get3A_13] : memref<1x1x1024xf32, #tpu.memory_space<vmem>>, vector<1x1x1024xf32>
    %get3A_15 = vector.shape_cast %get3A_14 : vector<1x1x1024xf32> to vector<1x1024xf32>
    %add3A = vector.broadcast %get3A_15 : vector<1x1024xf32> to vector<2048x1024xf32>
    %add3A_16 = vector.broadcast %broadcast_in_dim3A : vector<2048x1xf32> to vector<2048x1024xf32>
    %add3A_17 = arith.addf %add3A, %add3A_16 : vector<2048x1024xf32>
    %mul3A_18 = arith.constant 2.000000e+00 : f32
    %mul3A_19 = vector.broadcast %mul3A_18 : f32 to vector<2048x1024xf32>
    %mul3A_20 = arith.mulf %mul3A_19, %dot_general3A_9 : vector<2048x1024xf32>
    %sub3A = arith.subf %add3A_17, %mul3A_20 : vector<2048x1024xf32>
    %reduce_min3A = arith.constant dense<0x7F800000> : vector<2048xf32>
    %reduce_min3A_21 = vector.multi_reduction <minimumf>, %sub3A, %reduce_min3A [1] : vector<2048x1024xf32> to vector<2048xf32>
    %broadcast_in_dim3A_22 = vector.shape_cast %reduce_min3A_21 : vector<2048xf32> to vector<2048x1xf32>
    %eq3A = vector.broadcast %broadcast_in_dim3A_22 : vector<2048x1xf32> to vector<2048x1024xf32>
    %eq3A_23 = arith.cmpf oeq, %sub3A, %eq3A : vector<2048x1024xf32>
    %get3A_24 = arith.constant 0 : index
    %get3A_25 = arith.constant 0 : index
    %get3A_26 = arith.constant 0 : index
    %get3A_27 = vector.load %arg5[%get3A_24, %get3A_25, %get3A_26] : memref<1x1x1024xf32, #tpu.memory_space<vmem>>, vector<1x1x1024xf32>
    %get3A_28 = vector.shape_cast %get3A_27 : vector<1x1x1024xf32> to vector<1x1024xf32>
    %jit3A = arith.constant 1.024000e+03 : f32
    %broadcast_in_dim3A_29 = vector.shape_cast %get3A_28 : vector<1x1024xf32> to vector<1x1024xf32>
    %broadcast_in_dim3A_30 = vector.broadcast %broadcast_in_dim3A_29 : vector<1x1024xf32> to vector<2048x1024xf32>
    %broadcast_in_dim3A_31 = vector.broadcast %jit3A : f32 to vector<2048x1024xf32>
    %select_n3A = arith.select %eq3A_23, %broadcast_in_dim3A_30, %broadcast_in_dim3A_31 : vector<2048x1024xi1>, vector<2048x1024xf32>
    %reduce_min3A_32 = arith.constant dense<0x7F800000> : vector<2048xf32>
    %reduce_min3A_33 = vector.multi_reduction <minimumf>, %select_n3A, %reduce_min3A_32 [1] : vector<2048x1024xf32> to vector<2048xf32>
    %broadcast_in_dim3A_34 = vector.shape_cast %reduce_min3A_33 : vector<2048xf32> to vector<2048x1xf32>
    %convert_element_type3A = arith.fptosi %broadcast_in_dim3A_34 : vector<2048x1xf32> to vector<2048x1xi32>
    %reshape3A = vector.shape_cast %convert_element_type3A : vector<2048x1xi32> to vector<128x1x16x1xi32>
    %swap3A = arith.constant 0 : index
    %swap3A_35 = arith.constant 0 : index
    %swap3A_36 = arith.constant 0 : index
    %swap3A_37 = arith.constant 0 : index
    %swap3A_38 = vector.load %arg6[%swap3A, %swap3A_35, %swap3A_36, %swap3A_37] : memref<128x1x16x1xi32, #tpu.memory_space<vmem>>, vector<128x1x16x1xi32>
    tpu.vector_store %arg6[%swap3A, %swap3A_35, %swap3A_36, %swap3A_37], %reshape3A {strides = array<i32>} : memref<128x1x16x1xi32, #tpu.memory_space<vmem>>, vector<128x1x16x1xi32>,
    %mul3A_39 = arith.constant 1024 : i32
    %mul3A_40 = arith.muli %arg0, %mul3A_39 : i32
    %add3A_41 = vector.broadcast %mul3A_40 : i32 to vector<2048x1xi32>
    %add3A_42 = arith.addi %convert_element_type3A, %add3A_41 : vector<2048x1xi32>
    %reshape3A_43 = vector.shape_cast %add3A_42 : vector<2048x1xi32> to vector<1x16x128xi32>
    %swap3A_44 = arith.constant 0 : index
    %swap3A_45 = arith.constant 0 : index
    %swap3A_46 = arith.constant 0 : index
    %swap3A_47 = vector.load %arg7[%swap3A_44, %swap3A_45, %swap3A_46] : memref<1x16x128xi32, #tpu.memory_space<vmem>>, vector<1x16x128xi32>
    tpu.vector_store %arg7[%swap3A_44, %swap3A_45, %swap3A_46], %reshape3A_43 {strides = array<i32>} : memref<1x16x128xi32, #tpu.memory_space<vmem>>, vector<1x16x128xi32>,
    %reduce_sum3A_48 = vector.shape_cast %broadcast_in_dim3A_22 : vector<2048x1xf32> to vector<1x2048x1xf32>
    %reduce_sum3A_49 = arith.constant dense<0.000000e+00> : vector<1xf32>
    %reduce_sum3A_50 = vector.multi_reduction <add>, %reduce_sum3A_48, %reduce_sum3A_49 [1, 2] : vector<1x2048x1xf32> to vector<1xf32>
    %reduce_sum3A_51 = vector.shape_cast %reduce_sum3A_50 : vector<1xf32> to vector<1x1x1xf32>
    %reduce_sum3A_52 = vector.extract %reduce_sum3A_51[0, 0, 0] : f32 from vector<1x1x1xf32>
    %eq3A_53 = arith.constant 0 : i32
    %eq3A_54 = arith.cmpi eq, %arg0, %eq3A_53 : i32
    %eq3A_55 = arith.constant 0 : i32
    %eq3A_56 = arith.cmpi eq, %arg1, %eq3A_55 : i32
    %and3A = arith.andi %eq3A_54, %eq3A_56 : i1
    %convert_element_type3A_57 = arith.extui %and3A : i1 to i32
    %cond3A = arith.constant 0 : i32
    %cond3A_58 = arith.cmpi ne, %convert_element_type3A_57, %cond3A : i32
    scf.if %cond3A_58 {
      %broadcast_in_dim3A_75 = arith.constant 0.000000e+00 : f32
      %broadcast_in_dim3A_76 = vector.broadcast %broadcast_in_dim3A_75 : f32 to vector<1x1xf32>
      %swap3A_77 = arith.constant 0 : index
      %swap3A_78 = arith.constant 0 : index
      %swap3A_79 = vector.load %arg8[%swap3A_77, %swap3A_78] : memref<1x1xf32, #tpu.memory_space<vmem>>, vector<1x1xf32>
      tpu.vector_store %arg8[%swap3A_77, %swap3A_78], %broadcast_in_dim3A_76 {strides = array<i32>} : memref<1x1xf32, #tpu.memory_space<vmem>>, vector<1x1xf32>,
    } else {
    }
    %get3A_59 = arith.constant 0 : index
    %get3A_60 = arith.constant 0 : index
    %get3A_61 = vector.load %arg8[%get3A_59, %get3A_60] : memref<1x1xf32, #tpu.memory_space<vmem>>, vector<1x1xf32>
    %add3A_62 = vector.broadcast %reduce_sum3A_52 : f32 to vector<1x1xf32>
    %add3A_63 = arith.addf %get3A_61, %add3A_62 : vector<1x1xf32>
    %swap3A_64 = arith.constant 0 : index
    %swap3A_65 = arith.constant 0 : index
    %swap3A_66 = vector.load %arg8[%swap3A_64, %swap3A_65] : memref<1x1xf32, #tpu.memory_space<vmem>>, vector<1x1xf32>
    tpu.vector_store %arg8[%swap3A_64, %swap3A_65], %add3A_63 {strides = array<i32>} : memref<1x1xf32, #tpu.memory_space<vmem>>, vector<1x1xf32>,
    %eq3A_67 = arith.constant 3 : i32
    %eq3A_68 = arith.cmpi eq, %arg0, %eq3A_67 : i32
    %eq3A_69 = arith.constant 7 : i32
    %eq3A_70 = arith.cmpi eq, %arg1, %eq3A_69 : i32
    %and3A_71 = arith.andi %eq3A_68, %eq3A_70 : i1
    %convert_element_type3A_72 = arith.extui %and3A_71 : i1 to i32
    %cond3A_73 = arith.constant 0 : i32
    %cond3A_74 = arith.cmpi ne, %convert_element_type3A_72, %cond3A_73 : i32
    scf.if %cond3A_74 {
      %get3A_75 = arith.constant 0 : index
      %get3A_76 = arith.constant 0 : index
      %get3A_77 = vector.load %arg8[%get3A_75, %get3A_76] : memref<1x1xf32, #tpu.memory_space<vmem>>, vector<1x1xf32>
      %mul3A_78 = arith.constant 1.19209291E-8 : f32
      %mul3A_79 = vector.broadcast %mul3A_78 : f32 to vector<1x1xf32>
      %mul3A_80 = arith.mulf %get3A_77, %mul3A_79 : vector<1x1xf32>
      %swap3A_81 = arith.constant 0 : index
      %swap3A_82 = arith.constant 0 : index
      %swap3A_83 = vector.load %arg8[%swap3A_81, %swap3A_82] : memref<1x1xf32, #tpu.memory_space<vmem>>, vector<1x1xf32>
      tpu.vector_store %arg8[%swap3A_81, %swap3A_82], %mul3A_80 {strides = array<i32>} : memref<1x1xf32, #tpu.memory_space<vmem>>, vector<1x1xf32>,
    } else {
    }
    return
  }
  func.func @transform_0(%arg0: i32, %arg1: i32) -> (i32, i32, i32) {
    %c0_i32 = arith.constant 0 : i32
    %c0_i32_0 = arith.constant 0 : i32
    return %arg0, %arg1, %c0_i32 : i32, i32, i32
  }
  func.func @transform_1(%arg0: i32, %arg1: i32) -> (i32, i32, i32) {
    %c0_i32 = arith.constant 0 : i32
    %c0_i32_0 = arith.constant 0 : i32
    %c0_i32_1 = arith.constant 0 : i32
    return %arg0, %c0_i32, %c0_i32_0 : i32, i32, i32
  }
  func.func @transform_2(%arg0: i32, %arg1: i32) -> (i32, i32, i32) {
    %c0_i32 = arith.constant 0 : i32
    %c0_i32_0 = arith.constant 0 : i32
    %c0_i32_1 = arith.constant 0 : i32
    return %arg0, %c0_i32, %c0_i32_0 : i32, i32, i32
  }
  func.func @transform_3(%arg0: i32, %arg1: i32) -> (i32, i32, i32) {
    %c0_i32 = arith.constant 0 : i32
    %c0_i32_0 = arith.constant 0 : i32
    %c0_i32_1 = arith.constant 0 : i32
    %c0_i32_2 = arith.constant 0 : i32
    return %c0_i32, %c0_i32_0, %c0_i32_1 : i32, i32, i32
  }
  func.func @transform_4(%arg0: i32, %arg1: i32) -> (i32, i32, i32, i32) {
    %c0_i32 = arith.constant 0 : i32
    %c0_i32_0 = arith.constant 0 : i32
    %c0_i32_1 = arith.constant 0 : i32
    return %arg1, %arg0, %c0_i32, %c0_i32_0 : i32, i32, i32, i32
  }
  func.func @transform_5(%arg0: i32, %arg1: i32) -> (i32, i32, i32) {
    %mul3A = arith.constant 8 : i32
    %mul3A_0 = arith.muli %arg0, %mul3A : i32
    %add3A = arith.addi %mul3A_0, %arg1 : i32
    %c0_i32 = arith.constant 0 : i32
    %c0_i32_1 = arith.constant 0 : i32
    %c0_i32_2 = arith.constant 0 : i32
    return %add3A, %c0_i32, %c0_i32_1 : i32, i32, i32
  }
  func.func @transform_6(%arg0: i32, %arg1: i32) -> (i32, i32) {
    %c0_i32 = arith.constant 0 : i32
    %c0_i32_0 = arith.constant 0 : i32
    %c0_i32_1 = arith.constant 0 : i32
    return %c0_i32, %c0_i32_0 : i32, i32
  }
}

module attributes {stable_mosaic.version = 14 : i64} {
  func.func @_ema_body(%arg0: memref<4x1024x16xf32, #tpu.memory_space<vmem>>, %arg1: memref<4x1024xi32, #tpu.memory_space<vmem>>, %arg2: memref<4x1024x64xf32, #tpu.memory_space<vmem>>, %arg3: memref<4x1024x64xf32, #tpu.memory_space<vmem>>, %arg4: memref<4x1024x64xf32, #tpu.memory_space<vmem>>, %arg5: memref<1x1xf32, #tpu.memory_space<vmem>>) attributes {dimension_semantics = [], scalar_prefetch = 0 : i64, scratch_operands = 0 : i64, tpu.core_type = #tpu.core_type<tc>} {
    %get3A = arith.constant 0 : index
    %get3A_0 = arith.constant 0 : index
    %get3A_1 = arith.constant 0 : index
    %get3A_2 = vector.load %arg0[%get3A, %get3A_0, %get3A_1] : memref<4x1024x16xf32, #tpu.memory_space<vmem>>, vector<4x1024x16xf32>
    %reduce_sum3A = arith.constant dense<0.000000e+00> : vector<4x1024xf32>
    %reduce_sum3A_3 = vector.multi_reduction <add>, %get3A_2, %reduce_sum3A [2] : vector<4x1024x16xf32> to vector<4x1024xf32>
    %mul3A = arith.constant 6.250000e-02 : f32
    %mul3A_4 = vector.broadcast %mul3A : f32 to vector<4x1024xf32>
    %mul3A_5 = arith.mulf %reduce_sum3A_3, %mul3A_4 : vector<4x1024xf32>
    %get3A_6 = arith.constant 0 : index
    %get3A_7 = arith.constant 0 : index
    %get3A_8 = vector.load %arg1[%get3A_6, %get3A_7] : memref<4x1024xi32, #tpu.memory_space<vmem>>, vector<4x1024xi32>
    %convert_element_type3A = arith.sitofp %get3A_8 : vector<4x1024xi32> to vector<4x1024xf32>
    %mul3A_9 = arith.constant 9.990000e-01 : f32
    %mul3A_10 = vector.broadcast %mul3A_9 : f32 to vector<4x1024xf32>
    %mul3A_11 = arith.mulf %mul3A_10, %convert_element_type3A : vector<4x1024xf32>
    %mul3A_12 = arith.constant 1.000000e-03 : f32
    %mul3A_13 = vector.broadcast %mul3A_12 : f32 to vector<4x1024xf32>
    %mul3A_14 = arith.mulf %mul3A_13, %mul3A_5 : vector<4x1024xf32>
    %add3A = arith.addf %mul3A_11, %mul3A_14 : vector<4x1024xf32>
    %reduce_sum3A_15 = arith.constant dense<0.000000e+00> : vector<4xf32>
    %reduce_sum3A_16 = vector.multi_reduction <add>, %add3A, %reduce_sum3A_15 [1] : vector<4x1024xf32> to vector<4xf32>
    %broadcast_in_dim3A = vector.shape_cast %reduce_sum3A_16 : vector<4xf32> to vector<4x1xf32>
    %add3A_17 = arith.constant 9.99999974E-6 : f32
    %add3A_18 = vector.broadcast %add3A_17 : f32 to vector<4x1024xf32>
    %add3A_19 = arith.addf %add3A, %add3A_18 : vector<4x1024xf32>
    %add3A_20 = arith.constant 1.024000e-02 : f32
    %add3A_21 = vector.broadcast %add3A_20 : f32 to vector<4x1xf32>
    %add3A_22 = arith.addf %broadcast_in_dim3A, %add3A_21 : vector<4x1xf32>
    %div3A = vector.broadcast %add3A_22 : vector<4x1xf32> to vector<4x1024xf32>
    %div3A_23 = arith.divf %add3A_19, %div3A : vector<4x1024xf32>
    %mul3A_24 = vector.broadcast %broadcast_in_dim3A : vector<4x1xf32> to vector<4x1024xf32>
    %mul3A_25 = arith.mulf %div3A_23, %mul3A_24 : vector<4x1024xf32>
    %get3A_26 = arith.constant 0 : index
    %get3A_27 = arith.constant 0 : index
    %get3A_28 = arith.constant 0 : index
    %get3A_29 = vector.load %arg2[%get3A_26, %get3A_27, %get3A_28] : memref<4x1024x64xf32, #tpu.memory_space<vmem>>, vector<4x1024x64xf32>
    %mul3A_30 = arith.constant 9.990000e-01 : f32
    %mul3A_31 = vector.broadcast %mul3A_30 : f32 to vector<4x1024x64xf32>
    %mul3A_32 = arith.mulf %mul3A_31, %get3A_29 : vector<4x1024x64xf32>
    %get3A_33 = arith.constant 0 : index
    %get3A_34 = arith.constant 0 : index
    %get3A_35 = arith.constant 0 : index
    %get3A_36 = vector.load %arg3[%get3A_33, %get3A_34, %get3A_35] : memref<4x1024x64xf32, #tpu.memory_space<vmem>>, vector<4x1024x64xf32>
    %mul3A_37 = arith.constant 1.000000e-03 : f32
    %mul3A_38 = vector.broadcast %mul3A_37 : f32 to vector<4x1024x64xf32>
    %mul3A_39 = arith.mulf %mul3A_38, %get3A_36 : vector<4x1024x64xf32>
    %add3A_40 = arith.addf %mul3A_32, %mul3A_39 : vector<4x1024x64xf32>
    %broadcast_in_dim3A_41 = vector.shape_cast %mul3A_25 : vector<4x1024xf32> to vector<4x1024x1xf32>
    %div3A_42 = vector.broadcast %broadcast_in_dim3A_41 : vector<4x1024x1xf32> to vector<4x1024x64xf32>
    %div3A_43 = arith.divf %add3A_40, %div3A_42 : vector<4x1024x64xf32>
    %swap3A = arith.constant 0 : index
    %swap3A_44 = arith.constant 0 : index
    %swap3A_45 = arith.constant 0 : index
    %swap3A_46 = vector.load %arg4[%swap3A, %swap3A_44, %swap3A_45] : memref<4x1024x64xf32, #tpu.memory_space<vmem>>, vector<4x1024x64xf32>
    tpu.vector_store %arg4[%swap3A, %swap3A_44, %swap3A_45], %div3A_43 {strides = array<i32>} : memref<4x1024x64xf32, #tpu.memory_space<vmem>>, vector<4x1024x64xf32>,
    %mul3A_47 = arith.constant 6.10351563E-5 : f32
    %mul3A_48 = vector.broadcast %mul3A_47 : f32 to vector<4x1024xf32>
    %mul3A_49 = arith.mulf %mul3A_5, %mul3A_48 : vector<4x1024xf32>
    %add3A_50 = arith.constant 1.000000e-10 : f32
    %add3A_51 = vector.broadcast %add3A_50 : f32 to vector<4x1024xf32>
    %add3A_52 = arith.addf %mul3A_49, %add3A_51 : vector<4x1024xf32>
    %log3A = math.log %add3A_52 : vector<4x1024xf32>
    %mul3A_53 = arith.mulf %mul3A_49, %log3A : vector<4x1024xf32>
    %reduce_sum3A_54 = arith.constant dense<0.000000e+00> : vector<4xf32>
    %reduce_sum3A_55 = vector.multi_reduction <add>, %mul3A_53, %reduce_sum3A_54 [1] : vector<4x1024xf32> to vector<4xf32>
    %broadcast_in_dim3A_56 = vector.shape_cast %reduce_sum3A_55 : vector<4xf32> to vector<4x1xf32>
    %neg3A = arith.constant 0.000000e+00 : f32
    %neg3A_57 = vector.broadcast %neg3A : f32 to vector<4x1xf32>
    %neg3A_58 = arith.subf %neg3A_57, %broadcast_in_dim3A_56 : vector<4x1xf32>
    %exp3A = math.exp %neg3A_58 : vector<4x1xf32>
    %reduce_sum3A_59 = vector.shape_cast %exp3A : vector<4x1xf32> to vector<1x4x1xf32>
    %reduce_sum3A_60 = arith.constant dense<0.000000e+00> : vector<1xf32>
    %reduce_sum3A_61 = vector.multi_reduction <add>, %reduce_sum3A_59, %reduce_sum3A_60 [1, 2] : vector<1x4x1xf32> to vector<1xf32>
    %reduce_sum3A_62 = vector.shape_cast %reduce_sum3A_61 : vector<1xf32> to vector<1x1x1xf32>
    %reduce_sum3A_63 = vector.extract %reduce_sum3A_62[0, 0, 0] : f32 from vector<1x1x1xf32>
    %broadcast_in_dim3A_64 = vector.broadcast %reduce_sum3A_63 : f32 to vector<1x1xf32>
    %swap3A_65 = arith.constant 0 : index
    %swap3A_66 = arith.constant 0 : index
    %swap3A_67 = vector.load %arg5[%swap3A_65, %swap3A_66] : memref<1x1xf32, #tpu.memory_space<vmem>>, vector<1x1xf32>
    tpu.vector_store %arg5[%swap3A_65, %swap3A_66], %broadcast_in_dim3A_64 {strides = array<i32>} : memref<1x1xf32, #tpu.memory_space<vmem>>, vector<1x1xf32>,
    return
  }
}

</mosaic_0001>

<sc_bundles>
// kernel: kernel.6.cloned.1.call-start
scs
__scs_entry_jumppad:
0x0: {  	(pc) =	sbr.rel $0x88, $3  }
0x1: {  	(tag) =	ssettag $0x0;
	lr =	simm.s32 $0x1  }
0x2: {  	[smem:$0x3F9D] =	sst lr;
	_ =	strace $0xD0000000  }
0x3: {  	_ = 	snop  }
0x4: {  	_ = 	snop  }
0x5: {  	_ = 	snop  }
0x6: {  	_ = 	snop  }
0x7: {  	_ = 	snop  }
__scs_overlays_trampoline_lowered:
0x8: {  	[smem:$0x3FAC] =	sst s0  }
0x9: {  	[smem:$0x3FAD] =	sst s1  }
0xa: {  	[smem:$0x3FAE] =	sst s2  }
0xb: {  	[smem:$0x3FAF] =	sst s3  }
0xc: {  	[smem:$0x3FB0] =	sst s4  }
0xd: {  	[smem:$0x3FB1] =	sst s5  }
0xe: {  	[smem:$0x3FB2] =	sst s6  }
0xf: {  	[smem:$0x3FB3] =	sst s7  }
0x10: {  	[smem:$0x3FB4] =	sst s8  }
0x11: {  	[smem:$0x3FB5] =	sst s9;
	s0 =	simm.s32 @!p0 $0x0  }
0x12: {  	s1 =	sld [smem:$0x3F9B];
	s0 =	simm.s32 @p0 $0x1  }
0x13: {  	[smem:$0x3FB6] =	sst s0;
	s0 =	simm.s32 @!p1 $0x0  }
0x14: {  	s2 =	sld [smem:$0x3F9A];
	s0 =	simm.s32 @p1 $0x1  }
0x15: {  	[smem:$0x3FB7] =	sst s0;
	s0 =	simm.s32 @!p2 $0x0  }
0x16: {  	s3 =	sld [smem:$0x3FDB];
	s0 =	simm.s32 @p2 $0x1  }
0x17: {  	s4 =	simm.s32 $0x1BF5;
	[smem:$0x3FB9] =	sst s0  }
0x18: {  	s0 =	sld [smem:$0x3F9C];
	_ =	swait.ge [sflag:s4], $0x0  }
0x19: {  	s7 =	sld [smem:$0x3F9D]  }
0x1a: {  	s8 =	sadd.s32 $0xFFFFE003, lr  }
0x1b: {  	s9 =	sadd.s32 $0xFFFFFEF7, lr;
	s5 =	simm.s32 $0xFFFFFFFF;
	p2 =	slt.u32 s8, $0xFFFFF086  }
0x1c: {  	p1 =	slt.u32 s9, $0xF7A;
	s5 =	simm.s32 @!p2 $0x0  }
0x1d: {  	s5 =	simm.s32 @p1 $0x1;
	p0 =	seq.s32 s7, s2  }
0x1e: {  	s7 =	smul.u32 @!p0 $0xF7A, s2;
	p2 =	seq.s32 @!p0 s5, $0x0  }
0x1f: {  	s9 =	smul.u32 $0xF7A, s1;
	s8 =	simm.s32 @!p0 $0x1BF5;
	p2 =	por !p2, p0  }
0x20: {  	[sflag:s8] =	ssyncset.s32 @!p0 $0xFFFFF086;
	s6 =	sadd.s32 @!p0 s3, s7;
	s7 =	simm.s32 @!p0 $0x108  }
0x21: {  	s3 =	sadd.s32 s3, s9;
	s6 =	sadd.s32 @!p0 $0x88, s6;
	s7 =	simm.s32 @p2 $0x1082  }
0x22: {  	[simem:s7], [sflag:s8] =	dma.local @!p0 [hbm:s6], $0xF7A  }
0x23: {  	s9 =	sor.u32 $0xD0000000, s2;
	s6 =	simm.s32 $0x108;
	_ =	swait.ge @!p0 [sflag:s8], $0x0  }
0x24: {  	s3 =	sadd.s32 $0x88, s3;
	s6 =	simm.s32 @!p1 $0x1082;
	[sflag:s4] =	ssyncset.s32 $0xFFFFF086  }
0x25: {  	[simem:s6], [sflag:s4] =	dma.local [hbm:s3], $0xF7A  }
0x26: {  	[smem:$0x3F9D] =	sst s1;
	(tag) =	ssettag s2;
	_ =	strace s9  }
0x27: {  	s1 =	sld [smem:$0x3FAD]  }
0x28: {  	s2 =	sld [smem:$0x3FAE]  }
0x29: {  	s4 =	sld [smem:$0x3FB0]  }
0x2a: {  	p0 =	seq.s32 s5, $0x0;
	s5 =	sld [smem:$0x3FB1]  }
0x2b: {  	s6 =	sld [smem:$0x3FB2]  }
0x2c: {  	s7 =	sld [smem:$0x3FB3]  }
0x2d: {  	s3 =	simm.s32 $0x108;
	s8 =	sld [smem:$0x3FB4]  }
0x2e: {  	s3 =	simm.s32 @!p0 $0x1082;
	s9 =	sld [smem:$0x3FB5]  }
0x2f: {  	lr =	sadd.s32 s0, s3;
	s0 =	sld [smem:$0x3FAC]  }
0x30: {  	s3 =	sld [smem:$0x3FAF]  }
0x31: {  	[smem:$0x3FB8] =	sst s10  }
0x32: {  	s10 =	sld [smem:$0x3FB6];
	_ =	sdelay $0x3  }
0x33: {  	p0 =	seq.s32 s10, $0x1;
	s10 =	sld [smem:$0x3FB8];
	_ =	sdelay $0x3  }
0x34: {  	[smem:$0x3FB8] =	sst s10  }
0x35: {  	s10 =	sld [smem:$0x3FB7];
	_ =	sdelay $0x3  }
0x36: {  	p1 =	seq.s32 s10, $0x1;
	s10 =	sld [smem:$0x3FB8];
	_ =	sdelay $0x3  }
0x37: {  	[smem:$0x3FB8] =	sst s10  }
0x38: {  	s10 =	sld [smem:$0x3FB9]  }
0x39: {  	_ = 	snop;
	(pc) =	sbr.ind lr, $3  }
0x3a: {  	_ = 	snop  }
0x3b: {  	_ = 	snop  }
0x3c: {  	p2 =	seq.s32 s10, $0x1;
	s10 =	sld [smem:$0x3FB8]  }
0x3d: {  	_ =	shalt  }
0x3e: {  	_ =	shalt  }
0x3f: {  	_ =	shalt  }
0x40: {  	_ =	shalt  }
0x41: {  	_ =	shalt  }
0x42: {  	_ =	shalt  }
0x43: {  	_ =	shalt  }
0x44: {  	_ =	shalt  }
0x45: {  	_ =	shalt  }
0x46: {  	_ =	shalt  }
0x47: {  	_ =	shalt  }
0x48: {  	_ =	shalt  }
0x49: {  	_ =	shalt  }
0x4a: {  	_ =	shalt  }
0x4b: {  	_ =	shalt  }
0x4c: {  	_ =	shalt  }
0x4d: {  	_ =	shalt  }
0x4e: {  	_ =	shalt  }
0x4f: {  	_ =	shalt  }
0x50: {  	_ =	shalt  }
0x51: {  	_ =	shalt  }
0x52: {  	_ =	shalt  }
0x53: {  	_ =	shalt  }
0x54: {  	_ =	shalt  }
0x55: {  	_ =	shalt  }
0x56: {  	_ =	shalt  }
0x57: {  	_ =	shalt  }
0x58: {  	_ =	shalt  }
0x59: {  	_ =	shalt  }
0x5a: {  	_ =	shalt  }
0x5b: {  	_ =	shalt  }
0x5c: {  	_ =	shalt  }
0x5d: {  	_ =	shalt  }
0x5e: {  	_ =	shalt  }
0x5f: {  	_ =	shalt  }
0x60: {  	_ =	shalt  }
0x61: {  	_ =	shalt  }
0x62: {  	_ =	shalt  }
0x63: {  	_ =	shalt  }
0x64: {  	_ =	shalt  }
0x65: {  	_ =	shalt  }
0x66: {  	_ =	shalt  }
0x67: {  	_ =	shalt  }
0x68: {  	_ =	shalt  }
0x69: {  	_ =	shalt  }
0x6a: {  	_ =	shalt  }
0x6b: {  	_ =	shalt  }
0x6c: {  	_ =	shalt  }
0x6d: {  	_ =	shalt  }
0x6e: {  	_ =	shalt  }
0x6f: {  	_ =	shalt  }
0x70: {  	_ =	shalt  }
0x71: {  	_ =	shalt  }
0x72: {  	_ =	shalt  }
0x73: {  	_ =	shalt  }
0x74: {  	_ =	shalt  }
0x75: {  	_ =	shalt  }
0x76: {  	_ =	shalt  }
0x77: {  	_ =	shalt  }
0x78: {  	_ =	shalt  }
0x79: {  	_ =	shalt  }
0x7a: {  	_ =	shalt  }
0x7b: {  	_ =	shalt  }
0x7c: {  	_ =	shalt  }
0x7d: {  	_ =	shalt  }
0x7e: {  	_ =	shalt  }
0x7f: {  	_ =	shalt  }
0x80: {  	_ =	shalt  }
0x81: {  	_ =	shalt  }
0x82: {  	_ =	shalt  }
0x83: {  	_ =	shalt  }
0x84: {  	_ =	shalt  }
0x85: {  	_ =	shalt  }
0x86: {  	_ =	shalt  }
0x87: {  	_ =	shalt  }
.Lfunc_end0:
.L_simem_size_0:
called_computation_lowered:
.L_overlay_start_0:
0x88: {  	s2 =	sld [smem:$0x3FD9]  }
0x89: {  	s3 =	sld [smem:$0x3FFE];
	_ =	sdelay $0x1  }
0x8a: {  	s1 =	srdreg.scid  }
0x8b: {  	s0 =	sand.u32 $0x1, s1  }
0x8c: {  	s14 =	sshll.u32 s0, $0xA;
	s2 =	sadd.s32 s3, s2  }
0x8d: {  	s2 =	sadd.s32 s2, s14  }
0x8e: {  	[smem:$0x3FC4] =	sst s2  }
0x8f: {  	_ = 	snop  }
0x90: {  	s2 =	sld [smem:$0x3FD0];
	_ =	sdelay $0x2  }
0x91: {  	s15 =	simm.s32 $0xA;
	s4 =	simm.s32 $0x10  }
0x92: {  	[smem:s4], [sflag:s15] =	dma.local [hbm:s2], $0x1  }
0x93: {  	_ =	swait.eq [sflag:s15], $0x1  }
0x94: {  	s16 =	sld [smem:$0x10];
	[sflag:s15] =	ssyncset.done $0x0  }
0x95: {  	s17 =	sld [smem:$0x13];
	[sflag:s15] =	ssyncadd.s32 $0xFFFFFFFF  }
0x96: {  	s18 =	sld [smem:$0x14];
	(tm) =	ssettm $0x1  }
0x97: {  	s5 =	sld [smem:$0x3FFB];
	_ =	sdelay $0x3  }
0x98: {  	_ =	strace s5  }
0x99: {  	s5 =	sld [smem:$0x3FFC];
	_ =	sdelay $0x3  }
0x9a: {  	_ =	strace s5  }
0x9b: {  	s5 =	sld [smem:$0x3FFD];
	_ =	sdelay $0x3  }
0x9c: {  	_ =	strace s5  }
0x9d: {  	_ =	strace $0x8FFFFFFF  }
0x9e: {  	s19 =	sld [smem:$0x3FDB];
	_ =	sdelay $0x1  }
0x9f: {  	s6 =	simm.s32 $_scs_section_size  }
0xa0: {  	s7 =	simm.s32 $_size__tile_overlayer_lowered;
	s8 =	simm.s32 $_tile_overlayer_lowered  }
0xa1: {  	s22 =	simm.s32 $0x1BFF;
	s21 =	sshll.u32 s8, $0x1;
	s5 =	sadd.s32 s6, s19  }
0xa2: {  	s9 =	simm.s32 $0x0;
	s20 =	sshll.u32 s7, $0x1;
	s7 =	sadd.s32 s21, s5  }
0xa3: {  	[timem:s9], [sflag:s22] =	dma.local [hbm:s7], s20  }
0xa4: {  	_ =	swait.ge [sflag:s22], s20  }
0xa5: {  	s6 =	ssub.s32 $0x0, s20;
	[sflag:s22] =	ssyncset.done $0x0  }
0xa6: {  	[sflag:s22] =	ssyncadd.s32 s6;
	_ =	sdelay $0x1  }
0xa7: {  	s23 =	simm.s32 $0x1B8B  }
0xa8: {  	_ =	swait.ge [sflag:s23], $0x1  }
0xa9: {  	[sflag:s23] =	ssyncset.done $0x0  }
0xaa: {  	s25 =	simm.s32 $0x1B8E;
	s24 =	sld [smem:$0x3FFE];
	[sflag:s23] =	ssyncadd.s32 $0xFFFFFFFF  }
0xab: {  	s26 =	simm.s32 $execute0_lowered;
	[smem:$0x3FD2] =	sst s25  }
0xac: {  	s7 =	sshll.u32 s26, $0x1;
	_ =	strace $0x80000046;
	[dreg:$0x1] =	wrdreg $0xFFFFFFFF  }
0xad: {  	s28 =	simm.s32 $_size_execute0_lowered;
	s5 =	sadd.s32 s5, s7;
	[dreg:$0x0] =	wrdreg $0x0  }
0xae: {  	s7 =	sshll.u32 s28, $0x1;
	[dreg:$0x2] =	wrdreg s5  }
0xaf: {  	[dreg:$0x3] =	wrdreg s7  }
0xb0: {  	[dreg:$0x4] =	wrdreg $0xC0  }
0xb1: {  	_ =	task [dreg:s9], $0x5FFFF  }
0xb2: {  	[dreg:$0x1] =	wrdreg $0xFFFFFFFF  }
0xb3: {  	[dreg:$0x0] =	wrdreg $0x60  }
0xb4: {  	[dreg:$0x2] =	wrdreg s24  }
0xb5: {  	[dreg:$0x3] =	wrdreg s18  }
0xb6: {  	[dreg:$0x4] =	wrdreg s16  }
0xb7: {  	[dreg:$0x5] =	wrdreg s17  }
0xb8: {  	[dreg:$0x6] =	wrdreg $0x90000  }
0xb9: {  	[dreg:$0x7] =	wrdreg $0xD0000  }
0xba: {  	[dreg:$0x8] =	wrdreg $0x9  }
0xbb: {  	_ =	task.clear_ibuf [dreg:s9], $0x9FFFF;
	_ =	strace $0x90000046  }
0xbc: {  	s29 =	simm.s32 $0x9;
	_ =	strace $0x80000048  }
0xbd: {  	_ =	swait.ge [sflag:s29], $0x1  }
0xbe: {  	[sflag:s29] =	ssyncadd.s32 $0xFFFFFFFF  }
0xbf: {  	_ =	strace $0x90000048  }
0xc0: {  	_ =	sfence  }
0xc1: {  	s30 =	sld [smem:$0x0];
	_ =	sdelay $0x2  }
0xc2: {  	s31 =	sshll.u32 s1, $0xD;
	s1 =	sshrl.u32 s1, $0x2  }
0xc3: {  	s3 =	sand.u32 $0x4000, s31;
	s1 =	sadd.s32 s1, s30  }
0xc4: {  	s0 =	sor.u32 s3, s0;
	s1 =	sshll.u32 s1, $0x11  }
0xc5: {  	s0 =	sor.u32 s1, s0  }
0xc6: {  	s0 =	sadd.s32 $0x8F2B, s0  }
0xc7: {  	[sflag:s0] =	ssyncadd.remote.s32 $0x1  }
0xc8: {  	_ =	sfence.sel $0xFFFF  }
0xc9: {  	[dreg:$0x0] =	wrdreg $0xFFFFFFFF;
	(pc) =	sbr.abs _section_cstart, $3  }
0xca: {  	[dreg:$0x1] =	wrdreg $0xFFFFFFFF  }
0xcb: {  	_ =	task.clear_ibuf [dreg:s9], $0x2FFFF;
	_ =	strace $0x9FFFFFFF  }
0xcc: {  	(tm) =	ssettm $0x7FFFFFFF  }
0xcd: {  	_ =	shalt  }
tec
execute0_lowered:
.L_overlay_start_1:
0x0: {  	(tag) =	ssettag $0x1  }
0x1: {  	s7 =	rddreg [dreg:$0x0]  }
0x2: {  	s6 =	rddreg [dreg:$0x1]  }
0x3: {  	s1 =	rddreg [dreg:$0x2]  }
0x4: {  	s0 =	rddreg [dreg:$0x3]  }
0x5: {  	s3 =	rddreg [dreg:$0x4]  }
0x6: {  	s2 =	rddreg [dreg:$0x5];
	s5 =	srdreg.scid  }
0x7: {  	s4 =	simm.s32 $0x0;
	s15 =	stileid.u32;
	s31 =	simm.s32 $0x200  }
0x8: {  	s9 =	sand.u32 $0x1, s5;
	[smem:$0x7FF] =	sst s4;
	s8 =	sshll.u32 s15, $0xB  }
0x9: {  	s13 =	sadd.s32 $0x3600, s7;
	s14 =	sadd.s32 $0x109600, s7;
	s5 =	sshll.u32 s9, $0xF  }
0xa: {  	_ =	strace $0x80000047;
	[dreg:$0x7] =	wrdreg s13;
	s5 =	sor.u32 s8, s5  }
0xb: {  	s16 =	sadd.s32 $0x109700, s7;
	[dreg:$0x8] =	wrdreg s14;
	s8 =	sshll.u32 s5, $0x3  }
0xc: {  	[dreg:$0x9] =	wrdreg s16;
	s10 =	sshrl.u32 s5, $0x3;
	s5 =	sadd.s32 s6, s8  }
0xd: {  	s10 =	sadd.s32 s10, s7;
	s19 =	sadd.s32 s1, s8;
	[dreg:$0xb] =	wrdreg s5  }
0xe: {  	s17 =	sor.u32 $0x400, s8;
	s10 =	sadd.s32 $0x1600, s10;
	[dreg:$0xd] =	wrdreg s19  }
0xf: {  	s11 =	sor.u32 $0x800, s8;
	s18 =	sadd.s32 s6, s17;
	[dreg:$0xa] =	wrdreg s10  }
0x10: {  	s30 =	simm.s32 $0x280;
	s20 =	sadd.s32 s6, s11;
	[dreg:$0xc] =	wrdreg s18  }
0x11: {  	s22 =	sor.u32 $0xC00, s8;
	s21 =	sadd.s32 s1, s17;
	[dreg:$0xe] =	wrdreg s20  }
0x12: {  	s29 =	simm.s32 $0x300;
	s23 =	sadd.s32 s6, s22;
	[dreg:$0xf] =	wrdreg s21  }
0x13: {  	s25 =	sor.u32 $0x1000, s8;
	s24 =	sadd.s32 s1, s11;
	[dreg:$0x10] =	wrdreg s23  }
0x14: {  	s28 =	simm.s32 $0x380;
	s26 =	sadd.s32 s6, s25;
	[dreg:$0x11] =	wrdreg s24  }
0x15: {  	s13 =	sor.u32 $0x1400, s8;
	s12 =	sadd.s32 s1, s22;
	[dreg:$0x12] =	wrdreg s26  }
0x16: {  	p0 =	por $0x0, $0x0;
	s14 =	sadd.s32 s6, s13;
	[dreg:$0x13] =	wrdreg s12  }
0x17: {  	s11 =	sadd.s32 s1, s25;
	s5 =	sadd.s32 $0x101600, s7;
	[dreg:$0x14] =	wrdreg s14  }
0x18: {  	s17 =	sor.u32 $0x1C00, s8;
	s12 =	sor.u32 $0x1800, s8;
	[dreg:$0x15] =	wrdreg s11  }
0x19: {  	s10 =	sadd.s32 s1, s13;
	s13 =	sshll.u32 s9, $0xB;
	s18 =	sadd.s32 s6, s17  }
0x1a: {  	s20 =	sor.u32 $0x2000, s8;
	s14 =	sshll.u32 s15, $0x7;
	[dreg:$0x17] =	wrdreg s10  }
0x1b: {  	s22 =	sadd.s32 s1, s17;
	s23 =	sor.u32 $0x2400, s8;
	[dreg:$0x18] =	wrdreg s18  }
0x1c: {  	s26 =	sor.u32 $0x2800, s8;
	s16 =	sadd.s32 s6, s12;
	[dreg:$0x1b] =	wrdreg s22  }
0x1d: {  	s9 =	ssub.s32 $0x2, s9;
	s19 =	sadd.s32 s1, s12;
	[dreg:$0x16] =	wrdreg s16  }
0x1e: {  	s11 =	simm.s32 $0x80;
	s21 =	sadd.s32 s6, s20;
	[dreg:$0x19] =	wrdreg s19  }
0x1f: {  	s13 =	sor.u32 s14, s13;
	s24 =	sadd.s32 s6, s23;
	[dreg:$0x1a] =	wrdreg s21  }
0x20: {  	s25 =	sadd.s32 s1, s20;
	s17 =	sadd.s32 s1, s23;
	[dreg:$0x1c] =	wrdreg s24  }
0x21: {  	s18 =	sor.u32 $0x2C00, s8;
	s20 =	sadd.s32 s1, s26;
	[dreg:$0x1d] =	wrdreg s25  }
0x22: {  	s10 =	simm.s32 $0x8800;
	s14 =	sshll.u32 s13, $0x3;
	[dreg:$0x1f] =	wrdreg s17  }
0x23: {  	s16 =	sadd.s32 s6, s26;
	s19 =	sadd.s32 s6, s18;
	[smem:$0x7F2] =	sst s20  }
0x24: {  	s21 =	sor.u32 $0x3000, s8;
	s23 =	sadd.s32 s1, s18;
	[dreg:$0x1e] =	wrdreg s16  }
0x25: {  	s24 =	sor.u32 $0x3400, s8;
	s25 =	sshrl.u32 s9, $0x1;
	[smem:$0x7F1] =	sst s19  }
0x26: {  	s7 =	sadd.s32 s14, s7;
	s22 =	sadd.s32 s6, s21;
	[smem:$0x7F4] =	sst s23  }
0x27: {  	s26 =	sadd.s32 s6, s24;
	s12 =	sadd.s32 s1, s21;
	s16 =	sor.u32 $0x3800, s8  }
0x28: {  	s9 =	ssub.s32 s9, s25;
	s18 =	sadd.s32 s1, s24;
	s8 =	sor.u32 $0x3C00, s8  }
0x29: {  	s19 =	sshll.u32 s13, $0x6;
	s24 =	sshll.u32 s13, $0x1;
	[smem:$0x7F3] =	sst s22  }
0x2a: {  	s25 =	sshll.u32 s13, $0x4;
	s14 =	simm.s32 $0x2800;
	[smem:$0x7F5] =	sst s26  }
0x2b: {  	s13 =	simm.s32 $0x2;
	[smem:$0x7F6] =	sst s12;
	s17 =	sadd.s32 s6, s16  }
0x2c: {  	[smem:$0x7F8] =	sst s18;
	s6 =	sadd.s32 s6, s8;
	s20 =	sadd.s32 s19, s3  }
0x2d: {  	s21 =	sadd.s32 s1, s16;
	s22 =	sshll.u32 s15, $0x6;
	s1 =	sadd.s32 s1, s8  }
0x2e: {  	s23 =	sadd.s32 $0x3A00, s7;
	s0 =	sadd.s32 s0, s24;
	s26 =	sadd.s32 s25, s2  }
0x2f: {  	s16 =	smax.u32 s9, $0x1;
	s7 =	simm.s32 $0x3;
	[smem:$0x7F7] =	sst s17  }
0x30: {  	s18 =	simm.s32 $0x800;
	s12 =	simm.s32 $0x6800;
	[smem:$0x7F9] =	sst s6  }
0x31: {  	s15 =	simm.s32 $0x1;
	s25 =	simm.s32 $0x480;
	[smem:$0x7FA] =	sst s21  }
0x32: {  	s24 =	simm.s32 $0x500;
	[smem:$0x7FB] =	sst s1;
	p1 =	sne.s32 s16, $0x1  }
.Ltmp0:
0x33: {  	s19 =	simm.s32 $0x780;
	[smem:$0x7FC] =	sst s23;
	(pc) =	sbr.rel @!p1 .LBB2_1-.Ltmp0, $4  }
0x34: {  	s6 =	sor.u32 $0x1C03, s22;
	[smem:$0x7FD] =	sst s0;
	s8 =	sshrl.u32 s20, $0x3  }
0x35: {  	s9 =	sshrl.u32 s26, $0x3;
	s17 =	simm.s32 $0x4800;
	s0 =	simm.s32 $0x180  }
0x36: {  	s1 =	sadd.s32 $0xFFFFFFFF, s16;
	s23 =	simm.s32 $0x580;
	s22 =	simm.s32 $0x600  }
0x37: {  	s21 =	simm.s32 $0x680;
	s20 =	simm.s32 $0x700;
	s16 =	rddreg [dreg:$0x7]  }
0x38: {  	[spmem:s8], [sflag:s6] =	dma.local [hbm:s16], $0x400  }
0x39: {  	_ =	swait.ge [sflag:s7], $0x400  }
0x3a: {  	[sflag:s7] =	ssyncset.done $0x0  }
0x3b: {  	s26 =	rddreg [dreg:$0x9];
	[sflag:s7] =	ssyncadd.s32 $0xFFFFFC00  }
0x3c: {  	[spmem:s9], [sflag:s6] =	dma.local [hbm:s26], $0x100  }
0x3d: {  	_ =	swait.ge [sflag:s7], $0x100  }
0x3e: {  	[sflag:s7] =	ssyncset.done $0x0  }
0x3f: {  	s26 =	rddreg [dreg:$0x8];
	[sflag:s7] =	ssyncadd.s32 $0xFFFFFF00  }
0x40: {  	[tilespmem:s10], [sflag:$0x3] =	stream.linear.gather [hbm4b:s26+s4], $0x800, $0x38;
	[tilespmem:$0xE000] =	vst v63  }
0x41: {  	_ =	swait.ge [sflag:s7], $0x800  }
0x42: {  	[sflag:s7] =	ssyncset.done $0x0  }
0x43: {  	[sflag:s7] =	ssyncadd.s32 $0xFFFFF800  }
0x44: {  	[bflag:$0x0] =	sbarrier.arrive $0xFFFF  }
0x45: {  	s26 =	rddreg [dreg:$0xa]  }
0x46: {  	[tilespmem:s4], [sflag:$0x3] =	stream.linear.gather [hbm4b:s26+s4], $0x800, $0x38;
	[tilespmem:$0xE000] =	vst v63  }
0x47: {  	_ =	swait.ge [sflag:s7], $0x800  }
0x48: {  	[sflag:s7] =	ssyncset.done $0x0  }
0x49: {  	[sflag:s7] =	ssyncadd.s32 $0xFFFFF800  }
0x4a: {  	[tilespmem:s18], [sflag:$0x1] =	stream.indirect.gather [hbm4b:s5+s11], $0x40, s4, s11, $0xb8;
	[tilespmem:$0xE000] =	vst v63  }
0x4b: {  	s26 =	rddreg [dreg:$0xb]  }
0x4c: {  	[tilespmem:s17], [sflag:$0x2] =	stream.linear.gather [hbm4b:s26+s4], $0x2000, $0x38;
	[tilespmem:$0xE000] =	vst v63  }
0x4d: {  	_ = 	snop  }
0x4e: {  	[tilespmem:s14], [sflag:$0x1] =	stream.indirect.gather [hbm4b:s5+s11], $0x40, s11, s11, $0xb8;
	[tilespmem:$0xE000] =	vst v63  }
0x4f: {  	s26 =	rddreg [dreg:$0xc]  }
0x50: {  	[tilespmem:s12], [sflag:$0x2] =	stream.linear.gather [hbm4b:s26+s4], $0x2000, $0x38;
	[tilespmem:$0xE000] =	vst v63  }
0x51: {  	_ =	swait.ge [sflag:s15], $0x2000  }
0x52: {  	[sflag:s15] =	ssyncset.done $0x0  }
0x53: {  	s26 =	rddreg [dreg:$0xd];
	[sflag:s15] =	ssyncadd.s32 $0xFFFFE000  }
0x54: {  	[hbm4b:s26+s4] =	stream.linear.scatter [tilespmem:s18], [sflag:$0x3], $0x2000, $0x38;
	[tilespmem:$0xE000] =	vst v63  }
0x55: {  	_ =	swait.ge [sflag:s7], $0x2000  }
0x56: {  	[sflag:s7] =	ssyncset.done $0x0  }
0x57: {  	[sflag:s7] =	ssyncadd.s32 $0xFFFFE000  }
0x58: {  	_ =	swait.ge [sflag:s13], $0x2000  }
0x59: {  	[sflag:s13] =	ssyncset.done $0x0  }
0x5a: {  	[sflag:s13] =	ssyncadd.s32 $0xFFFFE000  }
0x5b: {  	[spmem:s3] =	stream.indirect.scatter.add.f32 [tilespmem:s17], [sflag:$0x3], $0x40, s4, s11, $0xb8;
	[tilespmem:$0xE000] =	vst v63  }
0x5c: {  	_ =	swait.ge [sflag:s7], $0x2000  }
0x5d: {  	[sflag:s7] =	ssyncset.done $0x0  }
0x5e: {  	[sflag:s7] =	ssyncadd.s32 $0xFFFFE000  }
0x5f: {  	[spmem:s2] =	stream.indirect.scatter.add.f32 [tilespmem:s10], [sflag:$0x3], $0x10, s4, s11, $0xb8;
	[tilespmem:$0xE000] =	vst v63  }
0x60: {  	_ =	swait.ge [sflag:s7], $0x800  }
0x61: {  	[sflag:s7] =	ssyncset.done $0x0  }
0x62: {  	s26 =	simm.s32 $0x100;
	[sflag:s7] =	ssyncadd.s32 $0xFFFFF800  }
0x63: {  	[tilespmem:s18], [sflag:$0x1] =	stream.indirect.gather [hbm4b:s5+s11], $0x40, s26, s11, $0xb8;
	[tilespmem:$0xE000] =	vst v63  }
0x64: {  	s16 =	rddreg [dreg:$0xe]  }
0x65: {  	[tilespmem:s17], [sflag:$0x2] =	stream.linear.gather [hbm4b:s16+s4], $0x2000, $0x38;
	[tilespmem:$0xE000] =	vst v63  }
0x66: {  	_ =	swait.ge [sflag:s15], $0x2000  }
0x67: {  	[sflag:s15] =	ssyncset.done $0x0  }
0x68: {  	s16 =	rddreg [dreg:$0xf];
	[sflag:s15] =	ssyncadd.s32 $0xFFFFE000  }
0x69: {  	[hbm4b:s16+s4] =	stream.linear.scatter [tilespmem:s14], [sflag:$0x3], $0x2000, $0x38;
	[tilespmem:$0xE000] =	vst v63  }
0x6a: {  	_ =	swait.ge [sflag:s7], $0x2000  }
0x6b: {  	[sflag:s7] =	ssyncset.done $0x0  }
0x6c: {  	[sflag:s7] =	ssyncadd.s32 $0xFFFFE000  }
0x6d: {  	_ =	swait.ge [sflag:s13], $0x2000  }
0x6e: {  	[sflag:s13] =	ssyncset.done $0x0  }
0x6f: {  	[sflag:s13] =	ssyncadd.s32 $0xFFFFE000  }
0x70: {  	[spmem:s3] =	stream.indirect.scatter.add.f32 [tilespmem:s12], [sflag:$0x3], $0x40, s11, s11, $0xb8;
	[tilespmem:$0xE000] =	vst v63  }
0x71: {  	_ =	swait.ge [sflag:s7], $0x2000  }
0x72: {  	[sflag:s7] =	ssyncset.done $0x0  }
0x73: {  	[sflag:s7] =	ssyncadd.s32 $0xFFFFE000  }
0x74: {  	[spmem:s2] =	stream.indirect.scatter.add.f32 [tilespmem:s10], [sflag:$0x3], $0x10, s11, s11, $0xb8;
	[tilespmem:$0xE000] =	vst v63  }
0x75: {  	_ =	swait.ge [sflag:s7], $0x800  }
0x76: {  	[sflag:s7] =	ssyncset.done $0x0  }
0x77: {  	[sflag:s7] =	ssyncadd.s32 $0xFFFFF800  }
0x78: {  	[tilespmem:s14], [sflag:$0x1] =	stream.indirect.gather [hbm4b:s5+s11], $0x40, s0, s11, $0xb8;
	[tilespmem:$0xE000] =	vst v63  }
0x79: {  	s16 =	rddreg [dreg:$0x10]  }
0x7a: {  	[tilespmem:s12], [sflag:$0x2] =	stream.linear.gather [hbm4b:s16+s4], $0x2000, $0x38;
	[tilespmem:$0xE000] =	vst v63  }
0x7b: {  	_ =	swait.ge [sflag:s15], $0x2000  }
0x7c: {  	[sflag:s15] =	ssyncset.done $0x0  }
0x7d: {  	s16 =	rddreg [dreg:$0x11];
	[sflag:s15] =	ssyncadd.s32 $0xFFFFE000  }
0x7e: {  	[hbm4b:s16+s4] =	stream.linear.scatter [tilespmem:s18], [sflag:$0x3], $0x2000, $0x38;
	[tilespmem:$0xE000] =	vst v63  }
0x7f: {  	_ =	swait.ge [sflag:s7], $0x2000  }
0x80: {  	[sflag:s7] =	ssyncset.done $0x0  }
0x81: {  	[sflag:s7] =	ssyncadd.s32 $0xFFFFE000  }
0x82: {  	_ =	swait.ge [sflag:s13], $0x2000  }
0x83: {  	[sflag:s13] =	ssyncset.done $0x0  }
0x84: {  	[sflag:s13] =	ssyncadd.s32 $0xFFFFE000  }
0x85: {  	[spmem:s3] =	stream.indirect.scatter.add.f32 [tilespmem:s17], [sflag:$0x3], $0x40, s26, s11, $0xb8;
	[tilespmem:$0xE000] =	vst v63  }
0x86: {  	_ =	swait.ge [sflag:s7], $0x2000  }
0x87: {  	[sflag:s7] =	ssyncset.done $0x0  }
0x88: {  	[sflag:s7] =	ssyncadd.s32 $0xFFFFE000  }
0x89: {  	[spmem:s2] =	stream.indirect.scatter.add.f32 [tilespmem:s10], [sflag:$0x3], $0x10, s26, s11, $0xb8;
	[tilespmem:$0xE000] =	vst v63  }
0x8a: {  	_ =	swait.ge [sflag:s7], $0x800  }
0x8b: {  	[sflag:s7] =	ssyncset.done $0x0  }
0x8c: {  	[sflag:s7] =	ssyncadd.s32 $0xFFFFF800  }
0x8d: {  	[tilespmem:s18], [sflag:$0x1] =	stream.indirect.gather [hbm4b:s5+s11], $0x40, s31, s11, $0xb8;
	[tilespmem:$0xE000] =	vst v63  }
0x8e: {  	s26 =	rddreg [dreg:$0x12]  }
0x8f: {  	[tilespmem:s17], [sflag:$0x2] =	stream.linear.gather [hbm4b:s26+s4], $0x2000, $0x38;
	[tilespmem:$0xE000] =	vst v63  }
0x90: {  	_ =	swait.ge [sflag:s15], $0x2000  }
0x91: {  	[sflag:s15] =	ssyncset.done $0x0  }
0x92: {  	s26 =	rddreg [dreg:$0x13];
	[sflag:s15] =	ssyncadd.s32 $0xFFFFE000  }
0x93: {  	[hbm4b:s26+s4] =	stream.linear.scatter [tilespmem:s14], [sflag:$0x3], $0x2000, $0x38;
	[tilespmem:$0xE000] =	vst v63  }
0x94: {  	_ =	swait.ge [sflag:s7], $0x2000  }
0x95: {  	[sflag:s7] =	ssyncset.done $0x0  }
0x96: {  	[sflag:s7] =	ssyncadd.s32 $0xFFFFE000  }
0x97: {  	_ =	swait.ge [sflag:s13], $0x2000  }
0x98: {  	[sflag:s13] =	ssyncset.done $0x0  }
0x99: {  	[sflag:s13] =	ssyncadd.s32 $0xFFFFE000  }
0x9a: {  	[spmem:s3] =	stream.indirect.scatter.add.f32 [tilespmem:s12], [sflag:$0x3], $0x40, s0, s11, $0xb8;
	[tilespmem:$0xE000] =	vst v63  }
0x9b: {  	_ =	swait.ge [sflag:s7], $0x2000  }
0x9c: {  	[sflag:s7] =	ssyncset.done $0x0  }
0x9d: {  	[sflag:s7] =	ssyncadd.s32 $0xFFFFE000  }
0x9e: {  	[spmem:s2] =	stream.indirect.scatter.add.f32 [tilespmem:s10], [sflag:$0x3], $0x10, s0, s11, $0xb8;
	[tilespmem:$0xE000] =	vst v63  }
0x9f: {  	_ =	swait.ge [sflag:s7], $0x800  }
0xa0: {  	[sflag:s7] =	ssyncset.done $0x0  }
0xa1: {  	[sflag:s7] =	ssyncadd.s32 $0xFFFFF800  }
0xa2: {  	[tilespmem:s14], [sflag:$0x1] =	stream.indirect.gather [hbm4b:s5+s11], $0x40, s30, s11, $0xb8;
	[tilespmem:$0xE000] =	vst v63  }
0xa3: {  	s26 =	rddreg [dreg:$0x14]  }
0xa4: {  	[tilespmem:s12], [sflag:$0x2] =	stream.linear.gather [hbm4b:s26+s4], $0x2000, $0x38;
	[tilespmem:$0xE000] =	vst v63  }
0xa5: {  	_ =	swait.ge [sflag:s15], $0x2000  }
0xa6: {  	[sflag:s15] =	ssyncset.done $0x0  }
0xa7: {  	s26 =	rddreg [dreg:$0x15];
	[sflag:s15] =	ssyncadd.s32 $0xFFFFE000  }
0xa8: {  	[hbm4b:s26+s4] =	stream.linear.scatter [tilespmem:s18], [sflag:$0x3], $0x2000, $0x38;
	[tilespmem:$0xE000] =	vst v63  }
0xa9: {  	_ =	swait.ge [sflag:s7], $0x2000  }
0xaa: {  	[sflag:s7] =	ssyncset.done $0x0  }
0xab: {  	[sflag:s7] =	ssyncadd.s32 $0xFFFFE000  }
0xac: {  	_ =	swait.ge [sflag:s13], $0x2000  }
0xad: {  	[sflag:s13] =	ssyncset.done $0x0  }
0xae: {  	[sflag:s13] =	ssyncadd.s32 $0xFFFFE000  }
0xaf: {  	[spmem:s3] =	stream.indirect.scatter.add.f32 [tilespmem:s17], [sflag:$0x3], $0x40, s31, s11, $0xb8;
	[tilespmem:$0xE000] =	vst v63  }
0xb0: {  	_ =	swait.ge [sflag:s7], $0x2000  }
0xb1: {  	[sflag:s7] =	ssyncset.done $0x0  }
0xb2: {  	[sflag:s7] =	ssyncadd.s32 $0xFFFFE000  }
0xb3: {  	[spmem:s2] =	stream.indirect.scatter.add.f32 [tilespmem:s10], [sflag:$0x3], $0x10, s31, s11, $0xb8;
	[tilespmem:$0xE000] =	vst v63  }
0xb4: {  	_ =	swait.ge [sflag:s7], $0x800  }
0xb5: {  	[sflag:s7] =	ssyncset.done $0x0  }
0xb6: {  	[sflag:s7] =	ssyncadd.s32 $0xFFFFF800  }
0xb7: {  	[tilespmem:s18], [sflag:$0x1] =	stream.indirect.gather [hbm4b:s5+s11], $0x40, s29, s11, $0xb8;
	[tilespmem:$0xE000] =	vst v63  }
0xb8: {  	s26 =	rddreg [dreg:$0x16]  }
0xb9: {  	[tilespmem:s17], [sflag:$0x2] =	stream.linear.gather [hbm4b:s26+s4], $0x2000, $0x38;
	[tilespmem:$0xE000] =	vst v63  }
0xba: {  	_ =	swait.ge [sflag:s15], $0x2000  }
0xbb: {  	[sflag:s15] =	ssyncset.done $0x0  }
0xbc: {  	s26 =	rddreg [dreg:$0x17];
	[sflag:s15] =	ssyncadd.s32 $0xFFFFE000  }
0xbd: {  	[hbm4b:s26+s4] =	stream.linear.scatter [tilespmem:s14], [sflag:$0x3], $0x2000, $0x38;
	[tilespmem:$0xE000] =	vst v63  }
0xbe: {  	_ =	swait.ge [sflag:s7], $0x2000  }
0xbf: {  	[sflag:s7] =	ssyncset.done $0x0  }
0xc0: {  	[sflag:s7] =	ssyncadd.s32 $0xFFFFE000  }
0xc1: {  	_ =	swait.ge [sflag:s13], $0x2000  }
0xc2: {  	[sflag:s13] =	ssyncset.done $0x0  }
0xc3: {  	[sflag:s13] =	ssyncadd.s32 $0xFFFFE000  }
0xc4: {  	[spmem:s3] =	stream.indirect.scatter.add.f32 [tilespmem:s12], [sflag:$0x3], $0x40, s30, s11, $0xb8;
	[tilespmem:$0xE000] =	vst v63  }
0xc5: {  	_ =	swait.ge [sflag:s7], $0x2000  }
0xc6: {  	[sflag:s7] =	ssyncset.done $0x0  }
0xc7: {  	[sflag:s7] =	ssyncadd.s32 $0xFFFFE000  }
0xc8: {  	[spmem:s2] =	stream.indirect.scatter.add.f32 [tilespmem:s10], [sflag:$0x3], $0x10, s30, s11, $0xb8;
	[tilespmem:$0xE000] =	vst v63  }
0xc9: {  	_ =	swait.ge [sflag:s7], $0x800  }
0xca: {  	[sflag:s7] =	ssyncset.done $0x0  }
0xcb: {  	[sflag:s7] =	ssyncadd.s32 $0xFFFFF800  }
0xcc: {  	[tilespmem:s14], [sflag:$0x1] =	stream.indirect.gather [hbm4b:s5+s11], $0x40, s28, s11, $0xb8;
	[tilespmem:$0xE000] =	vst v63  }
0xcd: {  	s26 =	rddreg [dreg:$0x18]  }
0xce: {  	[tilespmem:s12], [sflag:$0x2] =	stream.linear.gather [hbm4b:s26+s4], $0x2000, $0x38;
	[tilespmem:$0xE000] =	vst v63  }
0xcf: {  	_ =	swait.ge [sflag:s15], $0x2000  }
0xd0: {  	[sflag:s15] =	ssyncset.done $0x0  }
0xd1: {  	s26 =	rddreg [dreg:$0x19];
	[sflag:s15] =	ssyncadd.s32 $0xFFFFE000  }
0xd2: {  	[hbm4b:s26+s4] =	stream.linear.scatter [tilespmem:s18], [sflag:$0x3], $0x2000, $0x38;
	[tilespmem:$0xE000] =	vst v63  }
0xd3: {  	_ =	swait.ge [sflag:s7], $0x2000  }
0xd4: {  	[sflag:s7] =	ssyncset.done $0x0  }
0xd5: {  	[sflag:s7] =	ssyncadd.s32 $0xFFFFE000  }
0xd6: {  	_ =	swait.ge [sflag:s13], $0x2000  }
0xd7: {  	[sflag:s13] =	ssyncset.done $0x0  }
0xd8: {  	[sflag:s13] =	ssyncadd.s32 $0xFFFFE000  }
0xd9: {  	[spmem:s3] =	stream.indirect.scatter.add.f32 [tilespmem:s17], [sflag:$0x3], $0x40, s29, s11, $0xb8;
	[tilespmem:$0xE000] =	vst v63  }
0xda: {  	_ =	swait.ge [sflag:s7], $0x2000  }
0xdb: {  	[sflag:s7] =	ssyncset.done $0x0  }
0xdc: {  	[sflag:s7] =	ssyncadd.s32 $0xFFFFE000  }
0xdd: {  	[spmem:s2] =	stream.indirect.scatter.add.f32 [tilespmem:s10], [sflag:$0x3], $0x10, s29, s11, $0xb8;
	[tilespmem:$0xE000] =	vst v63  }
0xde: {  	_ =	swait.ge [sflag:s7], $0x800  }
0xdf: {  	[sflag:s7] =	ssyncset.done $0x0  }
0xe0: {  	s26 =	simm.s32 $0x400;
	[sflag:s7] =	ssyncadd.s32 $0xFFFFF800  }
0xe1: {  	[tilespmem:s18], [sflag:$0x1] =	stream.indirect.gather [hbm4b:s5+s11], $0x40, s26, s11, $0xb8;
	[tilespmem:$0xE000] =	vst v63  }
0xe2: {  	s16 =	rddreg [dreg:$0x1a]  }
0xe3: {  	[tilespmem:s17], [sflag:$0x2] =	stream.linear.gather [hbm4b:s16+s4], $0x2000, $0x38;
	[tilespmem:$0xE000] =	vst v63  }
0xe4: {  	_ =	swait.ge [sflag:s15], $0x2000  }
0xe5: {  	[sflag:s15] =	ssyncset.done $0x0  }
0xe6: {  	s16 =	rddreg [dreg:$0x1b];
	[sflag:s15] =	ssyncadd.s32 $0xFFFFE000  }
0xe7: {  	[hbm4b:s16+s4] =	stream.linear.scatter [tilespmem:s14], [sflag:$0x3], $0x2000, $0x38;
	[tilespmem:$0xE000] =	vst v63  }
0xe8: {  	_ =	swait.ge [sflag:s7], $0x2000  }
0xe9: {  	[sflag:s7] =	ssyncset.done $0x0  }
0xea: {  	[sflag:s7] =	ssyncadd.s32 $0xFFFFE000  }
0xeb: {  	_ =	swait.ge [sflag:s13], $0x2000  }
0xec: {  	[sflag:s13] =	ssyncset.done $0x0  }
0xed: {  	[sflag:s13] =	ssyncadd.s32 $0xFFFFE000  }
0xee: {  	[spmem:s3] =	stream.indirect.scatter.add.f32 [tilespmem:s12], [sflag:$0x3], $0x40, s28, s11, $0xb8;
	[tilespmem:$0xE000] =	vst v63  }
0xef: {  	_ =	swait.ge [sflag:s7], $0x2000  }
0xf0: {  	[sflag:s7] =	ssyncset.done $0x0  }
0xf1: {  	[sflag:s7] =	ssyncadd.s32 $0xFFFFE000  }
0xf2: {  	[spmem:s2] =	stream.indirect.scatter.add.f32 [tilespmem:s10], [sflag:$0x3], $0x10, s28, s11, $0xb8;
	[tilespmem:$0xE000] =	vst v63  }
0xf3: {  	_ =	swait.ge [sflag:s7], $0x800  }
0xf4: {  	[sflag:s7] =	ssyncset.done $0x0  }
0xf5: {  	[sflag:s7] =	ssyncadd.s32 $0xFFFFF800  }
0xf6: {  	[tilespmem:s14], [sflag:$0x1] =	stream.indirect.gather [hbm4b:s5+s11], $0x40, s25, s11, $0xb8;
	[tilespmem:$0xE000] =	vst v63  }
0xf7: {  	s16 =	rddreg [dreg:$0x1c]  }
0xf8: {  	[tilespmem:s12], [sflag:$0x2] =	stream.linear.gather [hbm4b:s16+s4], $0x2000, $0x38;
	[tilespmem:$0xE000] =	vst v63  }
0xf9: {  	_ =	swait.ge [sflag:s15], $0x2000  }
0xfa: {  	[sflag:s15] =	ssyncset.done $0x0  }
0xfb: {  	s16 =	rddreg [dreg:$0x1d];
	[sflag:s15] =	ssyncadd.s32 $0xFFFFE000  }
0xfc: {  	[hbm4b:s16+s4] =	stream.linear.scatter [tilespmem:s18], [sflag:$0x3], $0x2000, $0x38;
	[tilespmem:$0xE000] =	vst v63  }
0xfd: {  	_ =	swait.ge [sflag:s7], $0x2000  }
0xfe: {  	[sflag:s7] =	ssyncset.done $0x0  }
0xff: {  	[sflag:s7] =	ssyncadd.s32 $0xFFFFE000  }
0x100: {  	_ =	swait.ge [sflag:s13], $0x2000  }
0x101: {  	[sflag:s13] =	ssyncset.done $0x0  }
0x102: {  	[sflag:s13] =	ssyncadd.s32 $0xFFFFE000  }
0x103: {  	[spmem:s3] =	stream.indirect.scatter.add.f32 [tilespmem:s17], [sflag:$0x3], $0x40, s26, s11, $0xb8;
	[tilespmem:$0xE000] =	vst v63  }
0x104: {  	_ =	swait.ge [sflag:s7], $0x2000  }
0x105: {  	[sflag:s7] =	ssyncset.done $0x0  }
0x106: {  	[sflag:s7] =	ssyncadd.s32 $0xFFFFE000  }
0x107: {  	[spmem:s2] =	stream.indirect.scatter.add.f32 [tilespmem:s10], [sflag:$0x3], $0x10, s26, s11, $0xb8;
	[tilespmem:$0xE000] =	vst v63  }
0x108: {  	_ =	swait.ge [sflag:s7], $0x800  }
0x109: {  	[sflag:s7] =	ssyncset.done $0x0  }
0x10a: {  	[sflag:s7] =	ssyncadd.s32 $0xFFFFF800  }
0x10b: {  	[tilespmem:s18], [sflag:$0x1] =	stream.indirect.gather [hbm4b:s5+s11], $0x40, s24, s11, $0xb8;
	[tilespmem:$0xE000] =	vst v63  }
0x10c: {  	s26 =	rddreg [dreg:$0x1e]  }
0x10d: {  	[tilespmem:s17], [sflag:$0x2] =	stream.linear.gather [hbm4b:s26+s4], $0x2000, $0x38;
	[tilespmem:$0xE000] =	vst v63  }
0x10e: {  	_ =	swait.ge [sflag:s15], $0x2000  }
0x10f: {  	[sflag:s15] =	ssyncset.done $0x0  }
0x110: {  	s26 =	rddreg [dreg:$0x1f];
	[sflag:s15] =	ssyncadd.s32 $0xFFFFE000  }
0x111: {  	[hbm4b:s26+s4] =	stream.linear.scatter [tilespmem:s14], [sflag:$0x3], $0x2000, $0x38;
	[tilespmem:$0xE000] =	vst v63  }
0x112: {  	_ =	swait.ge [sflag:s7], $0x2000  }
0x113: {  	[sflag:s7] =	ssyncset.done $0x0  }
0x114: {  	[sflag:s7] =	ssyncadd.s32 $0xFFFFE000  }
0x115: {  	_ =	swait.ge [sflag:s13], $0x2000  }
0x116: {  	[sflag:s13] =	ssyncset.done $0x0  }
0x117: {  	[sflag:s13] =	ssyncadd.s32 $0xFFFFE000  }
0x118: {  	[spmem:s3] =	stream.indirect.scatter.add.f32 [tilespmem:s12], [sflag:$0x3], $0x40, s25, s11, $0xb8;
	[tilespmem:$0xE000] =	vst v63  }
0x119: {  	_ =	swait.ge [sflag:s7], $0x2000  }
0x11a: {  	[sflag:s7] =	ssyncset.done $0x0  }
0x11b: {  	[sflag:s7] =	ssyncadd.s32 $0xFFFFE000  }
0x11c: {  	[spmem:s2] =	stream.indirect.scatter.add.f32 [tilespmem:s10], [sflag:$0x3], $0x10, s25, s11, $0xb8;
	[tilespmem:$0xE000] =	vst v63  }
0x11d: {  	_ =	swait.ge [sflag:s7], $0x800  }
0x11e: {  	[sflag:s7] =	ssyncset.done $0x0  }
0x11f: {  	s26 =	sld [smem:$0x7F1];
	[sflag:s7] =	ssyncadd.s32 $0xFFFFF800  }
0x120: {  	[tilespmem:s14], [sflag:$0x1] =	stream.indirect.gather [hbm4b:s5+s11], $0x40, s23, s11, $0xb8;
	[tilespmem:$0xE000] =	vst v63  }
0x121: {  	_ = 	snop  }
0x122: {  	[tilespmem:s12], [sflag:$0x2] =	stream.linear.gather [hbm4b:s26+s4], $0x2000, $0x38;
	[tilespmem:$0xE000] =	vst v63  }
0x123: {  	_ =	swait.ge [sflag:s15], $0x2000  }
0x124: {  	s26 =	sld [smem:$0x7F2]  }
0x125: {  	[sflag:s15] =	ssyncset.done $0x0  }
0x126: {  	[sflag:s15] =	ssyncadd.s32 $0xFFFFE000  }
0x127: {  	[hbm4b:s26+s4] =	stream.linear.scatter [tilespmem:s18], [sflag:$0x3], $0x2000, $0x38;
	[tilespmem:$0xE000] =	vst v63  }
0x128: {  	_ =	swait.ge [sflag:s7], $0x2000  }
0x129: {  	[sflag:s7] =	ssyncset.done $0x0  }
0x12a: {  	[sflag:s7] =	ssyncadd.s32 $0xFFFFE000  }
0x12b: {  	_ =	swait.ge [sflag:s13], $0x2000  }
0x12c: {  	[sflag:s13] =	ssyncset.done $0x0  }
0x12d: {  	[sflag:s13] =	ssyncadd.s32 $0xFFFFE000  }
0x12e: {  	[spmem:s3] =	stream.indirect.scatter.add.f32 [tilespmem:s17], [sflag:$0x3], $0x40, s24, s11, $0xb8;
	[tilespmem:$0xE000] =	vst v63  }
0x12f: {  	_ =	swait.ge [sflag:s7], $0x2000  }
0x130: {  	[sflag:s7] =	ssyncset.done $0x0  }
0x131: {  	[sflag:s7] =	ssyncadd.s32 $0xFFFFE000  }
0x132: {  	[spmem:s2] =	stream.indirect.scatter.add.f32 [tilespmem:s10], [sflag:$0x3], $0x10, s24, s11, $0xb8;
	[tilespmem:$0xE000] =	vst v63  }
0x133: {  	_ =	swait.ge [sflag:s7], $0x800  }
0x134: {  	[sflag:s7] =	ssyncset.done $0x0  }
0x135: {  	s26 =	sld [smem:$0x7F3];
	[sflag:s7] =	ssyncadd.s32 $0xFFFFF800  }
0x136: {  	[tilespmem:s18], [sflag:$0x1] =	stream.indirect.gather [hbm4b:s5+s11], $0x40, s22, s11, $0xb8;
	[tilespmem:$0xE000] =	vst v63  }
0x137: {  	_ = 	snop  }
0x138: {  	[tilespmem:s17], [sflag:$0x2] =	stream.linear.gather [hbm4b:s26+s4], $0x2000, $0x38;
	[tilespmem:$0xE000] =	vst v63  }
0x139: {  	_ =	swait.ge [sflag:s15], $0x2000  }
0x13a: {  	s26 =	sld [smem:$0x7F4]  }
0x13b: {  	[sflag:s15] =	ssyncset.done $0x0  }
0x13c: {  	[sflag:s15] =	ssyncadd.s32 $0xFFFFE000  }
0x13d: {  	[hbm4b:s26+s4] =	stream.linear.scatter [tilespmem:s14], [sflag:$0x3], $0x2000, $0x38;
	[tilespmem:$0xE000] =	vst v63  }
0x13e: {  	_ =	swait.ge [sflag:s7], $0x2000  }
0x13f: {  	[sflag:s7] =	ssyncset.done $0x0  }
0x140: {  	[sflag:s7] =	ssyncadd.s32 $0xFFFFE000  }
0x141: {  	_ =	swait.ge [sflag:s13], $0x2000  }
0x142: {  	[sflag:s13] =	ssyncset.done $0x0  }
0x143: {  	[sflag:s13] =	ssyncadd.s32 $0xFFFFE000  }
0x144: {  	[spmem:s3] =	stream.indirect.scatter.add.f32 [tilespmem:s12], [sflag:$0x3], $0x40, s23, s11, $0xb8;
	[tilespmem:$0xE000] =	vst v63  }
0x145: {  	_ =	swait.ge [sflag:s7], $0x2000  }
0x146: {  	[sflag:s7] =	ssyncset.done $0x0  }
0x147: {  	[sflag:s7] =	ssyncadd.s32 $0xFFFFE000  }
0x148: {  	[spmem:s2] =	stream.indirect.scatter.add.f32 [tilespmem:s10], [sflag:$0x3], $0x10, s23, s11, $0xb8;
	[tilespmem:$0xE000] =	vst v63  }
0x149: {  	_ =	swait.ge [sflag:s7], $0x800  }
0x14a: {  	[sflag:s7] =	ssyncset.done $0x0  }
0x14b: {  	s26 =	sld [smem:$0x7F5];
	[sflag:s7] =	ssyncadd.s32 $0xFFFFF800  }
0x14c: {  	[tilespmem:s14], [sflag:$0x1] =	stream.indirect.gather [hbm4b:s5+s11], $0x40, s21, s11, $0xb8;
	[tilespmem:$0xE000] =	vst v63  }
0x14d: {  	_ = 	snop  }
0x14e: {  	[tilespmem:s12], [sflag:$0x2] =	stream.linear.gather [hbm4b:s26+s4], $0x2000, $0x38;
	[tilespmem:$0xE000] =	vst v63  }
0x14f: {  	_ =	swait.ge [sflag:s15], $0x2000  }
0x150: {  	s26 =	sld [smem:$0x7F6]  }
0x151: {  	[sflag:s15] =	ssyncset.done $0x0  }
0x152: {  	[sflag:s15] =	ssyncadd.s32 $0xFFFFE000  }
0x153: {  	[hbm4b:s26+s4] =	stream.linear.scatter [tilespmem:s18], [sflag:$0x3], $0x2000, $0x38;
	[tilespmem:$0xE000] =	vst v63  }
0x154: {  	_ =	swait.ge [sflag:s7], $0x2000  }
0x155: {  	[sflag:s7] =	ssyncset.done $0x0  }
0x156: {  	[sflag:s7] =	ssyncadd.s32 $0xFFFFE000  }
0x157: {  	_ =	swait.ge [sflag:s13], $0x2000  }
0x158: {  	[sflag:s13] =	ssyncset.done $0x0  }
0x159: {  	[sflag:s13] =	ssyncadd.s32 $0xFFFFE000  }
0x15a: {  	[spmem:s3] =	stream.indirect.scatter.add.f32 [tilespmem:s17], [sflag:$0x3], $0x40, s22, s11, $0xb8;
	[tilespmem:$0xE000] =	vst v63  }
0x15b: {  	_ =	swait.ge [sflag:s7], $0x2000  }
0x15c: {  	[sflag:s7] =	ssyncset.done $0x0  }
0x15d: {  	[sflag:s7] =	ssyncadd.s32 $0xFFFFE000  }
0x15e: {  	[spmem:s2] =	stream.indirect.scatter.add.f32 [tilespmem:s10], [sflag:$0x3], $0x10, s22, s11, $0xb8;
	[tilespmem:$0xE000] =	vst v63  }
0x15f: {  	_ =	swait.ge [sflag:s7], $0x800  }
0x160: {  	[sflag:s7] =	ssyncset.done $0x0  }
0x161: {  	s26 =	sld [smem:$0x7F7];
	[sflag:s7] =	ssyncadd.s32 $0xFFFFF800  }
0x162: {  	[tilespmem:s18], [sflag:$0x1] =	stream.indirect.gather [hbm4b:s5+s11], $0x40, s20, s11, $0xb8;
	[tilespmem:$0xE000] =	vst v63  }
0x163: {  	_ = 	snop  }
0x164: {  	[tilespmem:s17], [sflag:$0x2] =	stream.linear.gather [hbm4b:s26+s4], $0x2000, $0x38;
	[tilespmem:$0xE000] =	vst v63  }
0x165: {  	_ =	swait.ge [sflag:s15], $0x2000  }
0x166: {  	s26 =	sld [smem:$0x7F8]  }
0x167: {  	[sflag:s15] =	ssyncset.done $0x0  }
0x168: {  	[sflag:s15] =	ssyncadd.s32 $0xFFFFE000  }
0x169: {  	[hbm4b:s26+s4] =	stream.linear.scatter [tilespmem:s14], [sflag:$0x3], $0x2000, $0x38;
	[tilespmem:$0xE000] =	vst v63  }
0x16a: {  	_ =	swait.ge [sflag:s7], $0x2000  }
0x16b: {  	[sflag:s7] =	ssyncset.done $0x0  }
0x16c: {  	[sflag:s7] =	ssyncadd.s32 $0xFFFFE000  }
0x16d: {  	_ =	swait.ge [sflag:s13], $0x2000  }
0x16e: {  	[sflag:s13] =	ssyncset.done $0x0  }
0x16f: {  	[sflag:s13] =	ssyncadd.s32 $0xFFFFE000  }
0x170: {  	[spmem:s3] =	stream.indirect.scatter.add.f32 [tilespmem:s12], [sflag:$0x3], $0x40, s21, s11, $0xb8;
	[tilespmem:$0xE000] =	vst v63  }
0x171: {  	_ =	swait.ge [sflag:s7], $0x2000  }
0x172: {  	[sflag:s7] =	ssyncset.done $0x0  }
0x173: {  	[sflag:s7] =	ssyncadd.s32 $0xFFFFE000  }
0x174: {  	[spmem:s2] =	stream.indirect.scatter.add.f32 [tilespmem:s10], [sflag:$0x3], $0x10, s21, s11, $0xb8;
	[tilespmem:$0xE000] =	vst v63  }
0x175: {  	_ =	swait.ge [sflag:s7], $0x800  }
0x176: {  	[sflag:s7] =	ssyncset.done $0x0  }
0x177: {  	s26 =	sld [smem:$0x7F9];
	[sflag:s7] =	ssyncadd.s32 $0xFFFFF800  }
0x178: {  	[tilespmem:s14], [sflag:$0x1] =	stream.indirect.gather [hbm4b:s5+s11], $0x40, s19, s11, $0xb8;
	[tilespmem:$0xE000] =	vst v63  }
0x179: {  	_ = 	snop  }
0x17a: {  	[tilespmem:s12], [sflag:$0x2] =	stream.linear.gather [hbm4b:s26+s4], $0x2000, $0x38;
	[tilespmem:$0xE000] =	vst v63  }
0x17b: {  	_ =	swait.ge [sflag:s15], $0x2000  }
0x17c: {  	s26 =	sld [smem:$0x7FA]  }
0x17d: {  	[sflag:s15] =	ssyncset.done $0x0  }
0x17e: {  	[sflag:s15] =	ssyncadd.s32 $0xFFFFE000  }
0x17f: {  	[hbm4b:s26+s4] =	stream.linear.scatter [tilespmem:s18], [sflag:$0x3], $0x2000, $0x38;
	[tilespmem:$0xE000] =	vst v63  }
0x180: {  	_ =	swait.ge [sflag:s7], $0x2000  }
0x181: {  	[sflag:s7] =	ssyncset.done $0x0  }
0x182: {  	[sflag:s7] =	ssyncadd.s32 $0xFFFFE000  }
0x183: {  	_ =	swait.ge [sflag:s13], $0x2000  }
0x184: {  	[sflag:s13] =	ssyncset.done $0x0  }
0x185: {  	[sflag:s13] =	ssyncadd.s32 $0xFFFFE000  }
0x186: {  	[spmem:s3] =	stream.indirect.scatter.add.f32 [tilespmem:s17], [sflag:$0x3], $0x40, s20, s11, $0xb8;
	[tilespmem:$0xE000] =	vst v63  }
0x187: {  	_ =	swait.ge [sflag:s7], $0x2000  }
0x188: {  	[sflag:s7] =	ssyncset.done $0x0  }
0x189: {  	[sflag:s7] =	ssyncadd.s32 $0xFFFFE000  }
0x18a: {  	[spmem:s2] =	stream.indirect.scatter.add.f32 [tilespmem:s10], [sflag:$0x3], $0x10, s20, s11, $0xb8;
	[tilespmem:$0xE000] =	vst v63  }
0x18b: {  	_ =	swait.ge [sflag:s7], $0x800  }
0x18c: {  	[sflag:s7] =	ssyncset.done $0x0  }
0x18d: {  	[sflag:s7] =	ssyncadd.s32 $0xFFFFF800  }
0x18e: {  	_ =	swait.ge [sflag:s15], $0x2000  }
0x18f: {  	s26 =	sld [smem:$0x7FB]  }
0x190: {  	[sflag:s15] =	ssyncset.done $0x0  }
0x191: {  	[sflag:s15] =	ssyncadd.s32 $0xFFFFE000  }
0x192: {  	[hbm4b:s26+s4] =	stream.linear.scatter [tilespmem:s14], [sflag:$0x3], $0x2000, $0x38;
	[tilespmem:$0xE000] =	vst v63  }
0x193: {  	_ =	swait.ge [sflag:s7], $0x2000  }
0x194: {  	[sflag:s7] =	ssyncset.done $0x0  }
0x195: {  	[sflag:s7] =	ssyncadd.s32 $0xFFFFE000  }
0x196: {  	_ =	swait.ge [sflag:s13], $0x2000  }
0x197: {  	[sflag:s13] =	ssyncset.done $0x0  }
0x198: {  	[sflag:s13] =	ssyncadd.s32 $0xFFFFE000  }
0x199: {  	[spmem:s3] =	stream.indirect.scatter.add.f32 [tilespmem:s12], [sflag:$0x3], $0x40, s19, s11, $0xb8;
	[tilespmem:$0xE000] =	vst v63  }
0x19a: {  	_ =	swait.ge [sflag:s7], $0x2000  }
0x19b: {  	[sflag:s7] =	ssyncset.done $0x0  }
0x19c: {  	[sflag:s7] =	ssyncadd.s32 $0xFFFFE000  }
0x19d: {  	[spmem:s2] =	stream.indirect.scatter.add.f32 [tilespmem:s10], [sflag:$0x3], $0x10, s19, s11, $0xb8;
	[tilespmem:$0xE000] =	vst v63  }
0x19e: {  	_ =	swait.ge [sflag:s7], $0x800  }
0x19f: {  	[sflag:s7] =	ssyncset.done $0x0  }
0x1a0: {  	[sflag:s7] =	ssyncadd.s32 $0xFFFFF800  }
0x1a1: {  	[bflag:$0x0] =	sbarrier.arrive $0xFFFF  }
0x1a2: {  	s26 =	sld [smem:$0x7FC];
	_ =	sdelay $0x2  }
0x1a3: {  	[hbm:s26], [sflag:s6] =	dma.local [spmem:s8], $0x400  }
0x1a4: {  	_ =	swait.ge [sflag:s7], $0x400  }
0x1a5: {  	p1 =	sne.s32 s1, $0x1;
	s26 =	sld [smem:$0x7FD]  }
.Ltmp1:
0x1a6: {  	[sflag:s7] =	ssyncset.done $0x0;
	(pc) =	sbr.rel @!p1 .LBB2_3-.Ltmp1, $4  }
0x1a7: {  	[sflag:s7] =	ssyncadd.s32 $0xFFFFFC00  }
0x1a8: {  	[hbm:s26], [sflag:s6] =	dma.local [spmem:s9], $0x100  }
0x1a9: {  	s1 =	sadd.s32 $0xFFFFFFFF, s1;
	_ =	swait.ge [sflag:s7], $0x100  }
0x1aa: {  	p0 =	por $0x1, $0x1;
	s16 =	rddreg [dreg:$0x7];
	[sflag:s7] =	ssyncset.done $0x0  }
.LBB2_4:
0x1ab: {  	[sflag:s7] =	ssyncadd.s32 $0xFFFFFF00  }
0x1ac: {  	[spmem:s8], [sflag:s6] =	dma.local [hbm:s16], $0x400  }
0x1ad: {  	_ =	swait.ge [sflag:s7], $0x400  }
0x1ae: {  	[sflag:s7] =	ssyncset.done $0x0  }
0x1af: {  	s26 =	rddreg [dreg:$0x9];
	[sflag:s7] =	ssyncadd.s32 $0xFFFFFC00  }
0x1b0: {  	[spmem:s9], [sflag:s6] =	dma.local [hbm:s26], $0x100  }
0x1b1: {  	_ =	swait.ge [sflag:s7], $0x100  }
0x1b2: {  	[sflag:s7] =	ssyncset.done $0x0  }
0x1b3: {  	s26 =	rddreg [dreg:$0x8];
	[sflag:s7] =	ssyncadd.s32 $0xFFFFFF00  }
0x1b4: {  	[tilespmem:s10], [sflag:$0x3] =	stream.linear.gather [hbm4b:s26+s4], $0x800, $0x38;
	[tilespmem:$0xE000] =	vst v63  }
0x1b5: {  	_ =	swait.ge [sflag:s7], $0x800  }
0x1b6: {  	[sflag:s7] =	ssyncset.done $0x0  }
0x1b7: {  	[sflag:s7] =	ssyncadd.s32 $0xFFFFF800  }
0x1b8: {  	[bflag:$0x0] =	sbarrier.arrive $0xFFFF  }
0x1b9: {  	s26 =	rddreg [dreg:$0xa]  }
0x1ba: {  	[tilespmem:s4], [sflag:$0x3] =	stream.linear.gather [hbm4b:s26+s4], $0x800, $0x38;
	[tilespmem:$0xE000] =	vst v63  }
0x1bb: {  	_ =	swait.ge [sflag:s7], $0x800  }
0x1bc: {  	[sflag:s7] =	ssyncset.done $0x0  }
0x1bd: {  	[sflag:s7] =	ssyncadd.s32 $0xFFFFF800  }
0x1be: {  	[tilespmem:s18], [sflag:$0x1] =	stream.indirect.gather [hbm4b:s5+s11], $0x40, s4, s11, $0xb8;
	[tilespmem:$0xE000] =	vst v63  }
0x1bf: {  	s26 =	rddreg [dreg:$0xb]  }
0x1c0: {  	[tilespmem:s17], [sflag:$0x2] =	stream.linear.gather [hbm4b:s26+s4], $0x2000, $0x38;
	[tilespmem:$0xE000] =	vst v63  }
0x1c1: {  	_ = 	snop  }
0x1c2: {  	[tilespmem:s14], [sflag:$0x1] =	stream.indirect.gather [hbm4b:s5+s11], $0x40, s11, s11, $0xb8;
	[tilespmem:$0xE000] =	vst v63  }
0x1c3: {  	s26 =	rddreg [dreg:$0xc]  }
0x1c4: {  	[tilespmem:s12], [sflag:$0x2] =	stream.linear.gather [hbm4b:s26+s4], $0x2000, $0x38;
	[tilespmem:$0xE000] =	vst v63  }
0x1c5: {  	_ =	swait.ge [sflag:s15], $0x2000  }
0x1c6: {  	[sflag:s15] =	ssyncset.done $0x0  }
0x1c7: {  	s26 =	rddreg [dreg:$0xd];
	[sflag:s15] =	ssyncadd.s32 $0xFFFFE000  }
0x1c8: {  	[hbm4b:s26+s4] =	stream.linear.scatter [tilespmem:s18], [sflag:$0x3], $0x2000, $0x38;
	[tilespmem:$0xE000] =	vst v63  }
0x1c9: {  	_ =	swait.ge [sflag:s7], $0x2000  }
0x1ca: {  	[sflag:s7] =	ssyncset.done $0x0  }
0x1cb: {  	[sflag:s7] =	ssyncadd.s32 $0xFFFFE000  }
0x1cc: {  	_ =	swait.ge [sflag:s13], $0x2000  }
0x1cd: {  	[sflag:s13] =	ssyncset.done $0x0  }
0x1ce: {  	[sflag:s13] =	ssyncadd.s32 $0xFFFFE000  }
0x1cf: {  	[spmem:s3] =	stream.indirect.scatter.add.f32 [tilespmem:s17], [sflag:$0x3], $0x40, s4, s11, $0xb8;
	[tilespmem:$0xE000] =	vst v63  }
0x1d0: {  	_ =	swait.ge [sflag:s7], $0x2000  }
0x1d1: {  	[sflag:s7] =	ssyncset.done $0x0  }
0x1d2: {  	[sflag:s7] =	ssyncadd.s32 $0xFFFFE000  }
0x1d3: {  	[spmem:s2] =	stream.indirect.scatter.add.f32 [tilespmem:s10], [sflag:$0x3], $0x10, s4, s11, $0xb8;
	[tilespmem:$0xE000] =	vst v63  }
0x1d4: {  	_ =	swait.ge [sflag:s7], $0x800  }
0x1d5: {  	[sflag:s7] =	ssyncset.done $0x0  }
0x1d6: {  	s26 =	simm.s32 $0x100;
	[sflag:s7] =	ssyncadd.s32 $0xFFFFF800  }
0x1d7: {  	[tilespmem:s18], [sflag:$0x1] =	stream.indirect.gather [hbm4b:s5+s11], $0x40, s26, s11, $0xb8;
	[tilespmem:$0xE000] =	vst v63  }
0x1d8: {  	s16 =	rddreg [dreg:$0xe]  }
0x1d9: {  	[tilespmem:s17], [sflag:$0x2] =	stream.linear.gather [hbm4b:s16+s4], $0x2000, $0x38;
	[tilespmem:$0xE000] =	vst v63  }
0x1da: {  	_ =	swait.ge [sflag:s15], $0x2000  }
0x1db: {  	[sflag:s15] =	ssyncset.done $0x0  }
0x1dc: {  	s16 =	rddreg [dreg:$0xf];
	[sflag:s15] =	ssyncadd.s32 $0xFFFFE000  }
0x1dd: {  	[hbm4b:s16+s4] =	stream.linear.scatter [tilespmem:s14], [sflag:$0x3], $0x2000, $0x38;
	[tilespmem:$0xE000] =	vst v63  }
0x1de: {  	_ =	swait.ge [sflag:s7], $0x2000  }
0x1df: {  	[sflag:s7] =	ssyncset.done $0x0  }
0x1e0: {  	[sflag:s7] =	ssyncadd.s32 $0xFFFFE000  }
0x1e1: {  	_ =	swait.ge [sflag:s13], $0x2000  }
0x1e2: {  	[sflag:s13] =	ssyncset.done $0x0  }
0x1e3: {  	[sflag:s13] =	ssyncadd.s32 $0xFFFFE000  }
0x1e4: {  	[spmem:s3] =	stream.indirect.scatter.add.f32 [tilespmem:s12], [sflag:$0x3], $0x40, s11, s11, $0xb8;
	[tilespmem:$0xE000] =	vst v63  }
0x1e5: {  	_ =	swait.ge [sflag:s7], $0x2000  }
0x1e6: {  	[sflag:s7] =	ssyncset.done $0x0  }
0x1e7: {  	[sflag:s7] =	ssyncadd.s32 $0xFFFFE000  }
0x1e8: {  	[spmem:s2] =	stream.indirect.scatter.add.f32 [tilespmem:s10], [sflag:$0x3], $0x10, s11, s11, $0xb8;
	[tilespmem:$0xE000] =	vst v63  }
0x1e9: {  	_ =	swait.ge [sflag:s7], $0x800  }
0x1ea: {  	[sflag:s7] =	ssyncset.done $0x0  }
0x1eb: {  	[sflag:s7] =	ssyncadd.s32 $0xFFFFF800  }
0x1ec: {  	[tilespmem:s14], [sflag:$0x1] =	stream.indirect.gather [hbm4b:s5+s11], $0x40, s0, s11, $0xb8;
	[tilespmem:$0xE000] =	vst v63  }
0x1ed: {  	s16 =	rddreg [dreg:$0x10]  }
0x1ee: {  	[tilespmem:s12], [sflag:$0x2] =	stream.linear.gather [hbm4b:s16+s4], $0x2000, $0x38;
	[tilespmem:$0xE000] =	vst v63  }
0x1ef: {  	_ =	swait.ge [sflag:s15], $0x2000  }
0x1f0: {  	[sflag:s15] =	ssyncset.done $0x0  }
0x1f1: {  	s16 =	rddreg [dreg:$0x11];
	[sflag:s15] =	ssyncadd.s32 $0xFFFFE000  }
0x1f2: {  	[hbm4b:s16+s4] =	stream.linear.scatter [tilespmem:s18], [sflag:$0x3], $0x2000, $0x38;
	[tilespmem:$0xE000] =	vst v63  }
0x1f3: {  	_ =	swait.ge [sflag:s7], $0x2000  }
0x1f4: {  	[sflag:s7] =	ssyncset.done $0x0  }
0x1f5: {  	[sflag:s7] =	ssyncadd.s32 $0xFFFFE000  }
0x1f6: {  	_ =	swait.ge [sflag:s13], $0x2000  }
0x1f7: {  	[sflag:s13] =	ssyncset.done $0x0  }
0x1f8: {  	[sflag:s13] =	ssyncadd.s32 $0xFFFFE000  }
0x1f9: {  	[spmem:s3] =	stream.indirect.scatter.add.f32 [tilespmem:s17], [sflag:$0x3], $0x40, s26, s11, $0xb8;
	[tilespmem:$0xE000] =	vst v63  }
0x1fa: {  	_ =	swait.ge [sflag:s7], $0x2000  }
0x1fb: {  	[sflag:s7] =	ssyncset.done $0x0  }
0x1fc: {  	[sflag:s7] =	ssyncadd.s32 $0xFFFFE000  }
0x1fd: {  	[spmem:s2] =	stream.indirect.scatter.add.f32 [tilespmem:s10], [sflag:$0x3], $0x10, s26, s11, $0xb8;
	[tilespmem:$0xE000] =	vst v63  }
0x1fe: {  	_ =	swait.ge [sflag:s7], $0x800  }
0x1ff: {  	[sflag:s7] =	ssyncset.done $0x0  }
0x200: {  	[sflag:s7] =	ssyncadd.s32 $0xFFFFF800  }
0x201: {  	[tilespmem:s18], [sflag:$0x1] =	stream.indirect.gather [hbm4b:s5+s11], $0x40, s31, s11, $0xb8;
	[tilespmem:$0xE000] =	vst v63  }
0x202: {  	s26 =	rddreg [dreg:$0x12]  }
0x203: {  	[tilespmem:s17], [sflag:$0x2] =	stream.linear.gather [hbm4b:s26+s4], $0x2000, $0x38;
	[tilespmem:$0xE000] =	vst v63  }
0x204: {  	_ =	swait.ge [sflag:s15], $0x2000  }
0x205: {  	[sflag:s15] =	ssyncset.done $0x0  }
0x206: {  	s26 =	rddreg [dreg:$0x13];
	[sflag:s15] =	ssyncadd.s32 $0xFFFFE000  }
0x207: {  	[hbm4b:s26+s4] =	stream.linear.scatter [tilespmem:s14], [sflag:$0x3], $0x2000, $0x38;
	[tilespmem:$0xE000] =	vst v63  }
0x208: {  	_ =	swait.ge [sflag:s7], $0x2000  }
0x209: {  	[sflag:s7] =	ssyncset.done $0x0  }
0x20a: {  	[sflag:s7] =	ssyncadd.s32 $0xFFFFE000  }
0x20b: {  	_ =	swait.ge [sflag:s13], $0x2000  }
0x20c: {  	[sflag:s13] =	ssyncset.done $0x0  }
0x20d: {  	[sflag:s13] =	ssyncadd.s32 $0xFFFFE000  }
0x20e: {  	[spmem:s3] =	stream.indirect.scatter.add.f32 [tilespmem:s12], [sflag:$0x3], $0x40, s0, s11, $0xb8;
	[tilespmem:$0xE000] =	vst v63  }
0x20f: {  	_ =	swait.ge [sflag:s7], $0x2000  }
0x210: {  	[sflag:s7] =	ssyncset.done $0x0  }
0x211: {  	[sflag:s7] =	ssyncadd.s32 $0xFFFFE000  }
0x212: {  	[spmem:s2] =	stream.indirect.scatter.add.f32 [tilespmem:s10], [sflag:$0x3], $0x10, s0, s11, $0xb8;
	[tilespmem:$0xE000] =	vst v63  }
0x213: {  	_ =	swait.ge [sflag:s7], $0x800  }
0x214: {  	[sflag:s7] =	ssyncset.done $0x0  }
0x215: {  	[sflag:s7] =	ssyncadd.s32 $0xFFFFF800  }
0x216: {  	[tilespmem:s14], [sflag:$0x1] =	stream.indirect.gather [hbm4b:s5+s11], $0x40, s30, s11, $0xb8;
	[tilespmem:$0xE000] =	vst v63  }
0x217: {  	s26 =	rddreg [dreg:$0x14]  }
0x218: {  	[tilespmem:s12], [sflag:$0x2] =	stream.linear.gather [hbm4b:s26+s4], $0x2000, $0x38;
	[tilespmem:$0xE000] =	vst v63  }
0x219: {  	_ =	swait.ge [sflag:s15], $0x2000  }
0x21a: {  	[sflag:s15] =	ssyncset.done $0x0  }
0x21b: {  	s26 =	rddreg [dreg:$0x15];
	[sflag:s15] =	ssyncadd.s32 $0xFFFFE000  }
0x21c: {  	[hbm4b:s26+s4] =	stream.linear.scatter [tilespmem:s18], [sflag:$0x3], $0x2000, $0x38;
	[tilespmem:$0xE000] =	vst v63  }
0x21d: {  	_ =	swait.ge [sflag:s7], $0x2000  }
0x21e: {  	[sflag:s7] =	ssyncset.done $0x0  }
0x21f: {  	[sflag:s7] =	ssyncadd.s32 $0xFFFFE000  }
0x220: {  	_ =	swait.ge [sflag:s13], $0x2000  }
0x221: {  	[sflag:s13] =	ssyncset.done $0x0  }
0x222: {  	[sflag:s13] =	ssyncadd.s32 $0xFFFFE000  }
0x223: {  	[spmem:s3] =	stream.indirect.scatter.add.f32 [tilespmem:s17], [sflag:$0x3], $0x40, s31, s11, $0xb8;
	[tilespmem:$0xE000] =	vst v63  }
0x224: {  	_ =	swait.ge [sflag:s7], $0x2000  }
0x225: {  	[sflag:s7] =	ssyncset.done $0x0  }
0x226: {  	[sflag:s7] =	ssyncadd.s32 $0xFFFFE000  }
0x227: {  	[spmem:s2] =	stream.indirect.scatter.add.f32 [tilespmem:s10], [sflag:$0x3], $0x10, s31, s11, $0xb8;
	[tilespmem:$0xE000] =	vst v63  }
0x228: {  	_ =	swait.ge [sflag:s7], $0x800  }
0x229: {  	[sflag:s7] =	ssyncset.done $0x0  }
0x22a: {  	[sflag:s7] =	ssyncadd.s32 $0xFFFFF800  }
0x22b: {  	[tilespmem:s18], [sflag:$0x1] =	stream.indirect.gather [hbm4b:s5+s11], $0x40, s29, s11, $0xb8;
	[tilespmem:$0xE000] =	vst v63  }
0x22c: {  	s26 =	rddreg [dreg:$0x16]  }
0x22d: {  	[tilespmem:s17], [sflag:$0x2] =	stream.linear.gather [hbm4b:s26+s4], $0x2000, $0x38;
	[tilespmem:$0xE000] =	vst v63  }
0x22e: {  	_ =	swait.ge [sflag:s15], $0x2000  }
0x22f: {  	[sflag:s15] =	ssyncset.done $0x0  }
0x230: {  	s26 =	rddreg [dreg:$0x17];
	[sflag:s15] =	ssyncadd.s32 $0xFFFFE000  }
0x231: {  	[hbm4b:s26+s4] =	stream.linear.scatter [tilespmem:s14], [sflag:$0x3], $0x2000, $0x38;
	[tilespmem:$0xE000] =	vst v63  }
0x232: {  	_ =	swait.ge [sflag:s7], $0x2000  }
0x233: {  	[sflag:s7] =	ssyncset.done $0x0  }
0x234: {  	[sflag:s7] =	ssyncadd.s32 $0xFFFFE000  }
0x235: {  	_ =	swait.ge [sflag:s13], $0x2000  }
0x236: {  	[sflag:s13] =	ssyncset.done $0x0  }
0x237: {  	[sflag:s13] =	ssyncadd.s32 $0xFFFFE000  }
0x238: {  	[spmem:s3] =	stream.indirect.scatter.add.f32 [tilespmem:s12], [sflag:$0x3], $0x40, s30, s11, $0xb8;
	[tilespmem:$0xE000] =	vst v63  }
0x239: {  	_ =	swait.ge [sflag:s7], $0x2000  }
0x23a: {  	[sflag:s7] =	ssyncset.done $0x0  }
0x23b: {  	[sflag:s7] =	ssyncadd.s32 $0xFFFFE000  }
0x23c: {  	[spmem:s2] =	stream.indirect.scatter.add.f32 [tilespmem:s10], [sflag:$0x3], $0x10, s30, s11, $0xb8;
	[tilespmem:$0xE000] =	vst v63  }
0x23d: {  	_ =	swait.ge [sflag:s7], $0x800  }
0x23e: {  	[sflag:s7] =	ssyncset.done $0x0  }
0x23f: {  	[sflag:s7] =	ssyncadd.s32 $0xFFFFF800  }
0x240: {  	[tilespmem:s14], [sflag:$0x1] =	stream.indirect.gather [hbm4b:s5+s11], $0x40, s28, s11, $0xb8;
	[tilespmem:$0xE000] =	vst v63  }
0x241: {  	s26 =	rddreg [dreg:$0x18]  }
0x242: {  	[tilespmem:s12], [sflag:$0x2] =	stream.linear.gather [hbm4b:s26+s4], $0x2000, $0x38;
	[tilespmem:$0xE000] =	vst v63  }
0x243: {  	_ =	swait.ge [sflag:s15], $0x2000  }
0x244: {  	[sflag:s15] =	ssyncset.done $0x0  }
0x245: {  	s26 =	rddreg [dreg:$0x19];
	[sflag:s15] =	ssyncadd.s32 $0xFFFFE000  }
0x246: {  	[hbm4b:s26+s4] =	stream.linear.scatter [tilespmem:s18], [sflag:$0x3], $0x2000, $0x38;
	[tilespmem:$0xE000] =	vst v63  }
0x247: {  	_ =	swait.ge [sflag:s7], $0x2000  }
0x248: {  	[sflag:s7] =	ssyncset.done $0x0  }
0x249: {  	[sflag:s7] =	ssyncadd.s32 $0xFFFFE000  }
0x24a: {  	_ =	swait.ge [sflag:s13], $0x2000  }
0x24b: {  	[sflag:s13] =	ssyncset.done $0x0  }
0x24c: {  	[sflag:s13] =	ssyncadd.s32 $0xFFFFE000  }
0x24d: {  	[spmem:s3] =	stream.indirect.scatter.add.f32 [tilespmem:s17], [sflag:$0x3], $0x40, s29, s11, $0xb8;
	[tilespmem:$0xE000] =	vst v63  }
0x24e: {  	_ =	swait.ge [sflag:s7], $0x2000  }
0x24f: {  	[sflag:s7] =	ssyncset.done $0x0  }
0x250: {  	[sflag:s7] =	ssyncadd.s32 $0xFFFFE000  }
0x251: {  	[spmem:s2] =	stream.indirect.scatter.add.f32 [tilespmem:s10], [sflag:$0x3], $0x10, s29, s11, $0xb8;
	[tilespmem:$0xE000] =	vst v63  }
0x252: {  	_ =	swait.ge [sflag:s7], $0x800  }
0x253: {  	[sflag:s7] =	ssyncset.done $0x0  }
0x254: {  	s26 =	simm.s32 $0x400;
	[sflag:s7] =	ssyncadd.s32 $0xFFFFF800  }
0x255: {  	[tilespmem:s18], [sflag:$0x1] =	stream.indirect.gather [hbm4b:s5+s11], $0x40, s26, s11, $0xb8;
	[tilespmem:$0xE000] =	vst v63  }
0x256: {  	s16 =	rddreg [dreg:$0x1a]  }
0x257: {  	[tilespmem:s17], [sflag:$0x2] =	stream.linear.gather [hbm4b:s16+s4], $0x2000, $0x38;
	[tilespmem:$0xE000] =	vst v63  }
0x258: {  	_ =	swait.ge [sflag:s15], $0x2000  }
0x259: {  	[sflag:s15] =	ssyncset.done $0x0  }
0x25a: {  	s16 =	rddreg [dreg:$0x1b];
	[sflag:s15] =	ssyncadd.s32 $0xFFFFE000  }
0x25b: {  	[hbm4b:s16+s4] =	stream.linear.scatter [tilespmem:s14], [sflag:$0x3], $0x2000, $0x38;
	[tilespmem:$0xE000] =	vst v63  }
0x25c: {  	_ =	swait.ge [sflag:s7], $0x2000  }
0x25d: {  	[sflag:s7] =	ssyncset.done $0x0  }
0x25e: {  	[sflag:s7] =	ssyncadd.s32 $0xFFFFE000  }
0x25f: {  	_ =	swait.ge [sflag:s13], $0x2000  }
0x260: {  	[sflag:s13] =	ssyncset.done $0x0  }
0x261: {  	[sflag:s13] =	ssyncadd.s32 $0xFFFFE000  }
0x262: {  	[spmem:s3] =	stream.indirect.scatter.add.f32 [tilespmem:s12], [sflag:$0x3], $0x40, s28, s11, $0xb8;
	[tilespmem:$0xE000] =	vst v63  }
0x263: {  	_ =	swait.ge [sflag:s7], $0x2000  }
0x264: {  	[sflag:s7] =	ssyncset.done $0x0  }
0x265: {  	[sflag:s7] =	ssyncadd.s32 $0xFFFFE000  }
0x266: {  	[spmem:s2] =	stream.indirect.scatter.add.f32 [tilespmem:s10], [sflag:$0x3], $0x10, s28, s11, $0xb8;
	[tilespmem:$0xE000] =	vst v63  }
0x267: {  	_ =	swait.ge [sflag:s7], $0x800  }
0x268: {  	[sflag:s7] =	ssyncset.done $0x0  }
0x269: {  	[sflag:s7] =	ssyncadd.s32 $0xFFFFF800  }
0x26a: {  	[tilespmem:s14], [sflag:$0x1] =	stream.indirect.gather [hbm4b:s5+s11], $0x40, s25, s11, $0xb8;
	[tilespmem:$0xE000] =	vst v63  }
0x26b: {  	s16 =	rddreg [dreg:$0x1c]  }
0x26c: {  	[tilespmem:s12], [sflag:$0x2] =	stream.linear.gather [hbm4b:s16+s4], $0x2000, $0x38;
	[tilespmem:$0xE000] =	vst v63  }
0x26d: {  	_ =	swait.ge [sflag:s15], $0x2000  }
0x26e: {  	[sflag:s15] =	ssyncset.done $0x0  }
0x26f: {  	s16 =	rddreg [dreg:$0x1d];
	[sflag:s15] =	ssyncadd.s32 $0xFFFFE000  }
0x270: {  	[hbm4b:s16+s4] =	stream.linear.scatter [tilespmem:s18], [sflag:$0x3], $0x2000, $0x38;
	[tilespmem:$0xE000] =	vst v63  }
0x271: {  	_ =	swait.ge [sflag:s7], $0x2000  }
0x272: {  	[sflag:s7] =	ssyncset.done $0x0  }
0x273: {  	[sflag:s7] =	ssyncadd.s32 $0xFFFFE000  }
0x274: {  	_ =	swait.ge [sflag:s13], $0x2000  }
0x275: {  	[sflag:s13] =	ssyncset.done $0x0  }
0x276: {  	[sflag:s13] =	ssyncadd.s32 $0xFFFFE000  }
0x277: {  	[spmem:s3] =	stream.indirect.scatter.add.f32 [tilespmem:s17], [sflag:$0x3], $0x40, s26, s11, $0xb8;
	[tilespmem:$0xE000] =	vst v63  }
0x278: {  	_ =	swait.ge [sflag:s7], $0x2000  }
0x279: {  	[sflag:s7] =	ssyncset.done $0x0  }
0x27a: {  	[sflag:s7] =	ssyncadd.s32 $0xFFFFE000  }
0x27b: {  	[spmem:s2] =	stream.indirect.scatter.add.f32 [tilespmem:s10], [sflag:$0x3], $0x10, s26, s11, $0xb8;
	[tilespmem:$0xE000] =	vst v63  }
0x27c: {  	_ =	swait.ge [sflag:s7], $0x800  }
0x27d: {  	[sflag:s7] =	ssyncset.done $0x0  }
0x27e: {  	[sflag:s7] =	ssyncadd.s32 $0xFFFFF800  }
0x27f: {  	[tilespmem:s18], [sflag:$0x1] =	stream.indirect.gather [hbm4b:s5+s11], $0x40, s24, s11, $0xb8;
	[tilespmem:$0xE000] =	vst v63  }
0x280: {  	s26 =	rddreg [dreg:$0x1e]  }
0x281: {  	[tilespmem:s17], [sflag:$0x2] =	stream.linear.gather [hbm4b:s26+s4], $0x2000, $0x38;
	[tilespmem:$0xE000] =	vst v63  }
0x282: {  	_ =	swait.ge [sflag:s15], $0x2000  }
0x283: {  	[sflag:s15] =	ssyncset.done $0x0  }
0x284: {  	s26 =	rddreg [dreg:$0x1f];
	[sflag:s15] =	ssyncadd.s32 $0xFFFFE000  }
0x285: {  	[hbm4b:s26+s4] =	stream.linear.scatter [tilespmem:s14], [sflag:$0x3], $0x2000, $0x38;
	[tilespmem:$0xE000] =	vst v63  }
0x286: {  	_ =	swait.ge [sflag:s7], $0x2000  }
0x287: {  	[sflag:s7] =	ssyncset.done $0x0  }
0x288: {  	[sflag:s7] =	ssyncadd.s32 $0xFFFFE000  }
0x289: {  	_ =	swait.ge [sflag:s13], $0x2000  }
0x28a: {  	[sflag:s13] =	ssyncset.done $0x0  }
0x28b: {  	[sflag:s13] =	ssyncadd.s32 $0xFFFFE000  }
0x28c: {  	[spmem:s3] =	stream.indirect.scatter.add.f32 [tilespmem:s12], [sflag:$0x3], $0x40, s25, s11, $0xb8;
	[tilespmem:$0xE000] =	vst v63  }
0x28d: {  	_ =	swait.ge [sflag:s7], $0x2000  }
0x28e: {  	[sflag:s7] =	ssyncset.done $0x0  }
0x28f: {  	[sflag:s7] =	ssyncadd.s32 $0xFFFFE000  }
0x290: {  	[spmem:s2] =	stream.indirect.scatter.add.f32 [tilespmem:s10], [sflag:$0x3], $0x10, s25, s11, $0xb8;
	[tilespmem:$0xE000] =	vst v63  }
0x291: {  	_ =	swait.ge [sflag:s7], $0x800  }
0x292: {  	[sflag:s7] =	ssyncset.done $0x0  }
0x293: {  	s26 =	sld [smem:$0x7F1];
	[sflag:s7] =	ssyncadd.s32 $0xFFFFF800  }
0x294: {  	[tilespmem:s14], [sflag:$0x1] =	stream.indirect.gather [hbm4b:s5+s11], $0x40, s23, s11, $0xb8;
	[tilespmem:$0xE000] =	vst v63  }
0x295: {  	_ = 	snop  }
0x296: {  	[tilespmem:s12], [sflag:$0x2] =	stream.linear.gather [hbm4b:s26+s4], $0x2000, $0x38;
	[tilespmem:$0xE000] =	vst v63  }
0x297: {  	_ =	swait.ge [sflag:s15], $0x2000  }
0x298: {  	s26 =	sld [smem:$0x7F2]  }
0x299: {  	[sflag:s15] =	ssyncset.done $0x0  }
0x29a: {  	[sflag:s15] =	ssyncadd.s32 $0xFFFFE000  }
0x29b: {  	[hbm4b:s26+s4] =	stream.linear.scatter [tilespmem:s18], [sflag:$0x3], $0x2000, $0x38;
	[tilespmem:$0xE000] =	vst v63  }
0x29c: {  	_ =	swait.ge [sflag:s7], $0x2000  }
0x29d: {  	[sflag:s7] =	ssyncset.done $0x0  }
0x29e: {  	[sflag:s7] =	ssyncadd.s32 $0xFFFFE000  }
0x29f: {  	_ =	swait.ge [sflag:s13], $0x2000  }
0x2a0: {  	[sflag:s13] =	ssyncset.done $0x0  }
0x2a1: {  	[sflag:s13] =	ssyncadd.s32 $0xFFFFE000  }
0x2a2: {  	[spmem:s3] =	stream.indirect.scatter.add.f32 [tilespmem:s17], [sflag:$0x3], $0x40, s24, s11, $0xb8;
	[tilespmem:$0xE000] =	vst v63  }
0x2a3: {  	_ =	swait.ge [sflag:s7], $0x2000  }
0x2a4: {  	[sflag:s7] =	ssyncset.done $0x0  }
0x2a5: {  	[sflag:s7] =	ssyncadd.s32 $0xFFFFE000  }
0x2a6: {  	[spmem:s2] =	stream.indirect.scatter.add.f32 [tilespmem:s10], [sflag:$0x3], $0x10, s24, s11, $0xb8;
	[tilespmem:$0xE000] =	vst v63  }
0x2a7: {  	_ =	swait.ge [sflag:s7], $0x800  }
0x2a8: {  	[sflag:s7] =	ssyncset.done $0x0  }
0x2a9: {  	s26 =	sld [smem:$0x7F3];
	[sflag:s7] =	ssyncadd.s32 $0xFFFFF800  }
0x2aa: {  	[tilespmem:s18], [sflag:$0x1] =	stream.indirect.gather [hbm4b:s5+s11], $0x40, s22, s11, $0xb8;
	[tilespmem:$0xE000] =	vst v63  }
0x2ab: {  	_ = 	snop  }
0x2ac: {  	[tilespmem:s17], [sflag:$0x2] =	stream.linear.gather [hbm4b:s26+s4], $0x2000, $0x38;
	[tilespmem:$0xE000] =	vst v63  }
0x2ad: {  	_ =	swait.ge [sflag:s15], $0x2000  }
0x2ae: {  	s26 =	sld [smem:$0x7F4]  }
0x2af: {  	[sflag:s15] =	ssyncset.done $0x0  }
0x2b0: {  	[sflag:s15] =	ssyncadd.s32 $0xFFFFE000  }
0x2b1: {  	[hbm4b:s26+s4] =	stream.linear.scatter [tilespmem:s14], [sflag:$0x3], $0x2000, $0x38;
	[tilespmem:$0xE000] =	vst v63  }
0x2b2: {  	_ =	swait.ge [sflag:s7], $0x2000  }
0x2b3: {  	[sflag:s7] =	ssyncset.done $0x0  }
0x2b4: {  	[sflag:s7] =	ssyncadd.s32 $0xFFFFE000  }
0x2b5: {  	_ =	swait.ge [sflag:s13], $0x2000  }
0x2b6: {  	[sflag:s13] =	ssyncset.done $0x0  }
0x2b7: {  	[sflag:s13] =	ssyncadd.s32 $0xFFFFE000  }
0x2b8: {  	[spmem:s3] =	stream.indirect.scatter.add.f32 [tilespmem:s12], [sflag:$0x3], $0x40, s23, s11, $0xb8;
	[tilespmem:$0xE000] =	vst v63  }
0x2b9: {  	_ =	swait.ge [sflag:s7], $0x2000  }
0x2ba: {  	[sflag:s7] =	ssyncset.done $0x0  }
0x2bb: {  	[sflag:s7] =	ssyncadd.s32 $0xFFFFE000  }
0x2bc: {  	[spmem:s2] =	stream.indirect.scatter.add.f32 [tilespmem:s10], [sflag:$0x3], $0x10, s23, s11, $0xb8;
	[tilespmem:$0xE000] =	vst v63  }
0x2bd: {  	_ =	swait.ge [sflag:s7], $0x800  }
0x2be: {  	[sflag:s7] =	ssyncset.done $0x0  }
0x2bf: {  	s26 =	sld [smem:$0x7F5];
	[sflag:s7] =	ssyncadd.s32 $0xFFFFF800  }
0x2c0: {  	[tilespmem:s14], [sflag:$0x1] =	stream.indirect.gather [hbm4b:s5+s11], $0x40, s21, s11, $0xb8;
	[tilespmem:$0xE000] =	vst v63  }
0x2c1: {  	_ = 	snop  }
0x2c2: {  	[tilespmem:s12], [sflag:$0x2] =	stream.linear.gather [hbm4b:s26+s4], $0x2000, $0x38;
	[tilespmem:$0xE000] =	vst v63  }
0x2c3: {  	_ =	swait.ge [sflag:s15], $0x2000  }
0x2c4: {  	s26 =	sld [smem:$0x7F6]  }
0x2c5: {  	[sflag:s15] =	ssyncset.done $0x0  }
0x2c6: {  	[sflag:s15] =	ssyncadd.s32 $0xFFFFE000  }
0x2c7: {  	[hbm4b:s26+s4] =	stream.linear.scatter [tilespmem:s18], [sflag:$0x3], $0x2000, $0x38;
	[tilespmem:$0xE000] =	vst v63  }
0x2c8: {  	_ =	swait.ge [sflag:s7], $0x2000  }
0x2c9: {  	[sflag:s7] =	ssyncset.done $0x0  }
0x2ca: {  	[sflag:s7] =	ssyncadd.s32 $0xFFFFE000  }
0x2cb: {  	_ =	swait.ge [sflag:s13], $0x2000  }
0x2cc: {  	[sflag:s13] =	ssyncset.done $0x0  }
0x2cd: {  	[sflag:s13] =	ssyncadd.s32 $0xFFFFE000  }
0x2ce: {  	[spmem:s3] =	stream.indirect.scatter.add.f32 [tilespmem:s17], [sflag:$0x3], $0x40, s22, s11, $0xb8;
	[tilespmem:$0xE000] =	vst v63  }
0x2cf: {  	_ =	swait.ge [sflag:s7], $0x2000  }
0x2d0: {  	[sflag:s7] =	ssyncset.done $0x0  }
0x2d1: {  	[sflag:s7] =	ssyncadd.s32 $0xFFFFE000  }
0x2d2: {  	[spmem:s2] =	stream.indirect.scatter.add.f32 [tilespmem:s10], [sflag:$0x3], $0x10, s22, s11, $0xb8;
	[tilespmem:$0xE000] =	vst v63  }
0x2d3: {  	_ =	swait.ge [sflag:s7], $0x800  }
0x2d4: {  	[sflag:s7] =	ssyncset.done $0x0  }
0x2d5: {  	s26 =	sld [smem:$0x7F7];
	[sflag:s7] =	ssyncadd.s32 $0xFFFFF800  }
0x2d6: {  	[tilespmem:s18], [sflag:$0x1] =	stream.indirect.gather [hbm4b:s5+s11], $0x40, s20, s11, $0xb8;
	[tilespmem:$0xE000] =	vst v63  }
0x2d7: {  	_ = 	snop  }
0x2d8: {  	[tilespmem:s17], [sflag:$0x2] =	stream.linear.gather [hbm4b:s26+s4], $0x2000, $0x38;
	[tilespmem:$0xE000] =	vst v63  }
0x2d9: {  	_ =	swait.ge [sflag:s15], $0x2000  }
0x2da: {  	s26 =	sld [smem:$0x7F8]  }
0x2db: {  	[sflag:s15] =	ssyncset.done $0x0  }
0x2dc: {  	[sflag:s15] =	ssyncadd.s32 $0xFFFFE000  }
0x2dd: {  	[hbm4b:s26+s4] =	stream.linear.scatter [tilespmem:s14], [sflag:$0x3], $0x2000, $0x38;
	[tilespmem:$0xE000] =	vst v63  }
0x2de: {  	_ =	swait.ge [sflag:s7], $0x2000  }
0x2df: {  	[sflag:s7] =	ssyncset.done $0x0  }
0x2e0: {  	[sflag:s7] =	ssyncadd.s32 $0xFFFFE000  }
0x2e1: {  	_ =	swait.ge [sflag:s13], $0x2000  }
0x2e2: {  	[sflag:s13] =	ssyncset.done $0x0  }
0x2e3: {  	[sflag:s13] =	ssyncadd.s32 $0xFFFFE000  }
0x2e4: {  	[spmem:s3] =	stream.indirect.scatter.add.f32 [tilespmem:s12], [sflag:$0x3], $0x40, s21, s11, $0xb8;
	[tilespmem:$0xE000] =	vst v63  }
0x2e5: {  	_ =	swait.ge [sflag:s7], $0x2000  }
0x2e6: {  	[sflag:s7] =	ssyncset.done $0x0  }
0x2e7: {  	[sflag:s7] =	ssyncadd.s32 $0xFFFFE000  }
0x2e8: {  	[spmem:s2] =	stream.indirect.scatter.add.f32 [tilespmem:s10], [sflag:$0x3], $0x10, s21, s11, $0xb8;
	[tilespmem:$0xE000] =	vst v63  }
0x2e9: {  	_ =	swait.ge [sflag:s7], $0x800  }
0x2ea: {  	[sflag:s7] =	ssyncset.done $0x0  }
0x2eb: {  	s26 =	sld [smem:$0x7F9];
	[sflag:s7] =	ssyncadd.s32 $0xFFFFF800  }
0x2ec: {  	[tilespmem:s14], [sflag:$0x1] =	stream.indirect.gather [hbm4b:s5+s11], $0x40, s19, s11, $0xb8;
	[tilespmem:$0xE000] =	vst v63  }
0x2ed: {  	_ = 	snop  }
0x2ee: {  	[tilespmem:s12], [sflag:$0x2] =	stream.linear.gather [hbm4b:s26+s4], $0x2000, $0x38;
	[tilespmem:$0xE000] =	vst v63  }
0x2ef: {  	_ =	swait.ge [sflag:s15], $0x2000  }
0x2f0: {  	s26 =	sld [smem:$0x7FA]  }
0x2f1: {  	[sflag:s15] =	ssyncset.done $0x0  }
0x2f2: {  	[sflag:s15] =	ssyncadd.s32 $0xFFFFE000  }
0x2f3: {  	[hbm4b:s26+s4] =	stream.linear.scatter [tilespmem:s18], [sflag:$0x3], $0x2000, $0x38;
	[tilespmem:$0xE000] =	vst v63  }
0x2f4: {  	_ =	swait.ge [sflag:s7], $0x2000  }
0x2f5: {  	[sflag:s7] =	ssyncset.done $0x0  }
0x2f6: {  	[sflag:s7] =	ssyncadd.s32 $0xFFFFE000  }
0x2f7: {  	_ =	swait.ge [sflag:s13], $0x2000  }
0x2f8: {  	[sflag:s13] =	ssyncset.done $0x0  }
0x2f9: {  	[sflag:s13] =	ssyncadd.s32 $0xFFFFE000  }
0x2fa: {  	[spmem:s3] =	stream.indirect.scatter.add.f32 [tilespmem:s17], [sflag:$0x3], $0x40, s20, s11, $0xb8;
	[tilespmem:$0xE000] =	vst v63  }
0x2fb: {  	_ =	swait.ge [sflag:s7], $0x2000  }
0x2fc: {  	[sflag:s7] =	ssyncset.done $0x0  }
0x2fd: {  	[sflag:s7] =	ssyncadd.s32 $0xFFFFE000  }
0x2fe: {  	[spmem:s2] =	stream.indirect.scatter.add.f32 [tilespmem:s10], [sflag:$0x3], $0x10, s20, s11, $0xb8;
	[tilespmem:$0xE000] =	vst v63  }
0x2ff: {  	_ =	swait.ge [sflag:s7], $0x800  }
0x300: {  	[sflag:s7] =	ssyncset.done $0x0  }
0x301: {  	[sflag:s7] =	ssyncadd.s32 $0xFFFFF800  }
0x302: {  	_ =	swait.ge [sflag:s15], $0x2000  }
0x303: {  	s26 =	sld [smem:$0x7FB]  }
0x304: {  	[sflag:s15] =	ssyncset.done $0x0  }
0x305: {  	[sflag:s15] =	ssyncadd.s32 $0xFFFFE000  }
0x306: {  	[hbm4b:s26+s4] =	stream.linear.scatter [tilespmem:s14], [sflag:$0x3], $0x2000, $0x38;
	[tilespmem:$0xE000] =	vst v63  }
0x307: {  	_ =	swait.ge [sflag:s7], $0x2000  }
0x308: {  	[sflag:s7] =	ssyncset.done $0x0  }
0x309: {  	[sflag:s7] =	ssyncadd.s32 $0xFFFFE000  }
0x30a: {  	_ =	swait.ge [sflag:s13], $0x2000  }
0x30b: {  	[sflag:s13] =	ssyncset.done $0x0  }
0x30c: {  	[sflag:s13] =	ssyncadd.s32 $0xFFFFE000  }
0x30d: {  	[spmem:s3] =	stream.indirect.scatter.add.f32 [tilespmem:s12], [sflag:$0x3], $0x40, s19, s11, $0xb8;
	[tilespmem:$0xE000] =	vst v63  }
0x30e: {  	_ =	swait.ge [sflag:s7], $0x2000  }
0x30f: {  	[sflag:s7] =	ssyncset.done $0x0  }
0x310: {  	[sflag:s7] =	ssyncadd.s32 $0xFFFFE000  }
0x311: {  	[spmem:s2] =	stream.indirect.scatter.add.f32 [tilespmem:s10], [sflag:$0x3], $0x10, s19, s11, $0xb8;
	[tilespmem:$0xE000] =	vst v63  }
0x312: {  	_ =	swait.ge [sflag:s7], $0x800  }
0x313: {  	[sflag:s7] =	ssyncset.done $0x0  }
0x314: {  	[sflag:s7] =	ssyncadd.s32 $0xFFFFF800  }
0x315: {  	[bflag:$0x0] =	sbarrier.arrive $0xFFFF  }
0x316: {  	s26 =	sld [smem:$0x7FC];
	_ =	sdelay $0x2  }
0x317: {  	[hbm:s26], [sflag:s6] =	dma.local [spmem:s8], $0x400  }
0x318: {  	_ =	swait.ge [sflag:s7], $0x400  }
0x319: {  	p1 =	sne.s32 s1, $0x1;
	s26 =	sld [smem:$0x7FD]  }
.Ltmp2:
0x31a: {  	[sflag:s7] =	ssyncset.done $0x0;
	(pc) =	sbr.rel @p1 .LBB2_4-.Ltmp2, $4  }
0x31b: {  	[sflag:s7] =	ssyncadd.s32 $0xFFFFFC00  }
0x31c: {  	[hbm:s26], [sflag:s6] =	dma.local [spmem:s9], $0x100  }
0x31d: {  	_ =	swait.ge [sflag:s7], $0x100  }
0x31e: {  	s1 =	sadd.s32 $0xFFFFFFFF, s1;
	s16 =	rddreg [dreg:$0x7];
	[sflag:s7] =	ssyncset.done $0x0  }
0x31f: {  	s0 =	smov.u32 s8;
	s8 =	smov.u32 s9  }
.LBB2_6:
0x320: {  	[sflag:s7] =	ssyncadd.s32 @p0 $0xFFFFFF00  }
0x321: {  	[spmem:s0], [sflag:s6] =	dma.local [hbm:s16], $0x400  }
0x322: {  	_ =	swait.ge [sflag:s7], $0x400  }
0x323: {  	[sflag:s7] =	ssyncset.done $0x0  }
0x324: {  	s1 =	rddreg [dreg:$0x9];
	[sflag:s7] =	ssyncadd.s32 $0xFFFFFC00  }
0x325: {  	[spmem:s8], [sflag:s6] =	dma.local [hbm:s1], $0x100  }
0x326: {  	_ =	swait.ge [sflag:s7], $0x100  }
0x327: {  	[sflag:s7] =	ssyncset.done $0x0  }
0x328: {  	s19 =	rddreg [dreg:$0x8];
	[sflag:s7] =	ssyncadd.s32 $0xFFFFFF00  }
0x329: {  	[tilespmem:s10], [sflag:$0x3] =	stream.linear.gather [hbm4b:s19+s4], $0x800, $0x38;
	[tilespmem:$0xE000] =	vst v63  }
0x32a: {  	_ =	swait.ge [sflag:s7], $0x800  }
0x32b: {  	[sflag:s7] =	ssyncset.done $0x0  }
0x32c: {  	[sflag:s7] =	ssyncadd.s32 $0xFFFFF800  }
0x32d: {  	[bflag:$0x0] =	sbarrier.arrive $0xFFFF  }
0x32e: {  	s20 =	rddreg [dreg:$0xa]  }
0x32f: {  	[tilespmem:s4], [sflag:$0x3] =	stream.linear.gather [hbm4b:s20+s4], $0x800, $0x38;
	[tilespmem:$0xE000] =	vst v63  }
0x330: {  	_ =	swait.ge [sflag:s7], $0x800  }
0x331: {  	[sflag:s7] =	ssyncset.done $0x0  }
0x332: {  	[sflag:s7] =	ssyncadd.s32 $0xFFFFF800  }
0x333: {  	[tilespmem:s18], [sflag:$0x1] =	stream.indirect.gather [hbm4b:s5+s11], $0x40, s4, s11, $0xb8;
	[tilespmem:$0xE000] =	vst v63  }
0x334: {  	s21 =	rddreg [dreg:$0xb]  }
0x335: {  	[tilespmem:s17], [sflag:$0x2] =	stream.linear.gather [hbm4b:s21+s4], $0x2000, $0x38;
	[tilespmem:$0xE000] =	vst v63  }
0x336: {  	_ = 	snop  }
0x337: {  	[tilespmem:s14], [sflag:$0x1] =	stream.indirect.gather [hbm4b:s5+s11], $0x40, s11, s11, $0xb8;
	[tilespmem:$0xE000] =	vst v63  }
0x338: {  	s22 =	rddreg [dreg:$0xc]  }
0x339: {  	[tilespmem:s12], [sflag:$0x2] =	stream.linear.gather [hbm4b:s22+s4], $0x2000, $0x38;
	[tilespmem:$0xE000] =	vst v63  }
0x33a: {  	_ =	swait.ge [sflag:s15], $0x2000  }
0x33b: {  	[sflag:s15] =	ssyncset.done $0x0  }
0x33c: {  	s23 =	rddreg [dreg:$0xd];
	[sflag:s15] =	ssyncadd.s32 $0xFFFFE000  }
0x33d: {  	[hbm4b:s23+s4] =	stream.linear.scatter [tilespmem:s18], [sflag:$0x3], $0x2000, $0x38;
	[tilespmem:$0xE000] =	vst v63  }
0x33e: {  	_ =	swait.ge [sflag:s7], $0x2000  }
0x33f: {  	[sflag:s7] =	ssyncset.done $0x0  }
0x340: {  	[sflag:s7] =	ssyncadd.s32 $0xFFFFE000  }
0x341: {  	_ =	swait.ge [sflag:s13], $0x2000  }
0x342: {  	[sflag:s13] =	ssyncset.done $0x0  }
0x343: {  	[sflag:s13] =	ssyncadd.s32 $0xFFFFE000  }
0x344: {  	[spmem:s3] =	stream.indirect.scatter.add.f32 [tilespmem:s17], [sflag:$0x3], $0x40, s4, s11, $0xb8;
	[tilespmem:$0xE000] =	vst v63  }
0x345: {  	_ =	swait.ge [sflag:s7], $0x2000  }
0x346: {  	[sflag:s7] =	ssyncset.done $0x0  }
0x347: {  	[sflag:s7] =	ssyncadd.s32 $0xFFFFE000  }
0x348: {  	[spmem:s2] =	stream.indirect.scatter.add.f32 [tilespmem:s10], [sflag:$0x3], $0x10, s4, s11, $0xb8;
	[tilespmem:$0xE000] =	vst v63  }
0x349: {  	_ =	swait.ge [sflag:s7], $0x800  }
0x34a: {  	[sflag:s7] =	ssyncset.done $0x0  }
0x34b: {  	s25 =	simm.s32 $0x100;
	[sflag:s7] =	ssyncadd.s32 $0xFFFFF800  }
0x34c: {  	[tilespmem:s18], [sflag:$0x1] =	stream.indirect.gather [hbm4b:s5+s11], $0x40, s25, s11, $0xb8;
	[tilespmem:$0xE000] =	vst v63  }
0x34d: {  	s24 =	rddreg [dreg:$0xe]  }
0x34e: {  	[tilespmem:s17], [sflag:$0x2] =	stream.linear.gather [hbm4b:s24+s4], $0x2000, $0x38;
	[tilespmem:$0xE000] =	vst v63  }
0x34f: {  	_ =	swait.ge [sflag:s15], $0x2000  }
0x350: {  	[sflag:s15] =	ssyncset.done $0x0  }
0x351: {  	s26 =	rddreg [dreg:$0xf];
	[sflag:s15] =	ssyncadd.s32 $0xFFFFE000  }
0x352: {  	[hbm4b:s26+s4] =	stream.linear.scatter [tilespmem:s14], [sflag:$0x3], $0x2000, $0x38;
	[tilespmem:$0xE000] =	vst v63  }
0x353: {  	_ =	swait.ge [sflag:s7], $0x2000  }
0x354: {  	[sflag:s7] =	ssyncset.done $0x0  }
0x355: {  	[sflag:s7] =	ssyncadd.s32 $0xFFFFE000  }
0x356: {  	_ =	swait.ge [sflag:s13], $0x2000  }
0x357: {  	[sflag:s13] =	ssyncset.done $0x0  }
0x358: {  	[sflag:s13] =	ssyncadd.s32 $0xFFFFE000  }
0x359: {  	[spmem:s3] =	stream.indirect.scatter.add.f32 [tilespmem:s12], [sflag:$0x3], $0x40, s11, s11, $0xb8;
	[tilespmem:$0xE000] =	vst v63  }
0x35a: {  	_ =	swait.ge [sflag:s7], $0x2000  }
0x35b: {  	[sflag:s7] =	ssyncset.done $0x0  }
0x35c: {  	[sflag:s7] =	ssyncadd.s32 $0xFFFFE000  }
0x35d: {  	[spmem:s2] =	stream.indirect.scatter.add.f32 [tilespmem:s10], [sflag:$0x3], $0x10, s11, s11, $0xb8;
	[tilespmem:$0xE000] =	vst v63  }
0x35e: {  	_ =	swait.ge [sflag:s7], $0x800  }
0x35f: {  	[sflag:s7] =	ssyncset.done $0x0  }
0x360: {  	s19 =	simm.s32 $0x180;
	[sflag:s7] =	ssyncadd.s32 $0xFFFFF800  }
0x361: {  	[tilespmem:s14], [sflag:$0x1] =	stream.indirect.gather [hbm4b:s5+s11], $0x40, s19, s11, $0xb8;
	[tilespmem:$0xE000] =	vst v63  }
0x362: {  	s28 =	rddreg [dreg:$0x10]  }
0x363: {  	[tilespmem:s12], [sflag:$0x2] =	stream.linear.gather [hbm4b:s28+s4], $0x2000, $0x38;
	[tilespmem:$0xE000] =	vst v63  }
0x364: {  	_ =	swait.ge [sflag:s15], $0x2000  }
0x365: {  	[sflag:s15] =	ssyncset.done $0x0  }
0x366: {  	s29 =	rddreg [dreg:$0x11];
	[sflag:s15] =	ssyncadd.s32 $0xFFFFE000  }
0x367: {  	[hbm4b:s29+s4] =	stream.linear.scatter [tilespmem:s18], [sflag:$0x3], $0x2000, $0x38;
	[tilespmem:$0xE000] =	vst v63  }
0x368: {  	_ =	swait.ge [sflag:s7], $0x2000  }
0x369: {  	[sflag:s7] =	ssyncset.done $0x0  }
0x36a: {  	[sflag:s7] =	ssyncadd.s32 $0xFFFFE000  }
0x36b: {  	_ =	swait.ge [sflag:s13], $0x2000  }
0x36c: {  	[sflag:s13] =	ssyncset.done $0x0  }
0x36d: {  	[sflag:s13] =	ssyncadd.s32 $0xFFFFE000  }
0x36e: {  	[spmem:s3] =	stream.indirect.scatter.add.f32 [tilespmem:s17], [sflag:$0x3], $0x40, s25, s11, $0xb8;
	[tilespmem:$0xE000] =	vst v63  }
0x36f: {  	_ =	swait.ge [sflag:s7], $0x2000  }
0x370: {  	[sflag:s7] =	ssyncset.done $0x0  }
0x371: {  	[sflag:s7] =	ssyncadd.s32 $0xFFFFE000  }
0x372: {  	[spmem:s2] =	stream.indirect.scatter.add.f32 [tilespmem:s10], [sflag:$0x3], $0x10, s25, s11, $0xb8;
	[tilespmem:$0xE000] =	vst v63  }
0x373: {  	_ =	swait.ge [sflag:s7], $0x800  }
0x374: {  	[sflag:s7] =	ssyncset.done $0x0  }
0x375: {  	s31 =	simm.s32 $0x200;
	[sflag:s7] =	ssyncadd.s32 $0xFFFFF800  }
0x376: {  	[tilespmem:s18], [sflag:$0x1] =	stream.indirect.gather [hbm4b:s5+s11], $0x40, s31, s11, $0xb8;
	[tilespmem:$0xE000] =	vst v63  }
0x377: {  	s30 =	rddreg [dreg:$0x12]  }
0x378: {  	[tilespmem:s17], [sflag:$0x2] =	stream.linear.gather [hbm4b:s30+s4], $0x2000, $0x38;
	[tilespmem:$0xE000] =	vst v63  }
0x379: {  	_ =	swait.ge [sflag:s15], $0x2000  }
0x37a: {  	[sflag:s15] =	ssyncset.done $0x0  }
0x37b: {  	s1 =	rddreg [dreg:$0x13];
	[sflag:s15] =	ssyncadd.s32 $0xFFFFE000  }
0x37c: {  	[hbm4b:s1+s4] =	stream.linear.scatter [tilespmem:s14], [sflag:$0x3], $0x2000, $0x38;
	[tilespmem:$0xE000] =	vst v63  }
0x37d: {  	_ =	swait.ge [sflag:s7], $0x2000  }
0x37e: {  	[sflag:s7] =	ssyncset.done $0x0  }
0x37f: {  	[sflag:s7] =	ssyncadd.s32 $0xFFFFE000  }
0x380: {  	_ =	swait.ge [sflag:s13], $0x2000  }
0x381: {  	[sflag:s13] =	ssyncset.done $0x0  }
0x382: {  	[sflag:s13] =	ssyncadd.s32 $0xFFFFE000  }
0x383: {  	[spmem:s3] =	stream.indirect.scatter.add.f32 [tilespmem:s12], [sflag:$0x3], $0x40, s19, s11, $0xb8;
	[tilespmem:$0xE000] =	vst v63  }
0x384: {  	_ =	swait.ge [sflag:s7], $0x2000  }
0x385: {  	[sflag:s7] =	ssyncset.done $0x0  }
0x386: {  	[sflag:s7] =	ssyncadd.s32 $0xFFFFE000  }
0x387: {  	[spmem:s2] =	stream.indirect.scatter.add.f32 [tilespmem:s10], [sflag:$0x3], $0x10, s19, s11, $0xb8;
	[tilespmem:$0xE000] =	vst v63  }
0x388: {  	_ =	swait.ge [sflag:s7], $0x800  }
0x389: {  	[sflag:s7] =	ssyncset.done $0x0  }
0x38a: {  	s20 =	simm.s32 $0x280;
	[sflag:s7] =	ssyncadd.s32 $0xFFFFF800  }
0x38b: {  	[tilespmem:s14], [sflag:$0x1] =	stream.indirect.gather [hbm4b:s5+s11], $0x40, s20, s11, $0xb8;
	[tilespmem:$0xE000] =	vst v63  }
0x38c: {  	s19 =	rddreg [dreg:$0x14]  }
0x38d: {  	[tilespmem:s12], [sflag:$0x2] =	stream.linear.gather [hbm4b:s19+s4], $0x2000, $0x38;
	[tilespmem:$0xE000] =	vst v63  }
0x38e: {  	_ =	swait.ge [sflag:s15], $0x2000  }
0x38f: {  	[sflag:s15] =	ssyncset.done $0x0  }
0x390: {  	s21 =	rddreg [dreg:$0x15];
	[sflag:s15] =	ssyncadd.s32 $0xFFFFE000  }
0x391: {  	[hbm4b:s21+s4] =	stream.linear.scatter [tilespmem:s18], [sflag:$0x3], $0x2000, $0x38;
	[tilespmem:$0xE000] =	vst v63  }
0x392: {  	_ =	swait.ge [sflag:s7], $0x2000  }
0x393: {  	[sflag:s7] =	ssyncset.done $0x0  }
0x394: {  	[sflag:s7] =	ssyncadd.s32 $0xFFFFE000  }
0x395: {  	_ =	swait.ge [sflag:s13], $0x2000  }
0x396: {  	[sflag:s13] =	ssyncset.done $0x0  }
0x397: {  	[sflag:s13] =	ssyncadd.s32 $0xFFFFE000  }
0x398: {  	[spmem:s3] =	stream.indirect.scatter.add.f32 [tilespmem:s17], [sflag:$0x3], $0x40, s31, s11, $0xb8;
	[tilespmem:$0xE000] =	vst v63  }
0x399: {  	_ =	swait.ge [sflag:s7], $0x2000  }
0x39a: {  	[sflag:s7] =	ssyncset.done $0x0  }
0x39b: {  	[sflag:s7] =	ssyncadd.s32 $0xFFFFE000  }
0x39c: {  	[spmem:s2] =	stream.indirect.scatter.add.f32 [tilespmem:s10], [sflag:$0x3], $0x10, s31, s11, $0xb8;
	[tilespmem:$0xE000] =	vst v63  }
0x39d: {  	_ =	swait.ge [sflag:s7], $0x800  }
0x39e: {  	[sflag:s7] =	ssyncset.done $0x0  }
0x39f: {  	s23 =	simm.s32 $0x300;
	[sflag:s7] =	ssyncadd.s32 $0xFFFFF800  }
0x3a0: {  	[tilespmem:s18], [sflag:$0x1] =	stream.indirect.gather [hbm4b:s5+s11], $0x40, s23, s11, $0xb8;
	[tilespmem:$0xE000] =	vst v63  }
0x3a1: {  	s22 =	rddreg [dreg:$0x16]  }
0x3a2: {  	[tilespmem:s17], [sflag:$0x2] =	stream.linear.gather [hbm4b:s22+s4], $0x2000, $0x38;
	[tilespmem:$0xE000] =	vst v63  }
0x3a3: {  	_ =	swait.ge [sflag:s15], $0x2000  }
0x3a4: {  	[sflag:s15] =	ssyncset.done $0x0  }
0x3a5: {  	s24 =	rddreg [dreg:$0x17];
	[sflag:s15] =	ssyncadd.s32 $0xFFFFE000  }
0x3a6: {  	[hbm4b:s24+s4] =	stream.linear.scatter [tilespmem:s14], [sflag:$0x3], $0x2000, $0x38;
	[tilespmem:$0xE000] =	vst v63  }
0x3a7: {  	_ =	swait.ge [sflag:s7], $0x2000  }
0x3a8: {  	[sflag:s7] =	ssyncset.done $0x0  }
0x3a9: {  	[sflag:s7] =	ssyncadd.s32 $0xFFFFE000  }
0x3aa: {  	_ =	swait.ge [sflag:s13], $0x2000  }
0x3ab: {  	[sflag:s13] =	ssyncset.done $0x0  }
0x3ac: {  	[sflag:s13] =	ssyncadd.s32 $0xFFFFE000  }
0x3ad: {  	[spmem:s3] =	stream.indirect.scatter.add.f32 [tilespmem:s12], [sflag:$0x3], $0x40, s20, s11, $0xb8;
	[tilespmem:$0xE000] =	vst v63  }
0x3ae: {  	_ =	swait.ge [sflag:s7], $0x2000  }
0x3af: {  	[sflag:s7] =	ssyncset.done $0x0  }
0x3b0: {  	[sflag:s7] =	ssyncadd.s32 $0xFFFFE000  }
0x3b1: {  	[spmem:s2] =	stream.indirect.scatter.add.f32 [tilespmem:s10], [sflag:$0x3], $0x10, s20, s11, $0xb8;
	[tilespmem:$0xE000] =	vst v63  }
0x3b2: {  	_ =	swait.ge [sflag:s7], $0x800  }
0x3b3: {  	[sflag:s7] =	ssyncset.done $0x0  }
0x3b4: {  	s26 =	simm.s32 $0x380;
	[sflag:s7] =	ssyncadd.s32 $0xFFFFF800  }
0x3b5: {  	[tilespmem:s14], [sflag:$0x1] =	stream.indirect.gather [hbm4b:s5+s11], $0x40, s26, s11, $0xb8;
	[tilespmem:$0xE000] =	vst v63  }
0x3b6: {  	s25 =	rddreg [dreg:$0x18]  }
0x3b7: {  	[tilespmem:s12], [sflag:$0x2] =	stream.linear.gather [hbm4b:s25+s4], $0x2000, $0x38;
	[tilespmem:$0xE000] =	vst v63  }
0x3b8: {  	_ =	swait.ge [sflag:s15], $0x2000  }
0x3b9: {  	[sflag:s15] =	ssyncset.done $0x0  }
0x3ba: {  	s28 =	rddreg [dreg:$0x19];
	[sflag:s15] =	ssyncadd.s32 $0xFFFFE000  }
0x3bb: {  	[hbm4b:s28+s4] =	stream.linear.scatter [tilespmem:s18], [sflag:$0x3], $0x2000, $0x38;
	[tilespmem:$0xE000] =	vst v63  }
0x3bc: {  	_ =	swait.ge [sflag:s7], $0x2000  }
0x3bd: {  	[sflag:s7] =	ssyncset.done $0x0  }
0x3be: {  	[sflag:s7] =	ssyncadd.s32 $0xFFFFE000  }
0x3bf: {  	_ =	swait.ge [sflag:s13], $0x2000  }
0x3c0: {  	[sflag:s13] =	ssyncset.done $0x0  }
0x3c1: {  	[sflag:s13] =	ssyncadd.s32 $0xFFFFE000  }
0x3c2: {  	[spmem:s3] =	stream.indirect.scatter.add.f32 [tilespmem:s17], [sflag:$0x3], $0x40, s23, s11, $0xb8;
	[tilespmem:$0xE000] =	vst v63  }
0x3c3: {  	_ =	swait.ge [sflag:s7], $0x2000  }
0x3c4: {  	[sflag:s7] =	ssyncset.done $0x0  }
0x3c5: {  	[sflag:s7] =	ssyncadd.s32 $0xFFFFE000  }
0x3c6: {  	[spmem:s2] =	stream.indirect.scatter.add.f32 [tilespmem:s10], [sflag:$0x3], $0x10, s23, s11, $0xb8;
	[tilespmem:$0xE000] =	vst v63  }
0x3c7: {  	_ =	swait.ge [sflag:s7], $0x800  }
0x3c8: {  	[sflag:s7] =	ssyncset.done $0x0  }
0x3c9: {  	s30 =	simm.s32 $0x400;
	[sflag:s7] =	ssyncadd.s32 $0xFFFFF800  }
0x3ca: {  	[tilespmem:s18], [sflag:$0x1] =	stream.indirect.gather [hbm4b:s5+s11], $0x40, s30, s11, $0xb8;
	[tilespmem:$0xE000] =	vst v63  }
0x3cb: {  	s29 =	rddreg [dreg:$0x1a]  }
0x3cc: {  	[tilespmem:s17], [sflag:$0x2] =	stream.linear.gather [hbm4b:s29+s4], $0x2000, $0x38;
	[tilespmem:$0xE000] =	vst v63  }
0x3cd: {  	_ =	swait.ge [sflag:s15], $0x2000  }
0x3ce: {  	[sflag:s15] =	ssyncset.done $0x0  }
0x3cf: {  	s31 =	rddreg [dreg:$0x1b];
	[sflag:s15] =	ssyncadd.s32 $0xFFFFE000  }
0x3d0: {  	[hbm4b:s31+s4] =	stream.linear.scatter [tilespmem:s14], [sflag:$0x3], $0x2000, $0x38;
	[tilespmem:$0xE000] =	vst v63  }
0x3d1: {  	_ =	swait.ge [sflag:s7], $0x2000  }
0x3d2: {  	[sflag:s7] =	ssyncset.done $0x0  }
0x3d3: {  	[sflag:s7] =	ssyncadd.s32 $0xFFFFE000  }
0x3d4: {  	_ =	swait.ge [sflag:s13], $0x2000  }
0x3d5: {  	[sflag:s13] =	ssyncset.done $0x0  }
0x3d6: {  	[sflag:s13] =	ssyncadd.s32 $0xFFFFE000  }
0x3d7: {  	[spmem:s3] =	stream.indirect.scatter.add.f32 [tilespmem:s12], [sflag:$0x3], $0x40, s26, s11, $0xb8;
	[tilespmem:$0xE000] =	vst v63  }
0x3d8: {  	_ =	swait.ge [sflag:s7], $0x2000  }
0x3d9: {  	[sflag:s7] =	ssyncset.done $0x0  }
0x3da: {  	[sflag:s7] =	ssyncadd.s32 $0xFFFFE000  }
0x3db: {  	[spmem:s2] =	stream.indirect.scatter.add.f32 [tilespmem:s10], [sflag:$0x3], $0x10, s26, s11, $0xb8;
	[tilespmem:$0xE000] =	vst v63  }
0x3dc: {  	_ =	swait.ge [sflag:s7], $0x800  }
0x3dd: {  	[sflag:s7] =	ssyncset.done $0x0  }
0x3de: {  	s20 =	simm.s32 $0x480;
	[sflag:s7] =	ssyncadd.s32 $0xFFFFF800  }
0x3df: {  	[tilespmem:s14], [sflag:$0x1] =	stream.indirect.gather [hbm4b:s5+s11], $0x40, s20, s11, $0xb8;
	[tilespmem:$0xE000] =	vst v63  }
0x3e0: {  	s19 =	rddreg [dreg:$0x1c]  }
0x3e1: {  	[tilespmem:s12], [sflag:$0x2] =	stream.linear.gather [hbm4b:s19+s4], $0x2000, $0x38;
	[tilespmem:$0xE000] =	vst v63  }
0x3e2: {  	_ =	swait.ge [sflag:s15], $0x2000  }
0x3e3: {  	[sflag:s15] =	ssyncset.done $0x0  }
0x3e4: {  	s21 =	rddreg [dreg:$0x1d];
	[sflag:s15] =	ssyncadd.s32 $0xFFFFE000  }
0x3e5: {  	[hbm4b:s21+s4] =	stream.linear.scatter [tilespmem:s18], [sflag:$0x3], $0x2000, $0x38;
	[tilespmem:$0xE000] =	vst v63  }
0x3e6: {  	_ =	swait.ge [sflag:s7], $0x2000  }
0x3e7: {  	[sflag:s7] =	ssyncset.done $0x0  }
0x3e8: {  	[sflag:s7] =	ssyncadd.s32 $0xFFFFE000  }
0x3e9: {  	_ =	swait.ge [sflag:s13], $0x2000  }
0x3ea: {  	[sflag:s13] =	ssyncset.done $0x0  }
0x3eb: {  	[sflag:s13] =	ssyncadd.s32 $0xFFFFE000  }
0x3ec: {  	[spmem:s3] =	stream.indirect.scatter.add.f32 [tilespmem:s17], [sflag:$0x3], $0x40, s30, s11, $0xb8;
	[tilespmem:$0xE000] =	vst v63  }
0x3ed: {  	_ =	swait.ge [sflag:s7], $0x2000  }
0x3ee: {  	[sflag:s7] =	ssyncset.done $0x0  }
0x3ef: {  	[sflag:s7] =	ssyncadd.s32 $0xFFFFE000  }
0x3f0: {  	[spmem:s2] =	stream.indirect.scatter.add.f32 [tilespmem:s10], [sflag:$0x3], $0x10, s30, s11, $0xb8;
	[tilespmem:$0xE000] =	vst v63  }
0x3f1: {  	_ =	swait.ge [sflag:s7], $0x800  }
0x3f2: {  	[sflag:s7] =	ssyncset.done $0x0  }
0x3f3: {  	s23 =	simm.s32 $0x500;
	[sflag:s7] =	ssyncadd.s32 $0xFFFFF800  }
0x3f4: {  	[tilespmem:s18], [sflag:$0x1] =	stream.indirect.gather [hbm4b:s5+s11], $0x40, s23, s11, $0xb8;
	[tilespmem:$0xE000] =	vst v63  }
0x3f5: {  	s22 =	rddreg [dreg:$0x1e]  }
0x3f6: {  	[tilespmem:s17], [sflag:$0x2] =	stream.linear.gather [hbm4b:s22+s4], $0x2000, $0x38;
	[tilespmem:$0xE000] =	vst v63  }
0x3f7: {  	_ =	swait.ge [sflag:s15], $0x2000  }
0x3f8: {  	[sflag:s15] =	ssyncset.done $0x0  }
0x3f9: {  	s24 =	rddreg [dreg:$0x1f];
	[sflag:s15] =	ssyncadd.s32 $0xFFFFE000  }
0x3fa: {  	[hbm4b:s24+s4] =	stream.linear.scatter [tilespmem:s14], [sflag:$0x3], $0x2000, $0x38;
	[tilespmem:$0xE000] =	vst v63  }
0x3fb: {  	_ =	swait.ge [sflag:s7], $0x2000  }
0x3fc: {  	[sflag:s7] =	ssyncset.done $0x0  }
0x3fd: {  	[sflag:s7] =	ssyncadd.s32 $0xFFFFE000  }
0x3fe: {  	_ =	swait.ge [sflag:s13], $0x2000  }
0x3ff: {  	[sflag:s13] =	ssyncset.done $0x0  }
0x400: {  	[sflag:s13] =	ssyncadd.s32 $0xFFFFE000  }
0x401: {  	[spmem:s3] =	stream.indirect.scatter.add.f32 [tilespmem:s12], [sflag:$0x3], $0x40, s20, s11, $0xb8;
	[tilespmem:$0xE000] =	vst v63  }
0x402: {  	_ =	swait.ge [sflag:s7], $0x2000  }
0x403: {  	[sflag:s7] =	ssyncset.done $0x0  }
0x404: {  	[sflag:s7] =	ssyncadd.s32 $0xFFFFE000  }
0x405: {  	[spmem:s2] =	stream.indirect.scatter.add.f32 [tilespmem:s10], [sflag:$0x3], $0x10, s20, s11, $0xb8;
	[tilespmem:$0xE000] =	vst v63  }
0x406: {  	_ =	swait.ge [sflag:s7], $0x800  }
0x407: {  	[sflag:s7] =	ssyncset.done $0x0  }
0x408: {  	s26 =	simm.s32 $0x580;
	s25 =	sld [smem:$0x7F1];
	[sflag:s7] =	ssyncadd.s32 $0xFFFFF800  }
0x409: {  	[tilespmem:s14], [sflag:$0x1] =	stream.indirect.gather [hbm4b:s5+s11], $0x40, s26, s11, $0xb8;
	[tilespmem:$0xE000] =	vst v63  }
0x40a: {  	_ = 	snop  }
0x40b: {  	[tilespmem:s12], [sflag:$0x2] =	stream.linear.gather [hbm4b:s25+s4], $0x2000, $0x38;
	[tilespmem:$0xE000] =	vst v63  }
0x40c: {  	_ =	swait.ge [sflag:s15], $0x2000  }
0x40d: {  	s28 =	sld [smem:$0x7F2]  }
0x40e: {  	[sflag:s15] =	ssyncset.done $0x0  }
0x40f: {  	[sflag:s15] =	ssyncadd.s32 $0xFFFFE000  }
0x410: {  	[hbm4b:s28+s4] =	stream.linear.scatter [tilespmem:s18], [sflag:$0x3], $0x2000, $0x38;
	[tilespmem:$0xE000] =	vst v63  }
0x411: {  	_ =	swait.ge [sflag:s7], $0x2000  }
0x412: {  	[sflag:s7] =	ssyncset.done $0x0  }
0x413: {  	[sflag:s7] =	ssyncadd.s32 $0xFFFFE000  }
0x414: {  	_ =	swait.ge [sflag:s13], $0x2000  }
0x415: {  	[sflag:s13] =	ssyncset.done $0x0  }
0x416: {  	[sflag:s13] =	ssyncadd.s32 $0xFFFFE000  }
0x417: {  	[spmem:s3] =	stream.indirect.scatter.add.f32 [tilespmem:s17], [sflag:$0x3], $0x40, s23, s11, $0xb8;
	[tilespmem:$0xE000] =	vst v63  }
0x418: {  	_ =	swait.ge [sflag:s7], $0x2000  }
0x419: {  	[sflag:s7] =	ssyncset.done $0x0  }
0x41a: {  	[sflag:s7] =	ssyncadd.s32 $0xFFFFE000  }
0x41b: {  	[spmem:s2] =	stream.indirect.scatter.add.f32 [tilespmem:s10], [sflag:$0x3], $0x10, s23, s11, $0xb8;
	[tilespmem:$0xE000] =	vst v63  }
0x41c: {  	_ =	swait.ge [sflag:s7], $0x800  }
0x41d: {  	[sflag:s7] =	ssyncset.done $0x0  }
0x41e: {  	s30 =	simm.s32 $0x600;
	s29 =	sld [smem:$0x7F3];
	[sflag:s7] =	ssyncadd.s32 $0xFFFFF800  }
0x41f: {  	[tilespmem:s18], [sflag:$0x1] =	stream.indirect.gather [hbm4b:s5+s11], $0x40, s30, s11, $0xb8;
	[tilespmem:$0xE000] =	vst v63  }
0x420: {  	_ = 	snop  }
0x421: {  	[tilespmem:s17], [sflag:$0x2] =	stream.linear.gather [hbm4b:s29+s4], $0x2000, $0x38;
	[tilespmem:$0xE000] =	vst v63  }
0x422: {  	_ =	swait.ge [sflag:s15], $0x2000  }
0x423: {  	s31 =	sld [smem:$0x7F4]  }
0x424: {  	[sflag:s15] =	ssyncset.done $0x0  }
0x425: {  	[sflag:s15] =	ssyncadd.s32 $0xFFFFE000  }
0x426: {  	[hbm4b:s31+s4] =	stream.linear.scatter [tilespmem:s14], [sflag:$0x3], $0x2000, $0x38;
	[tilespmem:$0xE000] =	vst v63  }
0x427: {  	_ =	swait.ge [sflag:s7], $0x2000  }
0x428: {  	[sflag:s7] =	ssyncset.done $0x0  }
0x429: {  	[sflag:s7] =	ssyncadd.s32 $0xFFFFE000  }
0x42a: {  	_ =	swait.ge [sflag:s13], $0x2000  }
0x42b: {  	[sflag:s13] =	ssyncset.done $0x0  }
0x42c: {  	[sflag:s13] =	ssyncadd.s32 $0xFFFFE000  }
0x42d: {  	[spmem:s3] =	stream.indirect.scatter.add.f32 [tilespmem:s12], [sflag:$0x3], $0x40, s26, s11, $0xb8;
	[tilespmem:$0xE000] =	vst v63  }
0x42e: {  	_ =	swait.ge [sflag:s7], $0x2000  }
0x42f: {  	[sflag:s7] =	ssyncset.done $0x0  }
0x430: {  	[sflag:s7] =	ssyncadd.s32 $0xFFFFE000  }
0x431: {  	[spmem:s2] =	stream.indirect.scatter.add.f32 [tilespmem:s10], [sflag:$0x3], $0x10, s26, s11, $0xb8;
	[tilespmem:$0xE000] =	vst v63  }
0x432: {  	_ =	swait.ge [sflag:s7], $0x800  }
0x433: {  	[sflag:s7] =	ssyncset.done $0x0  }
0x434: {  	s19 =	simm.s32 $0x680;
	s1 =	sld [smem:$0x7F5];
	[sflag:s7] =	ssyncadd.s32 $0xFFFFF800  }
0x435: {  	[tilespmem:s14], [sflag:$0x1] =	stream.indirect.gather [hbm4b:s5+s11], $0x40, s19, s11, $0xb8;
	[tilespmem:$0xE000] =	vst v63  }
0x436: {  	_ = 	snop  }
0x437: {  	[tilespmem:s12], [sflag:$0x2] =	stream.linear.gather [hbm4b:s1+s4], $0x2000, $0x38;
	[tilespmem:$0xE000] =	vst v63  }
0x438: {  	_ =	swait.ge [sflag:s15], $0x2000  }
0x439: {  	s20 =	sld [smem:$0x7F6]  }
0x43a: {  	[sflag:s15] =	ssyncset.done $0x0  }
0x43b: {  	[sflag:s15] =	ssyncadd.s32 $0xFFFFE000  }
0x43c: {  	[hbm4b:s20+s4] =	stream.linear.scatter [tilespmem:s18], [sflag:$0x3], $0x2000, $0x38;
	[tilespmem:$0xE000] =	vst v63  }
0x43d: {  	_ =	swait.ge [sflag:s7], $0x2000  }
0x43e: {  	[sflag:s7] =	ssyncset.done $0x0  }
0x43f: {  	[sflag:s7] =	ssyncadd.s32 $0xFFFFE000  }
0x440: {  	_ =	swait.ge [sflag:s13], $0x2000  }
0x441: {  	[sflag:s13] =	ssyncset.done $0x0  }
0x442: {  	[sflag:s13] =	ssyncadd.s32 $0xFFFFE000  }
0x443: {  	[spmem:s3] =	stream.indirect.scatter.add.f32 [tilespmem:s17], [sflag:$0x3], $0x40, s30, s11, $0xb8;
	[tilespmem:$0xE000] =	vst v63  }
0x444: {  	_ =	swait.ge [sflag:s7], $0x2000  }
0x445: {  	[sflag:s7] =	ssyncset.done $0x0  }
0x446: {  	[sflag:s7] =	ssyncadd.s32 $0xFFFFE000  }
0x447: {  	[spmem:s2] =	stream.indirect.scatter.add.f32 [tilespmem:s10], [sflag:$0x3], $0x10, s30, s11, $0xb8;
	[tilespmem:$0xE000] =	vst v63  }
0x448: {  	_ =	swait.ge [sflag:s7], $0x800  }
0x449: {  	[sflag:s7] =	ssyncset.done $0x0  }
0x44a: {  	s22 =	simm.s32 $0x700;
	s21 =	sld [smem:$0x7F7];
	[sflag:s7] =	ssyncadd.s32 $0xFFFFF800  }
0x44b: {  	[tilespmem:s18], [sflag:$0x1] =	stream.indirect.gather [hbm4b:s5+s11], $0x40, s22, s11, $0xb8;
	[tilespmem:$0xE000] =	vst v63  }
0x44c: {  	_ = 	snop  }
0x44d: {  	[tilespmem:s17], [sflag:$0x2] =	stream.linear.gather [hbm4b:s21+s4], $0x2000, $0x38;
	[tilespmem:$0xE000] =	vst v63  }
0x44e: {  	_ =	swait.ge [sflag:s15], $0x2000  }
0x44f: {  	s23 =	sld [smem:$0x7F8]  }
0x450: {  	[sflag:s15] =	ssyncset.done $0x0  }
0x451: {  	[sflag:s15] =	ssyncadd.s32 $0xFFFFE000  }
0x452: {  	[hbm4b:s23+s4] =	stream.linear.scatter [tilespmem:s14], [sflag:$0x3], $0x2000, $0x38;
	[tilespmem:$0xE000] =	vst v63  }
0x453: {  	_ =	swait.ge [sflag:s7], $0x2000  }
0x454: {  	[sflag:s7] =	ssyncset.done $0x0  }
0x455: {  	[sflag:s7] =	ssyncadd.s32 $0xFFFFE000  }
0x456: {  	_ =	swait.ge [sflag:s13], $0x2000  }
0x457: {  	[sflag:s13] =	ssyncset.done $0x0  }
0x458: {  	[sflag:s13] =	ssyncadd.s32 $0xFFFFE000  }
0x459: {  	[spmem:s3] =	stream.indirect.scatter.add.f32 [tilespmem:s12], [sflag:$0x3], $0x40, s19, s11, $0xb8;
	[tilespmem:$0xE000] =	vst v63  }
0x45a: {  	_ =	swait.ge [sflag:s7], $0x2000  }
0x45b: {  	[sflag:s7] =	ssyncset.done $0x0  }
0x45c: {  	[sflag:s7] =	ssyncadd.s32 $0xFFFFE000  }
0x45d: {  	[spmem:s2] =	stream.indirect.scatter.add.f32 [tilespmem:s10], [sflag:$0x3], $0x10, s19, s11, $0xb8;
	[tilespmem:$0xE000] =	vst v63  }
0x45e: {  	_ =	swait.ge [sflag:s7], $0x800  }
0x45f: {  	[sflag:s7] =	ssyncset.done $0x0  }
0x460: {  	s25 =	simm.s32 $0x780;
	s24 =	sld [smem:$0x7F9];
	[sflag:s7] =	ssyncadd.s32 $0xFFFFF800  }
0x461: {  	[tilespmem:s14], [sflag:$0x1] =	stream.indirect.gather [hbm4b:s5+s11], $0x40, s25, s11, $0xb8;
	[tilespmem:$0xE000] =	vst v63  }
0x462: {  	_ = 	snop  }
0x463: {  	[tilespmem:s12], [sflag:$0x2] =	stream.linear.gather [hbm4b:s24+s4], $0x2000, $0x38;
	[tilespmem:$0xE000] =	vst v63  }
0x464: {  	_ =	swait.ge [sflag:s15], $0x2000  }
0x465: {  	s26 =	sld [smem:$0x7FA]  }
0x466: {  	[sflag:s15] =	ssyncset.done $0x0  }
0x467: {  	[sflag:s15] =	ssyncadd.s32 $0xFFFFE000  }
0x468: {  	[hbm4b:s26+s4] =	stream.linear.scatter [tilespmem:s18], [sflag:$0x3], $0x2000, $0x38;
	[tilespmem:$0xE000] =	vst v63  }
0x469: {  	_ =	swait.ge [sflag:s7], $0x2000  }
0x46a: {  	[sflag:s7] =	ssyncset.done $0x0  }
0x46b: {  	[sflag:s7] =	ssyncadd.s32 $0xFFFFE000  }
0x46c: {  	_ =	swait.ge [sflag:s13], $0x2000  }
0x46d: {  	[sflag:s13] =	ssyncset.done $0x0  }
0x46e: {  	[sflag:s13] =	ssyncadd.s32 $0xFFFFE000  }
0x46f: {  	[spmem:s3] =	stream.indirect.scatter.add.f32 [tilespmem:s17], [sflag:$0x3], $0x40, s22, s11, $0xb8;
	[tilespmem:$0xE000] =	vst v63  }
0x470: {  	_ =	swait.ge [sflag:s7], $0x2000  }
0x471: {  	[sflag:s7] =	ssyncset.done $0x0  }
0x472: {  	[sflag:s7] =	ssyncadd.s32 $0xFFFFE000  }
0x473: {  	[spmem:s2] =	stream.indirect.scatter.add.f32 [tilespmem:s10], [sflag:$0x3], $0x10, s22, s11, $0xb8;
	[tilespmem:$0xE000] =	vst v63  }
0x474: {  	_ =	swait.ge [sflag:s7], $0x800  }
0x475: {  	[sflag:s7] =	ssyncset.done $0x0  }
0x476: {  	[sflag:s7] =	ssyncadd.s32 $0xFFFFF800  }
0x477: {  	_ =	swait.ge [sflag:s15], $0x2000  }
0x478: {  	s28 =	sld [smem:$0x7FB]  }
0x479: {  	[sflag:s15] =	ssyncset.done $0x0  }
0x47a: {  	[sflag:s15] =	ssyncadd.s32 $0xFFFFE000  }
0x47b: {  	[hbm4b:s28+s4] =	stream.linear.scatter [tilespmem:s14], [sflag:$0x3], $0x2000, $0x38;
	[tilespmem:$0xE000] =	vst v63  }
0x47c: {  	_ =	swait.ge [sflag:s7], $0x2000  }
0x47d: {  	[sflag:s7] =	ssyncset.done $0x0  }
0x47e: {  	[sflag:s7] =	ssyncadd.s32 $0xFFFFE000  }
0x47f: {  	_ =	swait.ge [sflag:s13], $0x2000  }
0x480: {  	[sflag:s13] =	ssyncset.done $0x0  }
0x481: {  	[sflag:s13] =	ssyncadd.s32 $0xFFFFE000  }
0x482: {  	[spmem:s3] =	stream.indirect.scatter.add.f32 [tilespmem:s12], [sflag:$0x3], $0x40, s25, s11, $0xb8;
	[tilespmem:$0xE000] =	vst v63  }
0x483: {  	_ =	swait.ge [sflag:s7], $0x2000  }
0x484: {  	[sflag:s7] =	ssyncset.done $0x0  }
0x485: {  	[sflag:s7] =	ssyncadd.s32 $0xFFFFE000  }
0x486: {  	[spmem:s2] =	stream.indirect.scatter.add.f32 [tilespmem:s10], [sflag:$0x3], $0x10, s25, s11, $0xb8;
	[tilespmem:$0xE000] =	vst v63  }
0x487: {  	_ =	swait.ge [sflag:s7], $0x800  }
0x488: {  	[sflag:s7] =	ssyncset.done $0x0  }
0x489: {  	[sflag:s7] =	ssyncadd.s32 $0xFFFFF800  }
0x48a: {  	[bflag:$0x0] =	sbarrier.arrive $0xFFFF  }
0x48b: {  	s29 =	sld [smem:$0x7FC];
	_ =	sdelay $0x1  }
0x48c: {  	s9 =	smov.u32 s0  }
0x48d: {  	[hbm:s29], [sflag:s6] =	dma.local [spmem:s9], $0x400  }
0x48e: {  	_ =	swait.ge [sflag:s7], $0x400  }
0x48f: {  	s30 =	sld [smem:$0x7FD]  }
0x490: {  	[sflag:s7] =	ssyncset.done $0x0  }
0x491: {  	[sflag:s7] =	ssyncadd.s32 $0xFFFFFC00  }
0x492: {  	[hbm:s30], [sflag:s6] =	dma.local [spmem:s8], $0x100  }
0x493: {  	_ =	swait.ge [sflag:s7], $0x100  }
0x494: {  	[sflag:s7] =	ssyncset.done $0x0  }
0x495: {  	[sflag:s7] =	ssyncadd.s32 $0xFFFFFF00  }
0x496: {  	_ =	sfence.sel $0x180000  }
0x497: {  	[bflag:$0x0] =	sbarrier.arrive $0xFFFF  }
0x498: {  	_ =	strace $0x90000047  }
0x499: {  	s31 =	stileid.u32;
	[bflag:$0x2] =	sbarrier.arrive $0xFFFF  }
0x49a: {  	p0 =	sne.s32 s31, $0x0;
	s0 =	rddreg [dreg:$0x6]  }
0x49b: {  	s0 =	sadd.s32 @!p0 $0x100000, s0  }
0x49c: {  	[sflag:s0] =	ssyncadd.tile.s32 @!p0 $0x1;
	_ =	shalt  }
.LBB2_1:
.Ltmp3:
0x49d: {  	(pc) =	sbr.rel .LBB2_6-.Ltmp3, $2  }
0x49e: {  	_ =	sdelay $0x2  }
0x49f: {  	s0 =	smov.u32 s8;
	s8 =	smov.u32 s9  }
.LBB2_3:
.Ltmp4:
0x4a0: {  	(pc) =	sbr.rel .LBB2_6-.Ltmp4, $2  }
0x4a1: {  	_ =	sdelay $0x2  }
0x4a2: {  	s0 =	smov.u32 s8;
	s8 =	smov.u32 s9  }
.Lfunc_end2:
_tile_overlayer_lowered:
.L_overlay_start_2:
0x4a3: {  	(tag) =	ssettag $0x2  }
0x4a4: {  	s0 =	rddreg [dreg:$0x0];
	s2 =	stileid.u32  }
0x4a5: {  	s1 =	rddreg [dreg:$0x1];
	p0 =	sne.s32 s2, $0x0  }
0x4a6: {  	s3 =	rddreg [dreg:$0x2];
	[bflag:$0x3] =	sbarrier.arrive $0xFFFF;
	s2 =	simm.s32 @!p0 $0x1C03  }
0x4a7: {  	[timem:s3], [sflag:s2] =	dma.local @!p0 [hbm:s0], s1  }
0x4a8: {  	s0 =	simm.s32 @!p0 $0x3  }
0x4a9: {  	_ =	swait.ge @!p0 [sflag:s0], s1  }
0x4aa: {  	s1 =	ssub.s32 @!p0 $0x0, s1;
	[sflag:s0] =	ssyncset.done @!p0 $0x0  }
0x4ab: {  	[sflag:s0] =	ssyncadd.s32 @!p0 s1  }
0x4ac: {  	[bflag:$0x3] =	sbarrier.arrive $0xFFFF  }
0x4ad: {  	_ =	shalt  }

// kernel: kernel.9.cloned.1.call-start
scs
__scs_entry_jumppad:
0x0: {  	(pc) =	sbr.rel $0x88, $3  }
0x1: {  	(tag) =	ssettag $0x0;
	lr =	simm.s32 $0x1  }
0x2: {  	[smem:$0x3F9D] =	sst lr;
	_ =	strace $0xD0000000  }
0x3: {  	_ = 	snop  }
0x4: {  	_ = 	snop  }
0x5: {  	_ = 	snop  }
0x6: {  	_ = 	snop  }
0x7: {  	_ = 	snop  }
__scs_overlays_trampoline_lowered:
0x8: {  	[smem:$0x3FAC] =	sst s0  }
0x9: {  	[smem:$0x3FAD] =	sst s1  }
0xa: {  	[smem:$0x3FAE] =	sst s2  }
0xb: {  	[smem:$0x3FAF] =	sst s3  }
0xc: {  	[smem:$0x3FB0] =	sst s4  }
0xd: {  	[smem:$0x3FB1] =	sst s5  }
0xe: {  	[smem:$0x3FB2] =	sst s6  }
0xf: {  	[smem:$0x3FB3] =	sst s7  }
0x10: {  	[smem:$0x3FB4] =	sst s8  }
0x11: {  	[smem:$0x3FB5] =	sst s9;
	s0 =	simm.s32 @!p0 $0x0  }
0x12: {  	s1 =	sld [smem:$0x3F9B];
	s0 =	simm.s32 @p0 $0x1  }
0x13: {  	[smem:$0x3FB6] =	sst s0;
	s0 =	simm.s32 @!p1 $0x0  }
0x14: {  	s2 =	sld [smem:$0x3F9A];
	s0 =	simm.s32 @p1 $0x1  }
0x15: {  	[smem:$0x3FB7] =	sst s0;
	s0 =	simm.s32 @!p2 $0x0  }
0x16: {  	s3 =	sld [smem:$0x3FDB];
	s0 =	simm.s32 @p2 $0x1  }
0x17: {  	s4 =	simm.s32 $0x1BF5;
	[smem:$0x3FB9] =	sst s0  }
0x18: {  	s0 =	sld [smem:$0x3F9C];
	_ =	swait.ge [sflag:s4], $0x0  }
0x19: {  	s7 =	sld [smem:$0x3F9D]  }
0x1a: {  	s8 =	sadd.s32 $0xFFFFE003, lr  }
0x1b: {  	s9 =	sadd.s32 $0xFFFFFEF7, lr;
	s5 =	simm.s32 $0xFFFFFFFF;
	p2 =	slt.u32 s8, $0xFFFFF086  }
0x1c: {  	p1 =	slt.u32 s9, $0xF7A;
	s5 =	simm.s32 @!p2 $0x0  }
0x1d: {  	s5 =	simm.s32 @p1 $0x1;
	p0 =	seq.s32 s7, s2  }
0x1e: {  	s7 =	smul.u32 @!p0 $0xF7A, s2;
	p2 =	seq.s32 @!p0 s5, $0x0  }
0x1f: {  	s9 =	smul.u32 $0xF7A, s1;
	s8 =	simm.s32 @!p0 $0x1BF5;
	p2 =	por !p2, p0  }
0x20: {  	[sflag:s8] =	ssyncset.s32 @!p0 $0xFFFFF086;
	s6 =	sadd.s32 @!p0 s3, s7;
	s7 =	simm.s32 @!p0 $0x108  }
0x21: {  	s3 =	sadd.s32 s3, s9;
	s6 =	sadd.s32 @!p0 $0x88, s6;
	s7 =	simm.s32 @p2 $0x1082  }
0x22: {  	[simem:s7], [sflag:s8] =	dma.local @!p0 [hbm:s6], $0xF7A  }
0x23: {  	s9 =	sor.u32 $0xD0000000, s2;
	s6 =	simm.s32 $0x108;
	_ =	swait.ge @!p0 [sflag:s8], $0x0  }
0x24: {  	s3 =	sadd.s32 $0x88, s3;
	s6 =	simm.s32 @!p1 $0x1082;
	[sflag:s4] =	ssyncset.s32 $0xFFFFF086  }
0x25: {  	[simem:s6], [sflag:s4] =	dma.local [hbm:s3], $0xF7A  }
0x26: {  	[smem:$0x3F9D] =	sst s1;
	(tag) =	ssettag s2;
	_ =	strace s9  }
0x27: {  	s1 =	sld [smem:$0x3FAD]  }
0x28: {  	s2 =	sld [smem:$0x3FAE]  }
0x29: {  	s4 =	sld [smem:$0x3FB0]  }
0x2a: {  	p0 =	seq.s32 s5, $0x0;
	s5 =	sld [smem:$0x3FB1]  }
0x2b: {  	s6 =	sld [smem:$0x3FB2]  }
0x2c: {  	s7 =	sld [smem:$0x3FB3]  }
0x2d: {  	s3 =	simm.s32 $0x108;
	s8 =	sld [smem:$0x3FB4]  }
0x2e: {  	s3 =	simm.s32 @!p0 $0x1082;
	s9 =	sld [smem:$0x3FB5]  }
0x2f: {  	lr =	sadd.s32 s0, s3;
	s0 =	sld [smem:$0x3FAC]  }
0x30: {  	s3 =	sld [smem:$0x3FAF]  }
0x31: {  	[smem:$0x3FB8] =	sst s10  }
0x32: {  	s10 =	sld [smem:$0x3FB6];
	_ =	sdelay $0x3  }
0x33: {  	p0 =	seq.s32 s10, $0x1;
	s10 =	sld [smem:$0x3FB8];
	_ =	sdelay $0x3  }
0x34: {  	[smem:$0x3FB8] =	sst s10  }
0x35: {  	s10 =	sld [smem:$0x3FB7];
	_ =	sdelay $0x3  }
0x36: {  	p1 =	seq.s32 s10, $0x1;
	s10 =	sld [smem:$0x3FB8];
	_ =	sdelay $0x3  }
0x37: {  	[smem:$0x3FB8] =	sst s10  }
0x38: {  	s10 =	sld [smem:$0x3FB9]  }
0x39: {  	_ = 	snop;
	(pc) =	sbr.ind lr, $3  }
0x3a: {  	_ = 	snop  }
0x3b: {  	_ = 	snop  }
0x3c: {  	p2 =	seq.s32 s10, $0x1;
	s10 =	sld [smem:$0x3FB8]  }
0x3d: {  	_ =	shalt  }
0x3e: {  	_ =	shalt  }
0x3f: {  	_ =	shalt  }
0x40: {  	_ =	shalt  }
0x41: {  	_ =	shalt  }
0x42: {  	_ =	shalt  }
0x43: {  	_ =	shalt  }
0x44: {  	_ =	shalt  }
0x45: {  	_ =	shalt  }
0x46: {  	_ =	shalt  }
0x47: {  	_ =	shalt  }
0x48: {  	_ =	shalt  }
0x49: {  	_ =	shalt  }
0x4a: {  	_ =	shalt  }
0x4b: {  	_ =	shalt  }
0x4c: {  	_ =	shalt  }
0x4d: {  	_ =	shalt  }
0x4e: {  	_ =	shalt  }
0x4f: {  	_ =	shalt  }
0x50: {  	_ =	shalt  }
0x51: {  	_ =	shalt  }
0x52: {  	_ =	shalt  }
0x53: {  	_ =	shalt  }
0x54: {  	_ =	shalt  }
0x55: {  	_ =	shalt  }
0x56: {  	_ =	shalt  }
0x57: {  	_ =	shalt  }
0x58: {  	_ =	shalt  }
0x59: {  	_ =	shalt  }
0x5a: {  	_ =	shalt  }
0x5b: {  	_ =	shalt  }
0x5c: {  	_ =	shalt  }
0x5d: {  	_ =	shalt  }
0x5e: {  	_ =	shalt  }
0x5f: {  	_ =	shalt  }
0x60: {  	_ =	shalt  }
0x61: {  	_ =	shalt  }
0x62: {  	_ =	shalt  }
0x63: {  	_ =	shalt  }
0x64: {  	_ =	shalt  }
0x65: {  	_ =	shalt  }
0x66: {  	_ =	shalt  }
0x67: {  	_ =	shalt  }
0x68: {  	_ =	shalt  }
0x69: {  	_ =	shalt  }
0x6a: {  	_ =	shalt  }
0x6b: {  	_ =	shalt  }
0x6c: {  	_ =	shalt  }
0x6d: {  	_ =	shalt  }
0x6e: {  	_ =	shalt  }
0x6f: {  	_ =	shalt  }
0x70: {  	_ =	shalt  }
0x71: {  	_ =	shalt  }
0x72: {  	_ =	shalt  }
0x73: {  	_ =	shalt  }
0x74: {  	_ =	shalt  }
0x75: {  	_ =	shalt  }
0x76: {  	_ =	shalt  }
0x77: {  	_ =	shalt  }
0x78: {  	_ =	shalt  }
0x79: {  	_ =	shalt  }
0x7a: {  	_ =	shalt  }
0x7b: {  	_ =	shalt  }
0x7c: {  	_ =	shalt  }
0x7d: {  	_ =	shalt  }
0x7e: {  	_ =	shalt  }
0x7f: {  	_ =	shalt  }
0x80: {  	_ =	shalt  }
0x81: {  	_ =	shalt  }
0x82: {  	_ =	shalt  }
0x83: {  	_ =	shalt  }
0x84: {  	_ =	shalt  }
0x85: {  	_ =	shalt  }
0x86: {  	_ =	shalt  }
0x87: {  	_ =	shalt  }
.Lfunc_end0:
.L_simem_size_0:
called_computation.1_lowered:
.L_overlay_start_0:
0x88: {  	s2 =	sld [smem:$0x3FD9]  }
0x89: {  	s3 =	sld [smem:$0x3FFE];
	_ =	sdelay $0x1  }
0x8a: {  	s1 =	srdreg.scid  }
0x8b: {  	s0 =	sand.u32 $0x1, s1  }
0x8c: {  	s14 =	sshll.u32 s0, $0xA;
	s2 =	sadd.s32 s3, s2  }
0x8d: {  	s2 =	sadd.s32 s2, s14  }
0x8e: {  	[smem:$0x3FC4] =	sst s2  }
0x8f: {  	_ = 	snop  }
0x90: {  	s2 =	sld [smem:$0x3FD0];
	_ =	sdelay $0x2  }
0x91: {  	s15 =	simm.s32 $0xA;
	s4 =	simm.s32 $0x10  }
0x92: {  	[smem:s4], [sflag:s15] =	dma.local [hbm:s2], $0x1  }
0x93: {  	_ =	swait.eq [sflag:s15], $0x1  }
0x94: {  	[sflag:s15] =	ssyncset.done $0x0  }
0x95: {  	[sflag:s15] =	ssyncadd.s32 $0xFFFFFFFF  }
0x96: {  	s16 =	sld [smem:$0x14];
	(tm) =	ssettm $0x1  }
0x97: {  	s17 =	sld [smem:$0x3FFB];
	_ =	sdelay $0x3  }
0x98: {  	_ =	strace s17  }
0x99: {  	s3 =	sld [smem:$0x3FFC];
	_ =	sdelay $0x3  }
0x9a: {  	_ =	strace s3  }
0x9b: {  	s3 =	sld [smem:$0x3FFD];
	_ =	sdelay $0x3  }
0x9c: {  	_ =	strace s3  }
0x9d: {  	_ =	strace $0x8FFFFFFF  }
0x9e: {  	s18 =	sld [smem:$0x3FDB];
	_ =	sdelay $0x1  }
0x9f: {  	s19 =	simm.s32 $_scs_section_size  }
0xa0: {  	s5 =	simm.s32 $_size__tile_overlayer_lowered;
	s6 =	simm.s32 $_tile_overlayer_lowered  }
0xa1: {  	s22 =	simm.s32 $0x1BFF;
	s21 =	sshll.u32 s6, $0x1;
	s3 =	sadd.s32 s19, s18  }
0xa2: {  	s7 =	simm.s32 $0x0;
	s20 =	sshll.u32 s5, $0x1;
	s5 =	sadd.s32 s21, s3  }
0xa3: {  	[timem:s7], [sflag:s22] =	dma.local [hbm:s5], s20  }
0xa4: {  	_ =	swait.ge [sflag:s22], s20  }
0xa5: {  	s4 =	ssub.s32 $0x0, s20;
	[sflag:s22] =	ssyncset.done $0x0  }
0xa6: {  	[sflag:s22] =	ssyncadd.s32 s4;
	_ =	sdelay $0x1  }
0xa7: {  	s23 =	simm.s32 $0x1B8B  }
0xa8: {  	_ =	swait.ge [sflag:s23], $0x1  }
0xa9: {  	[sflag:s23] =	ssyncset.done $0x0  }
0xaa: {  	s25 =	simm.s32 $0x1B8E;
	s24 =	sld [smem:$0x3FFE];
	[sflag:s23] =	ssyncadd.s32 $0xFFFFFFFF  }
0xab: {  	s26 =	simm.s32 $execute0_lowered;
	[smem:$0x3FD2] =	sst s25  }
0xac: {  	s5 =	sshll.u32 s26, $0x1;
	_ =	strace $0x80000049;
	[dreg:$0x1] =	wrdreg $0xFFFFFFFF  }
0xad: {  	s28 =	simm.s32 $_size_execute0_lowered;
	s3 =	sadd.s32 s3, s5;
	[dreg:$0x0] =	wrdreg $0x0  }
0xae: {  	s5 =	sshll.u32 s28, $0x1;
	[dreg:$0x2] =	wrdreg s3  }
0xaf: {  	[dreg:$0x3] =	wrdreg s5  }
0xb0: {  	[dreg:$0x4] =	wrdreg $0xC0  }
0xb1: {  	_ =	task [dreg:s7], $0x5FFFF  }
0xb2: {  	[dreg:$0x1] =	wrdreg $0xFFFFFFFF  }
0xb3: {  	[dreg:$0x0] =	wrdreg $0x60  }
0xb4: {  	[dreg:$0x2] =	wrdreg s24  }
0xb5: {  	[dreg:$0x3] =	wrdreg s16  }
0xb6: {  	[dreg:$0x4] =	wrdreg $0x9  }
0xb7: {  	_ =	task.clear_ibuf [dreg:s7], $0x5FFFF;
	_ =	strace $0x90000049  }
0xb8: {  	s29 =	simm.s32 $0x9;
	_ =	strace $0x8000004B  }
0xb9: {  	_ =	swait.ge [sflag:s29], $0x1  }
0xba: {  	[sflag:s29] =	ssyncadd.s32 $0xFFFFFFFF  }
0xbb: {  	_ =	strace $0x9000004B  }
0xbc: {  	_ =	sfence  }
0xbd: {  	s30 =	sld [smem:$0x0];
	_ =	sdelay $0x2  }
0xbe: {  	s31 =	sshll.u32 s1, $0xD;
	s1 =	sshrl.u32 s1, $0x2  }
0xbf: {  	s3 =	sand.u32 $0x4000, s31;
	s1 =	sadd.s32 s1, s30  }
0xc0: {  	s0 =	sor.u32 s3, s0;
	s1 =	sshll.u32 s1, $0x11  }
0xc1: {  	s0 =	sor.u32 s1, s0  }
0xc2: {  	s0 =	sadd.s32 $0x8F2B, s0  }
0xc3: {  	[sflag:s0] =	ssyncadd.remote.s32 $0x1  }
0xc4: {  	_ =	sfence.sel $0xFFFF  }
0xc5: {  	[dreg:$0x0] =	wrdreg $0xFFFFFFFF;
	(pc) =	sbr.abs _section_cstart, $3  }
0xc6: {  	[dreg:$0x1] =	wrdreg $0xFFFFFFFF  }
0xc7: {  	_ =	task.clear_ibuf [dreg:s7], $0x2FFFF;
	_ =	strace $0x9FFFFFFF  }
0xc8: {  	(tm) =	ssettm $0x7FFFFFFF  }
0xc9: {  	_ =	shalt  }
tec
execute0_lowered:
.L_overlay_start_1:
0x0: {  	(tag) =	ssettag $0x1  }
0x1: {  	s1 =	srdreg.scid  }
0x2: {  	s0 =	stileid.u32;
	s1 =	sand.u32 $0x1, s1  }
0x3: {  	s3 =	sshll.u32 s0, $0xB;
	s2 =	sshll.u32 s1, $0xF  }
0x4: {  	s5 =	rddreg [dreg:$0x0];
	s3 =	sor.u32 s3, s2  }
0x5: {  	s4 =	rddreg [dreg:$0x1];
	s6 =	sshrl.u32 s3, $0x3  }
0x6: {  	s2 =	simm.s32 $0x0;
	s3 =	sshll.u32 s3, $0x3;
	s6 =	sadd.s32 s6, s5  }
0x7: {  	[smem:$0x7FF] =	sst s2;
	s3 =	sadd.s32 s4, s3;
	s6 =	sadd.s32 $0x1600, s6  }
0x8: {  	_ =	strace $0x8000004A;
	s4 =	sadd.s32 $0x400, s3;
	[dreg:$0x3] =	wrdreg s6  }
0x9: {  	s20 =	sadd.s32 $0x800, s3;
	[dreg:$0x4] =	wrdreg s4  }
0xa: {  	s21 =	sadd.s32 $0xC00, s3;
	[dreg:$0x5] =	wrdreg s20  }
0xb: {  	s22 =	sadd.s32 $0x1000, s3;
	[dreg:$0x6] =	wrdreg s21  }
0xc: {  	s23 =	sadd.s32 $0x1400, s3;
	[dreg:$0x7] =	wrdreg s22  }
0xd: {  	s24 =	sadd.s32 $0x1800, s3;
	[dreg:$0x8] =	wrdreg s23  }
0xe: {  	s25 =	sadd.s32 $0x1C00, s3;
	[dreg:$0x9] =	wrdreg s24  }
0xf: {  	s26 =	sadd.s32 $0x2000, s3;
	[dreg:$0xa] =	wrdreg s25  }
0x10: {  	[dreg:$0xb] =	wrdreg s26  }
0x11: {  	s4 =	simm.s32 $0x2;
	s6 =	rddreg [dreg:$0x3]  }
0x12: {  	[tilespmem:s2], [sflag:$0x2] =	stream.linear.gather [hbm4b:s6+s2], $0x800, $0x38;
	[tilespmem:$0x4800] =	vst v63  }
0x13: {  	_ =	swait.ge [sflag:s4], $0x800  }
0x14: {  	s7 =	simm.s32 $0x800;
	[sflag:s4] =	ssyncset.done $0x0  }
0x15: {  	s5 =	sadd.s32 $0x3600, s5;
	s6 =	simm.s32 $0x80;
	[sflag:s4] =	ssyncadd.s32 $0xFFFFF800  }
0x16: {  	[tilespmem:s7], [sflag:$0x1] =	stream.indirect.gather [hbm4b:s5+s6], $0x40, s2, s6, $0xb8;
	[tilespmem:$0x4800] =	vst v63  }
0x17: {  	s8 =	simm.s32 $0x2800;
	s9 =	simm.s32 $0x1  }
0x18: {  	[tilespmem:s8], [sflag:$0x1] =	stream.indirect.gather [hbm4b:s5+s6], $0x40, s6, s6, $0xb8;
	[tilespmem:$0x4800] =	vst v63  }
0x19: {  	_ =	swait.ge [sflag:s9], $0x2000  }
0x1a: {  	[sflag:s9] =	ssyncset.done $0x0  }
0x1b: {  	[sflag:s9] =	ssyncadd.s32 $0xFFFFE000  }
0x1c: {  	[hbm4b:s3+s2] =	stream.linear.scatter [tilespmem:s7], [sflag:$0x2], $0x2000, $0x38;
	[tilespmem:$0x4800] =	vst v63  }
0x1d: {  	_ =	swait.ge [sflag:s4], $0x2000  }
0x1e: {  	[sflag:s4] =	ssyncset.done $0x0  }
0x1f: {  	s10 =	simm.s32 $0x100;
	[sflag:s4] =	ssyncadd.s32 $0xFFFFE000  }
0x20: {  	[tilespmem:s7], [sflag:$0x1] =	stream.indirect.gather [hbm4b:s5+s6], $0x40, s10, s6, $0xb8;
	[tilespmem:$0x4800] =	vst v63  }
0x21: {  	_ =	swait.ge [sflag:s9], $0x2000  }
0x22: {  	[sflag:s9] =	ssyncset.done $0x0  }
0x23: {  	s11 =	rddreg [dreg:$0x4];
	[sflag:s9] =	ssyncadd.s32 $0xFFFFE000  }
0x24: {  	[hbm4b:s11+s2] =	stream.linear.scatter [tilespmem:s8], [sflag:$0x2], $0x2000, $0x38;
	[tilespmem:$0x4800] =	vst v63  }
0x25: {  	_ =	swait.ge [sflag:s4], $0x2000  }
0x26: {  	[sflag:s4] =	ssyncset.done $0x0  }
0x27: {  	s11 =	simm.s32 $0x180;
	[sflag:s4] =	ssyncadd.s32 $0xFFFFE000  }
0x28: {  	[tilespmem:s8], [sflag:$0x1] =	stream.indirect.gather [hbm4b:s5+s6], $0x40, s11, s6, $0xb8;
	[tilespmem:$0x4800] =	vst v63  }
0x29: {  	_ =	swait.ge [sflag:s9], $0x2000  }
0x2a: {  	[sflag:s9] =	ssyncset.done $0x0  }
0x2b: {  	s12 =	rddreg [dreg:$0x5];
	[sflag:s9] =	ssyncadd.s32 $0xFFFFE000  }
0x2c: {  	[hbm4b:s12+s2] =	stream.linear.scatter [tilespmem:s7], [sflag:$0x2], $0x2000, $0x38;
	[tilespmem:$0x4800] =	vst v63  }
0x2d: {  	_ =	swait.ge [sflag:s4], $0x2000  }
0x2e: {  	[sflag:s4] =	ssyncset.done $0x0  }
0x2f: {  	s12 =	simm.s32 $0x200;
	[sflag:s4] =	ssyncadd.s32 $0xFFFFE000  }
0x30: {  	[tilespmem:s7], [sflag:$0x1] =	stream.indirect.gather [hbm4b:s5+s6], $0x40, s12, s6, $0xb8;
	[tilespmem:$0x4800] =	vst v63  }
0x31: {  	_ =	swait.ge [sflag:s9], $0x2000  }
0x32: {  	[sflag:s9] =	ssyncset.done $0x0  }
0x33: {  	s13 =	rddreg [dreg:$0x6];
	[sflag:s9] =	ssyncadd.s32 $0xFFFFE000  }
0x34: {  	[hbm4b:s13+s2] =	stream.linear.scatter [tilespmem:s8], [sflag:$0x2], $0x2000, $0x38;
	[tilespmem:$0x4800] =	vst v63  }
0x35: {  	_ =	swait.ge [sflag:s4], $0x2000  }
0x36: {  	[sflag:s4] =	ssyncset.done $0x0  }
0x37: {  	s13 =	simm.s32 $0x280;
	[sflag:s4] =	ssyncadd.s32 $0xFFFFE000  }
0x38: {  	[tilespmem:s8], [sflag:$0x1] =	stream.indirect.gather [hbm4b:s5+s6], $0x40, s13, s6, $0xb8;
	[tilespmem:$0x4800] =	vst v63  }
0x39: {  	_ =	swait.ge [sflag:s9], $0x2000  }
0x3a: {  	[sflag:s9] =	ssyncset.done $0x0  }
0x3b: {  	s14 =	rddreg [dreg:$0x7];
	[sflag:s9] =	ssyncadd.s32 $0xFFFFE000  }
0x3c: {  	[hbm4b:s14+s2] =	stream.linear.scatter [tilespmem:s7], [sflag:$0x2], $0x2000, $0x38;
	[tilespmem:$0x4800] =	vst v63  }
0x3d: {  	_ =	swait.ge [sflag:s4], $0x2000  }
0x3e: {  	[sflag:s4] =	ssyncset.done $0x0  }
0x3f: {  	s14 =	simm.s32 $0x300;
	[sflag:s4] =	ssyncadd.s32 $0xFFFFE000  }
0x40: {  	[tilespmem:s7], [sflag:$0x1] =	stream.indirect.gather [hbm4b:s5+s6], $0x40, s14, s6, $0xb8;
	[tilespmem:$0x4800] =	vst v63  }
0x41: {  	_ =	swait.ge [sflag:s9], $0x2000  }
0x42: {  	[sflag:s9] =	ssyncset.done $0x0  }
0x43: {  	s15 =	rddreg [dreg:$0x8];
	[sflag:s9] =	ssyncadd.s32 $0xFFFFE000  }
0x44: {  	[hbm4b:s15+s2] =	stream.linear.scatter [tilespmem:s8], [sflag:$0x2], $0x2000, $0x38;
	[tilespmem:$0x4800] =	vst v63  }
0x45: {  	_ =	swait.ge [sflag:s4], $0x2000  }
0x46: {  	[sflag:s4] =	ssyncset.done $0x0  }
0x47: {  	s15 =	simm.s32 $0x380;
	[sflag:s4] =	ssyncadd.s32 $0xFFFFE000  }
0x48: {  	[tilespmem:s8], [sflag:$0x1] =	stream.indirect.gather [hbm4b:s5+s6], $0x40, s15, s6, $0xb8;
	[tilespmem:$0x4800] =	vst v63  }
0x49: {  	_ =	swait.ge [sflag:s9], $0x2000  }
0x4a: {  	[sflag:s9] =	ssyncset.done $0x0  }
0x4b: {  	s16 =	rddreg [dreg:$0x9];
	[sflag:s9] =	ssyncadd.s32 $0xFFFFE000  }
0x4c: {  	[hbm4b:s16+s2] =	stream.linear.scatter [tilespmem:s7], [sflag:$0x2], $0x2000, $0x38;
	[tilespmem:$0x4800] =	vst v63  }
0x4d: {  	_ =	swait.ge [sflag:s4], $0x2000  }
0x4e: {  	[sflag:s4] =	ssyncset.done $0x0  }
0x4f: {  	s16 =	simm.s32 $0x400;
	[sflag:s4] =	ssyncadd.s32 $0xFFFFE000  }
0x50: {  	[tilespmem:s7], [sflag:$0x1] =	stream.indirect.gather [hbm4b:s5+s6], $0x40, s16, s6, $0xb8;
	[tilespmem:$0x4800] =	vst v63  }
0x51: {  	_ =	swait.ge [sflag:s9], $0x2000  }
0x52: {  	[sflag:s9] =	ssyncset.done $0x0  }
0x53: {  	s17 =	rddreg [dreg:$0xa];
	[sflag:s9] =	ssyncadd.s32 $0xFFFFE000  }
0x54: {  	[hbm4b:s17+s2] =	stream.linear.scatter [tilespmem:s8], [sflag:$0x2], $0x2000, $0x38;
	[tilespmem:$0x4800] =	vst v63  }
0x55: {  	_ =	swait.ge [sflag:s4], $0x2000  }
0x56: {  	[sflag:s4] =	ssyncset.done $0x0  }
0x57: {  	s17 =	simm.s32 $0x480;
	[sflag:s4] =	ssyncadd.s32 $0xFFFFE000  }
0x58: {  	[tilespmem:s8], [sflag:$0x1] =	stream.indirect.gather [hbm4b:s5+s6], $0x40, s17, s6, $0xb8;
	[tilespmem:$0x4800] =	vst v63  }
0x59: {  	_ =	swait.ge [sflag:s9], $0x2000  }
0x5a: {  	[sflag:s9] =	ssyncset.done $0x0  }
0x5b: {  	s18 =	rddreg [dreg:$0xb];
	[sflag:s9] =	ssyncadd.s32 $0xFFFFE000  }
0x5c: {  	[hbm4b:s18+s2] =	stream.linear.scatter [tilespmem:s7], [sflag:$0x2], $0x2000, $0x38;
	[tilespmem:$0x4800] =	vst v63  }
0x5d: {  	_ =	swait.ge [sflag:s4], $0x2000  }
0x5e: {  	[sflag:s4] =	ssyncset.done $0x0  }
0x5f: {  	s18 =	simm.s32 $0x500;
	[sflag:s4] =	ssyncadd.s32 $0xFFFFE000  }
0x60: {  	[tilespmem:s7], [sflag:$0x1] =	stream.indirect.gather [hbm4b:s5+s6], $0x40, s18, s6, $0xb8;
	[tilespmem:$0x4800] =	vst v63  }
0x61: {  	_ =	swait.ge [sflag:s9], $0x2000  }
0x62: {  	[sflag:s9] =	ssyncset.done $0x0  }
0x63: {  	s19 =	sadd.s32 $0x2400, s3;
	[sflag:s9] =	ssyncadd.s32 $0xFFFFE000  }
0x64: {  	[hbm4b:s19+s2] =	stream.linear.scatter [tilespmem:s8], [sflag:$0x2], $0x2000, $0x38;
	[tilespmem:$0x4800] =	vst v63  }
0x65: {  	_ =	swait.ge [sflag:s4], $0x2000  }
0x66: {  	[sflag:s4] =	ssyncset.done $0x0  }
0x67: {  	s20 =	simm.s32 $0x580;
	[sflag:s4] =	ssyncadd.s32 $0xFFFFE000  }
0x68: {  	[tilespmem:s8], [sflag:$0x1] =	stream.indirect.gather [hbm4b:s5+s6], $0x40, s20, s6, $0xb8;
	[tilespmem:$0x4800] =	vst v63  }
0x69: {  	_ =	swait.ge [sflag:s9], $0x2000  }
0x6a: {  	[sflag:s9] =	ssyncset.done $0x0  }
0x6b: {  	s21 =	sadd.s32 $0x2800, s3;
	[sflag:s9] =	ssyncadd.s32 $0xFFFFE000  }
0x6c: {  	[hbm4b:s21+s2] =	stream.linear.scatter [tilespmem:s7], [sflag:$0x2], $0x2000, $0x38;
	[tilespmem:$0x4800] =	vst v63  }
0x6d: {  	_ =	swait.ge [sflag:s4], $0x2000  }
0x6e: {  	[sflag:s4] =	ssyncset.done $0x0  }
0x6f: {  	s22 =	simm.s32 $0x600;
	[sflag:s4] =	ssyncadd.s32 $0xFFFFE000  }
0x70: {  	[tilespmem:s7], [sflag:$0x1] =	stream.indirect.gather [hbm4b:s5+s6], $0x40, s22, s6, $0xb8;
	[tilespmem:$0x4800] =	vst v63  }
0x71: {  	_ =	swait.ge [sflag:s9], $0x2000  }
0x72: {  	[sflag:s9] =	ssyncset.done $0x0  }
0x73: {  	s23 =	sadd.s32 $0x2C00, s3;
	[sflag:s9] =	ssyncadd.s32 $0xFFFFE000  }
0x74: {  	[hbm4b:s23+s2] =	stream.linear.scatter [tilespmem:s8], [sflag:$0x2], $0x2000, $0x38;
	[tilespmem:$0x4800] =	vst v63  }
0x75: {  	_ =	swait.ge [sflag:s4], $0x2000  }
0x76: {  	[sflag:s4] =	ssyncset.done $0x0  }
0x77: {  	s24 =	simm.s32 $0x680;
	[sflag:s4] =	ssyncadd.s32 $0xFFFFE000  }
0x78: {  	[tilespmem:s8], [sflag:$0x1] =	stream.indirect.gather [hbm4b:s5+s6], $0x40, s24, s6, $0xb8;
	[tilespmem:$0x4800] =	vst v63  }
0x79: {  	_ =	swait.ge [sflag:s9], $0x2000  }
0x7a: {  	[sflag:s9] =	ssyncset.done $0x0  }
0x7b: {  	s25 =	sadd.s32 $0x3000, s3;
	[sflag:s9] =	ssyncadd.s32 $0xFFFFE000  }
0x7c: {  	[hbm4b:s25+s2] =	stream.linear.scatter [tilespmem:s7], [sflag:$0x2], $0x2000, $0x38;
	[tilespmem:$0x4800] =	vst v63  }
0x7d: {  	_ =	swait.ge [sflag:s4], $0x2000  }
0x7e: {  	[sflag:s4] =	ssyncset.done $0x0  }
0x7f: {  	s26 =	simm.s32 $0x700;
	[sflag:s4] =	ssyncadd.s32 $0xFFFFE000  }
0x80: {  	[tilespmem:s7], [sflag:$0x1] =	stream.indirect.gather [hbm4b:s5+s6], $0x40, s26, s6, $0xb8;
	[tilespmem:$0x4800] =	vst v63  }
0x81: {  	_ =	swait.ge [sflag:s9], $0x2000  }
0x82: {  	[sflag:s9] =	ssyncset.done $0x0  }
0x83: {  	s28 =	sadd.s32 $0x3400, s3;
	[sflag:s9] =	ssyncadd.s32 $0xFFFFE000  }
0x84: {  	[hbm4b:s28+s2] =	stream.linear.scatter [tilespmem:s8], [sflag:$0x2], $0x2000, $0x38;
	[tilespmem:$0x4800] =	vst v63  }
0x85: {  	_ =	swait.ge [sflag:s4], $0x2000  }
0x86: {  	[sflag:s4] =	ssyncset.done $0x0  }
0x87: {  	s29 =	simm.s32 $0x780;
	[sflag:s4] =	ssyncadd.s32 $0xFFFFE000  }
0x88: {  	[tilespmem:s8], [sflag:$0x1] =	stream.indirect.gather [hbm4b:s5+s6], $0x40, s29, s6, $0xb8;
	[tilespmem:$0x4800] =	vst v63  }
0x89: {  	_ =	swait.ge [sflag:s9], $0x2000  }
0x8a: {  	s1 =	ssub.s32 $0x2, s1;
	[sflag:s9] =	ssyncset.done $0x0  }
0x8b: {  	s31 =	sshrl.u32 s1, $0x1;
	s30 =	sadd.s32 $0x3800, s3;
	[sflag:s9] =	ssyncadd.s32 $0xFFFFE000  }
0x8c: {  	[hbm4b:s30+s2] =	stream.linear.scatter [tilespmem:s7], [sflag:$0x2], $0x2000, $0x38;
	[tilespmem:$0x4800] =	vst v63  }
0x8d: {  	s1 =	ssub.s32 s1, s31;
	_ =	swait.ge [sflag:s4], $0x2000  }
0x8e: {  	s1 =	smax.u32 s1, $0x1;
	[sflag:s4] =	ssyncset.done $0x0  }
0x8f: {  	p0 =	sne.s32 s1, $0x1;
	[sflag:s4] =	ssyncadd.s32 $0xFFFFE000  }
.Ltmp0:
0x90: {  	_ =	swait.ge [sflag:s9], $0x2000;
	(pc) =	sbr.rel @!p0 .LBB2_2-.Ltmp0, $4  }
0x91: {  	[sflag:s9] =	ssyncset.done $0x0  }
0x92: {  	s31 =	sadd.s32 $0x3C00, s3;
	[sflag:s9] =	ssyncadd.s32 $0xFFFFE000  }
0x93: {  	[hbm4b:s31+s2] =	stream.linear.scatter [tilespmem:s8], [sflag:$0x2], $0x2000, $0x38;
	[tilespmem:$0x4800] =	vst v63  }
0x94: {  	s1 =	sadd.s32 $0xFFFFFFFF, s1;
	_ =	swait.ge [sflag:s4], $0x2000  }
.LBB2_1:
0x95: {  	[sflag:s4] =	ssyncset.done $0x0  }
0x96: {  	s0 =	rddreg [dreg:$0x3];
	[sflag:s4] =	ssyncadd.s32 $0xFFFFE000  }
0x97: {  	[tilespmem:s2], [sflag:$0x2] =	stream.linear.gather [hbm4b:s0+s2], $0x800, $0x38;
	[tilespmem:$0x4800] =	vst v63  }
0x98: {  	_ =	swait.ge [sflag:s4], $0x800  }
0x99: {  	[sflag:s4] =	ssyncset.done $0x0  }
0x9a: {  	[sflag:s4] =	ssyncadd.s32 $0xFFFFF800  }
0x9b: {  	[tilespmem:s7], [sflag:$0x1] =	stream.indirect.gather [hbm4b:s5+s6], $0x40, s2, s6, $0xb8;
	[tilespmem:$0x4800] =	vst v63  }
0x9c: {  	_ = 	snop  }
0x9d: {  	[tilespmem:s8], [sflag:$0x1] =	stream.indirect.gather [hbm4b:s5+s6], $0x40, s6, s6, $0xb8;
	[tilespmem:$0x4800] =	vst v63  }
0x9e: {  	_ =	swait.ge [sflag:s9], $0x2000  }
0x9f: {  	[sflag:s9] =	ssyncset.done $0x0  }
0xa0: {  	[sflag:s9] =	ssyncadd.s32 $0xFFFFE000  }
0xa1: {  	[hbm4b:s3+s2] =	stream.linear.scatter [tilespmem:s7], [sflag:$0x2], $0x2000, $0x38;
	[tilespmem:$0x4800] =	vst v63  }
0xa2: {  	_ =	swait.ge [sflag:s4], $0x2000  }
0xa3: {  	[sflag:s4] =	ssyncset.done $0x0  }
0xa4: {  	[sflag:s4] =	ssyncadd.s32 $0xFFFFE000  }
0xa5: {  	[tilespmem:s7], [sflag:$0x1] =	stream.indirect.gather [hbm4b:s5+s6], $0x40, s10, s6, $0xb8;
	[tilespmem:$0x4800] =	vst v63  }
0xa6: {  	_ =	swait.ge [sflag:s9], $0x2000  }
0xa7: {  	[sflag:s9] =	ssyncset.done $0x0  }
0xa8: {  	s0 =	rddreg [dreg:$0x4];
	[sflag:s9] =	ssyncadd.s32 $0xFFFFE000  }
0xa9: {  	[hbm4b:s0+s2] =	stream.linear.scatter [tilespmem:s8], [sflag:$0x2], $0x2000, $0x38;
	[tilespmem:$0x4800] =	vst v63  }
0xaa: {  	_ =	swait.ge [sflag:s4], $0x2000  }
0xab: {  	[sflag:s4] =	ssyncset.done $0x0  }
0xac: {  	[sflag:s4] =	ssyncadd.s32 $0xFFFFE000  }
0xad: {  	[tilespmem:s8], [sflag:$0x1] =	stream.indirect.gather [hbm4b:s5+s6], $0x40, s11, s6, $0xb8;
	[tilespmem:$0x4800] =	vst v63  }
0xae: {  	_ =	swait.ge [sflag:s9], $0x2000  }
0xaf: {  	[sflag:s9] =	ssyncset.done $0x0  }
0xb0: {  	s0 =	rddreg [dreg:$0x5];
	[sflag:s9] =	ssyncadd.s32 $0xFFFFE000  }
0xb1: {  	[hbm4b:s0+s2] =	stream.linear.scatter [tilespmem:s7], [sflag:$0x2], $0x2000, $0x38;
	[tilespmem:$0x4800] =	vst v63  }
0xb2: {  	_ =	swait.ge [sflag:s4], $0x2000  }
0xb3: {  	[sflag:s4] =	ssyncset.done $0x0  }
0xb4: {  	[sflag:s4] =	ssyncadd.s32 $0xFFFFE000  }
0xb5: {  	[tilespmem:s7], [sflag:$0x1] =	stream.indirect.gather [hbm4b:s5+s6], $0x40, s12, s6, $0xb8;
	[tilespmem:$0x4800] =	vst v63  }
0xb6: {  	_ =	swait.ge [sflag:s9], $0x2000  }
0xb7: {  	[sflag:s9] =	ssyncset.done $0x0  }
0xb8: {  	s0 =	rddreg [dreg:$0x6];
	[sflag:s9] =	ssyncadd.s32 $0xFFFFE000  }
0xb9: {  	[hbm4b:s0+s2] =	stream.linear.scatter [tilespmem:s8], [sflag:$0x2], $0x2000, $0x38;
	[tilespmem:$0x4800] =	vst v63  }
0xba: {  	_ =	swait.ge [sflag:s4], $0x2000  }
0xbb: {  	[sflag:s4] =	ssyncset.done $0x0  }
0xbc: {  	[sflag:s4] =	ssyncadd.s32 $0xFFFFE000  }
0xbd: {  	[tilespmem:s8], [sflag:$0x1] =	stream.indirect.gather [hbm4b:s5+s6], $0x40, s13, s6, $0xb8;
	[tilespmem:$0x4800] =	vst v63  }
0xbe: {  	_ =	swait.ge [sflag:s9], $0x2000  }
0xbf: {  	[sflag:s9] =	ssyncset.done $0x0  }
0xc0: {  	s0 =	rddreg [dreg:$0x7];
	[sflag:s9] =	ssyncadd.s32 $0xFFFFE000  }
0xc1: {  	[hbm4b:s0+s2] =	stream.linear.scatter [tilespmem:s7], [sflag:$0x2], $0x2000, $0x38;
	[tilespmem:$0x4800] =	vst v63  }
0xc2: {  	_ =	swait.ge [sflag:s4], $0x2000  }
0xc3: {  	[sflag:s4] =	ssyncset.done $0x0  }
0xc4: {  	[sflag:s4] =	ssyncadd.s32 $0xFFFFE000  }
0xc5: {  	[tilespmem:s7], [sflag:$0x1] =	stream.indirect.gather [hbm4b:s5+s6], $0x40, s14, s6, $0xb8;
	[tilespmem:$0x4800] =	vst v63  }
0xc6: {  	_ =	swait.ge [sflag:s9], $0x2000  }
0xc7: {  	[sflag:s9] =	ssyncset.done $0x0  }
0xc8: {  	s0 =	rddreg [dreg:$0x8];
	[sflag:s9] =	ssyncadd.s32 $0xFFFFE000  }
0xc9: {  	[hbm4b:s0+s2] =	stream.linear.scatter [tilespmem:s8], [sflag:$0x2], $0x2000, $0x38;
	[tilespmem:$0x4800] =	vst v63  }
0xca: {  	_ =	swait.ge [sflag:s4], $0x2000  }
0xcb: {  	[sflag:s4] =	ssyncset.done $0x0  }
0xcc: {  	[sflag:s4] =	ssyncadd.s32 $0xFFFFE000  }
0xcd: {  	[tilespmem:s8], [sflag:$0x1] =	stream.indirect.gather [hbm4b:s5+s6], $0x40, s15, s6, $0xb8;
	[tilespmem:$0x4800] =	vst v63  }
0xce: {  	_ =	swait.ge [sflag:s9], $0x2000  }
0xcf: {  	[sflag:s9] =	ssyncset.done $0x0  }
0xd0: {  	s0 =	rddreg [dreg:$0x9];
	[sflag:s9] =	ssyncadd.s32 $0xFFFFE000  }
0xd1: {  	[hbm4b:s0+s2] =	stream.linear.scatter [tilespmem:s7], [sflag:$0x2], $0x2000, $0x38;
	[tilespmem:$0x4800] =	vst v63  }
0xd2: {  	_ =	swait.ge [sflag:s4], $0x2000  }
0xd3: {  	[sflag:s4] =	ssyncset.done $0x0  }
0xd4: {  	[sflag:s4] =	ssyncadd.s32 $0xFFFFE000  }
0xd5: {  	[tilespmem:s7], [sflag:$0x1] =	stream.indirect.gather [hbm4b:s5+s6], $0x40, s16, s6, $0xb8;
	[tilespmem:$0x4800] =	vst v63  }
0xd6: {  	_ =	swait.ge [sflag:s9], $0x2000  }
0xd7: {  	[sflag:s9] =	ssyncset.done $0x0  }
0xd8: {  	s0 =	rddreg [dreg:$0xa];
	[sflag:s9] =	ssyncadd.s32 $0xFFFFE000  }
0xd9: {  	[hbm4b:s0+s2] =	stream.linear.scatter [tilespmem:s8], [sflag:$0x2], $0x2000, $0x38;
	[tilespmem:$0x4800] =	vst v63  }
0xda: {  	_ =	swait.ge [sflag:s4], $0x2000  }
0xdb: {  	[sflag:s4] =	ssyncset.done $0x0  }
0xdc: {  	[sflag:s4] =	ssyncadd.s32 $0xFFFFE000  }
0xdd: {  	[tilespmem:s8], [sflag:$0x1] =	stream.indirect.gather [hbm4b:s5+s6], $0x40, s17, s6, $0xb8;
	[tilespmem:$0x4800] =	vst v63  }
0xde: {  	_ =	swait.ge [sflag:s9], $0x2000  }
0xdf: {  	[sflag:s9] =	ssyncset.done $0x0  }
0xe0: {  	s0 =	rddreg [dreg:$0xb];
	[sflag:s9] =	ssyncadd.s32 $0xFFFFE000  }
0xe1: {  	[hbm4b:s0+s2] =	stream.linear.scatter [tilespmem:s7], [sflag:$0x2], $0x2000, $0x38;
	[tilespmem:$0x4800] =	vst v63  }
0xe2: {  	_ =	swait.ge [sflag:s4], $0x2000  }
0xe3: {  	[sflag:s4] =	ssyncset.done $0x0  }
0xe4: {  	[sflag:s4] =	ssyncadd.s32 $0xFFFFE000  }
0xe5: {  	[tilespmem:s7], [sflag:$0x1] =	stream.indirect.gather [hbm4b:s5+s6], $0x40, s18, s6, $0xb8;
	[tilespmem:$0x4800] =	vst v63  }
0xe6: {  	_ =	swait.ge [sflag:s9], $0x2000  }
0xe7: {  	[sflag:s9] =	ssyncset.done $0x0  }
0xe8: {  	[sflag:s9] =	ssyncadd.s32 $0xFFFFE000  }
0xe9: {  	[hbm4b:s19+s2] =	stream.linear.scatter [tilespmem:s8], [sflag:$0x2], $0x2000, $0x38;
	[tilespmem:$0x4800] =	vst v63  }
0xea: {  	_ =	swait.ge [sflag:s4], $0x2000  }
0xeb: {  	[sflag:s4] =	ssyncset.done $0x0  }
0xec: {  	[sflag:s4] =	ssyncadd.s32 $0xFFFFE000  }
0xed: {  	[tilespmem:s8], [sflag:$0x1] =	stream.indirect.gather [hbm4b:s5+s6], $0x40, s20, s6, $0xb8;
	[tilespmem:$0x4800] =	vst v63  }
0xee: {  	_ =	swait.ge [sflag:s9], $0x2000  }
0xef: {  	[sflag:s9] =	ssyncset.done $0x0  }
0xf0: {  	[sflag:s9] =	ssyncadd.s32 $0xFFFFE000  }
0xf1: {  	[hbm4b:s21+s2] =	stream.linear.scatter [tilespmem:s7], [sflag:$0x2], $0x2000, $0x38;
	[tilespmem:$0x4800] =	vst v63  }
0xf2: {  	_ =	swait.ge [sflag:s4], $0x2000  }
0xf3: {  	[sflag:s4] =	ssyncset.done $0x0  }
0xf4: {  	[sflag:s4] =	ssyncadd.s32 $0xFFFFE000  }
0xf5: {  	[tilespmem:s7], [sflag:$0x1] =	stream.indirect.gather [hbm4b:s5+s6], $0x40, s22, s6, $0xb8;
	[tilespmem:$0x4800] =	vst v63  }
0xf6: {  	_ =	swait.ge [sflag:s9], $0x2000  }
0xf7: {  	[sflag:s9] =	ssyncset.done $0x0  }
0xf8: {  	[sflag:s9] =	ssyncadd.s32 $0xFFFFE000  }
0xf9: {  	[hbm4b:s23+s2] =	stream.linear.scatter [tilespmem:s8], [sflag:$0x2], $0x2000, $0x38;
	[tilespmem:$0x4800] =	vst v63  }
0xfa: {  	_ =	swait.ge [sflag:s4], $0x2000  }
0xfb: {  	[sflag:s4] =	ssyncset.done $0x0  }
0xfc: {  	[sflag:s4] =	ssyncadd.s32 $0xFFFFE000  }
0xfd: {  	[tilespmem:s8], [sflag:$0x1] =	stream.indirect.gather [hbm4b:s5+s6], $0x40, s24, s6, $0xb8;
	[tilespmem:$0x4800] =	vst v63  }
0xfe: {  	_ =	swait.ge [sflag:s9], $0x2000  }
0xff: {  	[sflag:s9] =	ssyncset.done $0x0  }
0x100: {  	[sflag:s9] =	ssyncadd.s32 $0xFFFFE000  }
0x101: {  	[hbm4b:s25+s2] =	stream.linear.scatter [tilespmem:s7], [sflag:$0x2], $0x2000, $0x38;
	[tilespmem:$0x4800] =	vst v63  }
0x102: {  	_ =	swait.ge [sflag:s4], $0x2000  }
0x103: {  	[sflag:s4] =	ssyncset.done $0x0  }
0x104: {  	[sflag:s4] =	ssyncadd.s32 $0xFFFFE000  }
0x105: {  	[tilespmem:s7], [sflag:$0x1] =	stream.indirect.gather [hbm4b:s5+s6], $0x40, s26, s6, $0xb8;
	[tilespmem:$0x4800] =	vst v63  }
0x106: {  	_ =	swait.ge [sflag:s9], $0x2000  }
0x107: {  	[sflag:s9] =	ssyncset.done $0x0  }
0x108: {  	[sflag:s9] =	ssyncadd.s32 $0xFFFFE000  }
0x109: {  	[hbm4b:s28+s2] =	stream.linear.scatter [tilespmem:s8], [sflag:$0x2], $0x2000, $0x38;
	[tilespmem:$0x4800] =	vst v63  }
0x10a: {  	_ =	swait.ge [sflag:s4], $0x2000  }
0x10b: {  	[sflag:s4] =	ssyncset.done $0x0  }
0x10c: {  	[sflag:s4] =	ssyncadd.s32 $0xFFFFE000  }
0x10d: {  	[tilespmem:s8], [sflag:$0x1] =	stream.indirect.gather [hbm4b:s5+s6], $0x40, s29, s6, $0xb8;
	[tilespmem:$0x4800] =	vst v63  }
0x10e: {  	_ =	swait.ge [sflag:s9], $0x2000  }
0x10f: {  	[sflag:s9] =	ssyncset.done $0x0  }
0x110: {  	[sflag:s9] =	ssyncadd.s32 $0xFFFFE000  }
0x111: {  	[hbm4b:s30+s2] =	stream.linear.scatter [tilespmem:s7], [sflag:$0x2], $0x2000, $0x38;
	[tilespmem:$0x4800] =	vst v63  }
0x112: {  	_ =	swait.ge [sflag:s4], $0x2000  }
0x113: {  	[sflag:s4] =	ssyncset.done $0x0  }
0x114: {  	p0 =	sne.s32 s1, $0x1;
	[sflag:s4] =	ssyncadd.s32 $0xFFFFE000  }
.Ltmp1:
0x115: {  	_ =	swait.ge [sflag:s9], $0x2000;
	(pc) =	sbr.rel @p0 .LBB2_1-.Ltmp1, $4  }
0x116: {  	[sflag:s9] =	ssyncset.done $0x0  }
0x117: {  	[sflag:s9] =	ssyncadd.s32 $0xFFFFE000  }
0x118: {  	[hbm4b:s31+s2] =	stream.linear.scatter [tilespmem:s8], [sflag:$0x2], $0x2000, $0x38;
	[tilespmem:$0x4800] =	vst v63  }
0x119: {  	s1 =	sadd.s32 $0xFFFFFFFF, s1;
	_ =	swait.ge [sflag:s4], $0x2000  }
.LBB2_2:
0x11a: {  	[sflag:s4] =	ssyncset.done $0x0  }
0x11b: {  	[sflag:s4] =	ssyncadd.s32 $0xFFFFE000  }
0x11c: {  	_ =	sfence.sel $0x180000  }
0x11d: {  	[bflag:$0x0] =	sbarrier.arrive $0xFFFF  }
0x11e: {  	_ =	strace $0x9000004A  }
0x11f: {  	s0 =	stileid.u32;
	[bflag:$0x2] =	sbarrier.arrive $0xFFFF  }
0x120: {  	p0 =	sne.s32 s0, $0x0;
	s0 =	rddreg [dreg:$0x2]  }
0x121: {  	s0 =	sadd.s32 @!p0 $0x100000, s0  }
0x122: {  	[sflag:s0] =	ssyncadd.tile.s32 @!p0 $0x1;
	_ =	shalt  }
.Lfunc_end2:
_tile_overlayer_lowered:
.L_overlay_start_2:
0x123: {  	(tag) =	ssettag $0x2  }
0x124: {  	s0 =	rddreg [dreg:$0x0];
	s2 =	stileid.u32  }
0x125: {  	s1 =	rddreg [dreg:$0x1];
	p0 =	sne.s32 s2, $0x0  }
0x126: {  	s3 =	rddreg [dreg:$0x2];
	[bflag:$0x3] =	sbarrier.arrive $0xFFFF;
	s2 =	simm.s32 @!p0 $0x1C02  }
0x127: {  	[timem:s3], [sflag:s2] =	dma.local @!p0 [hbm:s0], s1  }
0x128: {  	s0 =	simm.s32 @!p0 $0x2  }
0x129: {  	_ =	swait.ge @!p0 [sflag:s0], s1  }
0x12a: {  	s1 =	ssub.s32 @!p0 $0x0, s1;
	[sflag:s0] =	ssyncset.done @!p0 $0x0  }
0x12b: {  	[sflag:s0] =	ssyncadd.s32 @!p0 s1  }
0x12c: {  	[bflag:$0x3] =	sbarrier.arrive $0xFFFF  }
0x12d: {  	_ =	shalt  }

</sc_bundles>
